<compile_context>
chip_gen: v7x
topology: tpu7x:2x2x1
jax: 0.10.2.dev20260603
libtpu: 0.0.44.dev20260713+nightly
codegen_flags: <defaults>
</compile_context>

<pallas_src>
import functools

import numpy as np
import jax
import jax.numpy as jnp
from jax import lax
from jax.experimental import pallas as pl
from jax.experimental.pallas import tpu as pltpu
from jax.experimental.pallas import tpu_sc as plsc

N = 10000
E = 640000
C = 108
G = 128
PROJ = 256

NTILES = 16
RPT = 632
P = NTILES * RPT
CH = 128
RING = 32
PAD_SPREAD = P - N
ROWS_E = (E + PAD_SPREAD) // 16

_CONST = None


def _tf2x32(k1, k2, c1, c2):
    rot0 = (13, 15, 26, 6)
    rot1 = (17, 29, 16, 24)
    ks = (k1, k2, np.uint32(k1 ^ k2 ^ np.uint32(0x1BD11BDA)))
    x0 = (c1 + ks[0]).astype(np.uint32)
    x1 = (c2 + ks[1]).astype(np.uint32)

    def rounds(x0, x1, rots):
        for r in rots:
            x0 = (x0 + x1).astype(np.uint32)
            x1 = ((x1 << np.uint32(r)) | (x1 >> np.uint32(32 - r))).astype(np.uint32)
            x1 = x0 ^ x1
        return x0, x1

    for i, (rots, ka, kb) in enumerate((
            (rot0, ks[1], ks[2]), (rot1, ks[2], ks[0]), (rot0, ks[0], ks[1]),
            (rot1, ks[1], ks[2]), (rot0, ks[2], ks[0]))):
        x0, x1 = rounds(x0, x1, rots)
        x0 = (x0 + ka).astype(np.uint32)
        x1 = (x1 + kb + np.uint32(i + 1)).astype(np.uint32)
    return x0, x1


def _np_uniform01(key, n):
    b1, b2 = _tf2x32(key[0], key[1], np.zeros(n, np.uint32),
                     np.arange(n, dtype=np.uint32))
    bits = b1 ^ b2
    f = ((bits >> np.uint32(9)) | np.uint32(0x3F800000)).view(np.float32)
    return f - np.float32(1.0)


def _consts():
    global _CONST
    if _CONST is not None:
        return _CONST
    b1, b2 = _tf2x32(np.uint32(0), np.uint32(42), np.zeros(4, np.uint32),
                     np.arange(4, dtype=np.uint32))
    subkeys = [(b1[i], b2[i]) for i in range(4)]
    keep1 = _np_uniform01(subkeys[0], E) < 0.5
    keep2 = _np_uniform01(subkeys[1], E) < 0.5
    mask1 = _np_uniform01(subkeys[2], C) < 0.5
    idx1 = np.where(keep1)[0].astype(np.int64)
    idx2 = np.where(keep2)[0].astype(np.int64)
    kc = np.where(~mask1)[0].astype(np.int32)

    k = _ceil_to(max(-(-len(i) // (NTILES * CH)) for i in (idx1, idx2)), RING)
    oc = k * CH
    spans = []
    pps = []
    for pos in (idx1, idx2):
        flat = np.empty(NTILES * oc, np.int64)
        flat[:len(pos)] = pos
        npad = NTILES * oc - len(pos)
        flat[len(pos):] = E + np.arange(npad) % PAD_SPREAD
        pp = flat.reshape(NTILES, oc)
        spans.append((pp.max(axis=1) // 16 - pp.min(axis=1) // 16 + 1).max())
        pps.append(pp)
    rmax = _ceil_to(int(max(spans)), CH)
    rq = rmax // CH
    lidx = np.empty((2, NTILES, k, CH), np.int32)
    ridx = np.empty((2, NTILES, rq, CH), np.int32)
    for b, pp in enumerate(pps):
        r0p = np.minimum(pp.min(axis=1) // 16, ROWS_E - rmax)
        lidx[b] = (pp - (r0p * 16)[:, None]).reshape(NTILES, k, CH)
        ridx[b] = np.minimum(r0p[:, None] + np.arange(rmax)[None, :],
                             ROWS_E - 1).reshape(NTILES, rq, CH)
    _CONST = (kc, k, rq, lidx, ridx)
    return _CONST


def _ceil_to(v, m):
    return -(-v // m) * m


_MESH = dict(core_axis_name="c", subcore_axis_name="s")
_SC_PARAMS = pltpu.CompilerParams(use_tc_tiling_on_sc=False)
_SC_PARAMS_NOLAYOUT = pltpu.CompilerParams(use_tc_tiling_on_sc=False,
                                           needs_layout_passes=False)



def _sc_compact(edges2, lidx2, ridx2, k, rq):
    rb = rq * CH

    @functools.partial(
        pl.kernel,
        out_type=[jax.ShapeDtypeStruct((2, NTILES, k, CH), jnp.int32),
                  jax.ShapeDtypeStruct((2, NTILES, k, CH), jnp.int32)],
        mesh=plsc.VectorSubcoreMesh(**_MESH),
        compiler_params=_SC_PARAMS_NOLAYOUT,
        scratch_types=[
            pltpu.VMEM((rq, CH), jnp.int32),
            pltpu.VMEM((k, CH), jnp.int32),
            pltpu.VMEM((rb, 16), jnp.int32),
            pltpu.VMEM((k, CH), jnp.int32),
            pltpu.SemaphoreType.DMA,
        ],
    )
    def comp(e_hbm, li_hbm, ri_hbm, src_out, dst_out, vri, vli, reg, vout, sem):
        c = lax.axis_index("c")
        s = lax.axis_index("s")
        pltpu.sync_copy(ri_hbm.at[c].at[s], vri)
        pltpu.sync_copy(li_hbm.at[c].at[s], vli)
        for p, out in ((0, src_out), (1, dst_out)):
            @pl.loop(0, rq)
            def _(q):
                pltpu.async_copy(e_hbm.at[p].at[vri.at[q]],
                                 reg.at[pl.ds(q * CH, CH)], sem).wait()

            @pl.loop(0, k)
            def _(j):
                @pl.loop(0, CH // 16)
                def _(q2):
                    v = vli.at[j][pl.ds(q2 * 16, 16)]
                    row = lax.shift_right_logical(v, 4)
                    lane = lax.bitwise_and(v, 15)
                    vout.at[j][pl.ds(q2 * 16, 16)] = plsc.load_gather(
                        reg, [row, lane])

            pltpu.sync_copy(vout, out.at[c].at[s])

    return comp(edges2, lidx2, ridx2)


def _sc_hist(dst2, ones, zeros, k):

    @functools.partial(
        pl.kernel,
        out_type=jax.ShapeDtypeStruct((2 * P, 16), jnp.float32),
        mesh=plsc.VectorSubcoreMesh(**_MESH),
        compiler_params=_SC_PARAMS,
        scratch_types=[
            pltpu.VMEM((k, CH), jnp.int32),
            pltpu.VMEM((CH, 16), jnp.float32),
            pltpu.VMEM((RPT, 16), jnp.float32),
            pltpu.VMEM_SHARED((P, 16), jnp.float32),
        ],
    )
    def hist(dst_hbm, ones_hbm, zeros_hbm, out_hbm, idst, vones, vzeros, acc):
        c = lax.axis_index("c")
        s = lax.axis_index("s")
        pltpu.sync_copy(dst_hbm.at[c].at[s], idst)
        pltpu.sync_copy(ones_hbm, vones)
        pltpu.sync_copy(zeros_hbm, vzeros)
        pltpu.sync_copy(vzeros, acc.at[pl.ds(s * RPT, RPT)])
        plsc.subcore_barrier()

        @pl.loop(0, k)
        def _(j):
            pltpu.sync_copy(vones, acc.at[idst.at[j]], add=True)

        plsc.subcore_barrier()
        pltpu.sync_copy(acc.at[pl.ds(s * RPT, RPT)],
                        out_hbm.at[pl.ds(c * P + s * RPT, RPT)])

    return hist(dst2, ones, zeros)


def _sc_prop(g2, src2, dstq, dh, k):

    @functools.partial(
        pl.kernel,
        out_type=jax.ShapeDtypeStruct((2 * P, dh), jnp.float32),
        mesh=plsc.VectorSubcoreMesh(**_MESH),
        compiler_params=_SC_PARAMS,
        scratch_types=[
            pltpu.VMEM((RING, CH), jnp.int32),
            pltpu.VMEM((RING, CH), jnp.int32),
            pltpu.VMEM((2 * CH, dh), jnp.float32),
            pltpu.VMEM_SHARED((P, dh), jnp.float32),
            pltpu.SemaphoreType.DMA,
            pltpu.SemaphoreType.DMA,
        ],
    )
    def prop(g_hbm, src_hbm, dst_hbm, out_hbm, isrc, idst, buf, acc,
             sg0, sg1):
        buf0 = buf.at[pl.ds(0, CH)]
        buf1 = buf.at[pl.ds(CH, CH)]
        c = lax.axis_index("c")
        s = lax.axis_index("s")
        pltpu.sync_copy(g_hbm.at[pl.ds(c * P + s * RPT, RPT)],
                        acc.at[pl.ds(s * RPT, RPT)])
        plsc.subcore_barrier()

        @pl.loop(0, k // RING)
        def _(gi):
            base = gi * RING
            pltpu.sync_copy(src_hbm.at[c].at[s].at[pl.ds(base, RING)], isrc)
            pltpu.sync_copy(dst_hbm.at[s].at[pl.ds(base, RING)], idst)

            @pl.loop(0, RING, step=2)
            def _(ji):
                cg0 = pltpu.async_copy(g_hbm.at[isrc.at[ji]], buf0, sg0)
                cg1 = pltpu.async_copy(g_hbm.at[isrc.at[ji + 1]], buf1, sg1)
                cg0.wait()
                pltpu.sync_copy(buf0, acc.at[idst.at[ji]], add=True)
                cg1.wait()
                pltpu.sync_copy(buf1, acc.at[idst.at[ji + 1]], add=True)

        plsc.subcore_barrier()
        pltpu.sync_copy(acc.at[pl.ds(s * RPT, RPT)],
                        out_hbm.at[pl.ds(c * P + s * RPT, RPT)])

    return prop(g2, src2, dstq)



def _tc_prep(xa2, xb2, cnt_a, cnt_b):
    B = RPT
    wa = xa2.shape[2]
    wb = xb2.shape[2]

    def body(xa_ref, xb_ref, ca_ref, cb_ref, ga_ref, gb_ref, da_ref, db_ref):
        da = lax.rsqrt(1.0 + ca_ref[:, 0:1])
        db = lax.rsqrt(1.0 + cb_ref[:, 0:1])
        ga_ref[...] = (da * xa_ref[0])[None]
        gb_ref[...] = (db * xb_ref[0])[None]
        da_ref[...] = da
        db_ref[...] = db

    return pl.pallas_call(
        body,
        grid=(2, NTILES),
        in_specs=[
            pl.BlockSpec((1, B, wa), lambda c, i: (c, i, 0)),
            pl.BlockSpec((1, B, wb), lambda c, i: (c, i, 0)),
            pl.BlockSpec((B, 16), lambda c, i: (i, 0)),
            pl.BlockSpec((B, 16), lambda c, i: (i, 0)),
        ],
        out_specs=[
            pl.BlockSpec((1, B, wa), lambda c, i: (c, i, 0)),
            pl.BlockSpec((1, B, wb), lambda c, i: (c, i, 0)),
            pl.BlockSpec((B, 1), lambda c, i: (i, 0)),
            pl.BlockSpec((B, 1), lambda c, i: (i, 0)),
        ],
        out_shape=[
            jax.ShapeDtypeStruct((2, P, wa), jnp.float32),
            jax.ShapeDtypeStruct((2, P, wb), jnp.float32),
            jax.ShapeDtypeStruct((P, 1), jnp.float32),
            jax.ShapeDtypeStruct((P, 1), jnp.float32),
        ],
    )(xa2, xb2, cnt_a, cnt_b)


def _tc_mid(s2, dinv, w2, b2, a, dout):
    B = RPT
    dinh = s2.shape[2]
    din = 2 * dinh
    douth = dout // 2

    def body(s_ref, d_ref, w_ref, b_ref, a_ref, o_ref):
        d = d_ref[...]
        t = jnp.concatenate([s_ref[0], s_ref[1]], axis=1) * d
        y = jnp.dot(t, w_ref[0], preferred_element_type=jnp.float32) + b_ref[0]
        h = jnp.where(y >= 0, y, a_ref[0, 0] * y)
        o_ref[...] = (d * h)[None]

    return pl.pallas_call(
        body,
        grid=(2, NTILES),
        in_specs=[
            pl.BlockSpec((2, B, dinh), lambda c, i: (0, i, 0)),
            pl.BlockSpec((B, 1), lambda c, i: (i, 0)),
            pl.BlockSpec((1, din, douth), lambda c, i: (c, 0, 0)),
            pl.BlockSpec((1, 1, douth), lambda c, i: (c, 0, 0)),
            pl.BlockSpec((1, 1), lambda c, i: (0, 0)),
        ],
        out_specs=pl.BlockSpec((1, B, douth), lambda c, i: (c, i, 0)),
        out_shape=jax.ShapeDtypeStruct((2, P, douth), jnp.float32),
    )(s2, dinv, w2, b2, a)


def _tc_final(s2, dinv, batchp, w3, b3, a, wp, bp):
    B = RPT
    dinh = s2.shape[2]
    F = w3.shape[1]

    def body(s_ref, d_ref, bt_ref, w_ref, b_ref, a_ref, wp_ref, bp_ref,
             z_ref, acc_ref):
        i = pl.program_id(0)

        @pl.when(i == 0)
        def _():
            acc_ref[...] = jnp.full((G, F), -jnp.inf, jnp.float32)

        t = jnp.concatenate([s_ref[0], s_ref[1]], axis=1) * d_ref[...]
        y = jnp.dot(t, w_ref[...], preferred_element_type=jnp.float32) + b_ref[...]
        h = jnp.where(y >= 0, y, a_ref[0, 0] * y)
        bt = bt_ref[...]
        g_lo = bt[0, 0]
        g_hi = bt[B - 1, 0]
        rows = lax.broadcasted_iota(jnp.int32, (G, 1), 0)

        def gbody(g, carry):
            m = bt == g
            contrib = jnp.max(jnp.where(m, h, -jnp.inf), axis=0, keepdims=True)
            upd = jnp.maximum(acc_ref[...], contrib)
            acc_ref[...] = jnp.where(rows == g, upd, acc_ref[...])
            return carry

        lax.fori_loop(g_lo, g_hi + 1, gbody, 0)

        @pl.when(i == NTILES - 1)
        def _():
            z_ref[...] = jnp.dot(acc_ref[...], wp_ref[...],
                                 preferred_element_type=jnp.float32) + bp_ref[...]

    return pl.pallas_call(
        body,
        grid=(NTILES,),
        in_specs=[
            pl.BlockSpec((2, B, dinh), lambda i: (0, i, 0)),
            pl.BlockSpec((B, 1), lambda i: (i, 0)),
            pl.BlockSpec((B, 1), lambda i: (i, 0)),
            pl.BlockSpec((2 * dinh, F), lambda i: (0, 0)),
            pl.BlockSpec((1, F), lambda i: (0, 0)),
            pl.BlockSpec((1, 1), lambda i: (0, 0)),
            pl.BlockSpec((F, PROJ), lambda i: (0, 0)),
            pl.BlockSpec((1, PROJ), lambda i: (0, 0)),
        ],
        out_specs=pl.BlockSpec((G, PROJ), lambda i: (0, 0)),
        out_shape=jax.ShapeDtypeStruct((G, PROJ), jnp.float32),
        scratch_shapes=[pltpu.VMEM((G, F), jnp.float32)],
    )(s2, dinv, batchp, w3, b3, a, wp, bp)



def _split_cols(m, dpad):
    m = jnp.pad(m, ((0, 0), (0, dpad - m.shape[1])))
    return m.reshape(P, 2, dpad // 2).transpose(1, 0, 2)


def _split_w(w, b, din_pad, dout_pad):
    w = jnp.pad(w, ((0, din_pad - w.shape[0]), (0, dout_pad - w.shape[1])))
    b = jnp.pad(b, (0, dout_pad - b.shape[0]))
    douth = dout_pad // 2
    w2 = w.reshape(din_pad, 2, douth).transpose(1, 0, 2)
    b2 = b.reshape(1, 2, douth).transpose(1, 0, 2)
    return w2, b2


def kernel(x, edge_index, batch, W1a, b1a, W2a, b2a, W3a, b3a, a1,
           W1b, b1b, W2b, b2b, W3b, b3b, a2, Wp, bp):
    kc, k, rq, lidx, ridx = _consts()
    ka = kb = kh = k

    d1a = max(32, _ceil_to(len(kc), 32))
    d1b = 128
    d2 = 128
    d3 = 224

    padv = N + jnp.arange(PAD_SPREAD, dtype=jnp.int32)
    edges2 = jnp.stack([
        jnp.concatenate([edge_index[0].astype(jnp.int32), padv]),
        jnp.concatenate([edge_index[1].astype(jnp.int32), padv]),
    ]).reshape(2, ROWS_E, 16)
    srcq, dstq = _sc_compact(edges2, jnp.asarray(lidx), jnp.asarray(ridx),
                             k, rq)
    src_a = jnp.stack([srcq[0], srcq[0] + P])
    src_b = jnp.stack([srcq[1], srcq[1] + P])
    dst_a, dst_b = dstq[0], dstq[1]

    ones = jnp.ones((CH, 16), jnp.float32)
    zeros = jnp.zeros((RPT, 16), jnp.float32)

    cnt = _sc_hist(dstq, ones, zeros, kh)
    cnt_a, cnt_b = cnt[:P], cnt[P:]

    xp = jnp.pad(x, ((0, P - N), (0, 0)))
    xa2 = _split_cols(jnp.take(xp, kc, axis=1), d1a)
    xb2 = _split_cols(xp, d1b)

    g0a, g0b, dinv_a, dinv_b = _tc_prep(xa2, xb2, cnt_a, cnt_b)

    batchp = jnp.pad(batch.astype(jnp.int32), (0, P - N),
                     constant_values=G).reshape(P, 1)

    w1a2, b1a2 = _split_w(jnp.take(W1a, kc, axis=0), b1a, d1a, d2)
    w1b2, b1b2 = _split_w(W1b, b1b, d1b, d2)
    w2a2, b2a2 = _split_w(W2a, b2a, d2, d3)
    w2b2, b2b2 = _split_w(W2b, b2b, d2, d3)
    a1r = a1.reshape(1, 1)
    a2r = a2.reshape(1, 1)
    w3a = jnp.pad(W3a, ((0, d3 - W3a.shape[0]), (0, 0)))
    w3b = jnp.pad(W3b, ((0, d3 - W3b.shape[0]), (0, 0)))
    b3ar = b3a.reshape(1, -1)
    b3br = b3b.reshape(1, -1)
    wpr = Wp
    bpr = bp.reshape(1, -1)

    def branch(g0, src2, dstb, dinv, w1, b1, w2, b2, w3, b3, ar):
        s1 = _sc_prop(g0.reshape(2 * P, -1), src2, dstb, g0.shape[2], k)
        g1 = _tc_mid(s1.reshape(2, P, -1), dinv, w1, b1, ar, d2)
        s2 = _sc_prop(g1.reshape(2 * P, -1), src2, dstb, d2 // 2, k)
        g2 = _tc_mid(s2.reshape(2, P, -1), dinv, w2, b2, ar, d3)
        s3 = _sc_prop(g2.reshape(2 * P, -1), src2, dstb, d3 // 2, k)
        return _tc_final(s3.reshape(2, P, -1), dinv, batchp, w3, b3, ar,
                         wpr, bpr)

    z1 = branch(g0a, src_a, dst_a, dinv_a, w1a2, b1a2, w2a2, b2a2,
                w3a, b3ar, a1r)
    z2 = branch(g0b, src_b, dst_b, dinv_b, w1b2, b1b2, w2b2, b2b2,
                w3b, b3br, a2r)
    return (z1, z2)

# --- scband reference (transcript-rebuilt; emitter-appended) ---
"""Pipeline reference for scband-graph-contrastive-learning-82145544503552 (READ-ONLY COPY).

The authoritative reference and input builder live on the scoring server;
editing this copy changes nothing except your own understanding.
"""

import jax, jax.numpy as jnp
import numpy as np

N = 10000
E = 640000
C = 108
G = 128
PROJ = 256


def _gcn_conv(x, src, dst, w, W, b, n):
    xw = x @ W
    loop = jnp.arange(n)
    src2 = jnp.concatenate([src, loop])
    dst2 = jnp.concatenate([dst, loop])
    w2 = jnp.concatenate([w, jnp.ones(n, dtype=x.dtype)])
    deg = jax.ops.segment_sum(w2, dst2, num_segments=n)
    dinv = jnp.where(deg > 0, 1.0 / jnp.sqrt(deg), 0.0)
    norm = dinv[src2] * dinv[dst2]
    msg = xw[src2] * (norm * w2)[:, None]
    return jax.ops.segment_sum(msg, dst2, num_segments=n) + b


def _prelu(x, a):
    return jnp.where(x >= 0, x, a * x)


def _gcc(x, src, dst, w, batch, W1, b1, W2, b2, W3, b3, a):
    n = x.shape[0]
    h = _prelu(_gcn_conv(x, src, dst, w, W1, b1, n), a)
    h = _prelu(_gcn_conv(h, src, dst, w, W2, b2, n), a)
    h = _prelu(_gcn_conv(h, src, dst, w, W3, b3, n), a)
    return jax.ops.segment_max(h, batch, num_segments=G)


def setup_inputs(seed: int = 0):
    key = jax.random.key(seed)
    ks = jax.random.split(key, 20)
    s = 0.05
    inp = {}
    inp['x'] = jax.random.normal(ks[0], (N, C), dtype=jnp.float32)
    inp['edge_index'] = jax.random.randint(ks[1], (2, E), 0, N)
    inp['batch'] = jnp.sort(jax.random.randint(ks[2], (N,), 0, G))
    inp['W1a'] = jax.random.normal(ks[3], (C, C), dtype=jnp.float32) * s
    inp['b1a'] = jax.random.normal(ks[4], (C,), dtype=jnp.float32) * s
    inp['W2a'] = jax.random.normal(ks[5], (C, 2 * C), dtype=jnp.float32) * s
    inp['b2a'] = jax.random.normal(ks[6], (2 * C,), dtype=jnp.float32) * s
    inp['W3a'] = jax.random.normal(ks[7], (2 * C, 4 * C), dtype=jnp.float32) * s
    inp['b3a'] = jax.random.normal(ks[8], (4 * C,), dtype=jnp.float32) * s
    inp['a1'] = jnp.array(0.25, dtype=jnp.float32)
    inp['W1b'] = jax.random.normal(ks[9], (C, C), dtype=jnp.float32) * s
    inp['b1b'] = jax.random.normal(ks[10], (C,), dtype=jnp.float32) * s
    inp['W2b'] = jax.random.normal(ks[11], (C, 2 * C), dtype=jnp.float32) * s
    inp['b2b'] = jax.random.normal(ks[12], (2 * C,), dtype=jnp.float32) * s
    inp['W3b'] = jax.random.normal(ks[13], (2 * C, 4 * C), dtype=jnp.float32) * s
    inp['b3b'] = jax.random.normal(ks[14], (4 * C,), dtype=jnp.float32) * s
    inp['a2'] = jnp.array(0.25, dtype=jnp.float32)
    inp['Wp'] = jax.random.normal(ks[15], (4 * C, PROJ), dtype=jnp.float32) * s
    inp['bp'] = jax.random.normal(ks[16], (PROJ,), dtype=jnp.float32) * s
    return inp


def reference(x, edge_index, batch, W1a, b1a, W2a, b2a, W3a, b3a, a1, W1b, b1b, W2b, b2b, W3b, b3b, a2, Wp, bp):
    kr = jax.random.key(42)
    k1, k2, k3, k4 = jax.random.split(kr, 4)
    ne = edge_index.shape[1]
    keep1 = jax.random.bernoulli(k1, 0.5, (ne,))
    keep2 = jax.random.bernoulli(k2, 0.5, (ne,))
    w1 = keep1.astype(x.dtype)
    w2 = keep2.astype(x.dtype)
    mask1 = jax.random.uniform(k3, (x.shape[1],)) < 0.5
    mask2 = jax.random.uniform(k4, (x.shape[1],)) < 0.5
    x1 = x * jnp.where(mask1, 0.0, 1.0)[None, :]
    x2 = x * jnp.where(mask2, 0.0, 1.0)[None, :]  # computed but unused, faithful to source
    h1 = _gcc(x1, edge_index[0], edge_index[1], w1, batch, W1a, b1a, W2a, b2a, W3a, b3a, a1)
    h2 = _gcc(x, edge_index[0], edge_index[1], w2, batch, W1b, b1b, W2b, b2b, W3b, b3b, a2)
    z1 = h1 @ Wp + bp
    z2 = h2 @ Wp + bp
    return (z1, z2)

if __name__ == "__main__":
    import jax
    _d = setup_inputs()
    print(jax.jit(kernel)(*tuple(_d.values())))

</pallas_src>

<mosaic_0001>
#map = affine_map<(d0, d1) -> (0, 0, 0)>
#map1 = affine_map<(d0, d1) -> (0, 0, 0, 0)>
module attributes {stable_mosaic.version = 14 : i64} {
  func.func @comp(%arg0: i32, %arg1: i32, %arg2: memref<2x40007x16xi32, #tpu.memory_space<hbm>>, %arg3: memref<2x16x160x128xi32, #tpu.memory_space<hbm>>, %arg4: memref<2x16x21x128xi32, #tpu.memory_space<hbm>>, %arg5: memref<2x16x160x128xi32, #tpu.memory_space<hbm>>, %arg6: memref<2x16x160x128xi32, #tpu.memory_space<hbm>>, %arg7: memref<21x128xi32, #tpu.memory_space<vmem>>, %arg8: memref<160x128xi32, #tpu.memory_space<vmem>>, %arg9: memref<2688x16xi32, #tpu.memory_space<vmem>>, %arg10: memref<160x128xi32, #tpu.memory_space<vmem>>, %arg11: memref<!tpu.dma_semaphore, #tpu.memory_space<semaphore_mem>>) attributes {dimension_semantics = [#tpu.dimension_semantics<core_parallel>, #tpu.dimension_semantics<subcore_parallel>], iteration_bounds = array<i64: 2, 16>, scalar_prefetch = 0 : i64, scratch_operands = 5 : i64, tpu.core_type = #tpu.core_type<sc_vector_subcore>, window_params = [{transform_indices = #map}, {transform_indices = #map1}, {transform_indices = #map1}, {transform_indices = #map1}, {transform_indices = #map1}]} {
    "tpu.region"() ({
      %run_scoped3A = tpu.sem_alloc : memref<!tpu.dma_semaphore, #tpu.memory_space<semaphore_mem>>
      %dma_start3A = arith.constant 0 : i32
      %dma_start3A_19 = arith.constant 0 : i32
      %dma_start3A_20 = arith.constant 0 : i32
      %dma_start3A_21 = tpu.memref_slice %arg4[%arg0, %dma_start3A, %dma_start3A_19, %dma_start3A_20] : memref<2x16x21x128xi32, #tpu.memory_space<hbm>> -> memref<1x16x21x128xi32, #tpu.memory_space<hbm>>
      %dma_start3A_22 = tpu.memref_squeeze %dma_start3A_21 : memref<1x16x21x128xi32, #tpu.memory_space<hbm>> -> memref<16x21x128xi32, #tpu.memory_space<hbm>>
      %dma_start3A_23 = arith.constant 0 : i32
      %dma_start3A_24 = arith.constant 0 : i32
      %dma_start3A_25 = tpu.memref_slice %dma_start3A_22[%arg1, %dma_start3A_23, %dma_start3A_24] : memref<16x21x128xi32, #tpu.memory_space<hbm>> -> memref<1x21x128xi32, #tpu.memory_space<hbm>>
      %dma_start3A_26 = tpu.memref_squeeze %dma_start3A_25 : memref<1x21x128xi32, #tpu.memory_space<hbm>> -> memref<21x128xi32, #tpu.memory_space<hbm>>
      %dma_start3A_27 = arith.constant 0 : i32
      %dma_start3A_28 = arith.constant 0 : i32
      %dma_start3A_29 = arith.constant 0 : i32
      %dma_start3A_30 = tpu.memref_slice %arg4[%arg0, %dma_start3A_27, %dma_start3A_28, %dma_start3A_29] : memref<2x16x21x128xi32, #tpu.memory_space<hbm>> -> memref<1x16x21x128xi32, #tpu.memory_space<hbm>>
      %dma_start3A_31 = tpu.memref_squeeze %dma_start3A_30 : memref<1x16x21x128xi32, #tpu.memory_space<hbm>> -> memref<16x21x128xi32, #tpu.memory_space<hbm>>
      %dma_start3A_32 = arith.constant 0 : i32
      %dma_start3A_33 = arith.constant 0 : i32
      %dma_start3A_34 = tpu.memref_slice %dma_start3A_31[%arg1, %dma_start3A_32, %dma_start3A_33] : memref<16x21x128xi32, #tpu.memory_space<hbm>> -> memref<1x21x128xi32, #tpu.memory_space<hbm>>
      %dma_start3A_35 = tpu.memref_squeeze %dma_start3A_34 : memref<1x21x128xi32, #tpu.memory_space<hbm>> -> memref<21x128xi32, #tpu.memory_space<hbm>>
      tpu.enqueue_dma source(%dma_start3A_35 : memref<21x128xi32, #tpu.memory_space<hbm>>) target(%arg7 : memref<21x128xi32, #tpu.memory_space<vmem>>) target_semaphore(%run_scoped3A : memref<!tpu.dma_semaphore, #tpu.memory_space<semaphore_mem>>)
      %dma_wait3A = arith.constant 0 : i32
      %dma_wait3A_36 = arith.constant 0 : i32
      %dma_wait3A_37 = arith.constant 0 : i32
      %dma_wait3A_38 = tpu.memref_slice %arg4[%arg0, %dma_wait3A, %dma_wait3A_36, %dma_wait3A_37] : memref<2x16x21x128xi32, #tpu.memory_space<hbm>> -> memref<1x16x21x128xi32, #tpu.memory_space<hbm>>
      %dma_wait3A_39 = tpu.memref_squeeze %dma_wait3A_38 : memref<1x16x21x128xi32, #tpu.memory_space<hbm>> -> memref<16x21x128xi32, #tpu.memory_space<hbm>>
      %dma_wait3A_40 = arith.constant 0 : i32
      %dma_wait3A_41 = arith.constant 0 : i32
      %dma_wait3A_42 = tpu.memref_slice %dma_wait3A_39[%arg1, %dma_wait3A_40, %dma_wait3A_41] : memref<16x21x128xi32, #tpu.memory_space<hbm>> -> memref<1x21x128xi32, #tpu.memory_space<hbm>>
      %dma_wait3A_43 = tpu.memref_squeeze %dma_wait3A_42 : memref<1x21x128xi32, #tpu.memory_space<hbm>> -> memref<21x128xi32, #tpu.memory_space<hbm>>
      %dma_wait3A_44 = arith.constant 0 : i32
      %dma_wait3A_45 = arith.constant 0 : i32
      %dma_wait3A_46 = arith.constant 0 : i32
      %dma_wait3A_47 = tpu.memref_slice %arg4[%arg0, %dma_wait3A_44, %dma_wait3A_45, %dma_wait3A_46] : memref<2x16x21x128xi32, #tpu.memory_space<hbm>> -> memref<1x16x21x128xi32, #tpu.memory_space<hbm>>
      %dma_wait3A_48 = tpu.memref_squeeze %dma_wait3A_47 : memref<1x16x21x128xi32, #tpu.memory_space<hbm>> -> memref<16x21x128xi32, #tpu.memory_space<hbm>>
      %dma_wait3A_49 = arith.constant 0 : i32
      %dma_wait3A_50 = arith.constant 0 : i32
      %dma_wait3A_51 = tpu.memref_slice %dma_wait3A_48[%arg1, %dma_wait3A_49, %dma_wait3A_50] : memref<16x21x128xi32, #tpu.memory_space<hbm>> -> memref<1x21x128xi32, #tpu.memory_space<hbm>>
      %dma_wait3A_52 = tpu.memref_squeeze %dma_wait3A_51 : memref<1x21x128xi32, #tpu.memory_space<hbm>> -> memref<21x128xi32, #tpu.memory_space<hbm>>
      tpu.wait_dma2 semaphore(%run_scoped3A : memref<!tpu.dma_semaphore, #tpu.memory_space<semaphore_mem>>) src(%dma_wait3A_52 : memref<21x128xi32, #tpu.memory_space<hbm>>) dst(%arg7 : memref<21x128xi32, #tpu.memory_space<vmem>>)
      tpu.yield
    }) : () -> ()
    "tpu.region"() ({
      %run_scoped3A = tpu.sem_alloc : memref<!tpu.dma_semaphore, #tpu.memory_space<semaphore_mem>>
      %dma_start3A = arith.constant 0 : i32
      %dma_start3A_19 = arith.constant 0 : i32
      %dma_start3A_20 = arith.constant 0 : i32
      %dma_start3A_21 = tpu.memref_slice %arg3[%arg0, %dma_start3A, %dma_start3A_19, %dma_start3A_20] : memref<2x16x160x128xi32, #tpu.memory_space<hbm>> -> memref<1x16x160x128xi32, #tpu.memory_space<hbm>>
      %dma_start3A_22 = tpu.memref_squeeze %dma_start3A_21 : memref<1x16x160x128xi32, #tpu.memory_space<hbm>> -> memref<16x160x128xi32, #tpu.memory_space<hbm>>
      %dma_start3A_23 = arith.constant 0 : i32
      %dma_start3A_24 = arith.constant 0 : i32
      %dma_start3A_25 = tpu.memref_slice %dma_start3A_22[%arg1, %dma_start3A_23, %dma_start3A_24] : memref<16x160x128xi32, #tpu.memory_space<hbm>> -> memref<1x160x128xi32, #tpu.memory_space<hbm>>
      %dma_start3A_26 = tpu.memref_squeeze %dma_start3A_25 : memref<1x160x128xi32, #tpu.memory_space<hbm>> -> memref<160x128xi32, #tpu.memory_space<hbm>>
      %dma_start3A_27 = arith.constant 0 : i32
      %dma_start3A_28 = arith.constant 0 : i32
      %dma_start3A_29 = arith.constant 0 : i32
      %dma_start3A_30 = tpu.memref_slice %arg3[%arg0, %dma_start3A_27, %dma_start3A_28, %dma_start3A_29] : memref<2x16x160x128xi32, #tpu.memory_space<hbm>> -> memref<1x16x160x128xi32, #tpu.memory_space<hbm>>
      %dma_start3A_31 = tpu.memref_squeeze %dma_start3A_30 : memref<1x16x160x128xi32, #tpu.memory_space<hbm>> -> memref<16x160x128xi32, #tpu.memory_space<hbm>>
      %dma_start3A_32 = arith.constant 0 : i32
      %dma_start3A_33 = arith.constant 0 : i32
      %dma_start3A_34 = tpu.memref_slice %dma_start3A_31[%arg1, %dma_start3A_32, %dma_start3A_33] : memref<16x160x128xi32, #tpu.memory_space<hbm>> -> memref<1x160x128xi32, #tpu.memory_space<hbm>>
      %dma_start3A_35 = tpu.memref_squeeze %dma_start3A_34 : memref<1x160x128xi32, #tpu.memory_space<hbm>> -> memref<160x128xi32, #tpu.memory_space<hbm>>
      tpu.enqueue_dma source(%dma_start3A_35 : memref<160x128xi32, #tpu.memory_space<hbm>>) target(%arg8 : memref<160x128xi32, #tpu.memory_space<vmem>>) target_semaphore(%run_scoped3A : memref<!tpu.dma_semaphore, #tpu.memory_space<semaphore_mem>>)
      %dma_wait3A = arith.constant 0 : i32
      %dma_wait3A_36 = arith.constant 0 : i32
      %dma_wait3A_37 = arith.constant 0 : i32
      %dma_wait3A_38 = tpu.memref_slice %arg3[%arg0, %dma_wait3A, %dma_wait3A_36, %dma_wait3A_37] : memref<2x16x160x128xi32, #tpu.memory_space<hbm>> -> memref<1x16x160x128xi32, #tpu.memory_space<hbm>>
      %dma_wait3A_39 = tpu.memref_squeeze %dma_wait3A_38 : memref<1x16x160x128xi32, #tpu.memory_space<hbm>> -> memref<16x160x128xi32, #tpu.memory_space<hbm>>
      %dma_wait3A_40 = arith.constant 0 : i32
      %dma_wait3A_41 = arith.constant 0 : i32
      %dma_wait3A_42 = tpu.memref_slice %dma_wait3A_39[%arg1, %dma_wait3A_40, %dma_wait3A_41] : memref<16x160x128xi32, #tpu.memory_space<hbm>> -> memref<1x160x128xi32, #tpu.memory_space<hbm>>
      %dma_wait3A_43 = tpu.memref_squeeze %dma_wait3A_42 : memref<1x160x128xi32, #tpu.memory_space<hbm>> -> memref<160x128xi32, #tpu.memory_space<hbm>>
      %dma_wait3A_44 = arith.constant 0 : i32
      %dma_wait3A_45 = arith.constant 0 : i32
      %dma_wait3A_46 = arith.constant 0 : i32
      %dma_wait3A_47 = tpu.memref_slice %arg3[%arg0, %dma_wait3A_44, %dma_wait3A_45, %dma_wait3A_46] : memref<2x16x160x128xi32, #tpu.memory_space<hbm>> -> memref<1x16x160x128xi32, #tpu.memory_space<hbm>>
      %dma_wait3A_48 = tpu.memref_squeeze %dma_wait3A_47 : memref<1x16x160x128xi32, #tpu.memory_space<hbm>> -> memref<16x160x128xi32, #tpu.memory_space<hbm>>
      %dma_wait3A_49 = arith.constant 0 : i32
      %dma_wait3A_50 = arith.constant 0 : i32
      %dma_wait3A_51 = tpu.memref_slice %dma_wait3A_48[%arg1, %dma_wait3A_49, %dma_wait3A_50] : memref<16x160x128xi32, #tpu.memory_space<hbm>> -> memref<1x160x128xi32, #tpu.memory_space<hbm>>
      %dma_wait3A_52 = tpu.memref_squeeze %dma_wait3A_51 : memref<1x160x128xi32, #tpu.memory_space<hbm>> -> memref<160x128xi32, #tpu.memory_space<hbm>>
      tpu.wait_dma2 semaphore(%run_scoped3A : memref<!tpu.dma_semaphore, #tpu.memory_space<semaphore_mem>>) src(%dma_wait3A_52 : memref<160x128xi32, #tpu.memory_space<hbm>>) dst(%arg8 : memref<160x128xi32, #tpu.memory_space<vmem>>)
      tpu.yield
    }) : () -> ()
    %scan3A = arith.constant 0 : i32
    %scan3A_0 = arith.constant 21 : i32
    %scan3A_1 = arith.addi %scan3A, %scan3A_0 : i32
    %scan3A_2 = arith.constant 1 : i32
    scf.for %scan3A_19 = %scan3A to %scan3A_1 step %scan3A_2  : i32 {
      %mul3A = arith.constant 1 : i32
      %mul3A_20 = arith.muli %scan3A_19, %mul3A : i32
      %add3A = arith.constant 0 : i32
      %add3A_21 = arith.addi %add3A, %mul3A_20 : i32
      %mul3A_22 = arith.constant 128 : i32
      %mul3A_23 = arith.muli %add3A_21, %mul3A_22 : i32
      %dma_start3A = arith.constant 0 : i32
      %dma_start3A_24 = arith.constant 0 : i32
      %dma_start3A_25 = tpu.memref_slice %arg9[%mul3A_23, %dma_start3A_24] : memref<2688x16xi32, #tpu.memory_space<vmem>> -> memref<128x16xi32, #tpu.memory_space<vmem>>
      %dma_start3A_26 = arith.constant 0 : i32
      %dma_start3A_27 = tpu.memref_slice %arg7[%add3A_21, %dma_start3A_26] : memref<21x128xi32, #tpu.memory_space<vmem>> -> memref<1x128xi32, #tpu.memory_space<vmem>>
      %dma_start3A_28 = tpu.memref_squeeze %dma_start3A_27 : memref<1x128xi32, #tpu.memory_space<vmem>> -> memref<128xi32, #tpu.memory_space<vmem>>
      %dma_start3A_29 = arith.constant 0 : i32
      %dma_start3A_30 = arith.constant 0 : i32
      %dma_start3A_31 = tpu.memref_slice %arg2[%dma_start3A, %dma_start3A_29, %dma_start3A_30] : memref<2x40007x16xi32, #tpu.memory_space<hbm>> -> memref<1x40007x16xi32, #tpu.memory_space<hbm>>
      %dma_start3A_32 = tpu.memref_squeeze %dma_start3A_31 : memref<1x40007x16xi32, #tpu.memory_space<hbm>> -> memref<40007x16xi32, #tpu.memory_space<hbm>>
      %dma_start3A_33 = arith.constant 0 : i32
      %dma_start3A_34 = arith.constant 0 : i32
      %dma_start3A_35 = tpu.memref_slice %dma_start3A_32[%dma_start3A_33, %dma_start3A_34] : memref<40007x16xi32, #tpu.memory_space<hbm>> -> memref<40007x16xi32, #tpu.memory_space<hbm>>
      tpu.enqueue_indirect_dma source(%dma_start3A_35 : memref<40007x16xi32, #tpu.memory_space<hbm>>) target(%dma_start3A_25 : memref<128x16xi32, #tpu.memory_space<vmem>>) offsets(%dma_start3A_28 : memref<128xi32, #tpu.memory_space<vmem>>) semaphore(%arg11 : memref<!tpu.dma_semaphore, #tpu.memory_space<semaphore_mem>>)
      %dma_wait3A = arith.constant 0 : i32
      %dma_wait3A_36 = arith.constant 0 : i32
      %dma_wait3A_37 = tpu.memref_slice %arg9[%mul3A_23, %dma_wait3A_36] : memref<2688x16xi32, #tpu.memory_space<vmem>> -> memref<128x16xi32, #tpu.memory_space<vmem>>
      %dma_wait3A_38 = arith.constant 0 : i32
      %dma_wait3A_39 = tpu.memref_slice %arg7[%add3A_21, %dma_wait3A_38] : memref<21x128xi32, #tpu.memory_space<vmem>> -> memref<1x128xi32, #tpu.memory_space<vmem>>
      %dma_wait3A_40 = tpu.memref_squeeze %dma_wait3A_39 : memref<1x128xi32, #tpu.memory_space<vmem>> -> memref<128xi32, #tpu.memory_space<vmem>>
      %dma_wait3A_41 = arith.constant 0 : i32
      %dma_wait3A_42 = arith.constant 0 : i32
      %dma_wait3A_43 = tpu.memref_slice %arg2[%dma_wait3A, %dma_wait3A_41, %dma_wait3A_42] : memref<2x40007x16xi32, #tpu.memory_space<hbm>> -> memref<1x40007x16xi32, #tpu.memory_space<hbm>>
      %dma_wait3A_44 = tpu.memref_squeeze %dma_wait3A_43 : memref<1x40007x16xi32, #tpu.memory_space<hbm>> -> memref<40007x16xi32, #tpu.memory_space<hbm>>
      %dma_wait3A_45 = arith.constant 0 : i32
      %dma_wait3A_46 = arith.constant 0 : i32
      %dma_wait3A_47 = tpu.memref_slice %dma_wait3A_44[%dma_wait3A_45, %dma_wait3A_46] : memref<40007x16xi32, #tpu.memory_space<hbm>> -> memref<40007x16xi32, #tpu.memory_space<hbm>>
      tpu.wait_indirect_dma semaphore(%arg11 : memref<!tpu.dma_semaphore, #tpu.memory_space<semaphore_mem>>) src(%dma_wait3A_47 : memref<40007x16xi32, #tpu.memory_space<hbm>>) dst(%dma_wait3A_37 : memref<128x16xi32, #tpu.memory_space<vmem>>)
    }
    %scan3A_3 = arith.constant 21 : i32
    %scan3A_4 = arith.constant 0 : i32
    %scan3A_5 = arith.constant 160 : i32
    %scan3A_6 = arith.addi %scan3A_4, %scan3A_5 : i32
    %scan3A_7 = arith.constant 1 : i32
    scf.for %scan3A_19 = %scan3A_4 to %scan3A_6 step %scan3A_7  : i32 {
      %mul3A = arith.constant 1 : i32
      %mul3A_20 = arith.muli %scan3A_19, %mul3A : i32
      %add3A = arith.constant 0 : i32
      %add3A_21 = arith.addi %add3A, %mul3A_20 : i32
      %scan3A_22 = arith.constant 0 : i32
      %scan3A_23 = arith.constant 8 : i32
      %scan3A_24 = arith.addi %scan3A_22, %scan3A_23 : i32
      %scan3A_25 = arith.constant 1 : i32
      scf.for %scan3A_27 = %scan3A_22 to %scan3A_24 step %scan3A_25  : i32 {
        %mul3A_28 = arith.constant 1 : i32
        %mul3A_29 = arith.muli %scan3A_27, %mul3A_28 : i32
        %add3A_30 = arith.constant 0 : i32
        %add3A_31 = arith.addi %add3A_30, %mul3A_29 : i32
        %mul3A_32 = arith.constant 16 : i32
        %mul3A_33 = arith.muli %add3A_31, %mul3A_32 : i32
        %get3A = arith.constant 0 : i32
        %get3A_34 = tpu.memref_slice %arg8[%add3A_21, %get3A] : memref<160x128xi32, #tpu.memory_space<vmem>> -> memref<1x128xi32, #tpu.memory_space<vmem>>
        %get3A_35 = tpu.memref_squeeze %get3A_34 : memref<1x128xi32, #tpu.memory_space<vmem>> -> memref<128xi32, #tpu.memory_space<vmem>>
        %get3A_36 = arith.index_cast %mul3A_33 : i32 to index
        %get3A_37 = tpu.vector_load %get3A_35[%get3A_36] {strides = array<i32>} : memref<128xi32, #tpu.memory_space<vmem>>, vector<16xi32>,
        %shift_right_logical3A = arith.constant 4 : i32
        %shift_right_logical3A_38 = vector.broadcast %shift_right_logical3A : i32 to vector<16xi32>
        %shift_right_logical3A_39 = arith.shrui %get3A_37, %shift_right_logical3A_38 : vector<16xi32>
        %and3A = arith.constant 15 : i32
        %and3A_40 = vector.broadcast %and3A : i32 to vector<16xi32>
        %and3A_41 = arith.andi %get3A_37, %and3A_40 : vector<16xi32>
        %gather3A = tpu.vector_load_idx %arg9[%shift_right_logical3A_39, %and3A_41] : memref<2688x16xi32, #tpu.memory_space<vmem>>[vector<16xi32>, vector<16xi32>], vector<16xi32>,
        %mul3A_42 = arith.constant 16 : i32
        %mul3A_43 = arith.muli %add3A_31, %mul3A_42 : i32
        %swap3A = arith.constant 0 : i32
        %swap3A_44 = tpu.memref_slice %arg10[%add3A_21, %swap3A] : memref<160x128xi32, #tpu.memory_space<vmem>> -> memref<1x128xi32, #tpu.memory_space<vmem>>
        %swap3A_45 = tpu.memref_squeeze %swap3A_44 : memref<1x128xi32, #tpu.memory_space<vmem>> -> memref<128xi32, #tpu.memory_space<vmem>>
        %swap3A_46 = arith.index_cast %mul3A_43 : i32 to index
        %swap3A_47 = tpu.vector_load %swap3A_45[%swap3A_46] {strides = array<i32>} : memref<128xi32, #tpu.memory_space<vmem>>, vector<16xi32>,
        tpu.vector_store %swap3A_45[%swap3A_46], %gather3A {strides = array<i32>} : memref<128xi32, #tpu.memory_space<vmem>>, vector<16xi32>,
      }
      %scan3A_26 = arith.constant 8 : i32
    }
    %scan3A_8 = arith.constant 160 : i32
    "tpu.region"() ({
      %run_scoped3A = tpu.sem_alloc : memref<!tpu.dma_semaphore, #tpu.memory_space<semaphore_mem>>
      %dma_start3A = arith.constant 0 : i32
      %dma_start3A_19 = arith.constant 0 : i32
      %dma_start3A_20 = arith.constant 0 : i32
      %dma_start3A_21 = tpu.memref_slice %arg5[%arg0, %dma_start3A, %dma_start3A_19, %dma_start3A_20] : memref<2x16x160x128xi32, #tpu.memory_space<hbm>> -> memref<1x16x160x128xi32, #tpu.memory_space<hbm>>
      %dma_start3A_22 = tpu.memref_squeeze %dma_start3A_21 : memref<1x16x160x128xi32, #tpu.memory_space<hbm>> -> memref<16x160x128xi32, #tpu.memory_space<hbm>>
      %dma_start3A_23 = arith.constant 0 : i32
      %dma_start3A_24 = arith.constant 0 : i32
      %dma_start3A_25 = tpu.memref_slice %dma_start3A_22[%arg1, %dma_start3A_23, %dma_start3A_24] : memref<16x160x128xi32, #tpu.memory_space<hbm>> -> memref<1x160x128xi32, #tpu.memory_space<hbm>>
      %dma_start3A_26 = tpu.memref_squeeze %dma_start3A_25 : memref<1x160x128xi32, #tpu.memory_space<hbm>> -> memref<160x128xi32, #tpu.memory_space<hbm>>
      %dma_start3A_27 = arith.constant 0 : i32
      %dma_start3A_28 = arith.constant 0 : i32
      %dma_start3A_29 = arith.constant 0 : i32
      %dma_start3A_30 = tpu.memref_slice %arg5[%arg0, %dma_start3A_27, %dma_start3A_28, %dma_start3A_29] : memref<2x16x160x128xi32, #tpu.memory_space<hbm>> -> memref<1x16x160x128xi32, #tpu.memory_space<hbm>>
      %dma_start3A_31 = tpu.memref_squeeze %dma_start3A_30 : memref<1x16x160x128xi32, #tpu.memory_space<hbm>> -> memref<16x160x128xi32, #tpu.memory_space<hbm>>
      %dma_start3A_32 = arith.constant 0 : i32
      %dma_start3A_33 = arith.constant 0 : i32
      %dma_start3A_34 = tpu.memref_slice %dma_start3A_31[%arg1, %dma_start3A_32, %dma_start3A_33] : memref<16x160x128xi32, #tpu.memory_space<hbm>> -> memref<1x160x128xi32, #tpu.memory_space<hbm>>
      %dma_start3A_35 = tpu.memref_squeeze %dma_start3A_34 : memref<1x160x128xi32, #tpu.memory_space<hbm>> -> memref<160x128xi32, #tpu.memory_space<hbm>>
      tpu.enqueue_dma source(%arg10 : memref<160x128xi32, #tpu.memory_space<vmem>>) target(%dma_start3A_35 : memref<160x128xi32, #tpu.memory_space<hbm>>) target_semaphore(%run_scoped3A : memref<!tpu.dma_semaphore, #tpu.memory_space<semaphore_mem>>)
      %dma_wait3A = arith.constant 0 : i32
      %dma_wait3A_36 = arith.constant 0 : i32
      %dma_wait3A_37 = arith.constant 0 : i32
      %dma_wait3A_38 = tpu.memref_slice %arg5[%arg0, %dma_wait3A, %dma_wait3A_36, %dma_wait3A_37] : memref<2x16x160x128xi32, #tpu.memory_space<hbm>> -> memref<1x16x160x128xi32, #tpu.memory_space<hbm>>
      %dma_wait3A_39 = tpu.memref_squeeze %dma_wait3A_38 : memref<1x16x160x128xi32, #tpu.memory_space<hbm>> -> memref<16x160x128xi32, #tpu.memory_space<hbm>>
      %dma_wait3A_40 = arith.constant 0 : i32
      %dma_wait3A_41 = arith.constant 0 : i32
      %dma_wait3A_42 = tpu.memref_slice %dma_wait3A_39[%arg1, %dma_wait3A_40, %dma_wait3A_41] : memref<16x160x128xi32, #tpu.memory_space<hbm>> -> memref<1x160x128xi32, #tpu.memory_space<hbm>>
      %dma_wait3A_43 = tpu.memref_squeeze %dma_wait3A_42 : memref<1x160x128xi32, #tpu.memory_space<hbm>> -> memref<160x128xi32, #tpu.memory_space<hbm>>
      %dma_wait3A_44 = arith.constant 0 : i32
      %dma_wait3A_45 = arith.constant 0 : i32
      %dma_wait3A_46 = arith.constant 0 : i32
      %dma_wait3A_47 = tpu.memref_slice %arg5[%arg0, %dma_wait3A_44, %dma_wait3A_45, %dma_wait3A_46] : memref<2x16x160x128xi32, #tpu.memory_space<hbm>> -> memref<1x16x160x128xi32, #tpu.memory_space<hbm>>
      %dma_wait3A_48 = tpu.memref_squeeze %dma_wait3A_47 : memref<1x16x160x128xi32, #tpu.memory_space<hbm>> -> memref<16x160x128xi32, #tpu.memory_space<hbm>>
      %dma_wait3A_49 = arith.constant 0 : i32
      %dma_wait3A_50 = arith.constant 0 : i32
      %dma_wait3A_51 = tpu.memref_slice %dma_wait3A_48[%arg1, %dma_wait3A_49, %dma_wait3A_50] : memref<16x160x128xi32, #tpu.memory_space<hbm>> -> memref<1x160x128xi32, #tpu.memory_space<hbm>>
      %dma_wait3A_52 = tpu.memref_squeeze %dma_wait3A_51 : memref<1x160x128xi32, #tpu.memory_space<hbm>> -> memref<160x128xi32, #tpu.memory_space<hbm>>
      tpu.wait_dma2 semaphore(%run_scoped3A : memref<!tpu.dma_semaphore, #tpu.memory_space<semaphore_mem>>) src(%arg10 : memref<160x128xi32, #tpu.memory_space<vmem>>) dst(%dma_wait3A_52 : memref<160x128xi32, #tpu.memory_space<hbm>>)
      tpu.yield
    }) : () -> ()
    %scan3A_9 = arith.constant 0 : i32
    %scan3A_10 = arith.constant 21 : i32
    %scan3A_11 = arith.addi %scan3A_9, %scan3A_10 : i32
    %scan3A_12 = arith.constant 1 : i32
    scf.for %scan3A_19 = %scan3A_9 to %scan3A_11 step %scan3A_12  : i32 {
      %mul3A = arith.constant 1 : i32
      %mul3A_20 = arith.muli %scan3A_19, %mul3A : i32
      %add3A = arith.constant 0 : i32
      %add3A_21 = arith.addi %add3A, %mul3A_20 : i32
      %mul3A_22 = arith.constant 128 : i32
      %mul3A_23 = arith.muli %add3A_21, %mul3A_22 : i32
      %dma_start3A = arith.constant 1 : i32
      %dma_start3A_24 = arith.constant 0 : i32
      %dma_start3A_25 = tpu.memref_slice %arg9[%mul3A_23, %dma_start3A_24] : memref<2688x16xi32, #tpu.memory_space<vmem>> -> memref<128x16xi32, #tpu.memory_space<vmem>>
      %dma_start3A_26 = arith.constant 0 : i32
      %dma_start3A_27 = tpu.memref_slice %arg7[%add3A_21, %dma_start3A_26] : memref<21x128xi32, #tpu.memory_space<vmem>> -> memref<1x128xi32, #tpu.memory_space<vmem>>
      %dma_start3A_28 = tpu.memref_squeeze %dma_start3A_27 : memref<1x128xi32, #tpu.memory_space<vmem>> -> memref<128xi32, #tpu.memory_space<vmem>>
      %dma_start3A_29 = arith.constant 0 : i32
      %dma_start3A_30 = arith.constant 0 : i32
      %dma_start3A_31 = tpu.memref_slice %arg2[%dma_start3A, %dma_start3A_29, %dma_start3A_30] : memref<2x40007x16xi32, #tpu.memory_space<hbm>> -> memref<1x40007x16xi32, #tpu.memory_space<hbm>>
      %dma_start3A_32 = tpu.memref_squeeze %dma_start3A_31 : memref<1x40007x16xi32, #tpu.memory_space<hbm>> -> memref<40007x16xi32, #tpu.memory_space<hbm>>
      %dma_start3A_33 = arith.constant 0 : i32
      %dma_start3A_34 = arith.constant 0 : i32
      %dma_start3A_35 = tpu.memref_slice %dma_start3A_32[%dma_start3A_33, %dma_start3A_34] : memref<40007x16xi32, #tpu.memory_space<hbm>> -> memref<40007x16xi32, #tpu.memory_space<hbm>>
      tpu.enqueue_indirect_dma source(%dma_start3A_35 : memref<40007x16xi32, #tpu.memory_space<hbm>>) target(%dma_start3A_25 : memref<128x16xi32, #tpu.memory_space<vmem>>) offsets(%dma_start3A_28 : memref<128xi32, #tpu.memory_space<vmem>>) semaphore(%arg11 : memref<!tpu.dma_semaphore, #tpu.memory_space<semaphore_mem>>)
      %dma_wait3A = arith.constant 1 : i32
      %dma_wait3A_36 = arith.constant 0 : i32
      %dma_wait3A_37 = tpu.memref_slice %arg9[%mul3A_23, %dma_wait3A_36] : memref<2688x16xi32, #tpu.memory_space<vmem>> -> memref<128x16xi32, #tpu.memory_space<vmem>>
      %dma_wait3A_38 = arith.constant 0 : i32
      %dma_wait3A_39 = tpu.memref_slice %arg7[%add3A_21, %dma_wait3A_38] : memref<21x128xi32, #tpu.memory_space<vmem>> -> memref<1x128xi32, #tpu.memory_space<vmem>>
      %dma_wait3A_40 = tpu.memref_squeeze %dma_wait3A_39 : memref<1x128xi32, #tpu.memory_space<vmem>> -> memref<128xi32, #tpu.memory_space<vmem>>
      %dma_wait3A_41 = arith.constant 0 : i32
      %dma_wait3A_42 = arith.constant 0 : i32
      %dma_wait3A_43 = tpu.memref_slice %arg2[%dma_wait3A, %dma_wait3A_41, %dma_wait3A_42] : memref<2x40007x16xi32, #tpu.memory_space<hbm>> -> memref<1x40007x16xi32, #tpu.memory_space<hbm>>
      %dma_wait3A_44 = tpu.memref_squeeze %dma_wait3A_43 : memref<1x40007x16xi32, #tpu.memory_space<hbm>> -> memref<40007x16xi32, #tpu.memory_space<hbm>>
      %dma_wait3A_45 = arith.constant 0 : i32
      %dma_wait3A_46 = arith.constant 0 : i32
      %dma_wait3A_47 = tpu.memref_slice %dma_wait3A_44[%dma_wait3A_45, %dma_wait3A_46] : memref<40007x16xi32, #tpu.memory_space<hbm>> -> memref<40007x16xi32, #tpu.memory_space<hbm>>
      tpu.wait_indirect_dma semaphore(%arg11 : memref<!tpu.dma_semaphore, #tpu.memory_space<semaphore_mem>>) src(%dma_wait3A_47 : memref<40007x16xi32, #tpu.memory_space<hbm>>) dst(%dma_wait3A_37 : memref<128x16xi32, #tpu.memory_space<vmem>>)
    }
    %scan3A_13 = arith.constant 21 : i32
    %scan3A_14 = arith.constant 0 : i32
    %scan3A_15 = arith.constant 160 : i32
    %scan3A_16 = arith.addi %scan3A_14, %scan3A_15 : i32
    %scan3A_17 = arith.constant 1 : i32
    scf.for %scan3A_19 = %scan3A_14 to %scan3A_16 step %scan3A_17  : i32 {
      %mul3A = arith.constant 1 : i32
      %mul3A_20 = arith.muli %scan3A_19, %mul3A : i32
      %add3A = arith.constant 0 : i32
      %add3A_21 = arith.addi %add3A, %mul3A_20 : i32
      %scan3A_22 = arith.constant 0 : i32
      %scan3A_23 = arith.constant 8 : i32
      %scan3A_24 = arith.addi %scan3A_22, %scan3A_23 : i32
      %scan3A_25 = arith.constant 1 : i32
      scf.for %scan3A_27 = %scan3A_22 to %scan3A_24 step %scan3A_25  : i32 {
        %mul3A_28 = arith.constant 1 : i32
        %mul3A_29 = arith.muli %scan3A_27, %mul3A_28 : i32
        %add3A_30 = arith.constant 0 : i32
        %add3A_31 = arith.addi %add3A_30, %mul3A_29 : i32
        %mul3A_32 = arith.constant 16 : i32
        %mul3A_33 = arith.muli %add3A_31, %mul3A_32 : i32
        %get3A = arith.constant 0 : i32
        %get3A_34 = tpu.memref_slice %arg8[%add3A_21, %get3A] : memref<160x128xi32, #tpu.memory_space<vmem>> -> memref<1x128xi32, #tpu.memory_space<vmem>>
        %get3A_35 = tpu.memref_squeeze %get3A_34 : memref<1x128xi32, #tpu.memory_space<vmem>> -> memref<128xi32, #tpu.memory_space<vmem>>
        %get3A_36 = arith.index_cast %mul3A_33 : i32 to index
        %get3A_37 = tpu.vector_load %get3A_35[%get3A_36] {strides = array<i32>} : memref<128xi32, #tpu.memory_space<vmem>>, vector<16xi32>,
        %shift_right_logical3A = arith.constant 4 : i32
        %shift_right_logical3A_38 = vector.broadcast %shift_right_logical3A : i32 to vector<16xi32>
        %shift_right_logical3A_39 = arith.shrui %get3A_37, %shift_right_logical3A_38 : vector<16xi32>
        %and3A = arith.constant 15 : i32
        %and3A_40 = vector.broadcast %and3A : i32 to vector<16xi32>
        %and3A_41 = arith.andi %get3A_37, %and3A_40 : vector<16xi32>
        %gather3A = tpu.vector_load_idx %arg9[%shift_right_logical3A_39, %and3A_41] : memref<2688x16xi32, #tpu.memory_space<vmem>>[vector<16xi32>, vector<16xi32>], vector<16xi32>,
        %mul3A_42 = arith.constant 16 : i32
        %mul3A_43 = arith.muli %add3A_31, %mul3A_42 : i32
        %swap3A = arith.constant 0 : i32
        %swap3A_44 = tpu.memref_slice %arg10[%add3A_21, %swap3A] : memref<160x128xi32, #tpu.memory_space<vmem>> -> memref<1x128xi32, #tpu.memory_space<vmem>>
        %swap3A_45 = tpu.memref_squeeze %swap3A_44 : memref<1x128xi32, #tpu.memory_space<vmem>> -> memref<128xi32, #tpu.memory_space<vmem>>
        %swap3A_46 = arith.index_cast %mul3A_43 : i32 to index
        %swap3A_47 = tpu.vector_load %swap3A_45[%swap3A_46] {strides = array<i32>} : memref<128xi32, #tpu.memory_space<vmem>>, vector<16xi32>,
        tpu.vector_store %swap3A_45[%swap3A_46], %gather3A {strides = array<i32>} : memref<128xi32, #tpu.memory_space<vmem>>, vector<16xi32>,
      }
      %scan3A_26 = arith.constant 8 : i32
    }
    %scan3A_18 = arith.constant 160 : i32
    "tpu.region"() ({
      %run_scoped3A = tpu.sem_alloc : memref<!tpu.dma_semaphore, #tpu.memory_space<semaphore_mem>>
      %dma_start3A = arith.constant 0 : i32
      %dma_start3A_19 = arith.constant 0 : i32
      %dma_start3A_20 = arith.constant 0 : i32
      %dma_start3A_21 = tpu.memref_slice %arg6[%arg0, %dma_start3A, %dma_start3A_19, %dma_start3A_20] : memref<2x16x160x128xi32, #tpu.memory_space<hbm>> -> memref<1x16x160x128xi32, #tpu.memory_space<hbm>>
      %dma_start3A_22 = tpu.memref_squeeze %dma_start3A_21 : memref<1x16x160x128xi32, #tpu.memory_space<hbm>> -> memref<16x160x128xi32, #tpu.memory_space<hbm>>
      %dma_start3A_23 = arith.constant 0 : i32
      %dma_start3A_24 = arith.constant 0 : i32
      %dma_start3A_25 = tpu.memref_slice %dma_start3A_22[%arg1, %dma_start3A_23, %dma_start3A_24] : memref<16x160x128xi32, #tpu.memory_space<hbm>> -> memref<1x160x128xi32, #tpu.memory_space<hbm>>
      %dma_start3A_26 = tpu.memref_squeeze %dma_start3A_25 : memref<1x160x128xi32, #tpu.memory_space<hbm>> -> memref<160x128xi32, #tpu.memory_space<hbm>>
      %dma_start3A_27 = arith.constant 0 : i32
      %dma_start3A_28 = arith.constant 0 : i32
      %dma_start3A_29 = arith.constant 0 : i32
      %dma_start3A_30 = tpu.memref_slice %arg6[%arg0, %dma_start3A_27, %dma_start3A_28, %dma_start3A_29] : memref<2x16x160x128xi32, #tpu.memory_space<hbm>> -> memref<1x16x160x128xi32, #tpu.memory_space<hbm>>
      %dma_start3A_31 = tpu.memref_squeeze %dma_start3A_30 : memref<1x16x160x128xi32, #tpu.memory_space<hbm>> -> memref<16x160x128xi32, #tpu.memory_space<hbm>>
      %dma_start3A_32 = arith.constant 0 : i32
      %dma_start3A_33 = arith.constant 0 : i32
      %dma_start3A_34 = tpu.memref_slice %dma_start3A_31[%arg1, %dma_start3A_32, %dma_start3A_33] : memref<16x160x128xi32, #tpu.memory_space<hbm>> -> memref<1x160x128xi32, #tpu.memory_space<hbm>>
      %dma_start3A_35 = tpu.memref_squeeze %dma_start3A_34 : memref<1x160x128xi32, #tpu.memory_space<hbm>> -> memref<160x128xi32, #tpu.memory_space<hbm>>
      tpu.enqueue_dma source(%arg10 : memref<160x128xi32, #tpu.memory_space<vmem>>) target(%dma_start3A_35 : memref<160x128xi32, #tpu.memory_space<hbm>>) target_semaphore(%run_scoped3A : memref<!tpu.dma_semaphore, #tpu.memory_space<semaphore_mem>>)
      %dma_wait3A = arith.constant 0 : i32
      %dma_wait3A_36 = arith.constant 0 : i32
      %dma_wait3A_37 = arith.constant 0 : i32
      %dma_wait3A_38 = tpu.memref_slice %arg6[%arg0, %dma_wait3A, %dma_wait3A_36, %dma_wait3A_37] : memref<2x16x160x128xi32, #tpu.memory_space<hbm>> -> memref<1x16x160x128xi32, #tpu.memory_space<hbm>>
      %dma_wait3A_39 = tpu.memref_squeeze %dma_wait3A_38 : memref<1x16x160x128xi32, #tpu.memory_space<hbm>> -> memref<16x160x128xi32, #tpu.memory_space<hbm>>
      %dma_wait3A_40 = arith.constant 0 : i32
      %dma_wait3A_41 = arith.constant 0 : i32
      %dma_wait3A_42 = tpu.memref_slice %dma_wait3A_39[%arg1, %dma_wait3A_40, %dma_wait3A_41] : memref<16x160x128xi32, #tpu.memory_space<hbm>> -> memref<1x160x128xi32, #tpu.memory_space<hbm>>
      %dma_wait3A_43 = tpu.memref_squeeze %dma_wait3A_42 : memref<1x160x128xi32, #tpu.memory_space<hbm>> -> memref<160x128xi32, #tpu.memory_space<hbm>>
      %dma_wait3A_44 = arith.constant 0 : i32
      %dma_wait3A_45 = arith.constant 0 : i32
      %dma_wait3A_46 = arith.constant 0 : i32
      %dma_wait3A_47 = tpu.memref_slice %arg6[%arg0, %dma_wait3A_44, %dma_wait3A_45, %dma_wait3A_46] : memref<2x16x160x128xi32, #tpu.memory_space<hbm>> -> memref<1x16x160x128xi32, #tpu.memory_space<hbm>>
      %dma_wait3A_48 = tpu.memref_squeeze %dma_wait3A_47 : memref<1x16x160x128xi32, #tpu.memory_space<hbm>> -> memref<16x160x128xi32, #tpu.memory_space<hbm>>
      %dma_wait3A_49 = arith.constant 0 : i32
      %dma_wait3A_50 = arith.constant 0 : i32
      %dma_wait3A_51 = tpu.memref_slice %dma_wait3A_48[%arg1, %dma_wait3A_49, %dma_wait3A_50] : memref<16x160x128xi32, #tpu.memory_space<hbm>> -> memref<1x160x128xi32, #tpu.memory_space<hbm>>
      %dma_wait3A_52 = tpu.memref_squeeze %dma_wait3A_51 : memref<1x160x128xi32, #tpu.memory_space<hbm>> -> memref<160x128xi32, #tpu.memory_space<hbm>>
      tpu.wait_dma2 semaphore(%run_scoped3A : memref<!tpu.dma_semaphore, #tpu.memory_space<semaphore_mem>>) src(%arg10 : memref<160x128xi32, #tpu.memory_space<vmem>>) dst(%dma_wait3A_52 : memref<160x128xi32, #tpu.memory_space<hbm>>)
      tpu.yield
    }) : () -> ()
    return
  }
}

#map = affine_map<(d0, d1) -> (0, 0)>
#map1 = affine_map<(d0, d1) -> (0, 0, 0, 0)>
#map2 = affine_map<(d0, d1) -> (0, 0, 0)>
module attributes {stable_mosaic.version = 14 : i64} {
  func.func @prop(%arg0: i32, %arg1: i32, %arg2: memref<20224x64xf32, #tpu.memory_space<hbm>>, %arg3: memref<2x16x160x128xi32, #tpu.memory_space<hbm>>, %arg4: memref<16x160x128xi32, #tpu.memory_space<hbm>>, %arg5: memref<20224x64xf32, #tpu.memory_space<hbm>>, %arg6: memref<32x128xi32, #tpu.memory_space<vmem>>, %arg7: memref<32x128xi32, #tpu.memory_space<vmem>>, %arg8: memref<256x64xf32, #tpu.memory_space<vmem>>, %arg9: memref<10112x64xf32, #tpu.memory_space<vmem_shared>>, %arg10: memref<!tpu.dma_semaphore, #tpu.memory_space<semaphore_mem>>, %arg11: memref<!tpu.dma_semaphore, #tpu.memory_space<semaphore_mem>>) attributes {dimension_semantics = [#tpu.dimension_semantics<core_parallel>, #tpu.dimension_semantics<subcore_parallel>], iteration_bounds = array<i64: 2, 16>, scalar_prefetch = 0 : i64, scratch_operands = 6 : i64, tpu.core_type = #tpu.core_type<sc_vector_subcore>, window_params = [{transform_indices = #map}, {transform_indices = #map1}, {transform_indices = #map2}, {transform_indices = #map}]} {
    %mul3A = arith.constant 10112 : i32
    %mul3A_0 = arith.muli %arg0, %mul3A : i32
    %mul3A_1 = arith.constant 632 : i32
    %mul3A_2 = arith.muli %arg1, %mul3A_1 : i32
    %add3A = arith.addi %mul3A_0, %mul3A_2 : i32
    %mul3A_3 = arith.constant 632 : i32
    %mul3A_4 = arith.muli %arg1, %mul3A_3 : i32
    "tpu.region"() ({
      %run_scoped3A = tpu.sem_alloc : memref<!tpu.dma_semaphore, #tpu.memory_space<semaphore_mem>>
      %dma_start3A = arith.constant 0 : i32
      %dma_start3A_17 = tpu.memref_slice %arg9[%mul3A_4, %dma_start3A] : memref<10112x64xf32, #tpu.memory_space<vmem_shared>> -> memref<632x64xf32, #tpu.memory_space<vmem_shared>>
      %dma_start3A_18 = arith.constant 0 : i32
      %dma_start3A_19 = tpu.memref_slice %arg2[%add3A, %dma_start3A_18] : memref<20224x64xf32, #tpu.memory_space<hbm>> -> memref<632x64xf32, #tpu.memory_space<hbm>>
      tpu.enqueue_dma source(%dma_start3A_19 : memref<632x64xf32, #tpu.memory_space<hbm>>) target(%dma_start3A_17 : memref<632x64xf32, #tpu.memory_space<vmem_shared>>) target_semaphore(%run_scoped3A : memref<!tpu.dma_semaphore, #tpu.memory_space<semaphore_mem>>)
      %dma_wait3A = arith.constant 0 : i32
      %dma_wait3A_20 = tpu.memref_slice %arg9[%mul3A_4, %dma_wait3A] : memref<10112x64xf32, #tpu.memory_space<vmem_shared>> -> memref<632x64xf32, #tpu.memory_space<vmem_shared>>
      %dma_wait3A_21 = arith.constant 0 : i32
      %dma_wait3A_22 = tpu.memref_slice %arg2[%add3A, %dma_wait3A_21] : memref<20224x64xf32, #tpu.memory_space<hbm>> -> memref<632x64xf32, #tpu.memory_space<hbm>>
      tpu.wait_dma2 semaphore(%run_scoped3A : memref<!tpu.dma_semaphore, #tpu.memory_space<semaphore_mem>>) src(%dma_wait3A_22 : memref<632x64xf32, #tpu.memory_space<hbm>>) dst(%dma_wait3A_20 : memref<632x64xf32, #tpu.memory_space<vmem_shared>>)
      tpu.yield
    }) : () -> ()
    %barrier3A = arith.constant 0 : index
    tpu.barrier barrier_id(%barrier3A)
    %scan3A = arith.constant 0 : i32
    %scan3A_5 = arith.constant 5 : i32
    %scan3A_6 = arith.addi %scan3A, %scan3A_5 : i32
    %scan3A_7 = arith.constant 1 : i32
    scf.for %scan3A_17 = %scan3A to %scan3A_6 step %scan3A_7  : i32 {
      %mul3A_18 = arith.constant 1 : i32
      %mul3A_19 = arith.muli %scan3A_17, %mul3A_18 : i32
      %add3A_20 = arith.constant 0 : i32
      %add3A_21 = arith.addi %add3A_20, %mul3A_19 : i32
      %mul3A_22 = arith.constant 32 : i32
      %mul3A_23 = arith.muli %add3A_21, %mul3A_22 : i32
      "tpu.region"() ({
        %run_scoped3A = tpu.sem_alloc : memref<!tpu.dma_semaphore, #tpu.memory_space<semaphore_mem>>
        %dma_start3A = arith.constant 0 : i32
        %dma_start3A_29 = arith.constant 0 : i32
        %dma_start3A_30 = arith.constant 0 : i32
        %dma_start3A_31 = tpu.memref_slice %arg3[%arg0, %dma_start3A, %dma_start3A_29, %dma_start3A_30] : memref<2x16x160x128xi32, #tpu.memory_space<hbm>> -> memref<1x16x160x128xi32, #tpu.memory_space<hbm>>
        %dma_start3A_32 = tpu.memref_squeeze %dma_start3A_31 : memref<1x16x160x128xi32, #tpu.memory_space<hbm>> -> memref<16x160x128xi32, #tpu.memory_space<hbm>>
        %dma_start3A_33 = arith.constant 0 : i32
        %dma_start3A_34 = arith.constant 0 : i32
        %dma_start3A_35 = tpu.memref_slice %dma_start3A_32[%arg1, %dma_start3A_33, %dma_start3A_34] : memref<16x160x128xi32, #tpu.memory_space<hbm>> -> memref<1x160x128xi32, #tpu.memory_space<hbm>>
        %dma_start3A_36 = tpu.memref_squeeze %dma_start3A_35 : memref<1x160x128xi32, #tpu.memory_space<hbm>> -> memref<160x128xi32, #tpu.memory_space<hbm>>
        %dma_start3A_37 = arith.constant 0 : i32
        %dma_start3A_38 = tpu.memref_slice %dma_start3A_36[%mul3A_23, %dma_start3A_37] : memref<160x128xi32, #tpu.memory_space<hbm>> -> memref<32x128xi32, #tpu.memory_space<hbm>>
        %dma_start3A_39 = arith.constant 0 : i32
        %dma_start3A_40 = arith.constant 0 : i32
        %dma_start3A_41 = arith.constant 0 : i32
        %dma_start3A_42 = tpu.memref_slice %arg3[%arg0, %dma_start3A_39, %dma_start3A_40, %dma_start3A_41] : memref<2x16x160x128xi32, #tpu.memory_space<hbm>> -> memref<1x16x160x128xi32, #tpu.memory_space<hbm>>
        %dma_start3A_43 = tpu.memref_squeeze %dma_start3A_42 : memref<1x16x160x128xi32, #tpu.memory_space<hbm>> -> memref<16x160x128xi32, #tpu.memory_space<hbm>>
        %dma_start3A_44 = arith.constant 0 : i32
        %dma_start3A_45 = arith.constant 0 : i32
        %dma_start3A_46 = tpu.memref_slice %dma_start3A_43[%arg1, %dma_start3A_44, %dma_start3A_45] : memref<16x160x128xi32, #tpu.memory_space<hbm>> -> memref<1x160x128xi32, #tpu.memory_space<hbm>>
        %dma_start3A_47 = tpu.memref_squeeze %dma_start3A_46 : memref<1x160x128xi32, #tpu.memory_space<hbm>> -> memref<160x128xi32, #tpu.memory_space<hbm>>
        %dma_start3A_48 = arith.constant 0 : i32
        %dma_start3A_49 = tpu.memref_slice %dma_start3A_47[%mul3A_23, %dma_start3A_48] : memref<160x128xi32, #tpu.memory_space<hbm>> -> memref<32x128xi32, #tpu.memory_space<hbm>>
        tpu.enqueue_dma source(%dma_start3A_49 : memref<32x128xi32, #tpu.memory_space<hbm>>) target(%arg6 : memref<32x128xi32, #tpu.memory_space<vmem>>) target_semaphore(%run_scoped3A : memref<!tpu.dma_semaphore, #tpu.memory_space<semaphore_mem>>)
        %dma_wait3A = arith.constant 0 : i32
        %dma_wait3A_50 = arith.constant 0 : i32
        %dma_wait3A_51 = arith.constant 0 : i32
        %dma_wait3A_52 = tpu.memref_slice %arg3[%arg0, %dma_wait3A, %dma_wait3A_50, %dma_wait3A_51] : memref<2x16x160x128xi32, #tpu.memory_space<hbm>> -> memref<1x16x160x128xi32, #tpu.memory_space<hbm>>
        %dma_wait3A_53 = tpu.memref_squeeze %dma_wait3A_52 : memref<1x16x160x128xi32, #tpu.memory_space<hbm>> -> memref<16x160x128xi32, #tpu.memory_space<hbm>>
        %dma_wait3A_54 = arith.constant 0 : i32
        %dma_wait3A_55 = arith.constant 0 : i32
        %dma_wait3A_56 = tpu.memref_slice %dma_wait3A_53[%arg1, %dma_wait3A_54, %dma_wait3A_55] : memref<16x160x128xi32, #tpu.memory_space<hbm>> -> memref<1x160x128xi32, #tpu.memory_space<hbm>>
        %dma_wait3A_57 = tpu.memref_squeeze %dma_wait3A_56 : memref<1x160x128xi32, #tpu.memory_space<hbm>> -> memref<160x128xi32, #tpu.memory_space<hbm>>
        %dma_wait3A_58 = arith.constant 0 : i32
        %dma_wait3A_59 = tpu.memref_slice %dma_wait3A_57[%mul3A_23, %dma_wait3A_58] : memref<160x128xi32, #tpu.memory_space<hbm>> -> memref<32x128xi32, #tpu.memory_space<hbm>>
        %dma_wait3A_60 = arith.constant 0 : i32
        %dma_wait3A_61 = arith.constant 0 : i32
        %dma_wait3A_62 = arith.constant 0 : i32
        %dma_wait3A_63 = tpu.memref_slice %arg3[%arg0, %dma_wait3A_60, %dma_wait3A_61, %dma_wait3A_62] : memref<2x16x160x128xi32, #tpu.memory_space<hbm>> -> memref<1x16x160x128xi32, #tpu.memory_space<hbm>>
        %dma_wait3A_64 = tpu.memref_squeeze %dma_wait3A_63 : memref<1x16x160x128xi32, #tpu.memory_space<hbm>> -> memref<16x160x128xi32, #tpu.memory_space<hbm>>
        %dma_wait3A_65 = arith.constant 0 : i32
        %dma_wait3A_66 = arith.constant 0 : i32
        %dma_wait3A_67 = tpu.memref_slice %dma_wait3A_64[%arg1, %dma_wait3A_65, %dma_wait3A_66] : memref<16x160x128xi32, #tpu.memory_space<hbm>> -> memref<1x160x128xi32, #tpu.memory_space<hbm>>
        %dma_wait3A_68 = tpu.memref_squeeze %dma_wait3A_67 : memref<1x160x128xi32, #tpu.memory_space<hbm>> -> memref<160x128xi32, #tpu.memory_space<hbm>>
        %dma_wait3A_69 = arith.constant 0 : i32
        %dma_wait3A_70 = tpu.memref_slice %dma_wait3A_68[%mul3A_23, %dma_wait3A_69] : memref<160x128xi32, #tpu.memory_space<hbm>> -> memref<32x128xi32, #tpu.memory_space<hbm>>
        tpu.wait_dma2 semaphore(%run_scoped3A : memref<!tpu.dma_semaphore, #tpu.memory_space<semaphore_mem>>) src(%dma_wait3A_70 : memref<32x128xi32, #tpu.memory_space<hbm>>) dst(%arg6 : memref<32x128xi32, #tpu.memory_space<vmem>>)
        tpu.yield
      }) : () -> ()
      "tpu.region"() ({
        %run_scoped3A = tpu.sem_alloc : memref<!tpu.dma_semaphore, #tpu.memory_space<semaphore_mem>>
        %dma_start3A = arith.constant 0 : i32
        %dma_start3A_29 = arith.constant 0 : i32
        %dma_start3A_30 = tpu.memref_slice %arg4[%arg1, %dma_start3A, %dma_start3A_29] : memref<16x160x128xi32, #tpu.memory_space<hbm>> -> memref<1x160x128xi32, #tpu.memory_space<hbm>>
        %dma_start3A_31 = tpu.memref_squeeze %dma_start3A_30 : memref<1x160x128xi32, #tpu.memory_space<hbm>> -> memref<160x128xi32, #tpu.memory_space<hbm>>
        %dma_start3A_32 = arith.constant 0 : i32
        %dma_start3A_33 = tpu.memref_slice %dma_start3A_31[%mul3A_23, %dma_start3A_32] : memref<160x128xi32, #tpu.memory_space<hbm>> -> memref<32x128xi32, #tpu.memory_space<hbm>>
        %dma_start3A_34 = arith.constant 0 : i32
        %dma_start3A_35 = arith.constant 0 : i32
        %dma_start3A_36 = tpu.memref_slice %arg4[%arg1, %dma_start3A_34, %dma_start3A_35] : memref<16x160x128xi32, #tpu.memory_space<hbm>> -> memref<1x160x128xi32, #tpu.memory_space<hbm>>
        %dma_start3A_37 = tpu.memref_squeeze %dma_start3A_36 : memref<1x160x128xi32, #tpu.memory_space<hbm>> -> memref<160x128xi32, #tpu.memory_space<hbm>>
        %dma_start3A_38 = arith.constant 0 : i32
        %dma_start3A_39 = tpu.memref_slice %dma_start3A_37[%mul3A_23, %dma_start3A_38] : memref<160x128xi32, #tpu.memory_space<hbm>> -> memref<32x128xi32, #tpu.memory_space<hbm>>
        tpu.enqueue_dma source(%dma_start3A_39 : memref<32x128xi32, #tpu.memory_space<hbm>>) target(%arg7 : memref<32x128xi32, #tpu.memory_space<vmem>>) target_semaphore(%run_scoped3A : memref<!tpu.dma_semaphore, #tpu.memory_space<semaphore_mem>>)
        %dma_wait3A = arith.constant 0 : i32
        %dma_wait3A_40 = arith.constant 0 : i32
        %dma_wait3A_41 = tpu.memref_slice %arg4[%arg1, %dma_wait3A, %dma_wait3A_40] : memref<16x160x128xi32, #tpu.memory_space<hbm>> -> memref<1x160x128xi32, #tpu.memory_space<hbm>>
        %dma_wait3A_42 = tpu.memref_squeeze %dma_wait3A_41 : memref<1x160x128xi32, #tpu.memory_space<hbm>> -> memref<160x128xi32, #tpu.memory_space<hbm>>
        %dma_wait3A_43 = arith.constant 0 : i32
        %dma_wait3A_44 = tpu.memref_slice %dma_wait3A_42[%mul3A_23, %dma_wait3A_43] : memref<160x128xi32, #tpu.memory_space<hbm>> -> memref<32x128xi32, #tpu.memory_space<hbm>>
        %dma_wait3A_45 = arith.constant 0 : i32
        %dma_wait3A_46 = arith.constant 0 : i32
        %dma_wait3A_47 = tpu.memref_slice %arg4[%arg1, %dma_wait3A_45, %dma_wait3A_46] : memref<16x160x128xi32, #tpu.memory_space<hbm>> -> memref<1x160x128xi32, #tpu.memory_space<hbm>>
        %dma_wait3A_48 = tpu.memref_squeeze %dma_wait3A_47 : memref<1x160x128xi32, #tpu.memory_space<hbm>> -> memref<160x128xi32, #tpu.memory_space<hbm>>
        %dma_wait3A_49 = arith.constant 0 : i32
        %dma_wait3A_50 = tpu.memref_slice %dma_wait3A_48[%mul3A_23, %dma_wait3A_49] : memref<160x128xi32, #tpu.memory_space<hbm>> -> memref<32x128xi32, #tpu.memory_space<hbm>>
        tpu.wait_dma2 semaphore(%run_scoped3A : memref<!tpu.dma_semaphore, #tpu.memory_space<semaphore_mem>>) src(%dma_wait3A_50 : memref<32x128xi32, #tpu.memory_space<hbm>>) dst(%arg7 : memref<32x128xi32, #tpu.memory_space<vmem>>)
        tpu.yield
      }) : () -> ()
      %scan3A_24 = arith.constant 0 : i32
      %scan3A_25 = arith.constant 16 : i32
      %scan3A_26 = arith.addi %scan3A_24, %scan3A_25 : i32
      %scan3A_27 = arith.constant 1 : i32
      scf.for %scan3A_29 = %scan3A_24 to %scan3A_26 step %scan3A_27  : i32 {
        %mul3A_30 = arith.constant 2 : i32
        %mul3A_31 = arith.muli %scan3A_29, %mul3A_30 : i32
        %add3A_32 = arith.constant 0 : i32
        %add3A_33 = arith.addi %add3A_32, %mul3A_31 : i32
        %dma_start3A = arith.constant 0 : i32
        %dma_start3A_34 = arith.constant 0 : i32
        %dma_start3A_35 = tpu.memref_slice %arg8[%dma_start3A, %dma_start3A_34] : memref<256x64xf32, #tpu.memory_space<vmem>> -> memref<128x64xf32, #tpu.memory_space<vmem>>
        %dma_start3A_36 = arith.constant 0 : i32
        %dma_start3A_37 = tpu.memref_slice %arg6[%add3A_33, %dma_start3A_36] : memref<32x128xi32, #tpu.memory_space<vmem>> -> memref<1x128xi32, #tpu.memory_space<vmem>>
        %dma_start3A_38 = tpu.memref_squeeze %dma_start3A_37 : memref<1x128xi32, #tpu.memory_space<vmem>> -> memref<128xi32, #tpu.memory_space<vmem>>
        %dma_start3A_39 = arith.constant 0 : i32
        %dma_start3A_40 = arith.constant 0 : i32
        %dma_start3A_41 = tpu.memref_slice %arg2[%dma_start3A_39, %dma_start3A_40] : memref<20224x64xf32, #tpu.memory_space<hbm>> -> memref<20224x64xf32, #tpu.memory_space<hbm>>
        tpu.enqueue_indirect_dma source(%dma_start3A_41 : memref<20224x64xf32, #tpu.memory_space<hbm>>) target(%dma_start3A_35 : memref<128x64xf32, #tpu.memory_space<vmem>>) offsets(%dma_start3A_38 : memref<128xi32, #tpu.memory_space<vmem>>) semaphore(%arg10 : memref<!tpu.dma_semaphore, #tpu.memory_space<semaphore_mem>>)
        %add3A_42 = arith.constant 1 : i32
        %add3A_43 = arith.addi %add3A_33, %add3A_42 : i32
        %dma_start3A_44 = arith.constant 128 : i32
        %dma_start3A_45 = arith.constant 0 : i32
        %dma_start3A_46 = tpu.memref_slice %arg8[%dma_start3A_44, %dma_start3A_45] : memref<256x64xf32, #tpu.memory_space<vmem>> -> memref<128x64xf32, #tpu.memory_space<vmem>>
        %dma_start3A_47 = arith.constant 0 : i32
        %dma_start3A_48 = tpu.memref_slice %arg6[%add3A_43, %dma_start3A_47] : memref<32x128xi32, #tpu.memory_space<vmem>> -> memref<1x128xi32, #tpu.memory_space<vmem>>
        %dma_start3A_49 = tpu.memref_squeeze %dma_start3A_48 : memref<1x128xi32, #tpu.memory_space<vmem>> -> memref<128xi32, #tpu.memory_space<vmem>>
        %dma_start3A_50 = arith.constant 0 : i32
        %dma_start3A_51 = arith.constant 0 : i32
        %dma_start3A_52 = tpu.memref_slice %arg2[%dma_start3A_50, %dma_start3A_51] : memref<20224x64xf32, #tpu.memory_space<hbm>> -> memref<20224x64xf32, #tpu.memory_space<hbm>>
        tpu.enqueue_indirect_dma source(%dma_start3A_52 : memref<20224x64xf32, #tpu.memory_space<hbm>>) target(%dma_start3A_46 : memref<128x64xf32, #tpu.memory_space<vmem>>) offsets(%dma_start3A_49 : memref<128xi32, #tpu.memory_space<vmem>>) semaphore(%arg11 : memref<!tpu.dma_semaphore, #tpu.memory_space<semaphore_mem>>)
        %dma_wait3A = arith.constant 0 : i32
        %dma_wait3A_53 = arith.constant 0 : i32
        %dma_wait3A_54 = tpu.memref_slice %arg8[%dma_wait3A, %dma_wait3A_53] : memref<256x64xf32, #tpu.memory_space<vmem>> -> memref<128x64xf32, #tpu.memory_space<vmem>>
        %dma_wait3A_55 = arith.constant 0 : i32
        %dma_wait3A_56 = tpu.memref_slice %arg6[%add3A_33, %dma_wait3A_55] : memref<32x128xi32, #tpu.memory_space<vmem>> -> memref<1x128xi32, #tpu.memory_space<vmem>>
        %dma_wait3A_57 = tpu.memref_squeeze %dma_wait3A_56 : memref<1x128xi32, #tpu.memory_space<vmem>> -> memref<128xi32, #tpu.memory_space<vmem>>
        %dma_wait3A_58 = arith.constant 0 : i32
        %dma_wait3A_59 = arith.constant 0 : i32
        %dma_wait3A_60 = tpu.memref_slice %arg2[%dma_wait3A_58, %dma_wait3A_59] : memref<20224x64xf32, #tpu.memory_space<hbm>> -> memref<20224x64xf32, #tpu.memory_space<hbm>>
        tpu.wait_indirect_dma semaphore(%arg10 : memref<!tpu.dma_semaphore, #tpu.memory_space<semaphore_mem>>) src(%dma_wait3A_60 : memref<20224x64xf32, #tpu.memory_space<hbm>>) dst(%dma_wait3A_54 : memref<128x64xf32, #tpu.memory_space<vmem>>)
        "tpu.region"() ({
          %run_scoped3A = tpu.sem_alloc : memref<!tpu.dma_semaphore, #tpu.memory_space<semaphore_mem>>
          %dma_start3A_72 = arith.constant 0 : i32
          %dma_start3A_73 = arith.constant 0 : i32
          %dma_start3A_74 = tpu.memref_slice %arg8[%dma_start3A_72, %dma_start3A_73] : memref<256x64xf32, #tpu.memory_space<vmem>> -> memref<128x64xf32, #tpu.memory_space<vmem>>
          %dma_start3A_75 = arith.constant 0 : i32
          %dma_start3A_76 = tpu.memref_slice %arg7[%add3A_33, %dma_start3A_75] : memref<32x128xi32, #tpu.memory_space<vmem>> -> memref<1x128xi32, #tpu.memory_space<vmem>>
          %dma_start3A_77 = tpu.memref_squeeze %dma_start3A_76 : memref<1x128xi32, #tpu.memory_space<vmem>> -> memref<128xi32, #tpu.memory_space<vmem>>
          %dma_start3A_78 = arith.constant 0 : i32
          %dma_start3A_79 = arith.constant 0 : i32
          %dma_start3A_80 = tpu.memref_slice %arg9[%dma_start3A_78, %dma_start3A_79] : memref<10112x64xf32, #tpu.memory_space<vmem_shared>> -> memref<10112x64xf32, #tpu.memory_space<vmem_shared>>
          tpu.enqueue_indirect_dma source(%dma_start3A_74 : memref<128x64xf32, #tpu.memory_space<vmem>>) target(%dma_start3A_80 : memref<10112x64xf32, #tpu.memory_space<vmem_shared>>) offsets(%dma_start3A_77 : memref<128xi32, #tpu.memory_space<vmem>>) semaphore(%run_scoped3A : memref<!tpu.dma_semaphore, #tpu.memory_space<semaphore_mem>>) {add = true}
          %dma_wait3A_81 = arith.constant 0 : i32
          %dma_wait3A_82 = arith.constant 0 : i32
          %dma_wait3A_83 = tpu.memref_slice %arg8[%dma_wait3A_81, %dma_wait3A_82] : memref<256x64xf32, #tpu.memory_space<vmem>> -> memref<128x64xf32, #tpu.memory_space<vmem>>
          %dma_wait3A_84 = arith.constant 0 : i32
          %dma_wait3A_85 = tpu.memref_slice %arg7[%add3A_33, %dma_wait3A_84] : memref<32x128xi32, #tpu.memory_space<vmem>> -> memref<1x128xi32, #tpu.memory_space<vmem>>
          %dma_wait3A_86 = tpu.memref_squeeze %dma_wait3A_85 : memref<1x128xi32, #tpu.memory_space<vmem>> -> memref<128xi32, #tpu.memory_space<vmem>>
          %dma_wait3A_87 = arith.constant 0 : i32
          %dma_wait3A_88 = arith.constant 0 : i32
          %dma_wait3A_89 = tpu.memref_slice %arg9[%dma_wait3A_87, %dma_wait3A_88] : memref<10112x64xf32, #tpu.memory_space<vmem_shared>> -> memref<10112x64xf32, #tpu.memory_space<vmem_shared>>
          tpu.wait_indirect_dma semaphore(%run_scoped3A : memref<!tpu.dma_semaphore, #tpu.memory_space<semaphore_mem>>) src(%dma_wait3A_83 : memref<128x64xf32, #tpu.memory_space<vmem>>) dst(%dma_wait3A_89 : memref<10112x64xf32, #tpu.memory_space<vmem_shared>>)
          tpu.yield
        }) : () -> ()
        %dma_wait3A_61 = arith.constant 128 : i32
        %dma_wait3A_62 = arith.constant 0 : i32
        %dma_wait3A_63 = tpu.memref_slice %arg8[%dma_wait3A_61, %dma_wait3A_62] : memref<256x64xf32, #tpu.memory_space<vmem>> -> memref<128x64xf32, #tpu.memory_space<vmem>>
        %dma_wait3A_64 = arith.constant 0 : i32
        %dma_wait3A_65 = tpu.memref_slice %arg6[%add3A_43, %dma_wait3A_64] : memref<32x128xi32, #tpu.memory_space<vmem>> -> memref<1x128xi32, #tpu.memory_space<vmem>>
        %dma_wait3A_66 = tpu.memref_squeeze %dma_wait3A_65 : memref<1x128xi32, #tpu.memory_space<vmem>> -> memref<128xi32, #tpu.memory_space<vmem>>
        %dma_wait3A_67 = arith.constant 0 : i32
        %dma_wait3A_68 = arith.constant 0 : i32
        %dma_wait3A_69 = tpu.memref_slice %arg2[%dma_wait3A_67, %dma_wait3A_68] : memref<20224x64xf32, #tpu.memory_space<hbm>> -> memref<20224x64xf32, #tpu.memory_space<hbm>>
        tpu.wait_indirect_dma semaphore(%arg11 : memref<!tpu.dma_semaphore, #tpu.memory_space<semaphore_mem>>) src(%dma_wait3A_69 : memref<20224x64xf32, #tpu.memory_space<hbm>>) dst(%dma_wait3A_63 : memref<128x64xf32, #tpu.memory_space<vmem>>)
        %add3A_70 = arith.constant 1 : i32
        %add3A_71 = arith.addi %add3A_33, %add3A_70 : i32
        "tpu.region"() ({
          %run_scoped3A = tpu.sem_alloc : memref<!tpu.dma_semaphore, #tpu.memory_space<semaphore_mem>>
          %dma_start3A_72 = arith.constant 128 : i32
          %dma_start3A_73 = arith.constant 0 : i32
          %dma_start3A_74 = tpu.memref_slice %arg8[%dma_start3A_72, %dma_start3A_73] : memref<256x64xf32, #tpu.memory_space<vmem>> -> memref<128x64xf32, #tpu.memory_space<vmem>>
          %dma_start3A_75 = arith.constant 0 : i32
          %dma_start3A_76 = tpu.memref_slice %arg7[%add3A_71, %dma_start3A_75] : memref<32x128xi32, #tpu.memory_space<vmem>> -> memref<1x128xi32, #tpu.memory_space<vmem>>
          %dma_start3A_77 = tpu.memref_squeeze %dma_start3A_76 : memref<1x128xi32, #tpu.memory_space<vmem>> -> memref<128xi32, #tpu.memory_space<vmem>>
          %dma_start3A_78 = arith.constant 0 : i32
          %dma_start3A_79 = arith.constant 0 : i32
          %dma_start3A_80 = tpu.memref_slice %arg9[%dma_start3A_78, %dma_start3A_79] : memref<10112x64xf32, #tpu.memory_space<vmem_shared>> -> memref<10112x64xf32, #tpu.memory_space<vmem_shared>>
          tpu.enqueue_indirect_dma source(%dma_start3A_74 : memref<128x64xf32, #tpu.memory_space<vmem>>) target(%dma_start3A_80 : memref<10112x64xf32, #tpu.memory_space<vmem_shared>>) offsets(%dma_start3A_77 : memref<128xi32, #tpu.memory_space<vmem>>) semaphore(%run_scoped3A : memref<!tpu.dma_semaphore, #tpu.memory_space<semaphore_mem>>) {add = true}
          %dma_wait3A_81 = arith.constant 128 : i32
          %dma_wait3A_82 = arith.constant 0 : i32
          %dma_wait3A_83 = tpu.memref_slice %arg8[%dma_wait3A_81, %dma_wait3A_82] : memref<256x64xf32, #tpu.memory_space<vmem>> -> memref<128x64xf32, #tpu.memory_space<vmem>>
          %dma_wait3A_84 = arith.constant 0 : i32
          %dma_wait3A_85 = tpu.memref_slice %arg7[%add3A_71, %dma_wait3A_84] : memref<32x128xi32, #tpu.memory_space<vmem>> -> memref<1x128xi32, #tpu.memory_space<vmem>>
          %dma_wait3A_86 = tpu.memref_squeeze %dma_wait3A_85 : memref<1x128xi32, #tpu.memory_space<vmem>> -> memref<128xi32, #tpu.memory_space<vmem>>
          %dma_wait3A_87 = arith.constant 0 : i32
          %dma_wait3A_88 = arith.constant 0 : i32
          %dma_wait3A_89 = tpu.memref_slice %arg9[%dma_wait3A_87, %dma_wait3A_88] : memref<10112x64xf32, #tpu.memory_space<vmem_shared>> -> memref<10112x64xf32, #tpu.memory_space<vmem_shared>>
          tpu.wait_indirect_dma semaphore(%run_scoped3A : memref<!tpu.dma_semaphore, #tpu.memory_space<semaphore_mem>>) src(%dma_wait3A_83 : memref<128x64xf32, #tpu.memory_space<vmem>>) dst(%dma_wait3A_89 : memref<10112x64xf32, #tpu.memory_space<vmem_shared>>)
          tpu.yield
        }) : () -> ()
      }
      %scan3A_28 = arith.constant 16 : i32
    }
    %scan3A_8 = arith.constant 5 : i32
    %barrier3A_9 = arith.constant 0 : index
    tpu.barrier barrier_id(%barrier3A_9)
    %mul3A_10 = arith.constant 632 : i32
    %mul3A_11 = arith.muli %arg1, %mul3A_10 : i32
    %mul3A_12 = arith.constant 10112 : i32
    %mul3A_13 = arith.muli %arg0, %mul3A_12 : i32
    %mul3A_14 = arith.constant 632 : i32
    %mul3A_15 = arith.muli %arg1, %mul3A_14 : i32
    %add3A_16 = arith.addi %mul3A_13, %mul3A_15 : i32
    "tpu.region"() ({
      %run_scoped3A = tpu.sem_alloc : memref<!tpu.dma_semaphore, #tpu.memory_space<semaphore_mem>>
      %dma_start3A = arith.constant 0 : i32
      %dma_start3A_17 = tpu.memref_slice %arg5[%add3A_16, %dma_start3A] : memref<20224x64xf32, #tpu.memory_space<hbm>> -> memref<632x64xf32, #tpu.memory_space<hbm>>
      %dma_start3A_18 = arith.constant 0 : i32
      %dma_start3A_19 = tpu.memref_slice %arg9[%mul3A_11, %dma_start3A_18] : memref<10112x64xf32, #tpu.memory_space<vmem_shared>> -> memref<632x64xf32, #tpu.memory_space<vmem_shared>>
      tpu.enqueue_dma source(%dma_start3A_19 : memref<632x64xf32, #tpu.memory_space<vmem_shared>>) target(%dma_start3A_17 : memref<632x64xf32, #tpu.memory_space<hbm>>) target_semaphore(%run_scoped3A : memref<!tpu.dma_semaphore, #tpu.memory_space<semaphore_mem>>)
      %dma_wait3A = arith.constant 0 : i32
      %dma_wait3A_20 = tpu.memref_slice %arg5[%add3A_16, %dma_wait3A] : memref<20224x64xf32, #tpu.memory_space<hbm>> -> memref<632x64xf32, #tpu.memory_space<hbm>>
      %dma_wait3A_21 = arith.constant 0 : i32
      %dma_wait3A_22 = tpu.memref_slice %arg9[%mul3A_11, %dma_wait3A_21] : memref<10112x64xf32, #tpu.memory_space<vmem_shared>> -> memref<632x64xf32, #tpu.memory_space<vmem_shared>>
      tpu.wait_dma2 semaphore(%run_scoped3A : memref<!tpu.dma_semaphore, #tpu.memory_space<semaphore_mem>>) src(%dma_wait3A_22 : memref<632x64xf32, #tpu.memory_space<vmem_shared>>) dst(%dma_wait3A_20 : memref<632x64xf32, #tpu.memory_space<hbm>>)
      tpu.yield
    }) : () -> ()
    return
  }
}

#map = affine_map<(d0, d1) -> (0, 0)>
#map1 = affine_map<(d0, d1) -> (0, 0, 0, 0)>
#map2 = affine_map<(d0, d1) -> (0, 0, 0)>
module attributes {stable_mosaic.version = 14 : i64} {
  func.func @prop(%arg0: i32, %arg1: i32, %arg2: memref<20224x32xf32, #tpu.memory_space<hbm>>, %arg3: memref<2x16x160x128xi32, #tpu.memory_space<hbm>>, %arg4: memref<16x160x128xi32, #tpu.memory_space<hbm>>, %arg5: memref<20224x32xf32, #tpu.memory_space<hbm>>, %arg6: memref<32x128xi32, #tpu.memory_space<vmem>>, %arg7: memref<32x128xi32, #tpu.memory_space<vmem>>, %arg8: memref<256x32xf32, #tpu.memory_space<vmem>>, %arg9: memref<10112x32xf32, #tpu.memory_space<vmem_shared>>, %arg10: memref<!tpu.dma_semaphore, #tpu.memory_space<semaphore_mem>>, %arg11: memref<!tpu.dma_semaphore, #tpu.memory_space<semaphore_mem>>) attributes {dimension_semantics = [#tpu.dimension_semantics<core_parallel>, #tpu.dimension_semantics<subcore_parallel>], iteration_bounds = array<i64: 2, 16>, scalar_prefetch = 0 : i64, scratch_operands = 6 : i64, tpu.core_type = #tpu.core_type<sc_vector_subcore>, window_params = [{transform_indices = #map}, {transform_indices = #map1}, {transform_indices = #map2}, {transform_indices = #map}]} {
    %mul3A = arith.constant 10112 : i32
    %mul3A_0 = arith.muli %arg0, %mul3A : i32
    %mul3A_1 = arith.constant 632 : i32
    %mul3A_2 = arith.muli %arg1, %mul3A_1 : i32
    %add3A = arith.addi %mul3A_0, %mul3A_2 : i32
    %mul3A_3 = arith.constant 632 : i32
    %mul3A_4 = arith.muli %arg1, %mul3A_3 : i32
    "tpu.region"() ({
      %run_scoped3A = tpu.sem_alloc : memref<!tpu.dma_semaphore, #tpu.memory_space<semaphore_mem>>
      %dma_start3A = arith.constant 0 : i32
      %dma_start3A_17 = tpu.memref_slice %arg9[%mul3A_4, %dma_start3A] : memref<10112x32xf32, #tpu.memory_space<vmem_shared>> -> memref<632x32xf32, #tpu.memory_space<vmem_shared>>
      %dma_start3A_18 = arith.constant 0 : i32
      %dma_start3A_19 = tpu.memref_slice %arg2[%add3A, %dma_start3A_18] : memref<20224x32xf32, #tpu.memory_space<hbm>> -> memref<632x32xf32, #tpu.memory_space<hbm>>
      tpu.enqueue_dma source(%dma_start3A_19 : memref<632x32xf32, #tpu.memory_space<hbm>>) target(%dma_start3A_17 : memref<632x32xf32, #tpu.memory_space<vmem_shared>>) target_semaphore(%run_scoped3A : memref<!tpu.dma_semaphore, #tpu.memory_space<semaphore_mem>>)
      %dma_wait3A = arith.constant 0 : i32
      %dma_wait3A_20 = tpu.memref_slice %arg9[%mul3A_4, %dma_wait3A] : memref<10112x32xf32, #tpu.memory_space<vmem_shared>> -> memref<632x32xf32, #tpu.memory_space<vmem_shared>>
      %dma_wait3A_21 = arith.constant 0 : i32
      %dma_wait3A_22 = tpu.memref_slice %arg2[%add3A, %dma_wait3A_21] : memref<20224x32xf32, #tpu.memory_space<hbm>> -> memref<632x32xf32, #tpu.memory_space<hbm>>
      tpu.wait_dma2 semaphore(%run_scoped3A : memref<!tpu.dma_semaphore, #tpu.memory_space<semaphore_mem>>) src(%dma_wait3A_22 : memref<632x32xf32, #tpu.memory_space<hbm>>) dst(%dma_wait3A_20 : memref<632x32xf32, #tpu.memory_space<vmem_shared>>)
      tpu.yield
    }) : () -> ()
    %barrier3A = arith.constant 0 : index
    tpu.barrier barrier_id(%barrier3A)
    %scan3A = arith.constant 0 : i32
    %scan3A_5 = arith.constant 5 : i32
    %scan3A_6 = arith.addi %scan3A, %scan3A_5 : i32
    %scan3A_7 = arith.constant 1 : i32
    scf.for %scan3A_17 = %scan3A to %scan3A_6 step %scan3A_7  : i32 {
      %mul3A_18 = arith.constant 1 : i32
      %mul3A_19 = arith.muli %scan3A_17, %mul3A_18 : i32
      %add3A_20 = arith.constant 0 : i32
      %add3A_21 = arith.addi %add3A_20, %mul3A_19 : i32
      %mul3A_22 = arith.constant 32 : i32
      %mul3A_23 = arith.muli %add3A_21, %mul3A_22 : i32
      "tpu.region"() ({
        %run_scoped3A = tpu.sem_alloc : memref<!tpu.dma_semaphore, #tpu.memory_space<semaphore_mem>>
        %dma_start3A = arith.constant 0 : i32
        %dma_start3A_29 = arith.constant 0 : i32
        %dma_start3A_30 = arith.constant 0 : i32
        %dma_start3A_31 = tpu.memref_slice %arg3[%arg0, %dma_start3A, %dma_start3A_29, %dma_start3A_30] : memref<2x16x160x128xi32, #tpu.memory_space<hbm>> -> memref<1x16x160x128xi32, #tpu.memory_space<hbm>>
        %dma_start3A_32 = tpu.memref_squeeze %dma_start3A_31 : memref<1x16x160x128xi32, #tpu.memory_space<hbm>> -> memref<16x160x128xi32, #tpu.memory_space<hbm>>
        %dma_start3A_33 = arith.constant 0 : i32
        %dma_start3A_34 = arith.constant 0 : i32
        %dma_start3A_35 = tpu.memref_slice %dma_start3A_32[%arg1, %dma_start3A_33, %dma_start3A_34] : memref<16x160x128xi32, #tpu.memory_space<hbm>> -> memref<1x160x128xi32, #tpu.memory_space<hbm>>
        %dma_start3A_36 = tpu.memref_squeeze %dma_start3A_35 : memref<1x160x128xi32, #tpu.memory_space<hbm>> -> memref<160x128xi32, #tpu.memory_space<hbm>>
        %dma_start3A_37 = arith.constant 0 : i32
        %dma_start3A_38 = tpu.memref_slice %dma_start3A_36[%mul3A_23, %dma_start3A_37] : memref<160x128xi32, #tpu.memory_space<hbm>> -> memref<32x128xi32, #tpu.memory_space<hbm>>
        %dma_start3A_39 = arith.constant 0 : i32
        %dma_start3A_40 = arith.constant 0 : i32
        %dma_start3A_41 = arith.constant 0 : i32
        %dma_start3A_42 = tpu.memref_slice %arg3[%arg0, %dma_start3A_39, %dma_start3A_40, %dma_start3A_41] : memref<2x16x160x128xi32, #tpu.memory_space<hbm>> -> memref<1x16x160x128xi32, #tpu.memory_space<hbm>>
        %dma_start3A_43 = tpu.memref_squeeze %dma_start3A_42 : memref<1x16x160x128xi32, #tpu.memory_space<hbm>> -> memref<16x160x128xi32, #tpu.memory_space<hbm>>
        %dma_start3A_44 = arith.constant 0 : i32
        %dma_start3A_45 = arith.constant 0 : i32
        %dma_start3A_46 = tpu.memref_slice %dma_start3A_43[%arg1, %dma_start3A_44, %dma_start3A_45] : memref<16x160x128xi32, #tpu.memory_space<hbm>> -> memref<1x160x128xi32, #tpu.memory_space<hbm>>
        %dma_start3A_47 = tpu.memref_squeeze %dma_start3A_46 : memref<1x160x128xi32, #tpu.memory_space<hbm>> -> memref<160x128xi32, #tpu.memory_space<hbm>>
        %dma_start3A_48 = arith.constant 0 : i32
        %dma_start3A_49 = tpu.memref_slice %dma_start3A_47[%mul3A_23, %dma_start3A_48] : memref<160x128xi32, #tpu.memory_space<hbm>> -> memref<32x128xi32, #tpu.memory_space<hbm>>
        tpu.enqueue_dma source(%dma_start3A_49 : memref<32x128xi32, #tpu.memory_space<hbm>>) target(%arg6 : memref<32x128xi32, #tpu.memory_space<vmem>>) target_semaphore(%run_scoped3A : memref<!tpu.dma_semaphore, #tpu.memory_space<semaphore_mem>>)
        %dma_wait3A = arith.constant 0 : i32
        %dma_wait3A_50 = arith.constant 0 : i32
        %dma_wait3A_51 = arith.constant 0 : i32
        %dma_wait3A_52 = tpu.memref_slice %arg3[%arg0, %dma_wait3A, %dma_wait3A_50, %dma_wait3A_51] : memref<2x16x160x128xi32, #tpu.memory_space<hbm>> -> memref<1x16x160x128xi32, #tpu.memory_space<hbm>>
        %dma_wait3A_53 = tpu.memref_squeeze %dma_wait3A_52 : memref<1x16x160x128xi32, #tpu.memory_space<hbm>> -> memref<16x160x128xi32, #tpu.memory_space<hbm>>
        %dma_wait3A_54 = arith.constant 0 : i32
        %dma_wait3A_55 = arith.constant 0 : i32
        %dma_wait3A_56 = tpu.memref_slice %dma_wait3A_53[%arg1, %dma_wait3A_54, %dma_wait3A_55] : memref<16x160x128xi32, #tpu.memory_space<hbm>> -> memref<1x160x128xi32, #tpu.memory_space<hbm>>
        %dma_wait3A_57 = tpu.memref_squeeze %dma_wait3A_56 : memref<1x160x128xi32, #tpu.memory_space<hbm>> -> memref<160x128xi32, #tpu.memory_space<hbm>>
        %dma_wait3A_58 = arith.constant 0 : i32
        %dma_wait3A_59 = tpu.memref_slice %dma_wait3A_57[%mul3A_23, %dma_wait3A_58] : memref<160x128xi32, #tpu.memory_space<hbm>> -> memref<32x128xi32, #tpu.memory_space<hbm>>
        %dma_wait3A_60 = arith.constant 0 : i32
        %dma_wait3A_61 = arith.constant 0 : i32
        %dma_wait3A_62 = arith.constant 0 : i32
        %dma_wait3A_63 = tpu.memref_slice %arg3[%arg0, %dma_wait3A_60, %dma_wait3A_61, %dma_wait3A_62] : memref<2x16x160x128xi32, #tpu.memory_space<hbm>> -> memref<1x16x160x128xi32, #tpu.memory_space<hbm>>
        %dma_wait3A_64 = tpu.memref_squeeze %dma_wait3A_63 : memref<1x16x160x128xi32, #tpu.memory_space<hbm>> -> memref<16x160x128xi32, #tpu.memory_space<hbm>>
        %dma_wait3A_65 = arith.constant 0 : i32
        %dma_wait3A_66 = arith.constant 0 : i32
        %dma_wait3A_67 = tpu.memref_slice %dma_wait3A_64[%arg1, %dma_wait3A_65, %dma_wait3A_66] : memref<16x160x128xi32, #tpu.memory_space<hbm>> -> memref<1x160x128xi32, #tpu.memory_space<hbm>>
        %dma_wait3A_68 = tpu.memref_squeeze %dma_wait3A_67 : memref<1x160x128xi32, #tpu.memory_space<hbm>> -> memref<160x128xi32, #tpu.memory_space<hbm>>
        %dma_wait3A_69 = arith.constant 0 : i32
        %dma_wait3A_70 = tpu.memref_slice %dma_wait3A_68[%mul3A_23, %dma_wait3A_69] : memref<160x128xi32, #tpu.memory_space<hbm>> -> memref<32x128xi32, #tpu.memory_space<hbm>>
        tpu.wait_dma2 semaphore(%run_scoped3A : memref<!tpu.dma_semaphore, #tpu.memory_space<semaphore_mem>>) src(%dma_wait3A_70 : memref<32x128xi32, #tpu.memory_space<hbm>>) dst(%arg6 : memref<32x128xi32, #tpu.memory_space<vmem>>)
        tpu.yield
      }) : () -> ()
      "tpu.region"() ({
        %run_scoped3A = tpu.sem_alloc : memref<!tpu.dma_semaphore, #tpu.memory_space<semaphore_mem>>
        %dma_start3A = arith.constant 0 : i32
        %dma_start3A_29 = arith.constant 0 : i32
        %dma_start3A_30 = tpu.memref_slice %arg4[%arg1, %dma_start3A, %dma_start3A_29] : memref<16x160x128xi32, #tpu.memory_space<hbm>> -> memref<1x160x128xi32, #tpu.memory_space<hbm>>
        %dma_start3A_31 = tpu.memref_squeeze %dma_start3A_30 : memref<1x160x128xi32, #tpu.memory_space<hbm>> -> memref<160x128xi32, #tpu.memory_space<hbm>>
        %dma_start3A_32 = arith.constant 0 : i32
        %dma_start3A_33 = tpu.memref_slice %dma_start3A_31[%mul3A_23, %dma_start3A_32] : memref<160x128xi32, #tpu.memory_space<hbm>> -> memref<32x128xi32, #tpu.memory_space<hbm>>
        %dma_start3A_34 = arith.constant 0 : i32
        %dma_start3A_35 = arith.constant 0 : i32
        %dma_start3A_36 = tpu.memref_slice %arg4[%arg1, %dma_start3A_34, %dma_start3A_35] : memref<16x160x128xi32, #tpu.memory_space<hbm>> -> memref<1x160x128xi32, #tpu.memory_space<hbm>>
        %dma_start3A_37 = tpu.memref_squeeze %dma_start3A_36 : memref<1x160x128xi32, #tpu.memory_space<hbm>> -> memref<160x128xi32, #tpu.memory_space<hbm>>
        %dma_start3A_38 = arith.constant 0 : i32
        %dma_start3A_39 = tpu.memref_slice %dma_start3A_37[%mul3A_23, %dma_start3A_38] : memref<160x128xi32, #tpu.memory_space<hbm>> -> memref<32x128xi32, #tpu.memory_space<hbm>>
        tpu.enqueue_dma source(%dma_start3A_39 : memref<32x128xi32, #tpu.memory_space<hbm>>) target(%arg7 : memref<32x128xi32, #tpu.memory_space<vmem>>) target_semaphore(%run_scoped3A : memref<!tpu.dma_semaphore, #tpu.memory_space<semaphore_mem>>)
        %dma_wait3A = arith.constant 0 : i32
        %dma_wait3A_40 = arith.constant 0 : i32
        %dma_wait3A_41 = tpu.memref_slice %arg4[%arg1, %dma_wait3A, %dma_wait3A_40] : memref<16x160x128xi32, #tpu.memory_space<hbm>> -> memref<1x160x128xi32, #tpu.memory_space<hbm>>
        %dma_wait3A_42 = tpu.memref_squeeze %dma_wait3A_41 : memref<1x160x128xi32, #tpu.memory_space<hbm>> -> memref<160x128xi32, #tpu.memory_space<hbm>>
        %dma_wait3A_43 = arith.constant 0 : i32
        %dma_wait3A_44 = tpu.memref_slice %dma_wait3A_42[%mul3A_23, %dma_wait3A_43] : memref<160x128xi32, #tpu.memory_space<hbm>> -> memref<32x128xi32, #tpu.memory_space<hbm>>
        %dma_wait3A_45 = arith.constant 0 : i32
        %dma_wait3A_46 = arith.constant 0 : i32
        %dma_wait3A_47 = tpu.memref_slice %arg4[%arg1, %dma_wait3A_45, %dma_wait3A_46] : memref<16x160x128xi32, #tpu.memory_space<hbm>> -> memref<1x160x128xi32, #tpu.memory_space<hbm>>
        %dma_wait3A_48 = tpu.memref_squeeze %dma_wait3A_47 : memref<1x160x128xi32, #tpu.memory_space<hbm>> -> memref<160x128xi32, #tpu.memory_space<hbm>>
        %dma_wait3A_49 = arith.constant 0 : i32
        %dma_wait3A_50 = tpu.memref_slice %dma_wait3A_48[%mul3A_23, %dma_wait3A_49] : memref<160x128xi32, #tpu.memory_space<hbm>> -> memref<32x128xi32, #tpu.memory_space<hbm>>
        tpu.wait_dma2 semaphore(%run_scoped3A : memref<!tpu.dma_semaphore, #tpu.memory_space<semaphore_mem>>) src(%dma_wait3A_50 : memref<32x128xi32, #tpu.memory_space<hbm>>) dst(%arg7 : memref<32x128xi32, #tpu.memory_space<vmem>>)
        tpu.yield
      }) : () -> ()
      %scan3A_24 = arith.constant 0 : i32
      %scan3A_25 = arith.constant 16 : i32
      %scan3A_26 = arith.addi %scan3A_24, %scan3A_25 : i32
      %scan3A_27 = arith.constant 1 : i32
      scf.for %scan3A_29 = %scan3A_24 to %scan3A_26 step %scan3A_27  : i32 {
        %mul3A_30 = arith.constant 2 : i32
        %mul3A_31 = arith.muli %scan3A_29, %mul3A_30 : i32
        %add3A_32 = arith.constant 0 : i32
        %add3A_33 = arith.addi %add3A_32, %mul3A_31 : i32
        %dma_start3A = arith.constant 0 : i32
        %dma_start3A_34 = arith.constant 0 : i32
        %dma_start3A_35 = tpu.memref_slice %arg8[%dma_start3A, %dma_start3A_34] : memref<256x32xf32, #tpu.memory_space<vmem>> -> memref<128x32xf32, #tpu.memory_space<vmem>>
        %dma_start3A_36 = arith.constant 0 : i32
        %dma_start3A_37 = tpu.memref_slice %arg6[%add3A_33, %dma_start3A_36] : memref<32x128xi32, #tpu.memory_space<vmem>> -> memref<1x128xi32, #tpu.memory_space<vmem>>
        %dma_start3A_38 = tpu.memref_squeeze %dma_start3A_37 : memref<1x128xi32, #tpu.memory_space<vmem>> -> memref<128xi32, #tpu.memory_space<vmem>>
        %dma_start3A_39 = arith.constant 0 : i32
        %dma_start3A_40 = arith.constant 0 : i32
        %dma_start3A_41 = tpu.memref_slice %arg2[%dma_start3A_39, %dma_start3A_40] : memref<20224x32xf32, #tpu.memory_space<hbm>> -> memref<20224x32xf32, #tpu.memory_space<hbm>>
        tpu.enqueue_indirect_dma source(%dma_start3A_41 : memref<20224x32xf32, #tpu.memory_space<hbm>>) target(%dma_start3A_35 : memref<128x32xf32, #tpu.memory_space<vmem>>) offsets(%dma_start3A_38 : memref<128xi32, #tpu.memory_space<vmem>>) semaphore(%arg10 : memref<!tpu.dma_semaphore, #tpu.memory_space<semaphore_mem>>)
        %add3A_42 = arith.constant 1 : i32
        %add3A_43 = arith.addi %add3A_33, %add3A_42 : i32
        %dma_start3A_44 = arith.constant 128 : i32
        %dma_start3A_45 = arith.constant 0 : i32
        %dma_start3A_46 = tpu.memref_slice %arg8[%dma_start3A_44, %dma_start3A_45] : memref<256x32xf32, #tpu.memory_space<vmem>> -> memref<128x32xf32, #tpu.memory_space<vmem>>
        %dma_start3A_47 = arith.constant 0 : i32
        %dma_start3A_48 = tpu.memref_slice %arg6[%add3A_43, %dma_start3A_47] : memref<32x128xi32, #tpu.memory_space<vmem>> -> memref<1x128xi32, #tpu.memory_space<vmem>>
        %dma_start3A_49 = tpu.memref_squeeze %dma_start3A_48 : memref<1x128xi32, #tpu.memory_space<vmem>> -> memref<128xi32, #tpu.memory_space<vmem>>
        %dma_start3A_50 = arith.constant 0 : i32
        %dma_start3A_51 = arith.constant 0 : i32
        %dma_start3A_52 = tpu.memref_slice %arg2[%dma_start3A_50, %dma_start3A_51] : memref<20224x32xf32, #tpu.memory_space<hbm>> -> memref<20224x32xf32, #tpu.memory_space<hbm>>
        tpu.enqueue_indirect_dma source(%dma_start3A_52 : memref<20224x32xf32, #tpu.memory_space<hbm>>) target(%dma_start3A_46 : memref<128x32xf32, #tpu.memory_space<vmem>>) offsets(%dma_start3A_49 : memref<128xi32, #tpu.memory_space<vmem>>) semaphore(%arg11 : memref<!tpu.dma_semaphore, #tpu.memory_space<semaphore_mem>>)
        %dma_wait3A = arith.constant 0 : i32
        %dma_wait3A_53 = arith.constant 0 : i32
        %dma_wait3A_54 = tpu.memref_slice %arg8[%dma_wait3A, %dma_wait3A_53] : memref<256x32xf32, #tpu.memory_space<vmem>> -> memref<128x32xf32, #tpu.memory_space<vmem>>
        %dma_wait3A_55 = arith.constant 0 : i32
        %dma_wait3A_56 = tpu.memref_slice %arg6[%add3A_33, %dma_wait3A_55] : memref<32x128xi32, #tpu.memory_space<vmem>> -> memref<1x128xi32, #tpu.memory_space<vmem>>
        %dma_wait3A_57 = tpu.memref_squeeze %dma_wait3A_56 : memref<1x128xi32, #tpu.memory_space<vmem>> -> memref<128xi32, #tpu.memory_space<vmem>>
        %dma_wait3A_58 = arith.constant 0 : i32
        %dma_wait3A_59 = arith.constant 0 : i32
        %dma_wait3A_60 = tpu.memref_slice %arg2[%dma_wait3A_58, %dma_wait3A_59] : memref<20224x32xf32, #tpu.memory_space<hbm>> -> memref<20224x32xf32, #tpu.memory_space<hbm>>
        tpu.wait_indirect_dma semaphore(%arg10 : memref<!tpu.dma_semaphore, #tpu.memory_space<semaphore_mem>>) src(%dma_wait3A_60 : memref<20224x32xf32, #tpu.memory_space<hbm>>) dst(%dma_wait3A_54 : memref<128x32xf32, #tpu.memory_space<vmem>>)
        "tpu.region"() ({
          %run_scoped3A = tpu.sem_alloc : memref<!tpu.dma_semaphore, #tpu.memory_space<semaphore_mem>>
          %dma_start3A_72 = arith.constant 0 : i32
          %dma_start3A_73 = arith.constant 0 : i32
          %dma_start3A_74 = tpu.memref_slice %arg8[%dma_start3A_72, %dma_start3A_73] : memref<256x32xf32, #tpu.memory_space<vmem>> -> memref<128x32xf32, #tpu.memory_space<vmem>>
          %dma_start3A_75 = arith.constant 0 : i32
          %dma_start3A_76 = tpu.memref_slice %arg7[%add3A_33, %dma_start3A_75] : memref<32x128xi32, #tpu.memory_space<vmem>> -> memref<1x128xi32, #tpu.memory_space<vmem>>
          %dma_start3A_77 = tpu.memref_squeeze %dma_start3A_76 : memref<1x128xi32, #tpu.memory_space<vmem>> -> memref<128xi32, #tpu.memory_space<vmem>>
          %dma_start3A_78 = arith.constant 0 : i32
          %dma_start3A_79 = arith.constant 0 : i32
          %dma_start3A_80 = tpu.memref_slice %arg9[%dma_start3A_78, %dma_start3A_79] : memref<10112x32xf32, #tpu.memory_space<vmem_shared>> -> memref<10112x32xf32, #tpu.memory_space<vmem_shared>>
          tpu.enqueue_indirect_dma source(%dma_start3A_74 : memref<128x32xf32, #tpu.memory_space<vmem>>) target(%dma_start3A_80 : memref<10112x32xf32, #tpu.memory_space<vmem_shared>>) offsets(%dma_start3A_77 : memref<128xi32, #tpu.memory_space<vmem>>) semaphore(%run_scoped3A : memref<!tpu.dma_semaphore, #tpu.memory_space<semaphore_mem>>) {add = true}
          %dma_wait3A_81 = arith.constant 0 : i32
          %dma_wait3A_82 = arith.constant 0 : i32
          %dma_wait3A_83 = tpu.memref_slice %arg8[%dma_wait3A_81, %dma_wait3A_82] : memref<256x32xf32, #tpu.memory_space<vmem>> -> memref<128x32xf32, #tpu.memory_space<vmem>>
          %dma_wait3A_84 = arith.constant 0 : i32
          %dma_wait3A_85 = tpu.memref_slice %arg7[%add3A_33, %dma_wait3A_84] : memref<32x128xi32, #tpu.memory_space<vmem>> -> memref<1x128xi32, #tpu.memory_space<vmem>>
          %dma_wait3A_86 = tpu.memref_squeeze %dma_wait3A_85 : memref<1x128xi32, #tpu.memory_space<vmem>> -> memref<128xi32, #tpu.memory_space<vmem>>
          %dma_wait3A_87 = arith.constant 0 : i32
          %dma_wait3A_88 = arith.constant 0 : i32
          %dma_wait3A_89 = tpu.memref_slice %arg9[%dma_wait3A_87, %dma_wait3A_88] : memref<10112x32xf32, #tpu.memory_space<vmem_shared>> -> memref<10112x32xf32, #tpu.memory_space<vmem_shared>>
          tpu.wait_indirect_dma semaphore(%run_scoped3A : memref<!tpu.dma_semaphore, #tpu.memory_space<semaphore_mem>>) src(%dma_wait3A_83 : memref<128x32xf32, #tpu.memory_space<vmem>>) dst(%dma_wait3A_89 : memref<10112x32xf32, #tpu.memory_space<vmem_shared>>)
          tpu.yield
        }) : () -> ()
        %dma_wait3A_61 = arith.constant 128 : i32
        %dma_wait3A_62 = arith.constant 0 : i32
        %dma_wait3A_63 = tpu.memref_slice %arg8[%dma_wait3A_61, %dma_wait3A_62] : memref<256x32xf32, #tpu.memory_space<vmem>> -> memref<128x32xf32, #tpu.memory_space<vmem>>
        %dma_wait3A_64 = arith.constant 0 : i32
        %dma_wait3A_65 = tpu.memref_slice %arg6[%add3A_43, %dma_wait3A_64] : memref<32x128xi32, #tpu.memory_space<vmem>> -> memref<1x128xi32, #tpu.memory_space<vmem>>
        %dma_wait3A_66 = tpu.memref_squeeze %dma_wait3A_65 : memref<1x128xi32, #tpu.memory_space<vmem>> -> memref<128xi32, #tpu.memory_space<vmem>>
        %dma_wait3A_67 = arith.constant 0 : i32
        %dma_wait3A_68 = arith.constant 0 : i32
        %dma_wait3A_69 = tpu.memref_slice %arg2[%dma_wait3A_67, %dma_wait3A_68] : memref<20224x32xf32, #tpu.memory_space<hbm>> -> memref<20224x32xf32, #tpu.memory_space<hbm>>
        tpu.wait_indirect_dma semaphore(%arg11 : memref<!tpu.dma_semaphore, #tpu.memory_space<semaphore_mem>>) src(%dma_wait3A_69 : memref<20224x32xf32, #tpu.memory_space<hbm>>) dst(%dma_wait3A_63 : memref<128x32xf32, #tpu.memory_space<vmem>>)
        %add3A_70 = arith.constant 1 : i32
        %add3A_71 = arith.addi %add3A_33, %add3A_70 : i32
        "tpu.region"() ({
          %run_scoped3A = tpu.sem_alloc : memref<!tpu.dma_semaphore, #tpu.memory_space<semaphore_mem>>
          %dma_start3A_72 = arith.constant 128 : i32
          %dma_start3A_73 = arith.constant 0 : i32
          %dma_start3A_74 = tpu.memref_slice %arg8[%dma_start3A_72, %dma_start3A_73] : memref<256x32xf32, #tpu.memory_space<vmem>> -> memref<128x32xf32, #tpu.memory_space<vmem>>
          %dma_start3A_75 = arith.constant 0 : i32
          %dma_start3A_76 = tpu.memref_slice %arg7[%add3A_71, %dma_start3A_75] : memref<32x128xi32, #tpu.memory_space<vmem>> -> memref<1x128xi32, #tpu.memory_space<vmem>>
          %dma_start3A_77 = tpu.memref_squeeze %dma_start3A_76 : memref<1x128xi32, #tpu.memory_space<vmem>> -> memref<128xi32, #tpu.memory_space<vmem>>
          %dma_start3A_78 = arith.constant 0 : i32
          %dma_start3A_79 = arith.constant 0 : i32
          %dma_start3A_80 = tpu.memref_slice %arg9[%dma_start3A_78, %dma_start3A_79] : memref<10112x32xf32, #tpu.memory_space<vmem_shared>> -> memref<10112x32xf32, #tpu.memory_space<vmem_shared>>
          tpu.enqueue_indirect_dma source(%dma_start3A_74 : memref<128x32xf32, #tpu.memory_space<vmem>>) target(%dma_start3A_80 : memref<10112x32xf32, #tpu.memory_space<vmem_shared>>) offsets(%dma_start3A_77 : memref<128xi32, #tpu.memory_space<vmem>>) semaphore(%run_scoped3A : memref<!tpu.dma_semaphore, #tpu.memory_space<semaphore_mem>>) {add = true}
          %dma_wait3A_81 = arith.constant 128 : i32
          %dma_wait3A_82 = arith.constant 0 : i32
          %dma_wait3A_83 = tpu.memref_slice %arg8[%dma_wait3A_81, %dma_wait3A_82] : memref<256x32xf32, #tpu.memory_space<vmem>> -> memref<128x32xf32, #tpu.memory_space<vmem>>
          %dma_wait3A_84 = arith.constant 0 : i32
          %dma_wait3A_85 = tpu.memref_slice %arg7[%add3A_71, %dma_wait3A_84] : memref<32x128xi32, #tpu.memory_space<vmem>> -> memref<1x128xi32, #tpu.memory_space<vmem>>
          %dma_wait3A_86 = tpu.memref_squeeze %dma_wait3A_85 : memref<1x128xi32, #tpu.memory_space<vmem>> -> memref<128xi32, #tpu.memory_space<vmem>>
          %dma_wait3A_87 = arith.constant 0 : i32
          %dma_wait3A_88 = arith.constant 0 : i32
          %dma_wait3A_89 = tpu.memref_slice %arg9[%dma_wait3A_87, %dma_wait3A_88] : memref<10112x32xf32, #tpu.memory_space<vmem_shared>> -> memref<10112x32xf32, #tpu.memory_space<vmem_shared>>
          tpu.wait_indirect_dma semaphore(%run_scoped3A : memref<!tpu.dma_semaphore, #tpu.memory_space<semaphore_mem>>) src(%dma_wait3A_83 : memref<128x32xf32, #tpu.memory_space<vmem>>) dst(%dma_wait3A_89 : memref<10112x32xf32, #tpu.memory_space<vmem_shared>>)
          tpu.yield
        }) : () -> ()
      }
      %scan3A_28 = arith.constant 16 : i32
    }
    %scan3A_8 = arith.constant 5 : i32
    %barrier3A_9 = arith.constant 0 : index
    tpu.barrier barrier_id(%barrier3A_9)
    %mul3A_10 = arith.constant 632 : i32
    %mul3A_11 = arith.muli %arg1, %mul3A_10 : i32
    %mul3A_12 = arith.constant 10112 : i32
    %mul3A_13 = arith.muli %arg0, %mul3A_12 : i32
    %mul3A_14 = arith.constant 632 : i32
    %mul3A_15 = arith.muli %arg1, %mul3A_14 : i32
    %add3A_16 = arith.addi %mul3A_13, %mul3A_15 : i32
    "tpu.region"() ({
      %run_scoped3A = tpu.sem_alloc : memref<!tpu.dma_semaphore, #tpu.memory_space<semaphore_mem>>
      %dma_start3A = arith.constant 0 : i32
      %dma_start3A_17 = tpu.memref_slice %arg5[%add3A_16, %dma_start3A] : memref<20224x32xf32, #tpu.memory_space<hbm>> -> memref<632x32xf32, #tpu.memory_space<hbm>>
      %dma_start3A_18 = arith.constant 0 : i32
      %dma_start3A_19 = tpu.memref_slice %arg9[%mul3A_11, %dma_start3A_18] : memref<10112x32xf32, #tpu.memory_space<vmem_shared>> -> memref<632x32xf32, #tpu.memory_space<vmem_shared>>
      tpu.enqueue_dma source(%dma_start3A_19 : memref<632x32xf32, #tpu.memory_space<vmem_shared>>) target(%dma_start3A_17 : memref<632x32xf32, #tpu.memory_space<hbm>>) target_semaphore(%run_scoped3A : memref<!tpu.dma_semaphore, #tpu.memory_space<semaphore_mem>>)
      %dma_wait3A = arith.constant 0 : i32
      %dma_wait3A_20 = tpu.memref_slice %arg5[%add3A_16, %dma_wait3A] : memref<20224x32xf32, #tpu.memory_space<hbm>> -> memref<632x32xf32, #tpu.memory_space<hbm>>
      %dma_wait3A_21 = arith.constant 0 : i32
      %dma_wait3A_22 = tpu.memref_slice %arg9[%mul3A_11, %dma_wait3A_21] : memref<10112x32xf32, #tpu.memory_space<vmem_shared>> -> memref<632x32xf32, #tpu.memory_space<vmem_shared>>
      tpu.wait_dma2 semaphore(%run_scoped3A : memref<!tpu.dma_semaphore, #tpu.memory_space<semaphore_mem>>) src(%dma_wait3A_22 : memref<632x32xf32, #tpu.memory_space<vmem_shared>>) dst(%dma_wait3A_20 : memref<632x32xf32, #tpu.memory_space<hbm>>)
      tpu.yield
    }) : () -> ()
    return
  }
}

#map = affine_map<(d0, d1) -> (0, 0, 0, 0)>
#map1 = affine_map<(d0, d1) -> (0, 0)>
module attributes {stable_mosaic.version = 14 : i64} {
  func.func @hist(%arg0: i32, %arg1: i32, %arg2: memref<2x16x160x128xi32, #tpu.memory_space<hbm>>, %arg3: memref<128x16xf32, #tpu.memory_space<hbm>>, %arg4: memref<632x16xf32, #tpu.memory_space<hbm>>, %arg5: memref<20224x16xf32, #tpu.memory_space<hbm>>, %arg6: memref<160x128xi32, #tpu.memory_space<vmem>>, %arg7: memref<128x16xf32, #tpu.memory_space<vmem>>, %arg8: memref<632x16xf32, #tpu.memory_space<vmem>>, %arg9: memref<10112x16xf32, #tpu.memory_space<vmem_shared>>) attributes {dimension_semantics = [#tpu.dimension_semantics<core_parallel>, #tpu.dimension_semantics<subcore_parallel>], iteration_bounds = array<i64: 2, 16>, scalar_prefetch = 0 : i64, scratch_operands = 4 : i64, tpu.core_type = #tpu.core_type<sc_vector_subcore>, window_params = [{transform_indices = #map}, {transform_indices = #map1}, {transform_indices = #map1}, {transform_indices = #map1}]} {
    "tpu.region"() ({
      %run_scoped3A = tpu.sem_alloc : memref<!tpu.dma_semaphore, #tpu.memory_space<semaphore_mem>>
      %dma_start3A = arith.constant 0 : i32
      %dma_start3A_12 = arith.constant 0 : i32
      %dma_start3A_13 = arith.constant 0 : i32
      %dma_start3A_14 = tpu.memref_slice %arg2[%arg0, %dma_start3A, %dma_start3A_12, %dma_start3A_13] : memref<2x16x160x128xi32, #tpu.memory_space<hbm>> -> memref<1x16x160x128xi32, #tpu.memory_space<hbm>>
      %dma_start3A_15 = tpu.memref_squeeze %dma_start3A_14 : memref<1x16x160x128xi32, #tpu.memory_space<hbm>> -> memref<16x160x128xi32, #tpu.memory_space<hbm>>
      %dma_start3A_16 = arith.constant 0 : i32
      %dma_start3A_17 = arith.constant 0 : i32
      %dma_start3A_18 = tpu.memref_slice %dma_start3A_15[%arg1, %dma_start3A_16, %dma_start3A_17] : memref<16x160x128xi32, #tpu.memory_space<hbm>> -> memref<1x160x128xi32, #tpu.memory_space<hbm>>
      %dma_start3A_19 = tpu.memref_squeeze %dma_start3A_18 : memref<1x160x128xi32, #tpu.memory_space<hbm>> -> memref<160x128xi32, #tpu.memory_space<hbm>>
      %dma_start3A_20 = arith.constant 0 : i32
      %dma_start3A_21 = arith.constant 0 : i32
      %dma_start3A_22 = arith.constant 0 : i32
      %dma_start3A_23 = tpu.memref_slice %arg2[%arg0, %dma_start3A_20, %dma_start3A_21, %dma_start3A_22] : memref<2x16x160x128xi32, #tpu.memory_space<hbm>> -> memref<1x16x160x128xi32, #tpu.memory_space<hbm>>
      %dma_start3A_24 = tpu.memref_squeeze %dma_start3A_23 : memref<1x16x160x128xi32, #tpu.memory_space<hbm>> -> memref<16x160x128xi32, #tpu.memory_space<hbm>>
      %dma_start3A_25 = arith.constant 0 : i32
      %dma_start3A_26 = arith.constant 0 : i32
      %dma_start3A_27 = tpu.memref_slice %dma_start3A_24[%arg1, %dma_start3A_25, %dma_start3A_26] : memref<16x160x128xi32, #tpu.memory_space<hbm>> -> memref<1x160x128xi32, #tpu.memory_space<hbm>>
      %dma_start3A_28 = tpu.memref_squeeze %dma_start3A_27 : memref<1x160x128xi32, #tpu.memory_space<hbm>> -> memref<160x128xi32, #tpu.memory_space<hbm>>
      tpu.enqueue_dma source(%dma_start3A_28 : memref<160x128xi32, #tpu.memory_space<hbm>>) target(%arg6 : memref<160x128xi32, #tpu.memory_space<vmem>>) target_semaphore(%run_scoped3A : memref<!tpu.dma_semaphore, #tpu.memory_space<semaphore_mem>>)
      %dma_wait3A = arith.constant 0 : i32
      %dma_wait3A_29 = arith.constant 0 : i32
      %dma_wait3A_30 = arith.constant 0 : i32
      %dma_wait3A_31 = tpu.memref_slice %arg2[%arg0, %dma_wait3A, %dma_wait3A_29, %dma_wait3A_30] : memref<2x16x160x128xi32, #tpu.memory_space<hbm>> -> memref<1x16x160x128xi32, #tpu.memory_space<hbm>>
      %dma_wait3A_32 = tpu.memref_squeeze %dma_wait3A_31 : memref<1x16x160x128xi32, #tpu.memory_space<hbm>> -> memref<16x160x128xi32, #tpu.memory_space<hbm>>
      %dma_wait3A_33 = arith.constant 0 : i32
      %dma_wait3A_34 = arith.constant 0 : i32
      %dma_wait3A_35 = tpu.memref_slice %dma_wait3A_32[%arg1, %dma_wait3A_33, %dma_wait3A_34] : memref<16x160x128xi32, #tpu.memory_space<hbm>> -> memref<1x160x128xi32, #tpu.memory_space<hbm>>
      %dma_wait3A_36 = tpu.memref_squeeze %dma_wait3A_35 : memref<1x160x128xi32, #tpu.memory_space<hbm>> -> memref<160x128xi32, #tpu.memory_space<hbm>>
      %dma_wait3A_37 = arith.constant 0 : i32
      %dma_wait3A_38 = arith.constant 0 : i32
      %dma_wait3A_39 = arith.constant 0 : i32
      %dma_wait3A_40 = tpu.memref_slice %arg2[%arg0, %dma_wait3A_37, %dma_wait3A_38, %dma_wait3A_39] : memref<2x16x160x128xi32, #tpu.memory_space<hbm>> -> memref<1x16x160x128xi32, #tpu.memory_space<hbm>>
      %dma_wait3A_41 = tpu.memref_squeeze %dma_wait3A_40 : memref<1x16x160x128xi32, #tpu.memory_space<hbm>> -> memref<16x160x128xi32, #tpu.memory_space<hbm>>
      %dma_wait3A_42 = arith.constant 0 : i32
      %dma_wait3A_43 = arith.constant 0 : i32
      %dma_wait3A_44 = tpu.memref_slice %dma_wait3A_41[%arg1, %dma_wait3A_42, %dma_wait3A_43] : memref<16x160x128xi32, #tpu.memory_space<hbm>> -> memref<1x160x128xi32, #tpu.memory_space<hbm>>
      %dma_wait3A_45 = tpu.memref_squeeze %dma_wait3A_44 : memref<1x160x128xi32, #tpu.memory_space<hbm>> -> memref<160x128xi32, #tpu.memory_space<hbm>>
      tpu.wait_dma2 semaphore(%run_scoped3A : memref<!tpu.dma_semaphore, #tpu.memory_space<semaphore_mem>>) src(%dma_wait3A_45 : memref<160x128xi32, #tpu.memory_space<hbm>>) dst(%arg6 : memref<160x128xi32, #tpu.memory_space<vmem>>)
      tpu.yield
    }) : () -> ()
    "tpu.region"() ({
      %run_scoped3A = tpu.sem_alloc : memref<!tpu.dma_semaphore, #tpu.memory_space<semaphore_mem>>
      tpu.enqueue_dma source(%arg3 : memref<128x16xf32, #tpu.memory_space<hbm>>) target(%arg7 : memref<128x16xf32, #tpu.memory_space<vmem>>) target_semaphore(%run_scoped3A : memref<!tpu.dma_semaphore, #tpu.memory_space<semaphore_mem>>)
      tpu.wait_dma2 semaphore(%run_scoped3A : memref<!tpu.dma_semaphore, #tpu.memory_space<semaphore_mem>>) src(%arg3 : memref<128x16xf32, #tpu.memory_space<hbm>>) dst(%arg7 : memref<128x16xf32, #tpu.memory_space<vmem>>)
      tpu.yield
    }) : () -> ()
    "tpu.region"() ({
      %run_scoped3A = tpu.sem_alloc : memref<!tpu.dma_semaphore, #tpu.memory_space<semaphore_mem>>
      tpu.enqueue_dma source(%arg4 : memref<632x16xf32, #tpu.memory_space<hbm>>) target(%arg8 : memref<632x16xf32, #tpu.memory_space<vmem>>) target_semaphore(%run_scoped3A : memref<!tpu.dma_semaphore, #tpu.memory_space<semaphore_mem>>)
      tpu.wait_dma2 semaphore(%run_scoped3A : memref<!tpu.dma_semaphore, #tpu.memory_space<semaphore_mem>>) src(%arg4 : memref<632x16xf32, #tpu.memory_space<hbm>>) dst(%arg8 : memref<632x16xf32, #tpu.memory_space<vmem>>)
      tpu.yield
    }) : () -> ()
    %mul3A = arith.constant 632 : i32
    %mul3A_0 = arith.muli %arg1, %mul3A : i32
    "tpu.region"() ({
      %run_scoped3A = tpu.sem_alloc : memref<!tpu.dma_semaphore, #tpu.memory_space<semaphore_mem>>
      %dma_start3A = arith.constant 0 : i32
      %dma_start3A_12 = tpu.memref_slice %arg9[%mul3A_0, %dma_start3A] : memref<10112x16xf32, #tpu.memory_space<vmem_shared>> -> memref<632x16xf32, #tpu.memory_space<vmem_shared>>
      %dma_start3A_13 = arith.constant 0 : i32
      %dma_start3A_14 = tpu.memref_slice %arg9[%mul3A_0, %dma_start3A_13] : memref<10112x16xf32, #tpu.memory_space<vmem_shared>> -> memref<632x16xf32, #tpu.memory_space<vmem_shared>>
      tpu.enqueue_dma source(%arg8 : memref<632x16xf32, #tpu.memory_space<vmem>>) target(%dma_start3A_14 : memref<632x16xf32, #tpu.memory_space<vmem_shared>>) target_semaphore(%run_scoped3A : memref<!tpu.dma_semaphore, #tpu.memory_space<semaphore_mem>>)
      %dma_wait3A = arith.constant 0 : i32
      %dma_wait3A_15 = tpu.memref_slice %arg9[%mul3A_0, %dma_wait3A] : memref<10112x16xf32, #tpu.memory_space<vmem_shared>> -> memref<632x16xf32, #tpu.memory_space<vmem_shared>>
      %dma_wait3A_16 = arith.constant 0 : i32
      %dma_wait3A_17 = tpu.memref_slice %arg9[%mul3A_0, %dma_wait3A_16] : memref<10112x16xf32, #tpu.memory_space<vmem_shared>> -> memref<632x16xf32, #tpu.memory_space<vmem_shared>>
      tpu.wait_dma2 semaphore(%run_scoped3A : memref<!tpu.dma_semaphore, #tpu.memory_space<semaphore_mem>>) src(%arg8 : memref<632x16xf32, #tpu.memory_space<vmem>>) dst(%dma_wait3A_17 : memref<632x16xf32, #tpu.memory_space<vmem_shared>>)
      tpu.yield
    }) : () -> ()
    %barrier3A = arith.constant 0 : index
    tpu.barrier barrier_id(%barrier3A)
    %scan3A = arith.constant 0 : i32
    %scan3A_1 = arith.constant 160 : i32
    %scan3A_2 = arith.addi %scan3A, %scan3A_1 : i32
    %scan3A_3 = arith.constant 1 : i32
    scf.for %scan3A_12 = %scan3A to %scan3A_2 step %scan3A_3  : i32 {
      %mul3A_13 = arith.constant 1 : i32
      %mul3A_14 = arith.muli %scan3A_12, %mul3A_13 : i32
      %add3A_15 = arith.constant 0 : i32
      %add3A_16 = arith.addi %add3A_15, %mul3A_14 : i32
      "tpu.region"() ({
        %run_scoped3A = tpu.sem_alloc : memref<!tpu.dma_semaphore, #tpu.memory_space<semaphore_mem>>
        %dma_start3A = arith.constant 0 : i32
        %dma_start3A_17 = tpu.memref_slice %arg6[%add3A_16, %dma_start3A] : memref<160x128xi32, #tpu.memory_space<vmem>> -> memref<1x128xi32, #tpu.memory_space<vmem>>
        %dma_start3A_18 = tpu.memref_squeeze %dma_start3A_17 : memref<1x128xi32, #tpu.memory_space<vmem>> -> memref<128xi32, #tpu.memory_space<vmem>>
        %dma_start3A_19 = arith.constant 0 : i32
        %dma_start3A_20 = arith.constant 0 : i32
        %dma_start3A_21 = tpu.memref_slice %arg9[%dma_start3A_19, %dma_start3A_20] : memref<10112x16xf32, #tpu.memory_space<vmem_shared>> -> memref<10112x16xf32, #tpu.memory_space<vmem_shared>>
        tpu.enqueue_indirect_dma source(%arg7 : memref<128x16xf32, #tpu.memory_space<vmem>>) target(%dma_start3A_21 : memref<10112x16xf32, #tpu.memory_space<vmem_shared>>) offsets(%dma_start3A_18 : memref<128xi32, #tpu.memory_space<vmem>>) semaphore(%run_scoped3A : memref<!tpu.dma_semaphore, #tpu.memory_space<semaphore_mem>>) {add = true}
        %dma_wait3A = arith.constant 0 : i32
        %dma_wait3A_22 = tpu.memref_slice %arg6[%add3A_16, %dma_wait3A] : memref<160x128xi32, #tpu.memory_space<vmem>> -> memref<1x128xi32, #tpu.memory_space<vmem>>
        %dma_wait3A_23 = tpu.memref_squeeze %dma_wait3A_22 : memref<1x128xi32, #tpu.memory_space<vmem>> -> memref<128xi32, #tpu.memory_space<vmem>>
        %dma_wait3A_24 = arith.constant 0 : i32
        %dma_wait3A_25 = arith.constant 0 : i32
        %dma_wait3A_26 = tpu.memref_slice %arg9[%dma_wait3A_24, %dma_wait3A_25] : memref<10112x16xf32, #tpu.memory_space<vmem_shared>> -> memref<10112x16xf32, #tpu.memory_space<vmem_shared>>
        tpu.wait_indirect_dma semaphore(%run_scoped3A : memref<!tpu.dma_semaphore, #tpu.memory_space<semaphore_mem>>) src(%arg7 : memref<128x16xf32, #tpu.memory_space<vmem>>) dst(%dma_wait3A_26 : memref<10112x16xf32, #tpu.memory_space<vmem_shared>>)
        tpu.yield
      }) : () -> ()
    }
    %scan3A_4 = arith.constant 160 : i32
    %barrier3A_5 = arith.constant 0 : index
    tpu.barrier barrier_id(%barrier3A_5)
    %mul3A_6 = arith.constant 632 : i32
    %mul3A_7 = arith.muli %arg1, %mul3A_6 : i32
    %mul3A_8 = arith.constant 10112 : i32
    %mul3A_9 = arith.muli %arg0, %mul3A_8 : i32
    %mul3A_10 = arith.constant 632 : i32
    %mul3A_11 = arith.muli %arg1, %mul3A_10 : i32
    %add3A = arith.addi %mul3A_9, %mul3A_11 : i32
    "tpu.region"() ({
      %run_scoped3A = tpu.sem_alloc : memref<!tpu.dma_semaphore, #tpu.memory_space<semaphore_mem>>
      %dma_start3A = arith.constant 0 : i32
      %dma_start3A_12 = tpu.memref_slice %arg5[%add3A, %dma_start3A] : memref<20224x16xf32, #tpu.memory_space<hbm>> -> memref<632x16xf32, #tpu.memory_space<hbm>>
      %dma_start3A_13 = arith.constant 0 : i32
      %dma_start3A_14 = tpu.memref_slice %arg9[%mul3A_7, %dma_start3A_13] : memref<10112x16xf32, #tpu.memory_space<vmem_shared>> -> memref<632x16xf32, #tpu.memory_space<vmem_shared>>
      tpu.enqueue_dma source(%dma_start3A_14 : memref<632x16xf32, #tpu.memory_space<vmem_shared>>) target(%dma_start3A_12 : memref<632x16xf32, #tpu.memory_space<hbm>>) target_semaphore(%run_scoped3A : memref<!tpu.dma_semaphore, #tpu.memory_space<semaphore_mem>>)
      %dma_wait3A = arith.constant 0 : i32
      %dma_wait3A_15 = tpu.memref_slice %arg5[%add3A, %dma_wait3A] : memref<20224x16xf32, #tpu.memory_space<hbm>> -> memref<632x16xf32, #tpu.memory_space<hbm>>
      %dma_wait3A_16 = arith.constant 0 : i32
      %dma_wait3A_17 = tpu.memref_slice %arg9[%mul3A_7, %dma_wait3A_16] : memref<10112x16xf32, #tpu.memory_space<vmem_shared>> -> memref<632x16xf32, #tpu.memory_space<vmem_shared>>
      tpu.wait_dma2 semaphore(%run_scoped3A : memref<!tpu.dma_semaphore, #tpu.memory_space<semaphore_mem>>) src(%dma_wait3A_17 : memref<632x16xf32, #tpu.memory_space<vmem_shared>>) dst(%dma_wait3A_15 : memref<632x16xf32, #tpu.memory_space<hbm>>)
      tpu.yield
    }) : () -> ()
    return
  }
}

#map = affine_map<(d0, d1) -> (0, 0)>
#map1 = affine_map<(d0, d1) -> (0, 0, 0, 0)>
#map2 = affine_map<(d0, d1) -> (0, 0, 0)>
module attributes {stable_mosaic.version = 14 : i64} {
  func.func @prop(%arg0: i32, %arg1: i32, %arg2: memref<20224x64xf32, #tpu.memory_space<hbm>>, %arg3: memref<2x16x160x128xi32, #tpu.memory_space<hbm>>, %arg4: memref<16x160x128xi32, #tpu.memory_space<hbm>>, %arg5: memref<20224x64xf32, #tpu.memory_space<hbm>>, %arg6: memref<32x128xi32, #tpu.memory_space<vmem>>, %arg7: memref<32x128xi32, #tpu.memory_space<vmem>>, %arg8: memref<256x64xf32, #tpu.memory_space<vmem>>, %arg9: memref<10112x64xf32, #tpu.memory_space<vmem_shared>>, %arg10: memref<!tpu.dma_semaphore, #tpu.memory_space<semaphore_mem>>, %arg11: memref<!tpu.dma_semaphore, #tpu.memory_space<semaphore_mem>>) attributes {dimension_semantics = [#tpu.dimension_semantics<core_parallel>, #tpu.dimension_semantics<subcore_parallel>], iteration_bounds = array<i64: 2, 16>, scalar_prefetch = 0 : i64, scratch_operands = 6 : i64, tpu.core_type = #tpu.core_type<sc_vector_subcore>, window_params = [{transform_indices = #map}, {transform_indices = #map1}, {transform_indices = #map2}, {transform_indices = #map}]} {
    %mul3A = arith.constant 10112 : i32
    %mul3A_0 = arith.muli %arg0, %mul3A : i32
    %mul3A_1 = arith.constant 632 : i32
    %mul3A_2 = arith.muli %arg1, %mul3A_1 : i32
    %add3A = arith.addi %mul3A_0, %mul3A_2 : i32
    %mul3A_3 = arith.constant 632 : i32
    %mul3A_4 = arith.muli %arg1, %mul3A_3 : i32
    "tpu.region"() ({
      %run_scoped3A = tpu.sem_alloc : memref<!tpu.dma_semaphore, #tpu.memory_space<semaphore_mem>>
      %dma_start3A = arith.constant 0 : i32
      %dma_start3A_17 = tpu.memref_slice %arg9[%mul3A_4, %dma_start3A] : memref<10112x64xf32, #tpu.memory_space<vmem_shared>> -> memref<632x64xf32, #tpu.memory_space<vmem_shared>>
      %dma_start3A_18 = arith.constant 0 : i32
      %dma_start3A_19 = tpu.memref_slice %arg2[%add3A, %dma_start3A_18] : memref<20224x64xf32, #tpu.memory_space<hbm>> -> memref<632x64xf32, #tpu.memory_space<hbm>>
      tpu.enqueue_dma source(%dma_start3A_19 : memref<632x64xf32, #tpu.memory_space<hbm>>) target(%dma_start3A_17 : memref<632x64xf32, #tpu.memory_space<vmem_shared>>) target_semaphore(%run_scoped3A : memref<!tpu.dma_semaphore, #tpu.memory_space<semaphore_mem>>)
      %dma_wait3A = arith.constant 0 : i32
      %dma_wait3A_20 = tpu.memref_slice %arg9[%mul3A_4, %dma_wait3A] : memref<10112x64xf32, #tpu.memory_space<vmem_shared>> -> memref<632x64xf32, #tpu.memory_space<vmem_shared>>
      %dma_wait3A_21 = arith.constant 0 : i32
      %dma_wait3A_22 = tpu.memref_slice %arg2[%add3A, %dma_wait3A_21] : memref<20224x64xf32, #tpu.memory_space<hbm>> -> memref<632x64xf32, #tpu.memory_space<hbm>>
      tpu.wait_dma2 semaphore(%run_scoped3A : memref<!tpu.dma_semaphore, #tpu.memory_space<semaphore_mem>>) src(%dma_wait3A_22 : memref<632x64xf32, #tpu.memory_space<hbm>>) dst(%dma_wait3A_20 : memref<632x64xf32, #tpu.memory_space<vmem_shared>>)
      tpu.yield
    }) : () -> ()
    %barrier3A = arith.constant 0 : index
    tpu.barrier barrier_id(%barrier3A)
    %scan3A = arith.constant 0 : i32
    %scan3A_5 = arith.constant 5 : i32
    %scan3A_6 = arith.addi %scan3A, %scan3A_5 : i32
    %scan3A_7 = arith.constant 1 : i32
    scf.for %scan3A_17 = %scan3A to %scan3A_6 step %scan3A_7  : i32 {
      %mul3A_18 = arith.constant 1 : i32
      %mul3A_19 = arith.muli %scan3A_17, %mul3A_18 : i32
      %add3A_20 = arith.constant 0 : i32
      %add3A_21 = arith.addi %add3A_20, %mul3A_19 : i32
      %mul3A_22 = arith.constant 32 : i32
      %mul3A_23 = arith.muli %add3A_21, %mul3A_22 : i32
      "tpu.region"() ({
        %run_scoped3A = tpu.sem_alloc : memref<!tpu.dma_semaphore, #tpu.memory_space<semaphore_mem>>
        %dma_start3A = arith.constant 0 : i32
        %dma_start3A_29 = arith.constant 0 : i32
        %dma_start3A_30 = arith.constant 0 : i32
        %dma_start3A_31 = tpu.memref_slice %arg3[%arg0, %dma_start3A, %dma_start3A_29, %dma_start3A_30] : memref<2x16x160x128xi32, #tpu.memory_space<hbm>> -> memref<1x16x160x128xi32, #tpu.memory_space<hbm>>
        %dma_start3A_32 = tpu.memref_squeeze %dma_start3A_31 : memref<1x16x160x128xi32, #tpu.memory_space<hbm>> -> memref<16x160x128xi32, #tpu.memory_space<hbm>>
        %dma_start3A_33 = arith.constant 0 : i32
        %dma_start3A_34 = arith.constant 0 : i32
        %dma_start3A_35 = tpu.memref_slice %dma_start3A_32[%arg1, %dma_start3A_33, %dma_start3A_34] : memref<16x160x128xi32, #tpu.memory_space<hbm>> -> memref<1x160x128xi32, #tpu.memory_space<hbm>>
        %dma_start3A_36 = tpu.memref_squeeze %dma_start3A_35 : memref<1x160x128xi32, #tpu.memory_space<hbm>> -> memref<160x128xi32, #tpu.memory_space<hbm>>
        %dma_start3A_37 = arith.constant 0 : i32
        %dma_start3A_38 = tpu.memref_slice %dma_start3A_36[%mul3A_23, %dma_start3A_37] : memref<160x128xi32, #tpu.memory_space<hbm>> -> memref<32x128xi32, #tpu.memory_space<hbm>>
        %dma_start3A_39 = arith.constant 0 : i32
        %dma_start3A_40 = arith.constant 0 : i32
        %dma_start3A_41 = arith.constant 0 : i32
        %dma_start3A_42 = tpu.memref_slice %arg3[%arg0, %dma_start3A_39, %dma_start3A_40, %dma_start3A_41] : memref<2x16x160x128xi32, #tpu.memory_space<hbm>> -> memref<1x16x160x128xi32, #tpu.memory_space<hbm>>
        %dma_start3A_43 = tpu.memref_squeeze %dma_start3A_42 : memref<1x16x160x128xi32, #tpu.memory_space<hbm>> -> memref<16x160x128xi32, #tpu.memory_space<hbm>>
        %dma_start3A_44 = arith.constant 0 : i32
        %dma_start3A_45 = arith.constant 0 : i32
        %dma_start3A_46 = tpu.memref_slice %dma_start3A_43[%arg1, %dma_start3A_44, %dma_start3A_45] : memref<16x160x128xi32, #tpu.memory_space<hbm>> -> memref<1x160x128xi32, #tpu.memory_space<hbm>>
        %dma_start3A_47 = tpu.memref_squeeze %dma_start3A_46 : memref<1x160x128xi32, #tpu.memory_space<hbm>> -> memref<160x128xi32, #tpu.memory_space<hbm>>
        %dma_start3A_48 = arith.constant 0 : i32
        %dma_start3A_49 = tpu.memref_slice %dma_start3A_47[%mul3A_23, %dma_start3A_48] : memref<160x128xi32, #tpu.memory_space<hbm>> -> memref<32x128xi32, #tpu.memory_space<hbm>>
        tpu.enqueue_dma source(%dma_start3A_49 : memref<32x128xi32, #tpu.memory_space<hbm>>) target(%arg6 : memref<32x128xi32, #tpu.memory_space<vmem>>) target_semaphore(%run_scoped3A : memref<!tpu.dma_semaphore, #tpu.memory_space<semaphore_mem>>)
        %dma_wait3A = arith.constant 0 : i32
        %dma_wait3A_50 = arith.constant 0 : i32
        %dma_wait3A_51 = arith.constant 0 : i32
        %dma_wait3A_52 = tpu.memref_slice %arg3[%arg0, %dma_wait3A, %dma_wait3A_50, %dma_wait3A_51] : memref<2x16x160x128xi32, #tpu.memory_space<hbm>> -> memref<1x16x160x128xi32, #tpu.memory_space<hbm>>
        %dma_wait3A_53 = tpu.memref_squeeze %dma_wait3A_52 : memref<1x16x160x128xi32, #tpu.memory_space<hbm>> -> memref<16x160x128xi32, #tpu.memory_space<hbm>>
        %dma_wait3A_54 = arith.constant 0 : i32
        %dma_wait3A_55 = arith.constant 0 : i32
        %dma_wait3A_56 = tpu.memref_slice %dma_wait3A_53[%arg1, %dma_wait3A_54, %dma_wait3A_55] : memref<16x160x128xi32, #tpu.memory_space<hbm>> -> memref<1x160x128xi32, #tpu.memory_space<hbm>>
        %dma_wait3A_57 = tpu.memref_squeeze %dma_wait3A_56 : memref<1x160x128xi32, #tpu.memory_space<hbm>> -> memref<160x128xi32, #tpu.memory_space<hbm>>
        %dma_wait3A_58 = arith.constant 0 : i32
        %dma_wait3A_59 = tpu.memref_slice %dma_wait3A_57[%mul3A_23, %dma_wait3A_58] : memref<160x128xi32, #tpu.memory_space<hbm>> -> memref<32x128xi32, #tpu.memory_space<hbm>>
        %dma_wait3A_60 = arith.constant 0 : i32
        %dma_wait3A_61 = arith.constant 0 : i32
        %dma_wait3A_62 = arith.constant 0 : i32
        %dma_wait3A_63 = tpu.memref_slice %arg3[%arg0, %dma_wait3A_60, %dma_wait3A_61, %dma_wait3A_62] : memref<2x16x160x128xi32, #tpu.memory_space<hbm>> -> memref<1x16x160x128xi32, #tpu.memory_space<hbm>>
        %dma_wait3A_64 = tpu.memref_squeeze %dma_wait3A_63 : memref<1x16x160x128xi32, #tpu.memory_space<hbm>> -> memref<16x160x128xi32, #tpu.memory_space<hbm>>
        %dma_wait3A_65 = arith.constant 0 : i32
        %dma_wait3A_66 = arith.constant 0 : i32
        %dma_wait3A_67 = tpu.memref_slice %dma_wait3A_64[%arg1, %dma_wait3A_65, %dma_wait3A_66] : memref<16x160x128xi32, #tpu.memory_space<hbm>> -> memref<1x160x128xi32, #tpu.memory_space<hbm>>
        %dma_wait3A_68 = tpu.memref_squeeze %dma_wait3A_67 : memref<1x160x128xi32, #tpu.memory_space<hbm>> -> memref<160x128xi32, #tpu.memory_space<hbm>>
        %dma_wait3A_69 = arith.constant 0 : i32
        %dma_wait3A_70 = tpu.memref_slice %dma_wait3A_68[%mul3A_23, %dma_wait3A_69] : memref<160x128xi32, #tpu.memory_space<hbm>> -> memref<32x128xi32, #tpu.memory_space<hbm>>
        tpu.wait_dma2 semaphore(%run_scoped3A : memref<!tpu.dma_semaphore, #tpu.memory_space<semaphore_mem>>) src(%dma_wait3A_70 : memref<32x128xi32, #tpu.memory_space<hbm>>) dst(%arg6 : memref<32x128xi32, #tpu.memory_space<vmem>>)
        tpu.yield
      }) : () -> ()
      "tpu.region"() ({
        %run_scoped3A = tpu.sem_alloc : memref<!tpu.dma_semaphore, #tpu.memory_space<semaphore_mem>>
        %dma_start3A = arith.constant 0 : i32
        %dma_start3A_29 = arith.constant 0 : i32
        %dma_start3A_30 = tpu.memref_slice %arg4[%arg1, %dma_start3A, %dma_start3A_29] : memref<16x160x128xi32, #tpu.memory_space<hbm>> -> memref<1x160x128xi32, #tpu.memory_space<hbm>>
        %dma_start3A_31 = tpu.memref_squeeze %dma_start3A_30 : memref<1x160x128xi32, #tpu.memory_space<hbm>> -> memref<160x128xi32, #tpu.memory_space<hbm>>
        %dma_start3A_32 = arith.constant 0 : i32
        %dma_start3A_33 = tpu.memref_slice %dma_start3A_31[%mul3A_23, %dma_start3A_32] : memref<160x128xi32, #tpu.memory_space<hbm>> -> memref<32x128xi32, #tpu.memory_space<hbm>>
        %dma_start3A_34 = arith.constant 0 : i32
        %dma_start3A_35 = arith.constant 0 : i32
        %dma_start3A_36 = tpu.memref_slice %arg4[%arg1, %dma_start3A_34, %dma_start3A_35] : memref<16x160x128xi32, #tpu.memory_space<hbm>> -> memref<1x160x128xi32, #tpu.memory_space<hbm>>
        %dma_start3A_37 = tpu.memref_squeeze %dma_start3A_36 : memref<1x160x128xi32, #tpu.memory_space<hbm>> -> memref<160x128xi32, #tpu.memory_space<hbm>>
        %dma_start3A_38 = arith.constant 0 : i32
        %dma_start3A_39 = tpu.memref_slice %dma_start3A_37[%mul3A_23, %dma_start3A_38] : memref<160x128xi32, #tpu.memory_space<hbm>> -> memref<32x128xi32, #tpu.memory_space<hbm>>
        tpu.enqueue_dma source(%dma_start3A_39 : memref<32x128xi32, #tpu.memory_space<hbm>>) target(%arg7 : memref<32x128xi32, #tpu.memory_space<vmem>>) target_semaphore(%run_scoped3A : memref<!tpu.dma_semaphore, #tpu.memory_space<semaphore_mem>>)
        %dma_wait3A = arith.constant 0 : i32
        %dma_wait3A_40 = arith.constant 0 : i32
        %dma_wait3A_41 = tpu.memref_slice %arg4[%arg1, %dma_wait3A, %dma_wait3A_40] : memref<16x160x128xi32, #tpu.memory_space<hbm>> -> memref<1x160x128xi32, #tpu.memory_space<hbm>>
        %dma_wait3A_42 = tpu.memref_squeeze %dma_wait3A_41 : memref<1x160x128xi32, #tpu.memory_space<hbm>> -> memref<160x128xi32, #tpu.memory_space<hbm>>
        %dma_wait3A_43 = arith.constant 0 : i32
        %dma_wait3A_44 = tpu.memref_slice %dma_wait3A_42[%mul3A_23, %dma_wait3A_43] : memref<160x128xi32, #tpu.memory_space<hbm>> -> memref<32x128xi32, #tpu.memory_space<hbm>>
        %dma_wait3A_45 = arith.constant 0 : i32
        %dma_wait3A_46 = arith.constant 0 : i32
        %dma_wait3A_47 = tpu.memref_slice %arg4[%arg1, %dma_wait3A_45, %dma_wait3A_46] : memref<16x160x128xi32, #tpu.memory_space<hbm>> -> memref<1x160x128xi32, #tpu.memory_space<hbm>>
        %dma_wait3A_48 = tpu.memref_squeeze %dma_wait3A_47 : memref<1x160x128xi32, #tpu.memory_space<hbm>> -> memref<160x128xi32, #tpu.memory_space<hbm>>
        %dma_wait3A_49 = arith.constant 0 : i32
        %dma_wait3A_50 = tpu.memref_slice %dma_wait3A_48[%mul3A_23, %dma_wait3A_49] : memref<160x128xi32, #tpu.memory_space<hbm>> -> memref<32x128xi32, #tpu.memory_space<hbm>>
        tpu.wait_dma2 semaphore(%run_scoped3A : memref<!tpu.dma_semaphore, #tpu.memory_space<semaphore_mem>>) src(%dma_wait3A_50 : memref<32x128xi32, #tpu.memory_space<hbm>>) dst(%arg7 : memref<32x128xi32, #tpu.memory_space<vmem>>)
        tpu.yield
      }) : () -> ()
      %scan3A_24 = arith.constant 0 : i32
      %scan3A_25 = arith.constant 16 : i32
      %scan3A_26 = arith.addi %scan3A_24, %scan3A_25 : i32
      %scan3A_27 = arith.constant 1 : i32
      scf.for %scan3A_29 = %scan3A_24 to %scan3A_26 step %scan3A_27  : i32 {
        %mul3A_30 = arith.constant 2 : i32
        %mul3A_31 = arith.muli %scan3A_29, %mul3A_30 : i32
        %add3A_32 = arith.constant 0 : i32
        %add3A_33 = arith.addi %add3A_32, %mul3A_31 : i32
        %dma_start3A = arith.constant 0 : i32
        %dma_start3A_34 = arith.constant 0 : i32
        %dma_start3A_35 = tpu.memref_slice %arg8[%dma_start3A, %dma_start3A_34] : memref<256x64xf32, #tpu.memory_space<vmem>> -> memref<128x64xf32, #tpu.memory_space<vmem>>
        %dma_start3A_36 = arith.constant 0 : i32
        %dma_start3A_37 = tpu.memref_slice %arg6[%add3A_33, %dma_start3A_36] : memref<32x128xi32, #tpu.memory_space<vmem>> -> memref<1x128xi32, #tpu.memory_space<vmem>>
        %dma_start3A_38 = tpu.memref_squeeze %dma_start3A_37 : memref<1x128xi32, #tpu.memory_space<vmem>> -> memref<128xi32, #tpu.memory_space<vmem>>
        %dma_start3A_39 = arith.constant 0 : i32
        %dma_start3A_40 = arith.constant 0 : i32
        %dma_start3A_41 = tpu.memref_slice %arg2[%dma_start3A_39, %dma_start3A_40] : memref<20224x64xf32, #tpu.memory_space<hbm>> -> memref<20224x64xf32, #tpu.memory_space<hbm>>
        tpu.enqueue_indirect_dma source(%dma_start3A_41 : memref<20224x64xf32, #tpu.memory_space<hbm>>) target(%dma_start3A_35 : memref<128x64xf32, #tpu.memory_space<vmem>>) offsets(%dma_start3A_38 : memref<128xi32, #tpu.memory_space<vmem>>) semaphore(%arg10 : memref<!tpu.dma_semaphore, #tpu.memory_space<semaphore_mem>>)
        %add3A_42 = arith.constant 1 : i32
        %add3A_43 = arith.addi %add3A_33, %add3A_42 : i32
        %dma_start3A_44 = arith.constant 128 : i32
        %dma_start3A_45 = arith.constant 0 : i32
        %dma_start3A_46 = tpu.memref_slice %arg8[%dma_start3A_44, %dma_start3A_45] : memref<256x64xf32, #tpu.memory_space<vmem>> -> memref<128x64xf32, #tpu.memory_space<vmem>>
        %dma_start3A_47 = arith.constant 0 : i32
        %dma_start3A_48 = tpu.memref_slice %arg6[%add3A_43, %dma_start3A_47] : memref<32x128xi32, #tpu.memory_space<vmem>> -> memref<1x128xi32, #tpu.memory_space<vmem>>
        %dma_start3A_49 = tpu.memref_squeeze %dma_start3A_48 : memref<1x128xi32, #tpu.memory_space<vmem>> -> memref<128xi32, #tpu.memory_space<vmem>>
        %dma_start3A_50 = arith.constant 0 : i32
        %dma_start3A_51 = arith.constant 0 : i32
        %dma_start3A_52 = tpu.memref_slice %arg2[%dma_start3A_50, %dma_start3A_51] : memref<20224x64xf32, #tpu.memory_space<hbm>> -> memref<20224x64xf32, #tpu.memory_space<hbm>>
        tpu.enqueue_indirect_dma source(%dma_start3A_52 : memref<20224x64xf32, #tpu.memory_space<hbm>>) target(%dma_start3A_46 : memref<128x64xf32, #tpu.memory_space<vmem>>) offsets(%dma_start3A_49 : memref<128xi32, #tpu.memory_space<vmem>>) semaphore(%arg11 : memref<!tpu.dma_semaphore, #tpu.memory_space<semaphore_mem>>)
        %dma_wait3A = arith.constant 0 : i32
        %dma_wait3A_53 = arith.constant 0 : i32
        %dma_wait3A_54 = tpu.memref_slice %arg8[%dma_wait3A, %dma_wait3A_53] : memref<256x64xf32, #tpu.memory_space<vmem>> -> memref<128x64xf32, #tpu.memory_space<vmem>>
        %dma_wait3A_55 = arith.constant 0 : i32
        %dma_wait3A_56 = tpu.memref_slice %arg6[%add3A_33, %dma_wait3A_55] : memref<32x128xi32, #tpu.memory_space<vmem>> -> memref<1x128xi32, #tpu.memory_space<vmem>>
        %dma_wait3A_57 = tpu.memref_squeeze %dma_wait3A_56 : memref<1x128xi32, #tpu.memory_space<vmem>> -> memref<128xi32, #tpu.memory_space<vmem>>
        %dma_wait3A_58 = arith.constant 0 : i32
        %dma_wait3A_59 = arith.constant 0 : i32
        %dma_wait3A_60 = tpu.memref_slice %arg2[%dma_wait3A_58, %dma_wait3A_59] : memref<20224x64xf32, #tpu.memory_space<hbm>> -> memref<20224x64xf32, #tpu.memory_space<hbm>>
        tpu.wait_indirect_dma semaphore(%arg10 : memref<!tpu.dma_semaphore, #tpu.memory_space<semaphore_mem>>) src(%dma_wait3A_60 : memref<20224x64xf32, #tpu.memory_space<hbm>>) dst(%dma_wait3A_54 : memref<128x64xf32, #tpu.memory_space<vmem>>)
        "tpu.region"() ({
          %run_scoped3A = tpu.sem_alloc : memref<!tpu.dma_semaphore, #tpu.memory_space<semaphore_mem>>
          %dma_start3A_72 = arith.constant 0 : i32
          %dma_start3A_73 = arith.constant 0 : i32
          %dma_start3A_74 = tpu.memref_slice %arg8[%dma_start3A_72, %dma_start3A_73] : memref<256x64xf32, #tpu.memory_space<vmem>> -> memref<128x64xf32, #tpu.memory_space<vmem>>
          %dma_start3A_75 = arith.constant 0 : i32
          %dma_start3A_76 = tpu.memref_slice %arg7[%add3A_33, %dma_start3A_75] : memref<32x128xi32, #tpu.memory_space<vmem>> -> memref<1x128xi32, #tpu.memory_space<vmem>>
          %dma_start3A_77 = tpu.memref_squeeze %dma_start3A_76 : memref<1x128xi32, #tpu.memory_space<vmem>> -> memref<128xi32, #tpu.memory_space<vmem>>
          %dma_start3A_78 = arith.constant 0 : i32
          %dma_start3A_79 = arith.constant 0 : i32
          %dma_start3A_80 = tpu.memref_slice %arg9[%dma_start3A_78, %dma_start3A_79] : memref<10112x64xf32, #tpu.memory_space<vmem_shared>> -> memref<10112x64xf32, #tpu.memory_space<vmem_shared>>
          tpu.enqueue_indirect_dma source(%dma_start3A_74 : memref<128x64xf32, #tpu.memory_space<vmem>>) target(%dma_start3A_80 : memref<10112x64xf32, #tpu.memory_space<vmem_shared>>) offsets(%dma_start3A_77 : memref<128xi32, #tpu.memory_space<vmem>>) semaphore(%run_scoped3A : memref<!tpu.dma_semaphore, #tpu.memory_space<semaphore_mem>>) {add = true}
          %dma_wait3A_81 = arith.constant 0 : i32
          %dma_wait3A_82 = arith.constant 0 : i32
          %dma_wait3A_83 = tpu.memref_slice %arg8[%dma_wait3A_81, %dma_wait3A_82] : memref<256x64xf32, #tpu.memory_space<vmem>> -> memref<128x64xf32, #tpu.memory_space<vmem>>
          %dma_wait3A_84 = arith.constant 0 : i32
          %dma_wait3A_85 = tpu.memref_slice %arg7[%add3A_33, %dma_wait3A_84] : memref<32x128xi32, #tpu.memory_space<vmem>> -> memref<1x128xi32, #tpu.memory_space<vmem>>
          %dma_wait3A_86 = tpu.memref_squeeze %dma_wait3A_85 : memref<1x128xi32, #tpu.memory_space<vmem>> -> memref<128xi32, #tpu.memory_space<vmem>>
          %dma_wait3A_87 = arith.constant 0 : i32
          %dma_wait3A_88 = arith.constant 0 : i32
          %dma_wait3A_89 = tpu.memref_slice %arg9[%dma_wait3A_87, %dma_wait3A_88] : memref<10112x64xf32, #tpu.memory_space<vmem_shared>> -> memref<10112x64xf32, #tpu.memory_space<vmem_shared>>
          tpu.wait_indirect_dma semaphore(%run_scoped3A : memref<!tpu.dma_semaphore, #tpu.memory_space<semaphore_mem>>) src(%dma_wait3A_83 : memref<128x64xf32, #tpu.memory_space<vmem>>) dst(%dma_wait3A_89 : memref<10112x64xf32, #tpu.memory_space<vmem_shared>>)
          tpu.yield
        }) : () -> ()
        %dma_wait3A_61 = arith.constant 128 : i32
        %dma_wait3A_62 = arith.constant 0 : i32
        %dma_wait3A_63 = tpu.memref_slice %arg8[%dma_wait3A_61, %dma_wait3A_62] : memref<256x64xf32, #tpu.memory_space<vmem>> -> memref<128x64xf32, #tpu.memory_space<vmem>>
        %dma_wait3A_64 = arith.constant 0 : i32
        %dma_wait3A_65 = tpu.memref_slice %arg6[%add3A_43, %dma_wait3A_64] : memref<32x128xi32, #tpu.memory_space<vmem>> -> memref<1x128xi32, #tpu.memory_space<vmem>>
        %dma_wait3A_66 = tpu.memref_squeeze %dma_wait3A_65 : memref<1x128xi32, #tpu.memory_space<vmem>> -> memref<128xi32, #tpu.memory_space<vmem>>
        %dma_wait3A_67 = arith.constant 0 : i32
        %dma_wait3A_68 = arith.constant 0 : i32
        %dma_wait3A_69 = tpu.memref_slice %arg2[%dma_wait3A_67, %dma_wait3A_68] : memref<20224x64xf32, #tpu.memory_space<hbm>> -> memref<20224x64xf32, #tpu.memory_space<hbm>>
        tpu.wait_indirect_dma semaphore(%arg11 : memref<!tpu.dma_semaphore, #tpu.memory_space<semaphore_mem>>) src(%dma_wait3A_69 : memref<20224x64xf32, #tpu.memory_space<hbm>>) dst(%dma_wait3A_63 : memref<128x64xf32, #tpu.memory_space<vmem>>)
        %add3A_70 = arith.constant 1 : i32
        %add3A_71 = arith.addi %add3A_33, %add3A_70 : i32
        "tpu.region"() ({
          %run_scoped3A = tpu.sem_alloc : memref<!tpu.dma_semaphore, #tpu.memory_space<semaphore_mem>>
          %dma_start3A_72 = arith.constant 128 : i32
          %dma_start3A_73 = arith.constant 0 : i32
          %dma_start3A_74 = tpu.memref_slice %arg8[%dma_start3A_72, %dma_start3A_73] : memref<256x64xf32, #tpu.memory_space<vmem>> -> memref<128x64xf32, #tpu.memory_space<vmem>>
          %dma_start3A_75 = arith.constant 0 : i32
          %dma_start3A_76 = tpu.memref_slice %arg7[%add3A_71, %dma_start3A_75] : memref<32x128xi32, #tpu.memory_space<vmem>> -> memref<1x128xi32, #tpu.memory_space<vmem>>
          %dma_start3A_77 = tpu.memref_squeeze %dma_start3A_76 : memref<1x128xi32, #tpu.memory_space<vmem>> -> memref<128xi32, #tpu.memory_space<vmem>>
          %dma_start3A_78 = arith.constant 0 : i32
          %dma_start3A_79 = arith.constant 0 : i32
          %dma_start3A_80 = tpu.memref_slice %arg9[%dma_start3A_78, %dma_start3A_79] : memref<10112x64xf32, #tpu.memory_space<vmem_shared>> -> memref<10112x64xf32, #tpu.memory_space<vmem_shared>>
          tpu.enqueue_indirect_dma source(%dma_start3A_74 : memref<128x64xf32, #tpu.memory_space<vmem>>) target(%dma_start3A_80 : memref<10112x64xf32, #tpu.memory_space<vmem_shared>>) offsets(%dma_start3A_77 : memref<128xi32, #tpu.memory_space<vmem>>) semaphore(%run_scoped3A : memref<!tpu.dma_semaphore, #tpu.memory_space<semaphore_mem>>) {add = true}
          %dma_wait3A_81 = arith.constant 128 : i32
          %dma_wait3A_82 = arith.constant 0 : i32
          %dma_wait3A_83 = tpu.memref_slice %arg8[%dma_wait3A_81, %dma_wait3A_82] : memref<256x64xf32, #tpu.memory_space<vmem>> -> memref<128x64xf32, #tpu.memory_space<vmem>>
          %dma_wait3A_84 = arith.constant 0 : i32
          %dma_wait3A_85 = tpu.memref_slice %arg7[%add3A_71, %dma_wait3A_84] : memref<32x128xi32, #tpu.memory_space<vmem>> -> memref<1x128xi32, #tpu.memory_space<vmem>>
          %dma_wait3A_86 = tpu.memref_squeeze %dma_wait3A_85 : memref<1x128xi32, #tpu.memory_space<vmem>> -> memref<128xi32, #tpu.memory_space<vmem>>
          %dma_wait3A_87 = arith.constant 0 : i32
          %dma_wait3A_88 = arith.constant 0 : i32
          %dma_wait3A_89 = tpu.memref_slice %arg9[%dma_wait3A_87, %dma_wait3A_88] : memref<10112x64xf32, #tpu.memory_space<vmem_shared>> -> memref<10112x64xf32, #tpu.memory_space<vmem_shared>>
          tpu.wait_indirect_dma semaphore(%run_scoped3A : memref<!tpu.dma_semaphore, #tpu.memory_space<semaphore_mem>>) src(%dma_wait3A_83 : memref<128x64xf32, #tpu.memory_space<vmem>>) dst(%dma_wait3A_89 : memref<10112x64xf32, #tpu.memory_space<vmem_shared>>)
          tpu.yield
        }) : () -> ()
      }
      %scan3A_28 = arith.constant 16 : i32
    }
    %scan3A_8 = arith.constant 5 : i32
    %barrier3A_9 = arith.constant 0 : index
    tpu.barrier barrier_id(%barrier3A_9)
    %mul3A_10 = arith.constant 632 : i32
    %mul3A_11 = arith.muli %arg1, %mul3A_10 : i32
    %mul3A_12 = arith.constant 10112 : i32
    %mul3A_13 = arith.muli %arg0, %mul3A_12 : i32
    %mul3A_14 = arith.constant 632 : i32
    %mul3A_15 = arith.muli %arg1, %mul3A_14 : i32
    %add3A_16 = arith.addi %mul3A_13, %mul3A_15 : i32
    "tpu.region"() ({
      %run_scoped3A = tpu.sem_alloc : memref<!tpu.dma_semaphore, #tpu.memory_space<semaphore_mem>>
      %dma_start3A = arith.constant 0 : i32
      %dma_start3A_17 = tpu.memref_slice %arg5[%add3A_16, %dma_start3A] : memref<20224x64xf32, #tpu.memory_space<hbm>> -> memref<632x64xf32, #tpu.memory_space<hbm>>
      %dma_start3A_18 = arith.constant 0 : i32
      %dma_start3A_19 = tpu.memref_slice %arg9[%mul3A_11, %dma_start3A_18] : memref<10112x64xf32, #tpu.memory_space<vmem_shared>> -> memref<632x64xf32, #tpu.memory_space<vmem_shared>>
      tpu.enqueue_dma source(%dma_start3A_19 : memref<632x64xf32, #tpu.memory_space<vmem_shared>>) target(%dma_start3A_17 : memref<632x64xf32, #tpu.memory_space<hbm>>) target_semaphore(%run_scoped3A : memref<!tpu.dma_semaphore, #tpu.memory_space<semaphore_mem>>)
      %dma_wait3A = arith.constant 0 : i32
      %dma_wait3A_20 = tpu.memref_slice %arg5[%add3A_16, %dma_wait3A] : memref<20224x64xf32, #tpu.memory_space<hbm>> -> memref<632x64xf32, #tpu.memory_space<hbm>>
      %dma_wait3A_21 = arith.constant 0 : i32
      %dma_wait3A_22 = tpu.memref_slice %arg9[%mul3A_11, %dma_wait3A_21] : memref<10112x64xf32, #tpu.memory_space<vmem_shared>> -> memref<632x64xf32, #tpu.memory_space<vmem_shared>>
      tpu.wait_dma2 semaphore(%run_scoped3A : memref<!tpu.dma_semaphore, #tpu.memory_space<semaphore_mem>>) src(%dma_wait3A_22 : memref<632x64xf32, #tpu.memory_space<vmem_shared>>) dst(%dma_wait3A_20 : memref<632x64xf32, #tpu.memory_space<hbm>>)
      tpu.yield
    }) : () -> ()
    return
  }
}

#map = affine_map<(d0, d1) -> (0, 0)>
#map1 = affine_map<(d0, d1) -> (0, 0, 0, 0)>
#map2 = affine_map<(d0, d1) -> (0, 0, 0)>
module attributes {stable_mosaic.version = 14 : i64} {
  func.func @prop(%arg0: i32, %arg1: i32, %arg2: memref<20224x64xf32, #tpu.memory_space<hbm>>, %arg3: memref<2x16x160x128xi32, #tpu.memory_space<hbm>>, %arg4: memref<16x160x128xi32, #tpu.memory_space<hbm>>, %arg5: memref<20224x64xf32, #tpu.memory_space<hbm>>, %arg6: memref<32x128xi32, #tpu.memory_space<vmem>>, %arg7: memref<32x128xi32, #tpu.memory_space<vmem>>, %arg8: memref<256x64xf32, #tpu.memory_space<vmem>>, %arg9: memref<10112x64xf32, #tpu.memory_space<vmem_shared>>, %arg10: memref<!tpu.dma_semaphore, #tpu.memory_space<semaphore_mem>>, %arg11: memref<!tpu.dma_semaphore, #tpu.memory_space<semaphore_mem>>) attributes {dimension_semantics = [#tpu.dimension_semantics<core_parallel>, #tpu.dimension_semantics<subcore_parallel>], iteration_bounds = array<i64: 2, 16>, scalar_prefetch = 0 : i64, scratch_operands = 6 : i64, tpu.core_type = #tpu.core_type<sc_vector_subcore>, window_params = [{transform_indices = #map}, {transform_indices = #map1}, {transform_indices = #map2}, {transform_indices = #map}]} {
    %mul3A = arith.constant 10112 : i32
    %mul3A_0 = arith.muli %arg0, %mul3A : i32
    %mul3A_1 = arith.constant 632 : i32
    %mul3A_2 = arith.muli %arg1, %mul3A_1 : i32
    %add3A = arith.addi %mul3A_0, %mul3A_2 : i32
    %mul3A_3 = arith.constant 632 : i32
    %mul3A_4 = arith.muli %arg1, %mul3A_3 : i32
    "tpu.region"() ({
      %run_scoped3A = tpu.sem_alloc : memref<!tpu.dma_semaphore, #tpu.memory_space<semaphore_mem>>
      %dma_start3A = arith.constant 0 : i32
      %dma_start3A_17 = tpu.memref_slice %arg9[%mul3A_4, %dma_start3A] : memref<10112x64xf32, #tpu.memory_space<vmem_shared>> -> memref<632x64xf32, #tpu.memory_space<vmem_shared>>
      %dma_start3A_18 = arith.constant 0 : i32
      %dma_start3A_19 = tpu.memref_slice %arg2[%add3A, %dma_start3A_18] : memref<20224x64xf32, #tpu.memory_space<hbm>> -> memref<632x64xf32, #tpu.memory_space<hbm>>
      tpu.enqueue_dma source(%dma_start3A_19 : memref<632x64xf32, #tpu.memory_space<hbm>>) target(%dma_start3A_17 : memref<632x64xf32, #tpu.memory_space<vmem_shared>>) target_semaphore(%run_scoped3A : memref<!tpu.dma_semaphore, #tpu.memory_space<semaphore_mem>>)
      %dma_wait3A = arith.constant 0 : i32
      %dma_wait3A_20 = tpu.memref_slice %arg9[%mul3A_4, %dma_wait3A] : memref<10112x64xf32, #tpu.memory_space<vmem_shared>> -> memref<632x64xf32, #tpu.memory_space<vmem_shared>>
      %dma_wait3A_21 = arith.constant 0 : i32
      %dma_wait3A_22 = tpu.memref_slice %arg2[%add3A, %dma_wait3A_21] : memref<20224x64xf32, #tpu.memory_space<hbm>> -> memref<632x64xf32, #tpu.memory_space<hbm>>
      tpu.wait_dma2 semaphore(%run_scoped3A : memref<!tpu.dma_semaphore, #tpu.memory_space<semaphore_mem>>) src(%dma_wait3A_22 : memref<632x64xf32, #tpu.memory_space<hbm>>) dst(%dma_wait3A_20 : memref<632x64xf32, #tpu.memory_space<vmem_shared>>)
      tpu.yield
    }) : () -> ()
    %barrier3A = arith.constant 0 : index
    tpu.barrier barrier_id(%barrier3A)
    %scan3A = arith.constant 0 : i32
    %scan3A_5 = arith.constant 5 : i32
    %scan3A_6 = arith.addi %scan3A, %scan3A_5 : i32
    %scan3A_7 = arith.constant 1 : i32
    scf.for %scan3A_17 = %scan3A to %scan3A_6 step %scan3A_7  : i32 {
      %mul3A_18 = arith.constant 1 : i32
      %mul3A_19 = arith.muli %scan3A_17, %mul3A_18 : i32
      %add3A_20 = arith.constant 0 : i32
      %add3A_21 = arith.addi %add3A_20, %mul3A_19 : i32
      %mul3A_22 = arith.constant 32 : i32
      %mul3A_23 = arith.muli %add3A_21, %mul3A_22 : i32
      "tpu.region"() ({
        %run_scoped3A = tpu.sem_alloc : memref<!tpu.dma_semaphore, #tpu.memory_space<semaphore_mem>>
        %dma_start3A = arith.constant 0 : i32
        %dma_start3A_29 = arith.constant 0 : i32
        %dma_start3A_30 = arith.constant 0 : i32
        %dma_start3A_31 = tpu.memref_slice %arg3[%arg0, %dma_start3A, %dma_start3A_29, %dma_start3A_30] : memref<2x16x160x128xi32, #tpu.memory_space<hbm>> -> memref<1x16x160x128xi32, #tpu.memory_space<hbm>>
        %dma_start3A_32 = tpu.memref_squeeze %dma_start3A_31 : memref<1x16x160x128xi32, #tpu.memory_space<hbm>> -> memref<16x160x128xi32, #tpu.memory_space<hbm>>
        %dma_start3A_33 = arith.constant 0 : i32
        %dma_start3A_34 = arith.constant 0 : i32
        %dma_start3A_35 = tpu.memref_slice %dma_start3A_32[%arg1, %dma_start3A_33, %dma_start3A_34] : memref<16x160x128xi32, #tpu.memory_space<hbm>> -> memref<1x160x128xi32, #tpu.memory_space<hbm>>
        %dma_start3A_36 = tpu.memref_squeeze %dma_start3A_35 : memref<1x160x128xi32, #tpu.memory_space<hbm>> -> memref<160x128xi32, #tpu.memory_space<hbm>>
        %dma_start3A_37 = arith.constant 0 : i32
        %dma_start3A_38 = tpu.memref_slice %dma_start3A_36[%mul3A_23, %dma_start3A_37] : memref<160x128xi32, #tpu.memory_space<hbm>> -> memref<32x128xi32, #tpu.memory_space<hbm>>
        %dma_start3A_39 = arith.constant 0 : i32
        %dma_start3A_40 = arith.constant 0 : i32
        %dma_start3A_41 = arith.constant 0 : i32
        %dma_start3A_42 = tpu.memref_slice %arg3[%arg0, %dma_start3A_39, %dma_start3A_40, %dma_start3A_41] : memref<2x16x160x128xi32, #tpu.memory_space<hbm>> -> memref<1x16x160x128xi32, #tpu.memory_space<hbm>>
        %dma_start3A_43 = tpu.memref_squeeze %dma_start3A_42 : memref<1x16x160x128xi32, #tpu.memory_space<hbm>> -> memref<16x160x128xi32, #tpu.memory_space<hbm>>
        %dma_start3A_44 = arith.constant 0 : i32
        %dma_start3A_45 = arith.constant 0 : i32
        %dma_start3A_46 = tpu.memref_slice %dma_start3A_43[%arg1, %dma_start3A_44, %dma_start3A_45] : memref<16x160x128xi32, #tpu.memory_space<hbm>> -> memref<1x160x128xi32, #tpu.memory_space<hbm>>
        %dma_start3A_47 = tpu.memref_squeeze %dma_start3A_46 : memref<1x160x128xi32, #tpu.memory_space<hbm>> -> memref<160x128xi32, #tpu.memory_space<hbm>>
        %dma_start3A_48 = arith.constant 0 : i32
        %dma_start3A_49 = tpu.memref_slice %dma_start3A_47[%mul3A_23, %dma_start3A_48] : memref<160x128xi32, #tpu.memory_space<hbm>> -> memref<32x128xi32, #tpu.memory_space<hbm>>
        tpu.enqueue_dma source(%dma_start3A_49 : memref<32x128xi32, #tpu.memory_space<hbm>>) target(%arg6 : memref<32x128xi32, #tpu.memory_space<vmem>>) target_semaphore(%run_scoped3A : memref<!tpu.dma_semaphore, #tpu.memory_space<semaphore_mem>>)
        %dma_wait3A = arith.constant 0 : i32
        %dma_wait3A_50 = arith.constant 0 : i32
        %dma_wait3A_51 = arith.constant 0 : i32
        %dma_wait3A_52 = tpu.memref_slice %arg3[%arg0, %dma_wait3A, %dma_wait3A_50, %dma_wait3A_51] : memref<2x16x160x128xi32, #tpu.memory_space<hbm>> -> memref<1x16x160x128xi32, #tpu.memory_space<hbm>>
        %dma_wait3A_53 = tpu.memref_squeeze %dma_wait3A_52 : memref<1x16x160x128xi32, #tpu.memory_space<hbm>> -> memref<16x160x128xi32, #tpu.memory_space<hbm>>
        %dma_wait3A_54 = arith.constant 0 : i32
        %dma_wait3A_55 = arith.constant 0 : i32
        %dma_wait3A_56 = tpu.memref_slice %dma_wait3A_53[%arg1, %dma_wait3A_54, %dma_wait3A_55] : memref<16x160x128xi32, #tpu.memory_space<hbm>> -> memref<1x160x128xi32, #tpu.memory_space<hbm>>
        %dma_wait3A_57 = tpu.memref_squeeze %dma_wait3A_56 : memref<1x160x128xi32, #tpu.memory_space<hbm>> -> memref<160x128xi32, #tpu.memory_space<hbm>>
        %dma_wait3A_58 = arith.constant 0 : i32
        %dma_wait3A_59 = tpu.memref_slice %dma_wait3A_57[%mul3A_23, %dma_wait3A_58] : memref<160x128xi32, #tpu.memory_space<hbm>> -> memref<32x128xi32, #tpu.memory_space<hbm>>
        %dma_wait3A_60 = arith.constant 0 : i32
        %dma_wait3A_61 = arith.constant 0 : i32
        %dma_wait3A_62 = arith.constant 0 : i32
        %dma_wait3A_63 = tpu.memref_slice %arg3[%arg0, %dma_wait3A_60, %dma_wait3A_61, %dma_wait3A_62] : memref<2x16x160x128xi32, #tpu.memory_space<hbm>> -> memref<1x16x160x128xi32, #tpu.memory_space<hbm>>
        %dma_wait3A_64 = tpu.memref_squeeze %dma_wait3A_63 : memref<1x16x160x128xi32, #tpu.memory_space<hbm>> -> memref<16x160x128xi32, #tpu.memory_space<hbm>>
        %dma_wait3A_65 = arith.constant 0 : i32
        %dma_wait3A_66 = arith.constant 0 : i32
        %dma_wait3A_67 = tpu.memref_slice %dma_wait3A_64[%arg1, %dma_wait3A_65, %dma_wait3A_66] : memref<16x160x128xi32, #tpu.memory_space<hbm>> -> memref<1x160x128xi32, #tpu.memory_space<hbm>>
        %dma_wait3A_68 = tpu.memref_squeeze %dma_wait3A_67 : memref<1x160x128xi32, #tpu.memory_space<hbm>> -> memref<160x128xi32, #tpu.memory_space<hbm>>
        %dma_wait3A_69 = arith.constant 0 : i32
        %dma_wait3A_70 = tpu.memref_slice %dma_wait3A_68[%mul3A_23, %dma_wait3A_69] : memref<160x128xi32, #tpu.memory_space<hbm>> -> memref<32x128xi32, #tpu.memory_space<hbm>>
        tpu.wait_dma2 semaphore(%run_scoped3A : memref<!tpu.dma_semaphore, #tpu.memory_space<semaphore_mem>>) src(%dma_wait3A_70 : memref<32x128xi32, #tpu.memory_space<hbm>>) dst(%arg6 : memref<32x128xi32, #tpu.memory_space<vmem>>)
        tpu.yield
      }) : () -> ()
      "tpu.region"() ({
        %run_scoped3A = tpu.sem_alloc : memref<!tpu.dma_semaphore, #tpu.memory_space<semaphore_mem>>
        %dma_start3A = arith.constant 0 : i32
        %dma_start3A_29 = arith.constant 0 : i32
        %dma_start3A_30 = tpu.memref_slice %arg4[%arg1, %dma_start3A, %dma_start3A_29] : memref<16x160x128xi32, #tpu.memory_space<hbm>> -> memref<1x160x128xi32, #tpu.memory_space<hbm>>
        %dma_start3A_31 = tpu.memref_squeeze %dma_start3A_30 : memref<1x160x128xi32, #tpu.memory_space<hbm>> -> memref<160x128xi32, #tpu.memory_space<hbm>>
        %dma_start3A_32 = arith.constant 0 : i32
        %dma_start3A_33 = tpu.memref_slice %dma_start3A_31[%mul3A_23, %dma_start3A_32] : memref<160x128xi32, #tpu.memory_space<hbm>> -> memref<32x128xi32, #tpu.memory_space<hbm>>
        %dma_start3A_34 = arith.constant 0 : i32
        %dma_start3A_35 = arith.constant 0 : i32
        %dma_start3A_36 = tpu.memref_slice %arg4[%arg1, %dma_start3A_34, %dma_start3A_35] : memref<16x160x128xi32, #tpu.memory_space<hbm>> -> memref<1x160x128xi32, #tpu.memory_space<hbm>>
        %dma_start3A_37 = tpu.memref_squeeze %dma_start3A_36 : memref<1x160x128xi32, #tpu.memory_space<hbm>> -> memref<160x128xi32, #tpu.memory_space<hbm>>
        %dma_start3A_38 = arith.constant 0 : i32
        %dma_start3A_39 = tpu.memref_slice %dma_start3A_37[%mul3A_23, %dma_start3A_38] : memref<160x128xi32, #tpu.memory_space<hbm>> -> memref<32x128xi32, #tpu.memory_space<hbm>>
        tpu.enqueue_dma source(%dma_start3A_39 : memref<32x128xi32, #tpu.memory_space<hbm>>) target(%arg7 : memref<32x128xi32, #tpu.memory_space<vmem>>) target_semaphore(%run_scoped3A : memref<!tpu.dma_semaphore, #tpu.memory_space<semaphore_mem>>)
        %dma_wait3A = arith.constant 0 : i32
        %dma_wait3A_40 = arith.constant 0 : i32
        %dma_wait3A_41 = tpu.memref_slice %arg4[%arg1, %dma_wait3A, %dma_wait3A_40] : memref<16x160x128xi32, #tpu.memory_space<hbm>> -> memref<1x160x128xi32, #tpu.memory_space<hbm>>
        %dma_wait3A_42 = tpu.memref_squeeze %dma_wait3A_41 : memref<1x160x128xi32, #tpu.memory_space<hbm>> -> memref<160x128xi32, #tpu.memory_space<hbm>>
        %dma_wait3A_43 = arith.constant 0 : i32
        %dma_wait3A_44 = tpu.memref_slice %dma_wait3A_42[%mul3A_23, %dma_wait3A_43] : memref<160x128xi32, #tpu.memory_space<hbm>> -> memref<32x128xi32, #tpu.memory_space<hbm>>
        %dma_wait3A_45 = arith.constant 0 : i32
        %dma_wait3A_46 = arith.constant 0 : i32
        %dma_wait3A_47 = tpu.memref_slice %arg4[%arg1, %dma_wait3A_45, %dma_wait3A_46] : memref<16x160x128xi32, #tpu.memory_space<hbm>> -> memref<1x160x128xi32, #tpu.memory_space<hbm>>
        %dma_wait3A_48 = tpu.memref_squeeze %dma_wait3A_47 : memref<1x160x128xi32, #tpu.memory_space<hbm>> -> memref<160x128xi32, #tpu.memory_space<hbm>>
        %dma_wait3A_49 = arith.constant 0 : i32
        %dma_wait3A_50 = tpu.memref_slice %dma_wait3A_48[%mul3A_23, %dma_wait3A_49] : memref<160x128xi32, #tpu.memory_space<hbm>> -> memref<32x128xi32, #tpu.memory_space<hbm>>
        tpu.wait_dma2 semaphore(%run_scoped3A : memref<!tpu.dma_semaphore, #tpu.memory_space<semaphore_mem>>) src(%dma_wait3A_50 : memref<32x128xi32, #tpu.memory_space<hbm>>) dst(%arg7 : memref<32x128xi32, #tpu.memory_space<vmem>>)
        tpu.yield
      }) : () -> ()
      %scan3A_24 = arith.constant 0 : i32
      %scan3A_25 = arith.constant 16 : i32
      %scan3A_26 = arith.addi %scan3A_24, %scan3A_25 : i32
      %scan3A_27 = arith.constant 1 : i32
      scf.for %scan3A_29 = %scan3A_24 to %scan3A_26 step %scan3A_27  : i32 {
        %mul3A_30 = arith.constant 2 : i32
        %mul3A_31 = arith.muli %scan3A_29, %mul3A_30 : i32
        %add3A_32 = arith.constant 0 : i32
        %add3A_33 = arith.addi %add3A_32, %mul3A_31 : i32
        %dma_start3A = arith.constant 0 : i32
        %dma_start3A_34 = arith.constant 0 : i32
        %dma_start3A_35 = tpu.memref_slice %arg8[%dma_start3A, %dma_start3A_34] : memref<256x64xf32, #tpu.memory_space<vmem>> -> memref<128x64xf32, #tpu.memory_space<vmem>>
        %dma_start3A_36 = arith.constant 0 : i32
        %dma_start3A_37 = tpu.memref_slice %arg6[%add3A_33, %dma_start3A_36] : memref<32x128xi32, #tpu.memory_space<vmem>> -> memref<1x128xi32, #tpu.memory_space<vmem>>
        %dma_start3A_38 = tpu.memref_squeeze %dma_start3A_37 : memref<1x128xi32, #tpu.memory_space<vmem>> -> memref<128xi32, #tpu.memory_space<vmem>>
        %dma_start3A_39 = arith.constant 0 : i32
        %dma_start3A_40 = arith.constant 0 : i32
        %dma_start3A_41 = tpu.memref_slice %arg2[%dma_start3A_39, %dma_start3A_40] : memref<20224x64xf32, #tpu.memory_space<hbm>> -> memref<20224x64xf32, #tpu.memory_space<hbm>>
        tpu.enqueue_indirect_dma source(%dma_start3A_41 : memref<20224x64xf32, #tpu.memory_space<hbm>>) target(%dma_start3A_35 : memref<128x64xf32, #tpu.memory_space<vmem>>) offsets(%dma_start3A_38 : memref<128xi32, #tpu.memory_space<vmem>>) semaphore(%arg10 : memref<!tpu.dma_semaphore, #tpu.memory_space<semaphore_mem>>)
        %add3A_42 = arith.constant 1 : i32
        %add3A_43 = arith.addi %add3A_33, %add3A_42 : i32
        %dma_start3A_44 = arith.constant 128 : i32
        %dma_start3A_45 = arith.constant 0 : i32
        %dma_start3A_46 = tpu.memref_slice %arg8[%dma_start3A_44, %dma_start3A_45] : memref<256x64xf32, #tpu.memory_space<vmem>> -> memref<128x64xf32, #tpu.memory_space<vmem>>
        %dma_start3A_47 = arith.constant 0 : i32
        %dma_start3A_48 = tpu.memref_slice %arg6[%add3A_43, %dma_start3A_47] : memref<32x128xi32, #tpu.memory_space<vmem>> -> memref<1x128xi32, #tpu.memory_space<vmem>>
        %dma_start3A_49 = tpu.memref_squeeze %dma_start3A_48 : memref<1x128xi32, #tpu.memory_space<vmem>> -> memref<128xi32, #tpu.memory_space<vmem>>
        %dma_start3A_50 = arith.constant 0 : i32
        %dma_start3A_51 = arith.constant 0 : i32
        %dma_start3A_52 = tpu.memref_slice %arg2[%dma_start3A_50, %dma_start3A_51] : memref<20224x64xf32, #tpu.memory_space<hbm>> -> memref<20224x64xf32, #tpu.memory_space<hbm>>
        tpu.enqueue_indirect_dma source(%dma_start3A_52 : memref<20224x64xf32, #tpu.memory_space<hbm>>) target(%dma_start3A_46 : memref<128x64xf32, #tpu.memory_space<vmem>>) offsets(%dma_start3A_49 : memref<128xi32, #tpu.memory_space<vmem>>) semaphore(%arg11 : memref<!tpu.dma_semaphore, #tpu.memory_space<semaphore_mem>>)
        %dma_wait3A = arith.constant 0 : i32
        %dma_wait3A_53 = arith.constant 0 : i32
        %dma_wait3A_54 = tpu.memref_slice %arg8[%dma_wait3A, %dma_wait3A_53] : memref<256x64xf32, #tpu.memory_space<vmem>> -> memref<128x64xf32, #tpu.memory_space<vmem>>
        %dma_wait3A_55 = arith.constant 0 : i32
        %dma_wait3A_56 = tpu.memref_slice %arg6[%add3A_33, %dma_wait3A_55] : memref<32x128xi32, #tpu.memory_space<vmem>> -> memref<1x128xi32, #tpu.memory_space<vmem>>
        %dma_wait3A_57 = tpu.memref_squeeze %dma_wait3A_56 : memref<1x128xi32, #tpu.memory_space<vmem>> -> memref<128xi32, #tpu.memory_space<vmem>>
        %dma_wait3A_58 = arith.constant 0 : i32
        %dma_wait3A_59 = arith.constant 0 : i32
        %dma_wait3A_60 = tpu.memref_slice %arg2[%dma_wait3A_58, %dma_wait3A_59] : memref<20224x64xf32, #tpu.memory_space<hbm>> -> memref<20224x64xf32, #tpu.memory_space<hbm>>
        tpu.wait_indirect_dma semaphore(%arg10 : memref<!tpu.dma_semaphore, #tpu.memory_space<semaphore_mem>>) src(%dma_wait3A_60 : memref<20224x64xf32, #tpu.memory_space<hbm>>) dst(%dma_wait3A_54 : memref<128x64xf32, #tpu.memory_space<vmem>>)
        "tpu.region"() ({
          %run_scoped3A = tpu.sem_alloc : memref<!tpu.dma_semaphore, #tpu.memory_space<semaphore_mem>>
          %dma_start3A_72 = arith.constant 0 : i32
          %dma_start3A_73 = arith.constant 0 : i32
          %dma_start3A_74 = tpu.memref_slice %arg8[%dma_start3A_72, %dma_start3A_73] : memref<256x64xf32, #tpu.memory_space<vmem>> -> memref<128x64xf32, #tpu.memory_space<vmem>>
          %dma_start3A_75 = arith.constant 0 : i32
          %dma_start3A_76 = tpu.memref_slice %arg7[%add3A_33, %dma_start3A_75] : memref<32x128xi32, #tpu.memory_space<vmem>> -> memref<1x128xi32, #tpu.memory_space<vmem>>
          %dma_start3A_77 = tpu.memref_squeeze %dma_start3A_76 : memref<1x128xi32, #tpu.memory_space<vmem>> -> memref<128xi32, #tpu.memory_space<vmem>>
          %dma_start3A_78 = arith.constant 0 : i32
          %dma_start3A_79 = arith.constant 0 : i32
          %dma_start3A_80 = tpu.memref_slice %arg9[%dma_start3A_78, %dma_start3A_79] : memref<10112x64xf32, #tpu.memory_space<vmem_shared>> -> memref<10112x64xf32, #tpu.memory_space<vmem_shared>>
          tpu.enqueue_indirect_dma source(%dma_start3A_74 : memref<128x64xf32, #tpu.memory_space<vmem>>) target(%dma_start3A_80 : memref<10112x64xf32, #tpu.memory_space<vmem_shared>>) offsets(%dma_start3A_77 : memref<128xi32, #tpu.memory_space<vmem>>) semaphore(%run_scoped3A : memref<!tpu.dma_semaphore, #tpu.memory_space<semaphore_mem>>) {add = true}
          %dma_wait3A_81 = arith.constant 0 : i32
          %dma_wait3A_82 = arith.constant 0 : i32
          %dma_wait3A_83 = tpu.memref_slice %arg8[%dma_wait3A_81, %dma_wait3A_82] : memref<256x64xf32, #tpu.memory_space<vmem>> -> memref<128x64xf32, #tpu.memory_space<vmem>>
          %dma_wait3A_84 = arith.constant 0 : i32
          %dma_wait3A_85 = tpu.memref_slice %arg7[%add3A_33, %dma_wait3A_84] : memref<32x128xi32, #tpu.memory_space<vmem>> -> memref<1x128xi32, #tpu.memory_space<vmem>>
          %dma_wait3A_86 = tpu.memref_squeeze %dma_wait3A_85 : memref<1x128xi32, #tpu.memory_space<vmem>> -> memref<128xi32, #tpu.memory_space<vmem>>
          %dma_wait3A_87 = arith.constant 0 : i32
          %dma_wait3A_88 = arith.constant 0 : i32
          %dma_wait3A_89 = tpu.memref_slice %arg9[%dma_wait3A_87, %dma_wait3A_88] : memref<10112x64xf32, #tpu.memory_space<vmem_shared>> -> memref<10112x64xf32, #tpu.memory_space<vmem_shared>>
          tpu.wait_indirect_dma semaphore(%run_scoped3A : memref<!tpu.dma_semaphore, #tpu.memory_space<semaphore_mem>>) src(%dma_wait3A_83 : memref<128x64xf32, #tpu.memory_space<vmem>>) dst(%dma_wait3A_89 : memref<10112x64xf32, #tpu.memory_space<vmem_shared>>)
          tpu.yield
        }) : () -> ()
        %dma_wait3A_61 = arith.constant 128 : i32
        %dma_wait3A_62 = arith.constant 0 : i32
        %dma_wait3A_63 = tpu.memref_slice %arg8[%dma_wait3A_61, %dma_wait3A_62] : memref<256x64xf32, #tpu.memory_space<vmem>> -> memref<128x64xf32, #tpu.memory_space<vmem>>
        %dma_wait3A_64 = arith.constant 0 : i32
        %dma_wait3A_65 = tpu.memref_slice %arg6[%add3A_43, %dma_wait3A_64] : memref<32x128xi32, #tpu.memory_space<vmem>> -> memref<1x128xi32, #tpu.memory_space<vmem>>
        %dma_wait3A_66 = tpu.memref_squeeze %dma_wait3A_65 : memref<1x128xi32, #tpu.memory_space<vmem>> -> memref<128xi32, #tpu.memory_space<vmem>>
        %dma_wait3A_67 = arith.constant 0 : i32
        %dma_wait3A_68 = arith.constant 0 : i32
        %dma_wait3A_69 = tpu.memref_slice %arg2[%dma_wait3A_67, %dma_wait3A_68] : memref<20224x64xf32, #tpu.memory_space<hbm>> -> memref<20224x64xf32, #tpu.memory_space<hbm>>
        tpu.wait_indirect_dma semaphore(%arg11 : memref<!tpu.dma_semaphore, #tpu.memory_space<semaphore_mem>>) src(%dma_wait3A_69 : memref<20224x64xf32, #tpu.memory_space<hbm>>) dst(%dma_wait3A_63 : memref<128x64xf32, #tpu.memory_space<vmem>>)
        %add3A_70 = arith.constant 1 : i32
        %add3A_71 = arith.addi %add3A_33, %add3A_70 : i32
        "tpu.region"() ({
          %run_scoped3A = tpu.sem_alloc : memref<!tpu.dma_semaphore, #tpu.memory_space<semaphore_mem>>
          %dma_start3A_72 = arith.constant 128 : i32
          %dma_start3A_73 = arith.constant 0 : i32
          %dma_start3A_74 = tpu.memref_slice %arg8[%dma_start3A_72, %dma_start3A_73] : memref<256x64xf32, #tpu.memory_space<vmem>> -> memref<128x64xf32, #tpu.memory_space<vmem>>
          %dma_start3A_75 = arith.constant 0 : i32
          %dma_start3A_76 = tpu.memref_slice %arg7[%add3A_71, %dma_start3A_75] : memref<32x128xi32, #tpu.memory_space<vmem>> -> memref<1x128xi32, #tpu.memory_space<vmem>>
          %dma_start3A_77 = tpu.memref_squeeze %dma_start3A_76 : memref<1x128xi32, #tpu.memory_space<vmem>> -> memref<128xi32, #tpu.memory_space<vmem>>
          %dma_start3A_78 = arith.constant 0 : i32
          %dma_start3A_79 = arith.constant 0 : i32
          %dma_start3A_80 = tpu.memref_slice %arg9[%dma_start3A_78, %dma_start3A_79] : memref<10112x64xf32, #tpu.memory_space<vmem_shared>> -> memref<10112x64xf32, #tpu.memory_space<vmem_shared>>
          tpu.enqueue_indirect_dma source(%dma_start3A_74 : memref<128x64xf32, #tpu.memory_space<vmem>>) target(%dma_start3A_80 : memref<10112x64xf32, #tpu.memory_space<vmem_shared>>) offsets(%dma_start3A_77 : memref<128xi32, #tpu.memory_space<vmem>>) semaphore(%run_scoped3A : memref<!tpu.dma_semaphore, #tpu.memory_space<semaphore_mem>>) {add = true}
          %dma_wait3A_81 = arith.constant 128 : i32
          %dma_wait3A_82 = arith.constant 0 : i32
          %dma_wait3A_83 = tpu.memref_slice %arg8[%dma_wait3A_81, %dma_wait3A_82] : memref<256x64xf32, #tpu.memory_space<vmem>> -> memref<128x64xf32, #tpu.memory_space<vmem>>
          %dma_wait3A_84 = arith.constant 0 : i32
          %dma_wait3A_85 = tpu.memref_slice %arg7[%add3A_71, %dma_wait3A_84] : memref<32x128xi32, #tpu.memory_space<vmem>> -> memref<1x128xi32, #tpu.memory_space<vmem>>
          %dma_wait3A_86 = tpu.memref_squeeze %dma_wait3A_85 : memref<1x128xi32, #tpu.memory_space<vmem>> -> memref<128xi32, #tpu.memory_space<vmem>>
          %dma_wait3A_87 = arith.constant 0 : i32
          %dma_wait3A_88 = arith.constant 0 : i32
          %dma_wait3A_89 = tpu.memref_slice %arg9[%dma_wait3A_87, %dma_wait3A_88] : memref<10112x64xf32, #tpu.memory_space<vmem_shared>> -> memref<10112x64xf32, #tpu.memory_space<vmem_shared>>
          tpu.wait_indirect_dma semaphore(%run_scoped3A : memref<!tpu.dma_semaphore, #tpu.memory_space<semaphore_mem>>) src(%dma_wait3A_83 : memref<128x64xf32, #tpu.memory_space<vmem>>) dst(%dma_wait3A_89 : memref<10112x64xf32, #tpu.memory_space<vmem_shared>>)
          tpu.yield
        }) : () -> ()
      }
      %scan3A_28 = arith.constant 16 : i32
    }
    %scan3A_8 = arith.constant 5 : i32
    %barrier3A_9 = arith.constant 0 : index
    tpu.barrier barrier_id(%barrier3A_9)
    %mul3A_10 = arith.constant 632 : i32
    %mul3A_11 = arith.muli %arg1, %mul3A_10 : i32
    %mul3A_12 = arith.constant 10112 : i32
    %mul3A_13 = arith.muli %arg0, %mul3A_12 : i32
    %mul3A_14 = arith.constant 632 : i32
    %mul3A_15 = arith.muli %arg1, %mul3A_14 : i32
    %add3A_16 = arith.addi %mul3A_13, %mul3A_15 : i32
    "tpu.region"() ({
      %run_scoped3A = tpu.sem_alloc : memref<!tpu.dma_semaphore, #tpu.memory_space<semaphore_mem>>
      %dma_start3A = arith.constant 0 : i32
      %dma_start3A_17 = tpu.memref_slice %arg5[%add3A_16, %dma_start3A] : memref<20224x64xf32, #tpu.memory_space<hbm>> -> memref<632x64xf32, #tpu.memory_space<hbm>>
      %dma_start3A_18 = arith.constant 0 : i32
      %dma_start3A_19 = tpu.memref_slice %arg9[%mul3A_11, %dma_start3A_18] : memref<10112x64xf32, #tpu.memory_space<vmem_shared>> -> memref<632x64xf32, #tpu.memory_space<vmem_shared>>
      tpu.enqueue_dma source(%dma_start3A_19 : memref<632x64xf32, #tpu.memory_space<vmem_shared>>) target(%dma_start3A_17 : memref<632x64xf32, #tpu.memory_space<hbm>>) target_semaphore(%run_scoped3A : memref<!tpu.dma_semaphore, #tpu.memory_space<semaphore_mem>>)
      %dma_wait3A = arith.constant 0 : i32
      %dma_wait3A_20 = tpu.memref_slice %arg5[%add3A_16, %dma_wait3A] : memref<20224x64xf32, #tpu.memory_space<hbm>> -> memref<632x64xf32, #tpu.memory_space<hbm>>
      %dma_wait3A_21 = arith.constant 0 : i32
      %dma_wait3A_22 = tpu.memref_slice %arg9[%mul3A_11, %dma_wait3A_21] : memref<10112x64xf32, #tpu.memory_space<vmem_shared>> -> memref<632x64xf32, #tpu.memory_space<vmem_shared>>
      tpu.wait_dma2 semaphore(%run_scoped3A : memref<!tpu.dma_semaphore, #tpu.memory_space<semaphore_mem>>) src(%dma_wait3A_22 : memref<632x64xf32, #tpu.memory_space<vmem_shared>>) dst(%dma_wait3A_20 : memref<632x64xf32, #tpu.memory_space<hbm>>)
      tpu.yield
    }) : () -> ()
    return
  }
}

#map = affine_map<(d0, d1) -> (0, 0)>
#map1 = affine_map<(d0, d1) -> (0, 0, 0, 0)>
#map2 = affine_map<(d0, d1) -> (0, 0, 0)>
module attributes {stable_mosaic.version = 14 : i64} {
  func.func @prop(%arg0: i32, %arg1: i32, %arg2: memref<20224x112xf32, #tpu.memory_space<hbm>>, %arg3: memref<2x16x160x128xi32, #tpu.memory_space<hbm>>, %arg4: memref<16x160x128xi32, #tpu.memory_space<hbm>>, %arg5: memref<20224x112xf32, #tpu.memory_space<hbm>>, %arg6: memref<32x128xi32, #tpu.memory_space<vmem>>, %arg7: memref<32x128xi32, #tpu.memory_space<vmem>>, %arg8: memref<256x112xf32, #tpu.memory_space<vmem>>, %arg9: memref<10112x112xf32, #tpu.memory_space<vmem_shared>>, %arg10: memref<!tpu.dma_semaphore, #tpu.memory_space<semaphore_mem>>, %arg11: memref<!tpu.dma_semaphore, #tpu.memory_space<semaphore_mem>>) attributes {dimension_semantics = [#tpu.dimension_semantics<core_parallel>, #tpu.dimension_semantics<subcore_parallel>], iteration_bounds = array<i64: 2, 16>, scalar_prefetch = 0 : i64, scratch_operands = 6 : i64, tpu.core_type = #tpu.core_type<sc_vector_subcore>, window_params = [{transform_indices = #map}, {transform_indices = #map1}, {transform_indices = #map2}, {transform_indices = #map}]} {
    %mul3A = arith.constant 10112 : i32
    %mul3A_0 = arith.muli %arg0, %mul3A : i32
    %mul3A_1 = arith.constant 632 : i32
    %mul3A_2 = arith.muli %arg1, %mul3A_1 : i32
    %add3A = arith.addi %mul3A_0, %mul3A_2 : i32
    %mul3A_3 = arith.constant 632 : i32
    %mul3A_4 = arith.muli %arg1, %mul3A_3 : i32
    "tpu.region"() ({
      %run_scoped3A = tpu.sem_alloc : memref<!tpu.dma_semaphore, #tpu.memory_space<semaphore_mem>>
      %dma_start3A = arith.constant 0 : i32
      %dma_start3A_17 = tpu.memref_slice %arg9[%mul3A_4, %dma_start3A] : memref<10112x112xf32, #tpu.memory_space<vmem_shared>> -> memref<632x112xf32, #tpu.memory_space<vmem_shared>>
      %dma_start3A_18 = arith.constant 0 : i32
      %dma_start3A_19 = tpu.memref_slice %arg2[%add3A, %dma_start3A_18] : memref<20224x112xf32, #tpu.memory_space<hbm>> -> memref<632x112xf32, #tpu.memory_space<hbm>>
      tpu.enqueue_dma source(%dma_start3A_19 : memref<632x112xf32, #tpu.memory_space<hbm>>) target(%dma_start3A_17 : memref<632x112xf32, #tpu.memory_space<vmem_shared>>) target_semaphore(%run_scoped3A : memref<!tpu.dma_semaphore, #tpu.memory_space<semaphore_mem>>)
      %dma_wait3A = arith.constant 0 : i32
      %dma_wait3A_20 = tpu.memref_slice %arg9[%mul3A_4, %dma_wait3A] : memref<10112x112xf32, #tpu.memory_space<vmem_shared>> -> memref<632x112xf32, #tpu.memory_space<vmem_shared>>
      %dma_wait3A_21 = arith.constant 0 : i32
      %dma_wait3A_22 = tpu.memref_slice %arg2[%add3A, %dma_wait3A_21] : memref<20224x112xf32, #tpu.memory_space<hbm>> -> memref<632x112xf32, #tpu.memory_space<hbm>>
      tpu.wait_dma2 semaphore(%run_scoped3A : memref<!tpu.dma_semaphore, #tpu.memory_space<semaphore_mem>>) src(%dma_wait3A_22 : memref<632x112xf32, #tpu.memory_space<hbm>>) dst(%dma_wait3A_20 : memref<632x112xf32, #tpu.memory_space<vmem_shared>>)
      tpu.yield
    }) : () -> ()
    %barrier3A = arith.constant 0 : index
    tpu.barrier barrier_id(%barrier3A)
    %scan3A = arith.constant 0 : i32
    %scan3A_5 = arith.constant 5 : i32
    %scan3A_6 = arith.addi %scan3A, %scan3A_5 : i32
    %scan3A_7 = arith.constant 1 : i32
    scf.for %scan3A_17 = %scan3A to %scan3A_6 step %scan3A_7  : i32 {
      %mul3A_18 = arith.constant 1 : i32
      %mul3A_19 = arith.muli %scan3A_17, %mul3A_18 : i32
      %add3A_20 = arith.constant 0 : i32
      %add3A_21 = arith.addi %add3A_20, %mul3A_19 : i32
      %mul3A_22 = arith.constant 32 : i32
      %mul3A_23 = arith.muli %add3A_21, %mul3A_22 : i32
      "tpu.region"() ({
        %run_scoped3A = tpu.sem_alloc : memref<!tpu.dma_semaphore, #tpu.memory_space<semaphore_mem>>
        %dma_start3A = arith.constant 0 : i32
        %dma_start3A_29 = arith.constant 0 : i32
        %dma_start3A_30 = arith.constant 0 : i32
        %dma_start3A_31 = tpu.memref_slice %arg3[%arg0, %dma_start3A, %dma_start3A_29, %dma_start3A_30] : memref<2x16x160x128xi32, #tpu.memory_space<hbm>> -> memref<1x16x160x128xi32, #tpu.memory_space<hbm>>
        %dma_start3A_32 = tpu.memref_squeeze %dma_start3A_31 : memref<1x16x160x128xi32, #tpu.memory_space<hbm>> -> memref<16x160x128xi32, #tpu.memory_space<hbm>>
        %dma_start3A_33 = arith.constant 0 : i32
        %dma_start3A_34 = arith.constant 0 : i32
        %dma_start3A_35 = tpu.memref_slice %dma_start3A_32[%arg1, %dma_start3A_33, %dma_start3A_34] : memref<16x160x128xi32, #tpu.memory_space<hbm>> -> memref<1x160x128xi32, #tpu.memory_space<hbm>>
        %dma_start3A_36 = tpu.memref_squeeze %dma_start3A_35 : memref<1x160x128xi32, #tpu.memory_space<hbm>> -> memref<160x128xi32, #tpu.memory_space<hbm>>
        %dma_start3A_37 = arith.constant 0 : i32
        %dma_start3A_38 = tpu.memref_slice %dma_start3A_36[%mul3A_23, %dma_start3A_37] : memref<160x128xi32, #tpu.memory_space<hbm>> -> memref<32x128xi32, #tpu.memory_space<hbm>>
        %dma_start3A_39 = arith.constant 0 : i32
        %dma_start3A_40 = arith.constant 0 : i32
        %dma_start3A_41 = arith.constant 0 : i32
        %dma_start3A_42 = tpu.memref_slice %arg3[%arg0, %dma_start3A_39, %dma_start3A_40, %dma_start3A_41] : memref<2x16x160x128xi32, #tpu.memory_space<hbm>> -> memref<1x16x160x128xi32, #tpu.memory_space<hbm>>
        %dma_start3A_43 = tpu.memref_squeeze %dma_start3A_42 : memref<1x16x160x128xi32, #tpu.memory_space<hbm>> -> memref<16x160x128xi32, #tpu.memory_space<hbm>>
        %dma_start3A_44 = arith.constant 0 : i32
        %dma_start3A_45 = arith.constant 0 : i32
        %dma_start3A_46 = tpu.memref_slice %dma_start3A_43[%arg1, %dma_start3A_44, %dma_start3A_45] : memref<16x160x128xi32, #tpu.memory_space<hbm>> -> memref<1x160x128xi32, #tpu.memory_space<hbm>>
        %dma_start3A_47 = tpu.memref_squeeze %dma_start3A_46 : memref<1x160x128xi32, #tpu.memory_space<hbm>> -> memref<160x128xi32, #tpu.memory_space<hbm>>
        %dma_start3A_48 = arith.constant 0 : i32
        %dma_start3A_49 = tpu.memref_slice %dma_start3A_47[%mul3A_23, %dma_start3A_48] : memref<160x128xi32, #tpu.memory_space<hbm>> -> memref<32x128xi32, #tpu.memory_space<hbm>>
        tpu.enqueue_dma source(%dma_start3A_49 : memref<32x128xi32, #tpu.memory_space<hbm>>) target(%arg6 : memref<32x128xi32, #tpu.memory_space<vmem>>) target_semaphore(%run_scoped3A : memref<!tpu.dma_semaphore, #tpu.memory_space<semaphore_mem>>)
        %dma_wait3A = arith.constant 0 : i32
        %dma_wait3A_50 = arith.constant 0 : i32
        %dma_wait3A_51 = arith.constant 0 : i32
        %dma_wait3A_52 = tpu.memref_slice %arg3[%arg0, %dma_wait3A, %dma_wait3A_50, %dma_wait3A_51] : memref<2x16x160x128xi32, #tpu.memory_space<hbm>> -> memref<1x16x160x128xi32, #tpu.memory_space<hbm>>
        %dma_wait3A_53 = tpu.memref_squeeze %dma_wait3A_52 : memref<1x16x160x128xi32, #tpu.memory_space<hbm>> -> memref<16x160x128xi32, #tpu.memory_space<hbm>>
        %dma_wait3A_54 = arith.constant 0 : i32
        %dma_wait3A_55 = arith.constant 0 : i32
        %dma_wait3A_56 = tpu.memref_slice %dma_wait3A_53[%arg1, %dma_wait3A_54, %dma_wait3A_55] : memref<16x160x128xi32, #tpu.memory_space<hbm>> -> memref<1x160x128xi32, #tpu.memory_space<hbm>>
        %dma_wait3A_57 = tpu.memref_squeeze %dma_wait3A_56 : memref<1x160x128xi32, #tpu.memory_space<hbm>> -> memref<160x128xi32, #tpu.memory_space<hbm>>
        %dma_wait3A_58 = arith.constant 0 : i32
        %dma_wait3A_59 = tpu.memref_slice %dma_wait3A_57[%mul3A_23, %dma_wait3A_58] : memref<160x128xi32, #tpu.memory_space<hbm>> -> memref<32x128xi32, #tpu.memory_space<hbm>>
        %dma_wait3A_60 = arith.constant 0 : i32
        %dma_wait3A_61 = arith.constant 0 : i32
        %dma_wait3A_62 = arith.constant 0 : i32
        %dma_wait3A_63 = tpu.memref_slice %arg3[%arg0, %dma_wait3A_60, %dma_wait3A_61, %dma_wait3A_62] : memref<2x16x160x128xi32, #tpu.memory_space<hbm>> -> memref<1x16x160x128xi32, #tpu.memory_space<hbm>>
        %dma_wait3A_64 = tpu.memref_squeeze %dma_wait3A_63 : memref<1x16x160x128xi32, #tpu.memory_space<hbm>> -> memref<16x160x128xi32, #tpu.memory_space<hbm>>
        %dma_wait3A_65 = arith.constant 0 : i32
        %dma_wait3A_66 = arith.constant 0 : i32
        %dma_wait3A_67 = tpu.memref_slice %dma_wait3A_64[%arg1, %dma_wait3A_65, %dma_wait3A_66] : memref<16x160x128xi32, #tpu.memory_space<hbm>> -> memref<1x160x128xi32, #tpu.memory_space<hbm>>
        %dma_wait3A_68 = tpu.memref_squeeze %dma_wait3A_67 : memref<1x160x128xi32, #tpu.memory_space<hbm>> -> memref<160x128xi32, #tpu.memory_space<hbm>>
        %dma_wait3A_69 = arith.constant 0 : i32
        %dma_wait3A_70 = tpu.memref_slice %dma_wait3A_68[%mul3A_23, %dma_wait3A_69] : memref<160x128xi32, #tpu.memory_space<hbm>> -> memref<32x128xi32, #tpu.memory_space<hbm>>
        tpu.wait_dma2 semaphore(%run_scoped3A : memref<!tpu.dma_semaphore, #tpu.memory_space<semaphore_mem>>) src(%dma_wait3A_70 : memref<32x128xi32, #tpu.memory_space<hbm>>) dst(%arg6 : memref<32x128xi32, #tpu.memory_space<vmem>>)
        tpu.yield
      }) : () -> ()
      "tpu.region"() ({
        %run_scoped3A = tpu.sem_alloc : memref<!tpu.dma_semaphore, #tpu.memory_space<semaphore_mem>>
        %dma_start3A = arith.constant 0 : i32
        %dma_start3A_29 = arith.constant 0 : i32
        %dma_start3A_30 = tpu.memref_slice %arg4[%arg1, %dma_start3A, %dma_start3A_29] : memref<16x160x128xi32, #tpu.memory_space<hbm>> -> memref<1x160x128xi32, #tpu.memory_space<hbm>>
        %dma_start3A_31 = tpu.memref_squeeze %dma_start3A_30 : memref<1x160x128xi32, #tpu.memory_space<hbm>> -> memref<160x128xi32, #tpu.memory_space<hbm>>
        %dma_start3A_32 = arith.constant 0 : i32
        %dma_start3A_33 = tpu.memref_slice %dma_start3A_31[%mul3A_23, %dma_start3A_32] : memref<160x128xi32, #tpu.memory_space<hbm>> -> memref<32x128xi32, #tpu.memory_space<hbm>>
        %dma_start3A_34 = arith.constant 0 : i32
        %dma_start3A_35 = arith.constant 0 : i32
        %dma_start3A_36 = tpu.memref_slice %arg4[%arg1, %dma_start3A_34, %dma_start3A_35] : memref<16x160x128xi32, #tpu.memory_space<hbm>> -> memref<1x160x128xi32, #tpu.memory_space<hbm>>
        %dma_start3A_37 = tpu.memref_squeeze %dma_start3A_36 : memref<1x160x128xi32, #tpu.memory_space<hbm>> -> memref<160x128xi32, #tpu.memory_space<hbm>>
        %dma_start3A_38 = arith.constant 0 : i32
        %dma_start3A_39 = tpu.memref_slice %dma_start3A_37[%mul3A_23, %dma_start3A_38] : memref<160x128xi32, #tpu.memory_space<hbm>> -> memref<32x128xi32, #tpu.memory_space<hbm>>
        tpu.enqueue_dma source(%dma_start3A_39 : memref<32x128xi32, #tpu.memory_space<hbm>>) target(%arg7 : memref<32x128xi32, #tpu.memory_space<vmem>>) target_semaphore(%run_scoped3A : memref<!tpu.dma_semaphore, #tpu.memory_space<semaphore_mem>>)
        %dma_wait3A = arith.constant 0 : i32
        %dma_wait3A_40 = arith.constant 0 : i32
        %dma_wait3A_41 = tpu.memref_slice %arg4[%arg1, %dma_wait3A, %dma_wait3A_40] : memref<16x160x128xi32, #tpu.memory_space<hbm>> -> memref<1x160x128xi32, #tpu.memory_space<hbm>>
        %dma_wait3A_42 = tpu.memref_squeeze %dma_wait3A_41 : memref<1x160x128xi32, #tpu.memory_space<hbm>> -> memref<160x128xi32, #tpu.memory_space<hbm>>
        %dma_wait3A_43 = arith.constant 0 : i32
        %dma_wait3A_44 = tpu.memref_slice %dma_wait3A_42[%mul3A_23, %dma_wait3A_43] : memref<160x128xi32, #tpu.memory_space<hbm>> -> memref<32x128xi32, #tpu.memory_space<hbm>>
        %dma_wait3A_45 = arith.constant 0 : i32
        %dma_wait3A_46 = arith.constant 0 : i32
        %dma_wait3A_47 = tpu.memref_slice %arg4[%arg1, %dma_wait3A_45, %dma_wait3A_46] : memref<16x160x128xi32, #tpu.memory_space<hbm>> -> memref<1x160x128xi32, #tpu.memory_space<hbm>>
        %dma_wait3A_48 = tpu.memref_squeeze %dma_wait3A_47 : memref<1x160x128xi32, #tpu.memory_space<hbm>> -> memref<160x128xi32, #tpu.memory_space<hbm>>
        %dma_wait3A_49 = arith.constant 0 : i32
        %dma_wait3A_50 = tpu.memref_slice %dma_wait3A_48[%mul3A_23, %dma_wait3A_49] : memref<160x128xi32, #tpu.memory_space<hbm>> -> memref<32x128xi32, #tpu.memory_space<hbm>>
        tpu.wait_dma2 semaphore(%run_scoped3A : memref<!tpu.dma_semaphore, #tpu.memory_space<semaphore_mem>>) src(%dma_wait3A_50 : memref<32x128xi32, #tpu.memory_space<hbm>>) dst(%arg7 : memref<32x128xi32, #tpu.memory_space<vmem>>)
        tpu.yield
      }) : () -> ()
      %scan3A_24 = arith.constant 0 : i32
      %scan3A_25 = arith.constant 16 : i32
      %scan3A_26 = arith.addi %scan3A_24, %scan3A_25 : i32
      %scan3A_27 = arith.constant 1 : i32
      scf.for %scan3A_29 = %scan3A_24 to %scan3A_26 step %scan3A_27  : i32 {
        %mul3A_30 = arith.constant 2 : i32
        %mul3A_31 = arith.muli %scan3A_29, %mul3A_30 : i32
        %add3A_32 = arith.constant 0 : i32
        %add3A_33 = arith.addi %add3A_32, %mul3A_31 : i32
        %dma_start3A = arith.constant 0 : i32
        %dma_start3A_34 = arith.constant 0 : i32
        %dma_start3A_35 = tpu.memref_slice %arg8[%dma_start3A, %dma_start3A_34] : memref<256x112xf32, #tpu.memory_space<vmem>> -> memref<128x112xf32, #tpu.memory_space<vmem>>
        %dma_start3A_36 = arith.constant 0 : i32
        %dma_start3A_37 = tpu.memref_slice %arg6[%add3A_33, %dma_start3A_36] : memref<32x128xi32, #tpu.memory_space<vmem>> -> memref<1x128xi32, #tpu.memory_space<vmem>>
        %dma_start3A_38 = tpu.memref_squeeze %dma_start3A_37 : memref<1x128xi32, #tpu.memory_space<vmem>> -> memref<128xi32, #tpu.memory_space<vmem>>
        %dma_start3A_39 = arith.constant 0 : i32
        %dma_start3A_40 = arith.constant 0 : i32
        %dma_start3A_41 = tpu.memref_slice %arg2[%dma_start3A_39, %dma_start3A_40] : memref<20224x112xf32, #tpu.memory_space<hbm>> -> memref<20224x112xf32, #tpu.memory_space<hbm>>
        tpu.enqueue_indirect_dma source(%dma_start3A_41 : memref<20224x112xf32, #tpu.memory_space<hbm>>) target(%dma_start3A_35 : memref<128x112xf32, #tpu.memory_space<vmem>>) offsets(%dma_start3A_38 : memref<128xi32, #tpu.memory_space<vmem>>) semaphore(%arg10 : memref<!tpu.dma_semaphore, #tpu.memory_space<semaphore_mem>>)
        %add3A_42 = arith.constant 1 : i32
        %add3A_43 = arith.addi %add3A_33, %add3A_42 : i32
        %dma_start3A_44 = arith.constant 128 : i32
        %dma_start3A_45 = arith.constant 0 : i32
        %dma_start3A_46 = tpu.memref_slice %arg8[%dma_start3A_44, %dma_start3A_45] : memref<256x112xf32, #tpu.memory_space<vmem>> -> memref<128x112xf32, #tpu.memory_space<vmem>>
        %dma_start3A_47 = arith.constant 0 : i32
        %dma_start3A_48 = tpu.memref_slice %arg6[%add3A_43, %dma_start3A_47] : memref<32x128xi32, #tpu.memory_space<vmem>> -> memref<1x128xi32, #tpu.memory_space<vmem>>
        %dma_start3A_49 = tpu.memref_squeeze %dma_start3A_48 : memref<1x128xi32, #tpu.memory_space<vmem>> -> memref<128xi32, #tpu.memory_space<vmem>>
        %dma_start3A_50 = arith.constant 0 : i32
        %dma_start3A_51 = arith.constant 0 : i32
        %dma_start3A_52 = tpu.memref_slice %arg2[%dma_start3A_50, %dma_start3A_51] : memref<20224x112xf32, #tpu.memory_space<hbm>> -> memref<20224x112xf32, #tpu.memory_space<hbm>>
        tpu.enqueue_indirect_dma source(%dma_start3A_52 : memref<20224x112xf32, #tpu.memory_space<hbm>>) target(%dma_start3A_46 : memref<128x112xf32, #tpu.memory_space<vmem>>) offsets(%dma_start3A_49 : memref<128xi32, #tpu.memory_space<vmem>>) semaphore(%arg11 : memref<!tpu.dma_semaphore, #tpu.memory_space<semaphore_mem>>)
        %dma_wait3A = arith.constant 0 : i32
        %dma_wait3A_53 = arith.constant 0 : i32
        %dma_wait3A_54 = tpu.memref_slice %arg8[%dma_wait3A, %dma_wait3A_53] : memref<256x112xf32, #tpu.memory_space<vmem>> -> memref<128x112xf32, #tpu.memory_space<vmem>>
        %dma_wait3A_55 = arith.constant 0 : i32
        %dma_wait3A_56 = tpu.memref_slice %arg6[%add3A_33, %dma_wait3A_55] : memref<32x128xi32, #tpu.memory_space<vmem>> -> memref<1x128xi32, #tpu.memory_space<vmem>>
        %dma_wait3A_57 = tpu.memref_squeeze %dma_wait3A_56 : memref<1x128xi32, #tpu.memory_space<vmem>> -> memref<128xi32, #tpu.memory_space<vmem>>
        %dma_wait3A_58 = arith.constant 0 : i32
        %dma_wait3A_59 = arith.constant 0 : i32
        %dma_wait3A_60 = tpu.memref_slice %arg2[%dma_wait3A_58, %dma_wait3A_59] : memref<20224x112xf32, #tpu.memory_space<hbm>> -> memref<20224x112xf32, #tpu.memory_space<hbm>>
        tpu.wait_indirect_dma semaphore(%arg10 : memref<!tpu.dma_semaphore, #tpu.memory_space<semaphore_mem>>) src(%dma_wait3A_60 : memref<20224x112xf32, #tpu.memory_space<hbm>>) dst(%dma_wait3A_54 : memref<128x112xf32, #tpu.memory_space<vmem>>)
        "tpu.region"() ({
          %run_scoped3A = tpu.sem_alloc : memref<!tpu.dma_semaphore, #tpu.memory_space<semaphore_mem>>
          %dma_start3A_72 = arith.constant 0 : i32
          %dma_start3A_73 = arith.constant 0 : i32
          %dma_start3A_74 = tpu.memref_slice %arg8[%dma_start3A_72, %dma_start3A_73] : memref<256x112xf32, #tpu.memory_space<vmem>> -> memref<128x112xf32, #tpu.memory_space<vmem>>
          %dma_start3A_75 = arith.constant 0 : i32
          %dma_start3A_76 = tpu.memref_slice %arg7[%add3A_33, %dma_start3A_75] : memref<32x128xi32, #tpu.memory_space<vmem>> -> memref<1x128xi32, #tpu.memory_space<vmem>>
          %dma_start3A_77 = tpu.memref_squeeze %dma_start3A_76 : memref<1x128xi32, #tpu.memory_space<vmem>> -> memref<128xi32, #tpu.memory_space<vmem>>
          %dma_start3A_78 = arith.constant 0 : i32
          %dma_start3A_79 = arith.constant 0 : i32
          %dma_start3A_80 = tpu.memref_slice %arg9[%dma_start3A_78, %dma_start3A_79] : memref<10112x112xf32, #tpu.memory_space<vmem_shared>> -> memref<10112x112xf32, #tpu.memory_space<vmem_shared>>
          tpu.enqueue_indirect_dma source(%dma_start3A_74 : memref<128x112xf32, #tpu.memory_space<vmem>>) target(%dma_start3A_80 : memref<10112x112xf32, #tpu.memory_space<vmem_shared>>) offsets(%dma_start3A_77 : memref<128xi32, #tpu.memory_space<vmem>>) semaphore(%run_scoped3A : memref<!tpu.dma_semaphore, #tpu.memory_space<semaphore_mem>>) {add = true}
          %dma_wait3A_81 = arith.constant 0 : i32
          %dma_wait3A_82 = arith.constant 0 : i32
          %dma_wait3A_83 = tpu.memref_slice %arg8[%dma_wait3A_81, %dma_wait3A_82] : memref<256x112xf32, #tpu.memory_space<vmem>> -> memref<128x112xf32, #tpu.memory_space<vmem>>
          %dma_wait3A_84 = arith.constant 0 : i32
          %dma_wait3A_85 = tpu.memref_slice %arg7[%add3A_33, %dma_wait3A_84] : memref<32x128xi32, #tpu.memory_space<vmem>> -> memref<1x128xi32, #tpu.memory_space<vmem>>
          %dma_wait3A_86 = tpu.memref_squeeze %dma_wait3A_85 : memref<1x128xi32, #tpu.memory_space<vmem>> -> memref<128xi32, #tpu.memory_space<vmem>>
          %dma_wait3A_87 = arith.constant 0 : i32
          %dma_wait3A_88 = arith.constant 0 : i32
          %dma_wait3A_89 = tpu.memref_slice %arg9[%dma_wait3A_87, %dma_wait3A_88] : memref<10112x112xf32, #tpu.memory_space<vmem_shared>> -> memref<10112x112xf32, #tpu.memory_space<vmem_shared>>
          tpu.wait_indirect_dma semaphore(%run_scoped3A : memref<!tpu.dma_semaphore, #tpu.memory_space<semaphore_mem>>) src(%dma_wait3A_83 : memref<128x112xf32, #tpu.memory_space<vmem>>) dst(%dma_wait3A_89 : memref<10112x112xf32, #tpu.memory_space<vmem_shared>>)
          tpu.yield
        }) : () -> ()
        %dma_wait3A_61 = arith.constant 128 : i32
        %dma_wait3A_62 = arith.constant 0 : i32
        %dma_wait3A_63 = tpu.memref_slice %arg8[%dma_wait3A_61, %dma_wait3A_62] : memref<256x112xf32, #tpu.memory_space<vmem>> -> memref<128x112xf32, #tpu.memory_space<vmem>>
        %dma_wait3A_64 = arith.constant 0 : i32
        %dma_wait3A_65 = tpu.memref_slice %arg6[%add3A_43, %dma_wait3A_64] : memref<32x128xi32, #tpu.memory_space<vmem>> -> memref<1x128xi32, #tpu.memory_space<vmem>>
        %dma_wait3A_66 = tpu.memref_squeeze %dma_wait3A_65 : memref<1x128xi32, #tpu.memory_space<vmem>> -> memref<128xi32, #tpu.memory_space<vmem>>
        %dma_wait3A_67 = arith.constant 0 : i32
        %dma_wait3A_68 = arith.constant 0 : i32
        %dma_wait3A_69 = tpu.memref_slice %arg2[%dma_wait3A_67, %dma_wait3A_68] : memref<20224x112xf32, #tpu.memory_space<hbm>> -> memref<20224x112xf32, #tpu.memory_space<hbm>>
        tpu.wait_indirect_dma semaphore(%arg11 : memref<!tpu.dma_semaphore, #tpu.memory_space<semaphore_mem>>) src(%dma_wait3A_69 : memref<20224x112xf32, #tpu.memory_space<hbm>>) dst(%dma_wait3A_63 : memref<128x112xf32, #tpu.memory_space<vmem>>)
        %add3A_70 = arith.constant 1 : i32
        %add3A_71 = arith.addi %add3A_33, %add3A_70 : i32
        "tpu.region"() ({
          %run_scoped3A = tpu.sem_alloc : memref<!tpu.dma_semaphore, #tpu.memory_space<semaphore_mem>>
          %dma_start3A_72 = arith.constant 128 : i32
          %dma_start3A_73 = arith.constant 0 : i32
          %dma_start3A_74 = tpu.memref_slice %arg8[%dma_start3A_72, %dma_start3A_73] : memref<256x112xf32, #tpu.memory_space<vmem>> -> memref<128x112xf32, #tpu.memory_space<vmem>>
          %dma_start3A_75 = arith.constant 0 : i32
          %dma_start3A_76 = tpu.memref_slice %arg7[%add3A_71, %dma_start3A_75] : memref<32x128xi32, #tpu.memory_space<vmem>> -> memref<1x128xi32, #tpu.memory_space<vmem>>
          %dma_start3A_77 = tpu.memref_squeeze %dma_start3A_76 : memref<1x128xi32, #tpu.memory_space<vmem>> -> memref<128xi32, #tpu.memory_space<vmem>>
          %dma_start3A_78 = arith.constant 0 : i32
          %dma_start3A_79 = arith.constant 0 : i32
          %dma_start3A_80 = tpu.memref_slice %arg9[%dma_start3A_78, %dma_start3A_79] : memref<10112x112xf32, #tpu.memory_space<vmem_shared>> -> memref<10112x112xf32, #tpu.memory_space<vmem_shared>>
          tpu.enqueue_indirect_dma source(%dma_start3A_74 : memref<128x112xf32, #tpu.memory_space<vmem>>) target(%dma_start3A_80 : memref<10112x112xf32, #tpu.memory_space<vmem_shared>>) offsets(%dma_start3A_77 : memref<128xi32, #tpu.memory_space<vmem>>) semaphore(%run_scoped3A : memref<!tpu.dma_semaphore, #tpu.memory_space<semaphore_mem>>) {add = true}
          %dma_wait3A_81 = arith.constant 128 : i32
          %dma_wait3A_82 = arith.constant 0 : i32
          %dma_wait3A_83 = tpu.memref_slice %arg8[%dma_wait3A_81, %dma_wait3A_82] : memref<256x112xf32, #tpu.memory_space<vmem>> -> memref<128x112xf32, #tpu.memory_space<vmem>>
          %dma_wait3A_84 = arith.constant 0 : i32
          %dma_wait3A_85 = tpu.memref_slice %arg7[%add3A_71, %dma_wait3A_84] : memref<32x128xi32, #tpu.memory_space<vmem>> -> memref<1x128xi32, #tpu.memory_space<vmem>>
          %dma_wait3A_86 = tpu.memref_squeeze %dma_wait3A_85 : memref<1x128xi32, #tpu.memory_space<vmem>> -> memref<128xi32, #tpu.memory_space<vmem>>
          %dma_wait3A_87 = arith.constant 0 : i32
          %dma_wait3A_88 = arith.constant 0 : i32
          %dma_wait3A_89 = tpu.memref_slice %arg9[%dma_wait3A_87, %dma_wait3A_88] : memref<10112x112xf32, #tpu.memory_space<vmem_shared>> -> memref<10112x112xf32, #tpu.memory_space<vmem_shared>>
          tpu.wait_indirect_dma semaphore(%run_scoped3A : memref<!tpu.dma_semaphore, #tpu.memory_space<semaphore_mem>>) src(%dma_wait3A_83 : memref<128x112xf32, #tpu.memory_space<vmem>>) dst(%dma_wait3A_89 : memref<10112x112xf32, #tpu.memory_space<vmem_shared>>)
          tpu.yield
        }) : () -> ()
      }
      %scan3A_28 = arith.constant 16 : i32
    }
    %scan3A_8 = arith.constant 5 : i32
    %barrier3A_9 = arith.constant 0 : index
    tpu.barrier barrier_id(%barrier3A_9)
    %mul3A_10 = arith.constant 632 : i32
    %mul3A_11 = arith.muli %arg1, %mul3A_10 : i32
    %mul3A_12 = arith.constant 10112 : i32
    %mul3A_13 = arith.muli %arg0, %mul3A_12 : i32
    %mul3A_14 = arith.constant 632 : i32
    %mul3A_15 = arith.muli %arg1, %mul3A_14 : i32
    %add3A_16 = arith.addi %mul3A_13, %mul3A_15 : i32
    "tpu.region"() ({
      %run_scoped3A = tpu.sem_alloc : memref<!tpu.dma_semaphore, #tpu.memory_space<semaphore_mem>>
      %dma_start3A = arith.constant 0 : i32
      %dma_start3A_17 = tpu.memref_slice %arg5[%add3A_16, %dma_start3A] : memref<20224x112xf32, #tpu.memory_space<hbm>> -> memref<632x112xf32, #tpu.memory_space<hbm>>
      %dma_start3A_18 = arith.constant 0 : i32
      %dma_start3A_19 = tpu.memref_slice %arg9[%mul3A_11, %dma_start3A_18] : memref<10112x112xf32, #tpu.memory_space<vmem_shared>> -> memref<632x112xf32, #tpu.memory_space<vmem_shared>>
      tpu.enqueue_dma source(%dma_start3A_19 : memref<632x112xf32, #tpu.memory_space<vmem_shared>>) target(%dma_start3A_17 : memref<632x112xf32, #tpu.memory_space<hbm>>) target_semaphore(%run_scoped3A : memref<!tpu.dma_semaphore, #tpu.memory_space<semaphore_mem>>)
      %dma_wait3A = arith.constant 0 : i32
      %dma_wait3A_20 = tpu.memref_slice %arg5[%add3A_16, %dma_wait3A] : memref<20224x112xf32, #tpu.memory_space<hbm>> -> memref<632x112xf32, #tpu.memory_space<hbm>>
      %dma_wait3A_21 = arith.constant 0 : i32
      %dma_wait3A_22 = tpu.memref_slice %arg9[%mul3A_11, %dma_wait3A_21] : memref<10112x112xf32, #tpu.memory_space<vmem_shared>> -> memref<632x112xf32, #tpu.memory_space<vmem_shared>>
      tpu.wait_dma2 semaphore(%run_scoped3A : memref<!tpu.dma_semaphore, #tpu.memory_space<semaphore_mem>>) src(%dma_wait3A_22 : memref<632x112xf32, #tpu.memory_space<vmem_shared>>) dst(%dma_wait3A_20 : memref<632x112xf32, #tpu.memory_space<hbm>>)
      tpu.yield
    }) : () -> ()
    return
  }
}

#map = affine_map<(d0, d1) -> (0, 0)>
#map1 = affine_map<(d0, d1) -> (0, 0, 0, 0)>
#map2 = affine_map<(d0, d1) -> (0, 0, 0)>
module attributes {stable_mosaic.version = 14 : i64} {
  func.func @prop(%arg0: i32, %arg1: i32, %arg2: memref<20224x112xf32, #tpu.memory_space<hbm>>, %arg3: memref<2x16x160x128xi32, #tpu.memory_space<hbm>>, %arg4: memref<16x160x128xi32, #tpu.memory_space<hbm>>, %arg5: memref<20224x112xf32, #tpu.memory_space<hbm>>, %arg6: memref<32x128xi32, #tpu.memory_space<vmem>>, %arg7: memref<32x128xi32, #tpu.memory_space<vmem>>, %arg8: memref<256x112xf32, #tpu.memory_space<vmem>>, %arg9: memref<10112x112xf32, #tpu.memory_space<vmem_shared>>, %arg10: memref<!tpu.dma_semaphore, #tpu.memory_space<semaphore_mem>>, %arg11: memref<!tpu.dma_semaphore, #tpu.memory_space<semaphore_mem>>) attributes {dimension_semantics = [#tpu.dimension_semantics<core_parallel>, #tpu.dimension_semantics<subcore_parallel>], iteration_bounds = array<i64: 2, 16>, scalar_prefetch = 0 : i64, scratch_operands = 6 : i64, tpu.core_type = #tpu.core_type<sc_vector_subcore>, window_params = [{transform_indices = #map}, {transform_indices = #map1}, {transform_indices = #map2}, {transform_indices = #map}]} {
    %mul3A = arith.constant 10112 : i32
    %mul3A_0 = arith.muli %arg0, %mul3A : i32
    %mul3A_1 = arith.constant 632 : i32
    %mul3A_2 = arith.muli %arg1, %mul3A_1 : i32
    %add3A = arith.addi %mul3A_0, %mul3A_2 : i32
    %mul3A_3 = arith.constant 632 : i32
    %mul3A_4 = arith.muli %arg1, %mul3A_3 : i32
    "tpu.region"() ({
      %run_scoped3A = tpu.sem_alloc : memref<!tpu.dma_semaphore, #tpu.memory_space<semaphore_mem>>
      %dma_start3A = arith.constant 0 : i32
      %dma_start3A_17 = tpu.memref_slice %arg9[%mul3A_4, %dma_start3A] : memref<10112x112xf32, #tpu.memory_space<vmem_shared>> -> memref<632x112xf32, #tpu.memory_space<vmem_shared>>
      %dma_start3A_18 = arith.constant 0 : i32
      %dma_start3A_19 = tpu.memref_slice %arg2[%add3A, %dma_start3A_18] : memref<20224x112xf32, #tpu.memory_space<hbm>> -> memref<632x112xf32, #tpu.memory_space<hbm>>
      tpu.enqueue_dma source(%dma_start3A_19 : memref<632x112xf32, #tpu.memory_space<hbm>>) target(%dma_start3A_17 : memref<632x112xf32, #tpu.memory_space<vmem_shared>>) target_semaphore(%run_scoped3A : memref<!tpu.dma_semaphore, #tpu.memory_space<semaphore_mem>>)
      %dma_wait3A = arith.constant 0 : i32
      %dma_wait3A_20 = tpu.memref_slice %arg9[%mul3A_4, %dma_wait3A] : memref<10112x112xf32, #tpu.memory_space<vmem_shared>> -> memref<632x112xf32, #tpu.memory_space<vmem_shared>>
      %dma_wait3A_21 = arith.constant 0 : i32
      %dma_wait3A_22 = tpu.memref_slice %arg2[%add3A, %dma_wait3A_21] : memref<20224x112xf32, #tpu.memory_space<hbm>> -> memref<632x112xf32, #tpu.memory_space<hbm>>
      tpu.wait_dma2 semaphore(%run_scoped3A : memref<!tpu.dma_semaphore, #tpu.memory_space<semaphore_mem>>) src(%dma_wait3A_22 : memref<632x112xf32, #tpu.memory_space<hbm>>) dst(%dma_wait3A_20 : memref<632x112xf32, #tpu.memory_space<vmem_shared>>)
      tpu.yield
    }) : () -> ()
    %barrier3A = arith.constant 0 : index
    tpu.barrier barrier_id(%barrier3A)
    %scan3A = arith.constant 0 : i32
    %scan3A_5 = arith.constant 5 : i32
    %scan3A_6 = arith.addi %scan3A, %scan3A_5 : i32
    %scan3A_7 = arith.constant 1 : i32
    scf.for %scan3A_17 = %scan3A to %scan3A_6 step %scan3A_7  : i32 {
      %mul3A_18 = arith.constant 1 : i32
      %mul3A_19 = arith.muli %scan3A_17, %mul3A_18 : i32
      %add3A_20 = arith.constant 0 : i32
      %add3A_21 = arith.addi %add3A_20, %mul3A_19 : i32
      %mul3A_22 = arith.constant 32 : i32
      %mul3A_23 = arith.muli %add3A_21, %mul3A_22 : i32
      "tpu.region"() ({
        %run_scoped3A = tpu.sem_alloc : memref<!tpu.dma_semaphore, #tpu.memory_space<semaphore_mem>>
        %dma_start3A = arith.constant 0 : i32
        %dma_start3A_29 = arith.constant 0 : i32
        %dma_start3A_30 = arith.constant 0 : i32
        %dma_start3A_31 = tpu.memref_slice %arg3[%arg0, %dma_start3A, %dma_start3A_29, %dma_start3A_30] : memref<2x16x160x128xi32, #tpu.memory_space<hbm>> -> memref<1x16x160x128xi32, #tpu.memory_space<hbm>>
        %dma_start3A_32 = tpu.memref_squeeze %dma_start3A_31 : memref<1x16x160x128xi32, #tpu.memory_space<hbm>> -> memref<16x160x128xi32, #tpu.memory_space<hbm>>
        %dma_start3A_33 = arith.constant 0 : i32
        %dma_start3A_34 = arith.constant 0 : i32
        %dma_start3A_35 = tpu.memref_slice %dma_start3A_32[%arg1, %dma_start3A_33, %dma_start3A_34] : memref<16x160x128xi32, #tpu.memory_space<hbm>> -> memref<1x160x128xi32, #tpu.memory_space<hbm>>
        %dma_start3A_36 = tpu.memref_squeeze %dma_start3A_35 : memref<1x160x128xi32, #tpu.memory_space<hbm>> -> memref<160x128xi32, #tpu.memory_space<hbm>>
        %dma_start3A_37 = arith.constant 0 : i32
        %dma_start3A_38 = tpu.memref_slice %dma_start3A_36[%mul3A_23, %dma_start3A_37] : memref<160x128xi32, #tpu.memory_space<hbm>> -> memref<32x128xi32, #tpu.memory_space<hbm>>
        %dma_start3A_39 = arith.constant 0 : i32
        %dma_start3A_40 = arith.constant 0 : i32
        %dma_start3A_41 = arith.constant 0 : i32
        %dma_start3A_42 = tpu.memref_slice %arg3[%arg0, %dma_start3A_39, %dma_start3A_40, %dma_start3A_41] : memref<2x16x160x128xi32, #tpu.memory_space<hbm>> -> memref<1x16x160x128xi32, #tpu.memory_space<hbm>>
        %dma_start3A_43 = tpu.memref_squeeze %dma_start3A_42 : memref<1x16x160x128xi32, #tpu.memory_space<hbm>> -> memref<16x160x128xi32, #tpu.memory_space<hbm>>
        %dma_start3A_44 = arith.constant 0 : i32
        %dma_start3A_45 = arith.constant 0 : i32
        %dma_start3A_46 = tpu.memref_slice %dma_start3A_43[%arg1, %dma_start3A_44, %dma_start3A_45] : memref<16x160x128xi32, #tpu.memory_space<hbm>> -> memref<1x160x128xi32, #tpu.memory_space<hbm>>
        %dma_start3A_47 = tpu.memref_squeeze %dma_start3A_46 : memref<1x160x128xi32, #tpu.memory_space<hbm>> -> memref<160x128xi32, #tpu.memory_space<hbm>>
        %dma_start3A_48 = arith.constant 0 : i32
        %dma_start3A_49 = tpu.memref_slice %dma_start3A_47[%mul3A_23, %dma_start3A_48] : memref<160x128xi32, #tpu.memory_space<hbm>> -> memref<32x128xi32, #tpu.memory_space<hbm>>
        tpu.enqueue_dma source(%dma_start3A_49 : memref<32x128xi32, #tpu.memory_space<hbm>>) target(%arg6 : memref<32x128xi32, #tpu.memory_space<vmem>>) target_semaphore(%run_scoped3A : memref<!tpu.dma_semaphore, #tpu.memory_space<semaphore_mem>>)
        %dma_wait3A = arith.constant 0 : i32
        %dma_wait3A_50 = arith.constant 0 : i32
        %dma_wait3A_51 = arith.constant 0 : i32
        %dma_wait3A_52 = tpu.memref_slice %arg3[%arg0, %dma_wait3A, %dma_wait3A_50, %dma_wait3A_51] : memref<2x16x160x128xi32, #tpu.memory_space<hbm>> -> memref<1x16x160x128xi32, #tpu.memory_space<hbm>>
        %dma_wait3A_53 = tpu.memref_squeeze %dma_wait3A_52 : memref<1x16x160x128xi32, #tpu.memory_space<hbm>> -> memref<16x160x128xi32, #tpu.memory_space<hbm>>
        %dma_wait3A_54 = arith.constant 0 : i32
        %dma_wait3A_55 = arith.constant 0 : i32
        %dma_wait3A_56 = tpu.memref_slice %dma_wait3A_53[%arg1, %dma_wait3A_54, %dma_wait3A_55] : memref<16x160x128xi32, #tpu.memory_space<hbm>> -> memref<1x160x128xi32, #tpu.memory_space<hbm>>
        %dma_wait3A_57 = tpu.memref_squeeze %dma_wait3A_56 : memref<1x160x128xi32, #tpu.memory_space<hbm>> -> memref<160x128xi32, #tpu.memory_space<hbm>>
        %dma_wait3A_58 = arith.constant 0 : i32
        %dma_wait3A_59 = tpu.memref_slice %dma_wait3A_57[%mul3A_23, %dma_wait3A_58] : memref<160x128xi32, #tpu.memory_space<hbm>> -> memref<32x128xi32, #tpu.memory_space<hbm>>
        %dma_wait3A_60 = arith.constant 0 : i32
        %dma_wait3A_61 = arith.constant 0 : i32
        %dma_wait3A_62 = arith.constant 0 : i32
        %dma_wait3A_63 = tpu.memref_slice %arg3[%arg0, %dma_wait3A_60, %dma_wait3A_61, %dma_wait3A_62] : memref<2x16x160x128xi32, #tpu.memory_space<hbm>> -> memref<1x16x160x128xi32, #tpu.memory_space<hbm>>
        %dma_wait3A_64 = tpu.memref_squeeze %dma_wait3A_63 : memref<1x16x160x128xi32, #tpu.memory_space<hbm>> -> memref<16x160x128xi32, #tpu.memory_space<hbm>>
        %dma_wait3A_65 = arith.constant 0 : i32
        %dma_wait3A_66 = arith.constant 0 : i32
        %dma_wait3A_67 = tpu.memref_slice %dma_wait3A_64[%arg1, %dma_wait3A_65, %dma_wait3A_66] : memref<16x160x128xi32, #tpu.memory_space<hbm>> -> memref<1x160x128xi32, #tpu.memory_space<hbm>>
        %dma_wait3A_68 = tpu.memref_squeeze %dma_wait3A_67 : memref<1x160x128xi32, #tpu.memory_space<hbm>> -> memref<160x128xi32, #tpu.memory_space<hbm>>
        %dma_wait3A_69 = arith.constant 0 : i32
        %dma_wait3A_70 = tpu.memref_slice %dma_wait3A_68[%mul3A_23, %dma_wait3A_69] : memref<160x128xi32, #tpu.memory_space<hbm>> -> memref<32x128xi32, #tpu.memory_space<hbm>>
        tpu.wait_dma2 semaphore(%run_scoped3A : memref<!tpu.dma_semaphore, #tpu.memory_space<semaphore_mem>>) src(%dma_wait3A_70 : memref<32x128xi32, #tpu.memory_space<hbm>>) dst(%arg6 : memref<32x128xi32, #tpu.memory_space<vmem>>)
        tpu.yield
      }) : () -> ()
      "tpu.region"() ({
        %run_scoped3A = tpu.sem_alloc : memref<!tpu.dma_semaphore, #tpu.memory_space<semaphore_mem>>
        %dma_start3A = arith.constant 0 : i32
        %dma_start3A_29 = arith.constant 0 : i32
        %dma_start3A_30 = tpu.memref_slice %arg4[%arg1, %dma_start3A, %dma_start3A_29] : memref<16x160x128xi32, #tpu.memory_space<hbm>> -> memref<1x160x128xi32, #tpu.memory_space<hbm>>
        %dma_start3A_31 = tpu.memref_squeeze %dma_start3A_30 : memref<1x160x128xi32, #tpu.memory_space<hbm>> -> memref<160x128xi32, #tpu.memory_space<hbm>>
        %dma_start3A_32 = arith.constant 0 : i32
        %dma_start3A_33 = tpu.memref_slice %dma_start3A_31[%mul3A_23, %dma_start3A_32] : memref<160x128xi32, #tpu.memory_space<hbm>> -> memref<32x128xi32, #tpu.memory_space<hbm>>
        %dma_start3A_34 = arith.constant 0 : i32
        %dma_start3A_35 = arith.constant 0 : i32
        %dma_start3A_36 = tpu.memref_slice %arg4[%arg1, %dma_start3A_34, %dma_start3A_35] : memref<16x160x128xi32, #tpu.memory_space<hbm>> -> memref<1x160x128xi32, #tpu.memory_space<hbm>>
        %dma_start3A_37 = tpu.memref_squeeze %dma_start3A_36 : memref<1x160x128xi32, #tpu.memory_space<hbm>> -> memref<160x128xi32, #tpu.memory_space<hbm>>
        %dma_start3A_38 = arith.constant 0 : i32
        %dma_start3A_39 = tpu.memref_slice %dma_start3A_37[%mul3A_23, %dma_start3A_38] : memref<160x128xi32, #tpu.memory_space<hbm>> -> memref<32x128xi32, #tpu.memory_space<hbm>>
        tpu.enqueue_dma source(%dma_start3A_39 : memref<32x128xi32, #tpu.memory_space<hbm>>) target(%arg7 : memref<32x128xi32, #tpu.memory_space<vmem>>) target_semaphore(%run_scoped3A : memref<!tpu.dma_semaphore, #tpu.memory_space<semaphore_mem>>)
        %dma_wait3A = arith.constant 0 : i32
        %dma_wait3A_40 = arith.constant 0 : i32
        %dma_wait3A_41 = tpu.memref_slice %arg4[%arg1, %dma_wait3A, %dma_wait3A_40] : memref<16x160x128xi32, #tpu.memory_space<hbm>> -> memref<1x160x128xi32, #tpu.memory_space<hbm>>
        %dma_wait3A_42 = tpu.memref_squeeze %dma_wait3A_41 : memref<1x160x128xi32, #tpu.memory_space<hbm>> -> memref<160x128xi32, #tpu.memory_space<hbm>>
        %dma_wait3A_43 = arith.constant 0 : i32
        %dma_wait3A_44 = tpu.memref_slice %dma_wait3A_42[%mul3A_23, %dma_wait3A_43] : memref<160x128xi32, #tpu.memory_space<hbm>> -> memref<32x128xi32, #tpu.memory_space<hbm>>
        %dma_wait3A_45 = arith.constant 0 : i32
        %dma_wait3A_46 = arith.constant 0 : i32
        %dma_wait3A_47 = tpu.memref_slice %arg4[%arg1, %dma_wait3A_45, %dma_wait3A_46] : memref<16x160x128xi32, #tpu.memory_space<hbm>> -> memref<1x160x128xi32, #tpu.memory_space<hbm>>
        %dma_wait3A_48 = tpu.memref_squeeze %dma_wait3A_47 : memref<1x160x128xi32, #tpu.memory_space<hbm>> -> memref<160x128xi32, #tpu.memory_space<hbm>>
        %dma_wait3A_49 = arith.constant 0 : i32
        %dma_wait3A_50 = tpu.memref_slice %dma_wait3A_48[%mul3A_23, %dma_wait3A_49] : memref<160x128xi32, #tpu.memory_space<hbm>> -> memref<32x128xi32, #tpu.memory_space<hbm>>
        tpu.wait_dma2 semaphore(%run_scoped3A : memref<!tpu.dma_semaphore, #tpu.memory_space<semaphore_mem>>) src(%dma_wait3A_50 : memref<32x128xi32, #tpu.memory_space<hbm>>) dst(%arg7 : memref<32x128xi32, #tpu.memory_space<vmem>>)
        tpu.yield
      }) : () -> ()
      %scan3A_24 = arith.constant 0 : i32
      %scan3A_25 = arith.constant 16 : i32
      %scan3A_26 = arith.addi %scan3A_24, %scan3A_25 : i32
      %scan3A_27 = arith.constant 1 : i32
      scf.for %scan3A_29 = %scan3A_24 to %scan3A_26 step %scan3A_27  : i32 {
        %mul3A_30 = arith.constant 2 : i32
        %mul3A_31 = arith.muli %scan3A_29, %mul3A_30 : i32
        %add3A_32 = arith.constant 0 : i32
        %add3A_33 = arith.addi %add3A_32, %mul3A_31 : i32
        %dma_start3A = arith.constant 0 : i32
        %dma_start3A_34 = arith.constant 0 : i32
        %dma_start3A_35 = tpu.memref_slice %arg8[%dma_start3A, %dma_start3A_34] : memref<256x112xf32, #tpu.memory_space<vmem>> -> memref<128x112xf32, #tpu.memory_space<vmem>>
        %dma_start3A_36 = arith.constant 0 : i32
        %dma_start3A_37 = tpu.memref_slice %arg6[%add3A_33, %dma_start3A_36] : memref<32x128xi32, #tpu.memory_space<vmem>> -> memref<1x128xi32, #tpu.memory_space<vmem>>
        %dma_start3A_38 = tpu.memref_squeeze %dma_start3A_37 : memref<1x128xi32, #tpu.memory_space<vmem>> -> memref<128xi32, #tpu.memory_space<vmem>>
        %dma_start3A_39 = arith.constant 0 : i32
        %dma_start3A_40 = arith.constant 0 : i32
        %dma_start3A_41 = tpu.memref_slice %arg2[%dma_start3A_39, %dma_start3A_40] : memref<20224x112xf32, #tpu.memory_space<hbm>> -> memref<20224x112xf32, #tpu.memory_space<hbm>>
        tpu.enqueue_indirect_dma source(%dma_start3A_41 : memref<20224x112xf32, #tpu.memory_space<hbm>>) target(%dma_start3A_35 : memref<128x112xf32, #tpu.memory_space<vmem>>) offsets(%dma_start3A_38 : memref<128xi32, #tpu.memory_space<vmem>>) semaphore(%arg10 : memref<!tpu.dma_semaphore, #tpu.memory_space<semaphore_mem>>)
        %add3A_42 = arith.constant 1 : i32
        %add3A_43 = arith.addi %add3A_33, %add3A_42 : i32
        %dma_start3A_44 = arith.constant 128 : i32
        %dma_start3A_45 = arith.constant 0 : i32
        %dma_start3A_46 = tpu.memref_slice %arg8[%dma_start3A_44, %dma_start3A_45] : memref<256x112xf32, #tpu.memory_space<vmem>> -> memref<128x112xf32, #tpu.memory_space<vmem>>
        %dma_start3A_47 = arith.constant 0 : i32
        %dma_start3A_48 = tpu.memref_slice %arg6[%add3A_43, %dma_start3A_47] : memref<32x128xi32, #tpu.memory_space<vmem>> -> memref<1x128xi32, #tpu.memory_space<vmem>>
        %dma_start3A_49 = tpu.memref_squeeze %dma_start3A_48 : memref<1x128xi32, #tpu.memory_space<vmem>> -> memref<128xi32, #tpu.memory_space<vmem>>
        %dma_start3A_50 = arith.constant 0 : i32
        %dma_start3A_51 = arith.constant 0 : i32
        %dma_start3A_52 = tpu.memref_slice %arg2[%dma_start3A_50, %dma_start3A_51] : memref<20224x112xf32, #tpu.memory_space<hbm>> -> memref<20224x112xf32, #tpu.memory_space<hbm>>
        tpu.enqueue_indirect_dma source(%dma_start3A_52 : memref<20224x112xf32, #tpu.memory_space<hbm>>) target(%dma_start3A_46 : memref<128x112xf32, #tpu.memory_space<vmem>>) offsets(%dma_start3A_49 : memref<128xi32, #tpu.memory_space<vmem>>) semaphore(%arg11 : memref<!tpu.dma_semaphore, #tpu.memory_space<semaphore_mem>>)
        %dma_wait3A = arith.constant 0 : i32
        %dma_wait3A_53 = arith.constant 0 : i32
        %dma_wait3A_54 = tpu.memref_slice %arg8[%dma_wait3A, %dma_wait3A_53] : memref<256x112xf32, #tpu.memory_space<vmem>> -> memref<128x112xf32, #tpu.memory_space<vmem>>
        %dma_wait3A_55 = arith.constant 0 : i32
        %dma_wait3A_56 = tpu.memref_slice %arg6[%add3A_33, %dma_wait3A_55] : memref<32x128xi32, #tpu.memory_space<vmem>> -> memref<1x128xi32, #tpu.memory_space<vmem>>
        %dma_wait3A_57 = tpu.memref_squeeze %dma_wait3A_56 : memref<1x128xi32, #tpu.memory_space<vmem>> -> memref<128xi32, #tpu.memory_space<vmem>>
        %dma_wait3A_58 = arith.constant 0 : i32
        %dma_wait3A_59 = arith.constant 0 : i32
        %dma_wait3A_60 = tpu.memref_slice %arg2[%dma_wait3A_58, %dma_wait3A_59] : memref<20224x112xf32, #tpu.memory_space<hbm>> -> memref<20224x112xf32, #tpu.memory_space<hbm>>
        tpu.wait_indirect_dma semaphore(%arg10 : memref<!tpu.dma_semaphore, #tpu.memory_space<semaphore_mem>>) src(%dma_wait3A_60 : memref<20224x112xf32, #tpu.memory_space<hbm>>) dst(%dma_wait3A_54 : memref<128x112xf32, #tpu.memory_space<vmem>>)
        "tpu.region"() ({
          %run_scoped3A = tpu.sem_alloc : memref<!tpu.dma_semaphore, #tpu.memory_space<semaphore_mem>>
          %dma_start3A_72 = arith.constant 0 : i32
          %dma_start3A_73 = arith.constant 0 : i32
          %dma_start3A_74 = tpu.memref_slice %arg8[%dma_start3A_72, %dma_start3A_73] : memref<256x112xf32, #tpu.memory_space<vmem>> -> memref<128x112xf32, #tpu.memory_space<vmem>>
          %dma_start3A_75 = arith.constant 0 : i32
          %dma_start3A_76 = tpu.memref_slice %arg7[%add3A_33, %dma_start3A_75] : memref<32x128xi32, #tpu.memory_space<vmem>> -> memref<1x128xi32, #tpu.memory_space<vmem>>
          %dma_start3A_77 = tpu.memref_squeeze %dma_start3A_76 : memref<1x128xi32, #tpu.memory_space<vmem>> -> memref<128xi32, #tpu.memory_space<vmem>>
          %dma_start3A_78 = arith.constant 0 : i32
          %dma_start3A_79 = arith.constant 0 : i32
          %dma_start3A_80 = tpu.memref_slice %arg9[%dma_start3A_78, %dma_start3A_79] : memref<10112x112xf32, #tpu.memory_space<vmem_shared>> -> memref<10112x112xf32, #tpu.memory_space<vmem_shared>>
          tpu.enqueue_indirect_dma source(%dma_start3A_74 : memref<128x112xf32, #tpu.memory_space<vmem>>) target(%dma_start3A_80 : memref<10112x112xf32, #tpu.memory_space<vmem_shared>>) offsets(%dma_start3A_77 : memref<128xi32, #tpu.memory_space<vmem>>) semaphore(%run_scoped3A : memref<!tpu.dma_semaphore, #tpu.memory_space<semaphore_mem>>) {add = true}
          %dma_wait3A_81 = arith.constant 0 : i32
          %dma_wait3A_82 = arith.constant 0 : i32
          %dma_wait3A_83 = tpu.memref_slice %arg8[%dma_wait3A_81, %dma_wait3A_82] : memref<256x112xf32, #tpu.memory_space<vmem>> -> memref<128x112xf32, #tpu.memory_space<vmem>>
          %dma_wait3A_84 = arith.constant 0 : i32
          %dma_wait3A_85 = tpu.memref_slice %arg7[%add3A_33, %dma_wait3A_84] : memref<32x128xi32, #tpu.memory_space<vmem>> -> memref<1x128xi32, #tpu.memory_space<vmem>>
          %dma_wait3A_86 = tpu.memref_squeeze %dma_wait3A_85 : memref<1x128xi32, #tpu.memory_space<vmem>> -> memref<128xi32, #tpu.memory_space<vmem>>
          %dma_wait3A_87 = arith.constant 0 : i32
          %dma_wait3A_88 = arith.constant 0 : i32
          %dma_wait3A_89 = tpu.memref_slice %arg9[%dma_wait3A_87, %dma_wait3A_88] : memref<10112x112xf32, #tpu.memory_space<vmem_shared>> -> memref<10112x112xf32, #tpu.memory_space<vmem_shared>>
          tpu.wait_indirect_dma semaphore(%run_scoped3A : memref<!tpu.dma_semaphore, #tpu.memory_space<semaphore_mem>>) src(%dma_wait3A_83 : memref<128x112xf32, #tpu.memory_space<vmem>>) dst(%dma_wait3A_89 : memref<10112x112xf32, #tpu.memory_space<vmem_shared>>)
          tpu.yield
        }) : () -> ()
        %dma_wait3A_61 = arith.constant 128 : i32
        %dma_wait3A_62 = arith.constant 0 : i32
        %dma_wait3A_63 = tpu.memref_slice %arg8[%dma_wait3A_61, %dma_wait3A_62] : memref<256x112xf32, #tpu.memory_space<vmem>> -> memref<128x112xf32, #tpu.memory_space<vmem>>
        %dma_wait3A_64 = arith.constant 0 : i32
        %dma_wait3A_65 = tpu.memref_slice %arg6[%add3A_43, %dma_wait3A_64] : memref<32x128xi32, #tpu.memory_space<vmem>> -> memref<1x128xi32, #tpu.memory_space<vmem>>
        %dma_wait3A_66 = tpu.memref_squeeze %dma_wait3A_65 : memref<1x128xi32, #tpu.memory_space<vmem>> -> memref<128xi32, #tpu.memory_space<vmem>>
        %dma_wait3A_67 = arith.constant 0 : i32
        %dma_wait3A_68 = arith.constant 0 : i32
        %dma_wait3A_69 = tpu.memref_slice %arg2[%dma_wait3A_67, %dma_wait3A_68] : memref<20224x112xf32, #tpu.memory_space<hbm>> -> memref<20224x112xf32, #tpu.memory_space<hbm>>
        tpu.wait_indirect_dma semaphore(%arg11 : memref<!tpu.dma_semaphore, #tpu.memory_space<semaphore_mem>>) src(%dma_wait3A_69 : memref<20224x112xf32, #tpu.memory_space<hbm>>) dst(%dma_wait3A_63 : memref<128x112xf32, #tpu.memory_space<vmem>>)
        %add3A_70 = arith.constant 1 : i32
        %add3A_71 = arith.addi %add3A_33, %add3A_70 : i32
        "tpu.region"() ({
          %run_scoped3A = tpu.sem_alloc : memref<!tpu.dma_semaphore, #tpu.memory_space<semaphore_mem>>
          %dma_start3A_72 = arith.constant 128 : i32
          %dma_start3A_73 = arith.constant 0 : i32
          %dma_start3A_74 = tpu.memref_slice %arg8[%dma_start3A_72, %dma_start3A_73] : memref<256x112xf32, #tpu.memory_space<vmem>> -> memref<128x112xf32, #tpu.memory_space<vmem>>
          %dma_start3A_75 = arith.constant 0 : i32
          %dma_start3A_76 = tpu.memref_slice %arg7[%add3A_71, %dma_start3A_75] : memref<32x128xi32, #tpu.memory_space<vmem>> -> memref<1x128xi32, #tpu.memory_space<vmem>>
          %dma_start3A_77 = tpu.memref_squeeze %dma_start3A_76 : memref<1x128xi32, #tpu.memory_space<vmem>> -> memref<128xi32, #tpu.memory_space<vmem>>
          %dma_start3A_78 = arith.constant 0 : i32
          %dma_start3A_79 = arith.constant 0 : i32
          %dma_start3A_80 = tpu.memref_slice %arg9[%dma_start3A_78, %dma_start3A_79] : memref<10112x112xf32, #tpu.memory_space<vmem_shared>> -> memref<10112x112xf32, #tpu.memory_space<vmem_shared>>
          tpu.enqueue_indirect_dma source(%dma_start3A_74 : memref<128x112xf32, #tpu.memory_space<vmem>>) target(%dma_start3A_80 : memref<10112x112xf32, #tpu.memory_space<vmem_shared>>) offsets(%dma_start3A_77 : memref<128xi32, #tpu.memory_space<vmem>>) semaphore(%run_scoped3A : memref<!tpu.dma_semaphore, #tpu.memory_space<semaphore_mem>>) {add = true}
          %dma_wait3A_81 = arith.constant 128 : i32
          %dma_wait3A_82 = arith.constant 0 : i32
          %dma_wait3A_83 = tpu.memref_slice %arg8[%dma_wait3A_81, %dma_wait3A_82] : memref<256x112xf32, #tpu.memory_space<vmem>> -> memref<128x112xf32, #tpu.memory_space<vmem>>
          %dma_wait3A_84 = arith.constant 0 : i32
          %dma_wait3A_85 = tpu.memref_slice %arg7[%add3A_71, %dma_wait3A_84] : memref<32x128xi32, #tpu.memory_space<vmem>> -> memref<1x128xi32, #tpu.memory_space<vmem>>
          %dma_wait3A_86 = tpu.memref_squeeze %dma_wait3A_85 : memref<1x128xi32, #tpu.memory_space<vmem>> -> memref<128xi32, #tpu.memory_space<vmem>>
          %dma_wait3A_87 = arith.constant 0 : i32
          %dma_wait3A_88 = arith.constant 0 : i32
          %dma_wait3A_89 = tpu.memref_slice %arg9[%dma_wait3A_87, %dma_wait3A_88] : memref<10112x112xf32, #tpu.memory_space<vmem_shared>> -> memref<10112x112xf32, #tpu.memory_space<vmem_shared>>
          tpu.wait_indirect_dma semaphore(%run_scoped3A : memref<!tpu.dma_semaphore, #tpu.memory_space<semaphore_mem>>) src(%dma_wait3A_83 : memref<128x112xf32, #tpu.memory_space<vmem>>) dst(%dma_wait3A_89 : memref<10112x112xf32, #tpu.memory_space<vmem_shared>>)
          tpu.yield
        }) : () -> ()
      }
      %scan3A_28 = arith.constant 16 : i32
    }
    %scan3A_8 = arith.constant 5 : i32
    %barrier3A_9 = arith.constant 0 : index
    tpu.barrier barrier_id(%barrier3A_9)
    %mul3A_10 = arith.constant 632 : i32
    %mul3A_11 = arith.muli %arg1, %mul3A_10 : i32
    %mul3A_12 = arith.constant 10112 : i32
    %mul3A_13 = arith.muli %arg0, %mul3A_12 : i32
    %mul3A_14 = arith.constant 632 : i32
    %mul3A_15 = arith.muli %arg1, %mul3A_14 : i32
    %add3A_16 = arith.addi %mul3A_13, %mul3A_15 : i32
    "tpu.region"() ({
      %run_scoped3A = tpu.sem_alloc : memref<!tpu.dma_semaphore, #tpu.memory_space<semaphore_mem>>
      %dma_start3A = arith.constant 0 : i32
      %dma_start3A_17 = tpu.memref_slice %arg5[%add3A_16, %dma_start3A] : memref<20224x112xf32, #tpu.memory_space<hbm>> -> memref<632x112xf32, #tpu.memory_space<hbm>>
      %dma_start3A_18 = arith.constant 0 : i32
      %dma_start3A_19 = tpu.memref_slice %arg9[%mul3A_11, %dma_start3A_18] : memref<10112x112xf32, #tpu.memory_space<vmem_shared>> -> memref<632x112xf32, #tpu.memory_space<vmem_shared>>
      tpu.enqueue_dma source(%dma_start3A_19 : memref<632x112xf32, #tpu.memory_space<vmem_shared>>) target(%dma_start3A_17 : memref<632x112xf32, #tpu.memory_space<hbm>>) target_semaphore(%run_scoped3A : memref<!tpu.dma_semaphore, #tpu.memory_space<semaphore_mem>>)
      %dma_wait3A = arith.constant 0 : i32
      %dma_wait3A_20 = tpu.memref_slice %arg5[%add3A_16, %dma_wait3A] : memref<20224x112xf32, #tpu.memory_space<hbm>> -> memref<632x112xf32, #tpu.memory_space<hbm>>
      %dma_wait3A_21 = arith.constant 0 : i32
      %dma_wait3A_22 = tpu.memref_slice %arg9[%mul3A_11, %dma_wait3A_21] : memref<10112x112xf32, #tpu.memory_space<vmem_shared>> -> memref<632x112xf32, #tpu.memory_space<vmem_shared>>
      tpu.wait_dma2 semaphore(%run_scoped3A : memref<!tpu.dma_semaphore, #tpu.memory_space<semaphore_mem>>) src(%dma_wait3A_22 : memref<632x112xf32, #tpu.memory_space<vmem_shared>>) dst(%dma_wait3A_20 : memref<632x112xf32, #tpu.memory_space<hbm>>)
      tpu.yield
    }) : () -> ()
    return
  }
}

module attributes {stable_mosaic.version = 14 : i64} {
  func.func @body(%arg0: i32, %arg1: i32, %arg2: memref<1x632x32xf32, #tpu.memory_space<vmem>>, %arg3: memref<1x632x64xf32, #tpu.memory_space<vmem>>, %arg4: memref<632x16xf32, #tpu.memory_space<vmem>>, %arg5: memref<632x16xf32, #tpu.memory_space<vmem>>, %arg6: memref<1x632x32xf32, #tpu.memory_space<vmem>>, %arg7: memref<1x632x64xf32, #tpu.memory_space<vmem>>, %arg8: memref<632x1xf32, #tpu.memory_space<vmem>>, %arg9: memref<632x1xf32, #tpu.memory_space<vmem>>) attributes {dimension_semantics = [#tpu.dimension_semantics<arbitrary>, #tpu.dimension_semantics<arbitrary>], iteration_bounds = array<i64: 2, 16>, scalar_prefetch = 0 : i64, scratch_operands = 0 : i64, tpu.core_type = #tpu.core_type<tc>, window_params = [{transform_indices = @transform_0, window_bounds = array<i64: 1, 632, 32>}, {transform_indices = @transform_1, window_bounds = array<i64: 1, 632, 64>}, {transform_indices = @transform_2, window_bounds = array<i64: 632, 16>}, {transform_indices = @transform_3, window_bounds = array<i64: 632, 16>}, {transform_indices = @transform_4, window_bounds = array<i64: 1, 632, 32>}, {transform_indices = @transform_5, window_bounds = array<i64: 1, 632, 64>}, {transform_indices = @transform_6, window_bounds = array<i64: 632, 1>}, {transform_indices = @transform_7, window_bounds = array<i64: 632, 1>}]} {
    %get3A = arith.constant 0 : index
    %get3A_0 = arith.constant 0 : index
    %get3A_1 = vector.load %arg4[%get3A, %get3A_0] : memref<632x16xf32, #tpu.memory_space<vmem>>, vector<632x1xf32>
    %add3A = arith.constant 1.000000e+00 : f32
    %add3A_2 = vector.broadcast %add3A : f32 to vector<632x1xf32>
    %add3A_3 = arith.addf %add3A_2, %get3A_1 : vector<632x1xf32>
    %rsqrt3A = math.rsqrt %add3A_3 : vector<632x1xf32>
    %get3A_4 = arith.constant 0 : index
    %get3A_5 = arith.constant 0 : index
    %get3A_6 = vector.load %arg5[%get3A_4, %get3A_5] : memref<632x16xf32, #tpu.memory_space<vmem>>, vector<632x1xf32>
    %add3A_7 = arith.constant 1.000000e+00 : f32
    %add3A_8 = vector.broadcast %add3A_7 : f32 to vector<632x1xf32>
    %add3A_9 = arith.addf %add3A_8, %get3A_6 : vector<632x1xf32>
    %rsqrt3A_10 = math.rsqrt %add3A_9 : vector<632x1xf32>
    %get3A_11 = arith.constant 0 : index
    %get3A_12 = arith.constant 0 : index
    %get3A_13 = arith.constant 0 : index
    %get3A_14 = vector.load %arg2[%get3A_11, %get3A_12, %get3A_13] : memref<1x632x32xf32, #tpu.memory_space<vmem>>, vector<1x632x32xf32>
    %get3A_15 = vector.shape_cast %get3A_14 : vector<1x632x32xf32> to vector<632x32xf32>
    %mul3A = vector.broadcast %rsqrt3A : vector<632x1xf32> to vector<632x32xf32>
    %mul3A_16 = arith.mulf %mul3A, %get3A_15 : vector<632x32xf32>
    %broadcast_in_dim3A = vector.shape_cast %mul3A_16 : vector<632x32xf32> to vector<1x632x32xf32>
    %swap3A = arith.constant 0 : index
    %swap3A_17 = arith.constant 0 : index
    %swap3A_18 = arith.constant 0 : index
    %swap3A_19 = vector.load %arg6[%swap3A, %swap3A_17, %swap3A_18] : memref<1x632x32xf32, #tpu.memory_space<vmem>>, vector<1x632x32xf32>
    tpu.vector_store %arg6[%swap3A, %swap3A_17, %swap3A_18], %broadcast_in_dim3A {strides = array<i32>} : memref<1x632x32xf32, #tpu.memory_space<vmem>>, vector<1x632x32xf32>,
    %get3A_20 = arith.constant 0 : index
    %get3A_21 = arith.constant 0 : index
    %get3A_22 = arith.constant 0 : index
    %get3A_23 = vector.load %arg3[%get3A_20, %get3A_21, %get3A_22] : memref<1x632x64xf32, #tpu.memory_space<vmem>>, vector<1x632x64xf32>
    %get3A_24 = vector.shape_cast %get3A_23 : vector<1x632x64xf32> to vector<632x64xf32>
    %mul3A_25 = vector.broadcast %rsqrt3A_10 : vector<632x1xf32> to vector<632x64xf32>
    %mul3A_26 = arith.mulf %mul3A_25, %get3A_24 : vector<632x64xf32>
    %broadcast_in_dim3A_27 = vector.shape_cast %mul3A_26 : vector<632x64xf32> to vector<1x632x64xf32>
    %swap3A_28 = arith.constant 0 : index
    %swap3A_29 = arith.constant 0 : index
    %swap3A_30 = arith.constant 0 : index
    %swap3A_31 = vector.load %arg7[%swap3A_28, %swap3A_29, %swap3A_30] : memref<1x632x64xf32, #tpu.memory_space<vmem>>, vector<1x632x64xf32>
    tpu.vector_store %arg7[%swap3A_28, %swap3A_29, %swap3A_30], %broadcast_in_dim3A_27 {strides = array<i32>} : memref<1x632x64xf32, #tpu.memory_space<vmem>>, vector<1x632x64xf32>,
    %swap3A_32 = arith.constant 0 : index
    %swap3A_33 = arith.constant 0 : index
    %swap3A_34 = vector.load %arg8[%swap3A_32, %swap3A_33] : memref<632x1xf32, #tpu.memory_space<vmem>>, vector<632x1xf32>
    tpu.vector_store %arg8[%swap3A_32, %swap3A_33], %rsqrt3A {strides = array<i32>} : memref<632x1xf32, #tpu.memory_space<vmem>>, vector<632x1xf32>,
    %swap3A_35 = arith.constant 0 : index
    %swap3A_36 = arith.constant 0 : index
    %swap3A_37 = vector.load %arg9[%swap3A_35, %swap3A_36] : memref<632x1xf32, #tpu.memory_space<vmem>>, vector<632x1xf32>
    tpu.vector_store %arg9[%swap3A_35, %swap3A_36], %rsqrt3A_10 {strides = array<i32>} : memref<632x1xf32, #tpu.memory_space<vmem>>, vector<632x1xf32>,
    return
  }
  func.func @transform_0(%arg0: i32, %arg1: i32) -> (i32, i32, i32) {
    %c0_i32 = arith.constant 0 : i32
    %c0_i32_0 = arith.constant 0 : i32
    return %arg0, %arg1, %c0_i32 : i32, i32, i32
  }
  func.func @transform_1(%arg0: i32, %arg1: i32) -> (i32, i32, i32) {
    %c0_i32 = arith.constant 0 : i32
    %c0_i32_0 = arith.constant 0 : i32
    return %arg0, %arg1, %c0_i32 : i32, i32, i32
  }
  func.func @transform_2(%arg0: i32, %arg1: i32) -> (i32, i32) {
    %c0_i32 = arith.constant 0 : i32
    %c0_i32_0 = arith.constant 0 : i32
    return %arg1, %c0_i32 : i32, i32
  }
  func.func @transform_3(%arg0: i32, %arg1: i32) -> (i32, i32) {
    %c0_i32 = arith.constant 0 : i32
    %c0_i32_0 = arith.constant 0 : i32
    return %arg1, %c0_i32 : i32, i32
  }
  func.func @transform_4(%arg0: i32, %arg1: i32) -> (i32, i32, i32) {
    %c0_i32 = arith.constant 0 : i32
    %c0_i32_0 = arith.constant 0 : i32
    return %arg0, %arg1, %c0_i32 : i32, i32, i32
  }
  func.func @transform_5(%arg0: i32, %arg1: i32) -> (i32, i32, i32) {
    %c0_i32 = arith.constant 0 : i32
    %c0_i32_0 = arith.constant 0 : i32
    return %arg0, %arg1, %c0_i32 : i32, i32, i32
  }
  func.func @transform_6(%arg0: i32, %arg1: i32) -> (i32, i32) {
    %c0_i32 = arith.constant 0 : i32
    %c0_i32_0 = arith.constant 0 : i32
    return %arg1, %c0_i32 : i32, i32
  }
  func.func @transform_7(%arg0: i32, %arg1: i32) -> (i32, i32) {
    %c0_i32 = arith.constant 0 : i32
    %c0_i32_0 = arith.constant 0 : i32
    return %arg1, %c0_i32 : i32, i32
  }
}

module attributes {stable_mosaic.version = 14 : i64} {
  func.func @body(%arg0: i32, %arg1: i32, %arg2: memref<2x632x64xf32, #tpu.memory_space<vmem>>, %arg3: memref<632x1xf32, #tpu.memory_space<vmem>>, %arg4: memref<1x128x64xf32, #tpu.memory_space<vmem>>, %arg5: memref<1x1x64xf32, #tpu.memory_space<vmem>>, %arg6: memref<1x1xf32, #tpu.memory_space<vmem>>, %arg7: memref<1x632x64xf32, #tpu.memory_space<vmem>>) attributes {dimension_semantics = [#tpu.dimension_semantics<arbitrary>, #tpu.dimension_semantics<arbitrary>], iteration_bounds = array<i64: 2, 16>, scalar_prefetch = 0 : i64, scratch_operands = 0 : i64, tpu.core_type = #tpu.core_type<tc>, window_params = [{transform_indices = @transform_0, window_bounds = array<i64: 2, 632, 64>}, {transform_indices = @transform_1, window_bounds = array<i64: 632, 1>}, {transform_indices = @transform_2, window_bounds = array<i64: 1, 128, 64>}, {transform_indices = @transform_3, window_bounds = array<i64: 1, 1, 64>}, {pipeline_mode = #tpu.pipeline_mode<synchronous>, transform_indices = @transform_4, window_bounds = array<i64: 1, 1>}, {transform_indices = @transform_5, window_bounds = array<i64: 1, 632, 64>}]} {
    %get3A = arith.constant 0 : index
    %get3A_0 = arith.constant 0 : index
    %get3A_1 = vector.load %arg3[%get3A, %get3A_0] : memref<632x1xf32, #tpu.memory_space<vmem>>, vector<632x1xf32>
    %get3A_2 = arith.constant 0 : index
    %get3A_3 = arith.constant 0 : index
    %get3A_4 = arith.constant 0 : index
    %get3A_5 = vector.load %arg2[%get3A_2, %get3A_3, %get3A_4] : memref<2x632x64xf32, #tpu.memory_space<vmem>>, vector<1x632x64xf32>
    %get3A_6 = vector.shape_cast %get3A_5 : vector<1x632x64xf32> to vector<632x64xf32>
    %get3A_7 = arith.constant 1 : index
    %get3A_8 = arith.constant 0 : index
    %get3A_9 = arith.constant 0 : index
    %get3A_10 = vector.load %arg2[%get3A_7, %get3A_8, %get3A_9] : memref<2x632x64xf32, #tpu.memory_space<vmem>>, vector<1x632x64xf32>
    %get3A_11 = vector.shape_cast %get3A_10 : vector<1x632x64xf32> to vector<632x64xf32>
    %concatenate3A = tpu.concatenate %get3A_6, %get3A_11 in 1 : vector<632x64xf32>, vector<632x64xf32> -> vector<632x128xf32>
    %mul3A = vector.broadcast %get3A_1 : vector<632x1xf32> to vector<632x128xf32>
    %mul3A_12 = arith.mulf %concatenate3A, %mul3A : vector<632x128xf32>
    %get3A_13 = arith.constant 0 : index
    %get3A_14 = arith.constant 0 : index
    %get3A_15 = arith.constant 0 : index
    %get3A_16 = vector.load %arg4[%get3A_13, %get3A_14, %get3A_15] : memref<1x128x64xf32, #tpu.memory_space<vmem>>, vector<1x128x64xf32>
    %get3A_17 = vector.shape_cast %get3A_16 : vector<1x128x64xf32> to vector<128x64xf32>
    %dot_general3A = arith.constant dense<0.000000e+00> : vector<632x64xf32>
    %dot_general3A_18 = tpu.matmul %mul3A_12, %get3A_17, %dot_general3A {dimension_numbers = #tpu.dot_dimension_numbers<[1], [0], [0], [1], [0, 0, 1, 1], [], []>, transpose_lhs_hint = false} : vector<632x128xf32>, vector<128x64xf32>, vector<632x64xf32> -> vector<632x64xf32>
    %get3A_19 = arith.constant 0 : index
    %get3A_20 = arith.constant 0 : index
    %get3A_21 = arith.constant 0 : index
    %get3A_22 = vector.load %arg5[%get3A_19, %get3A_20, %get3A_21] : memref<1x1x64xf32, #tpu.memory_space<vmem>>, vector<1x1x64xf32>
    %get3A_23 = vector.shape_cast %get3A_22 : vector<1x1x64xf32> to vector<1x64xf32>
    %add3A = vector.broadcast %get3A_23 : vector<1x64xf32> to vector<632x64xf32>
    %add3A_24 = arith.addf %dot_general3A_18, %add3A : vector<632x64xf32>
    %ge3A = arith.constant 0.000000e+00 : f32
    %ge3A_25 = vector.broadcast %ge3A : f32 to vector<632x64xf32>
    %ge3A_26 = arith.cmpf oge, %add3A_24, %ge3A_25 : vector<632x64xf32>
    %get3A_27 = arith.constant 0 : index
    %get3A_28 = arith.constant 0 : index
    %get3A_29 = vector.load %arg6[%get3A_27, %get3A_28] : memref<1x1xf32, #tpu.memory_space<vmem>>, vector<1x1xf32>
    %get3A_30 = vector.extract %get3A_29[0, 0] : f32 from vector<1x1xf32>
    %mul3A_31 = vector.broadcast %get3A_30 : f32 to vector<632x64xf32>
    %mul3A_32 = arith.mulf %mul3A_31, %add3A_24 : vector<632x64xf32>
    %select_n3A = arith.select %ge3A_26, %add3A_24, %mul3A_32 : vector<632x64xi1>, vector<632x64xf32>
    %mul3A_33 = vector.broadcast %get3A_1 : vector<632x1xf32> to vector<632x64xf32>
    %mul3A_34 = arith.mulf %mul3A_33, %select_n3A : vector<632x64xf32>
    %broadcast_in_dim3A = vector.shape_cast %mul3A_34 : vector<632x64xf32> to vector<1x632x64xf32>
    %swap3A = arith.constant 0 : index
    %swap3A_35 = arith.constant 0 : index
    %swap3A_36 = arith.constant 0 : index
    %swap3A_37 = vector.load %arg7[%swap3A, %swap3A_35, %swap3A_36] : memref<1x632x64xf32, #tpu.memory_space<vmem>>, vector<1x632x64xf32>
    tpu.vector_store %arg7[%swap3A, %swap3A_35, %swap3A_36], %broadcast_in_dim3A {strides = array<i32>} : memref<1x632x64xf32, #tpu.memory_space<vmem>>, vector<1x632x64xf32>,
    return
  }
  func.func @transform_0(%arg0: i32, %arg1: i32) -> (i32, i32, i32) {
    %c0_i32 = arith.constant 0 : i32
    %c0_i32_0 = arith.constant 0 : i32
    %c0_i32_1 = arith.constant 0 : i32
    return %c0_i32, %arg1, %c0_i32_0 : i32, i32, i32
  }
  func.func @transform_1(%arg0: i32, %arg1: i32) -> (i32, i32) {
    %c0_i32 = arith.constant 0 : i32
    %c0_i32_0 = arith.constant 0 : i32
    return %arg1, %c0_i32 : i32, i32
  }
  func.func @transform_2(%arg0: i32, %arg1: i32) -> (i32, i32, i32) {
    %c0_i32 = arith.constant 0 : i32
    %c0_i32_0 = arith.constant 0 : i32
    %c0_i32_1 = arith.constant 0 : i32
    return %arg0, %c0_i32, %c0_i32_0 : i32, i32, i32
  }
  func.func @transform_3(%arg0: i32, %arg1: i32) -> (i32, i32, i32) {
    %c0_i32 = arith.constant 0 : i32
    %c0_i32_0 = arith.constant 0 : i32
    %c0_i32_1 = arith.constant 0 : i32
    return %arg0, %c0_i32, %c0_i32_0 : i32, i32, i32
  }
  func.func @transform_4(%arg0: i32, %arg1: i32) -> (i32, i32) {
    %c0_i32 = arith.constant 0 : i32
    %c0_i32_0 = arith.constant 0 : i32
    %c0_i32_1 = arith.constant 0 : i32
    return %c0_i32, %c0_i32_0 : i32, i32
  }
  func.func @transform_5(%arg0: i32, %arg1: i32) -> (i32, i32, i32) {
    %c0_i32 = arith.constant 0 : i32
    %c0_i32_0 = arith.constant 0 : i32
    return %arg0, %arg1, %c0_i32 : i32, i32, i32
  }
}

module attributes {stable_mosaic.version = 14 : i64} {
  func.func @body(%arg0: i32, %arg1: i32, %arg2: memref<2x632x32xf32, #tpu.memory_space<vmem>>, %arg3: memref<632x1xf32, #tpu.memory_space<vmem>>, %arg4: memref<1x64x64xf32, #tpu.memory_space<vmem>>, %arg5: memref<1x1x64xf32, #tpu.memory_space<vmem>>, %arg6: memref<1x1xf32, #tpu.memory_space<vmem>>, %arg7: memref<1x632x64xf32, #tpu.memory_space<vmem>>) attributes {dimension_semantics = [#tpu.dimension_semantics<arbitrary>, #tpu.dimension_semantics<arbitrary>], iteration_bounds = array<i64: 2, 16>, scalar_prefetch = 0 : i64, scratch_operands = 0 : i64, tpu.core_type = #tpu.core_type<tc>, window_params = [{transform_indices = @transform_0, window_bounds = array<i64: 2, 632, 32>}, {transform_indices = @transform_1, window_bounds = array<i64: 632, 1>}, {transform_indices = @transform_2, window_bounds = array<i64: 1, 64, 64>}, {transform_indices = @transform_3, window_bounds = array<i64: 1, 1, 64>}, {pipeline_mode = #tpu.pipeline_mode<synchronous>, transform_indices = @transform_4, window_bounds = array<i64: 1, 1>}, {transform_indices = @transform_5, window_bounds = array<i64: 1, 632, 64>}]} {
    %get3A = arith.constant 0 : index
    %get3A_0 = arith.constant 0 : index
    %get3A_1 = vector.load %arg3[%get3A, %get3A_0] : memref<632x1xf32, #tpu.memory_space<vmem>>, vector<632x1xf32>
    %get3A_2 = arith.constant 0 : index
    %get3A_3 = arith.constant 0 : index
    %get3A_4 = arith.constant 0 : index
    %get3A_5 = vector.load %arg2[%get3A_2, %get3A_3, %get3A_4] : memref<2x632x32xf32, #tpu.memory_space<vmem>>, vector<1x632x32xf32>
    %get3A_6 = vector.shape_cast %get3A_5 : vector<1x632x32xf32> to vector<632x32xf32>
    %get3A_7 = arith.constant 1 : index
    %get3A_8 = arith.constant 0 : index
    %get3A_9 = arith.constant 0 : index
    %get3A_10 = vector.load %arg2[%get3A_7, %get3A_8, %get3A_9] : memref<2x632x32xf32, #tpu.memory_space<vmem>>, vector<1x632x32xf32>
    %get3A_11 = vector.shape_cast %get3A_10 : vector<1x632x32xf32> to vector<632x32xf32>
    %concatenate3A = tpu.concatenate %get3A_6, %get3A_11 in 1 : vector<632x32xf32>, vector<632x32xf32> -> vector<632x64xf32>
    %mul3A = vector.broadcast %get3A_1 : vector<632x1xf32> to vector<632x64xf32>
    %mul3A_12 = arith.mulf %concatenate3A, %mul3A : vector<632x64xf32>
    %get3A_13 = arith.constant 0 : index
    %get3A_14 = arith.constant 0 : index
    %get3A_15 = arith.constant 0 : index
    %get3A_16 = vector.load %arg4[%get3A_13, %get3A_14, %get3A_15] : memref<1x64x64xf32, #tpu.memory_space<vmem>>, vector<1x64x64xf32>
    %get3A_17 = vector.shape_cast %get3A_16 : vector<1x64x64xf32> to vector<64x64xf32>
    %dot_general3A = arith.constant dense<0.000000e+00> : vector<632x64xf32>
    %dot_general3A_18 = tpu.matmul %mul3A_12, %get3A_17, %dot_general3A {dimension_numbers = #tpu.dot_dimension_numbers<[1], [0], [0], [1], [0, 0, 1, 1], [], []>, transpose_lhs_hint = false} : vector<632x64xf32>, vector<64x64xf32>, vector<632x64xf32> -> vector<632x64xf32>
    %get3A_19 = arith.constant 0 : index
    %get3A_20 = arith.constant 0 : index
    %get3A_21 = arith.constant 0 : index
    %get3A_22 = vector.load %arg5[%get3A_19, %get3A_20, %get3A_21] : memref<1x1x64xf32, #tpu.memory_space<vmem>>, vector<1x1x64xf32>
    %get3A_23 = vector.shape_cast %get3A_22 : vector<1x1x64xf32> to vector<1x64xf32>
    %add3A = vector.broadcast %get3A_23 : vector<1x64xf32> to vector<632x64xf32>
    %add3A_24 = arith.addf %dot_general3A_18, %add3A : vector<632x64xf32>
    %ge3A = arith.constant 0.000000e+00 : f32
    %ge3A_25 = vector.broadcast %ge3A : f32 to vector<632x64xf32>
    %ge3A_26 = arith.cmpf oge, %add3A_24, %ge3A_25 : vector<632x64xf32>
    %get3A_27 = arith.constant 0 : index
    %get3A_28 = arith.constant 0 : index
    %get3A_29 = vector.load %arg6[%get3A_27, %get3A_28] : memref<1x1xf32, #tpu.memory_space<vmem>>, vector<1x1xf32>
    %get3A_30 = vector.extract %get3A_29[0, 0] : f32 from vector<1x1xf32>
    %mul3A_31 = vector.broadcast %get3A_30 : f32 to vector<632x64xf32>
    %mul3A_32 = arith.mulf %mul3A_31, %add3A_24 : vector<632x64xf32>
    %select_n3A = arith.select %ge3A_26, %add3A_24, %mul3A_32 : vector<632x64xi1>, vector<632x64xf32>
    %mul3A_33 = vector.broadcast %get3A_1 : vector<632x1xf32> to vector<632x64xf32>
    %mul3A_34 = arith.mulf %mul3A_33, %select_n3A : vector<632x64xf32>
    %broadcast_in_dim3A = vector.shape_cast %mul3A_34 : vector<632x64xf32> to vector<1x632x64xf32>
    %swap3A = arith.constant 0 : index
    %swap3A_35 = arith.constant 0 : index
    %swap3A_36 = arith.constant 0 : index
    %swap3A_37 = vector.load %arg7[%swap3A, %swap3A_35, %swap3A_36] : memref<1x632x64xf32, #tpu.memory_space<vmem>>, vector<1x632x64xf32>
    tpu.vector_store %arg7[%swap3A, %swap3A_35, %swap3A_36], %broadcast_in_dim3A {strides = array<i32>} : memref<1x632x64xf32, #tpu.memory_space<vmem>>, vector<1x632x64xf32>,
    return
  }
  func.func @transform_0(%arg0: i32, %arg1: i32) -> (i32, i32, i32) {
    %c0_i32 = arith.constant 0 : i32
    %c0_i32_0 = arith.constant 0 : i32
    %c0_i32_1 = arith.constant 0 : i32
    return %c0_i32, %arg1, %c0_i32_0 : i32, i32, i32
  }
  func.func @transform_1(%arg0: i32, %arg1: i32) -> (i32, i32) {
    %c0_i32 = arith.constant 0 : i32
    %c0_i32_0 = arith.constant 0 : i32
    return %arg1, %c0_i32 : i32, i32
  }
  func.func @transform_2(%arg0: i32, %arg1: i32) -> (i32, i32, i32) {
    %c0_i32 = arith.constant 0 : i32
    %c0_i32_0 = arith.constant 0 : i32
    %c0_i32_1 = arith.constant 0 : i32
    return %arg0, %c0_i32, %c0_i32_0 : i32, i32, i32
  }
  func.func @transform_3(%arg0: i32, %arg1: i32) -> (i32, i32, i32) {
    %c0_i32 = arith.constant 0 : i32
    %c0_i32_0 = arith.constant 0 : i32
    %c0_i32_1 = arith.constant 0 : i32
    return %arg0, %c0_i32, %c0_i32_0 : i32, i32, i32
  }
  func.func @transform_4(%arg0: i32, %arg1: i32) -> (i32, i32) {
    %c0_i32 = arith.constant 0 : i32
    %c0_i32_0 = arith.constant 0 : i32
    %c0_i32_1 = arith.constant 0 : i32
    return %c0_i32, %c0_i32_0 : i32, i32
  }
  func.func @transform_5(%arg0: i32, %arg1: i32) -> (i32, i32, i32) {
    %c0_i32 = arith.constant 0 : i32
    %c0_i32_0 = arith.constant 0 : i32
    return %arg0, %arg1, %c0_i32 : i32, i32, i32
  }
}

module attributes {stable_mosaic.version = 14 : i64} {
  func.func @body(%arg0: i32, %arg1: i32, %arg2: memref<2x632x64xf32, #tpu.memory_space<vmem>>, %arg3: memref<632x1xf32, #tpu.memory_space<vmem>>, %arg4: memref<1x128x112xf32, #tpu.memory_space<vmem>>, %arg5: memref<1x1x112xf32, #tpu.memory_space<vmem>>, %arg6: memref<1x1xf32, #tpu.memory_space<vmem>>, %arg7: memref<1x632x112xf32, #tpu.memory_space<vmem>>) attributes {dimension_semantics = [#tpu.dimension_semantics<arbitrary>, #tpu.dimension_semantics<arbitrary>], iteration_bounds = array<i64: 2, 16>, scalar_prefetch = 0 : i64, scratch_operands = 0 : i64, tpu.core_type = #tpu.core_type<tc>, window_params = [{transform_indices = @transform_0, window_bounds = array<i64: 2, 632, 64>}, {transform_indices = @transform_1, window_bounds = array<i64: 632, 1>}, {transform_indices = @transform_2, window_bounds = array<i64: 1, 128, 112>}, {transform_indices = @transform_3, window_bounds = array<i64: 1, 1, 112>}, {pipeline_mode = #tpu.pipeline_mode<synchronous>, transform_indices = @transform_4, window_bounds = array<i64: 1, 1>}, {transform_indices = @transform_5, window_bounds = array<i64: 1, 632, 112>}]} {
    %get3A = arith.constant 0 : index
    %get3A_0 = arith.constant 0 : index
    %get3A_1 = vector.load %arg3[%get3A, %get3A_0] : memref<632x1xf32, #tpu.memory_space<vmem>>, vector<632x1xf32>
    %get3A_2 = arith.constant 0 : index
    %get3A_3 = arith.constant 0 : index
    %get3A_4 = arith.constant 0 : index
    %get3A_5 = vector.load %arg2[%get3A_2, %get3A_3, %get3A_4] : memref<2x632x64xf32, #tpu.memory_space<vmem>>, vector<1x632x64xf32>
    %get3A_6 = vector.shape_cast %get3A_5 : vector<1x632x64xf32> to vector<632x64xf32>
    %get3A_7 = arith.constant 1 : index
    %get3A_8 = arith.constant 0 : index
    %get3A_9 = arith.constant 0 : index
    %get3A_10 = vector.load %arg2[%get3A_7, %get3A_8, %get3A_9] : memref<2x632x64xf32, #tpu.memory_space<vmem>>, vector<1x632x64xf32>
    %get3A_11 = vector.shape_cast %get3A_10 : vector<1x632x64xf32> to vector<632x64xf32>
    %concatenate3A = tpu.concatenate %get3A_6, %get3A_11 in 1 : vector<632x64xf32>, vector<632x64xf32> -> vector<632x128xf32>
    %mul3A = vector.broadcast %get3A_1 : vector<632x1xf32> to vector<632x128xf32>
    %mul3A_12 = arith.mulf %concatenate3A, %mul3A : vector<632x128xf32>
    %get3A_13 = arith.constant 0 : index
    %get3A_14 = arith.constant 0 : index
    %get3A_15 = arith.constant 0 : index
    %get3A_16 = vector.load %arg4[%get3A_13, %get3A_14, %get3A_15] : memref<1x128x112xf32, #tpu.memory_space<vmem>>, vector<1x128x112xf32>
    %get3A_17 = vector.shape_cast %get3A_16 : vector<1x128x112xf32> to vector<128x112xf32>
    %dot_general3A = arith.constant dense<0.000000e+00> : vector<632x112xf32>
    %dot_general3A_18 = tpu.matmul %mul3A_12, %get3A_17, %dot_general3A {dimension_numbers = #tpu.dot_dimension_numbers<[1], [0], [0], [1], [0, 0, 1, 1], [], []>, transpose_lhs_hint = false} : vector<632x128xf32>, vector<128x112xf32>, vector<632x112xf32> -> vector<632x112xf32>
    %get3A_19 = arith.constant 0 : index
    %get3A_20 = arith.constant 0 : index
    %get3A_21 = arith.constant 0 : index
    %get3A_22 = vector.load %arg5[%get3A_19, %get3A_20, %get3A_21] : memref<1x1x112xf32, #tpu.memory_space<vmem>>, vector<1x1x112xf32>
    %get3A_23 = vector.shape_cast %get3A_22 : vector<1x1x112xf32> to vector<1x112xf32>
    %add3A = vector.broadcast %get3A_23 : vector<1x112xf32> to vector<632x112xf32>
    %add3A_24 = arith.addf %dot_general3A_18, %add3A : vector<632x112xf32>
    %ge3A = arith.constant 0.000000e+00 : f32
    %ge3A_25 = vector.broadcast %ge3A : f32 to vector<632x112xf32>
    %ge3A_26 = arith.cmpf oge, %add3A_24, %ge3A_25 : vector<632x112xf32>
    %get3A_27 = arith.constant 0 : index
    %get3A_28 = arith.constant 0 : index
    %get3A_29 = vector.load %arg6[%get3A_27, %get3A_28] : memref<1x1xf32, #tpu.memory_space<vmem>>, vector<1x1xf32>
    %get3A_30 = vector.extract %get3A_29[0, 0] : f32 from vector<1x1xf32>
    %mul3A_31 = vector.broadcast %get3A_30 : f32 to vector<632x112xf32>
    %mul3A_32 = arith.mulf %mul3A_31, %add3A_24 : vector<632x112xf32>
    %select_n3A = arith.select %ge3A_26, %add3A_24, %mul3A_32 : vector<632x112xi1>, vector<632x112xf32>
    %mul3A_33 = vector.broadcast %get3A_1 : vector<632x1xf32> to vector<632x112xf32>
    %mul3A_34 = arith.mulf %mul3A_33, %select_n3A : vector<632x112xf32>
    %broadcast_in_dim3A = vector.shape_cast %mul3A_34 : vector<632x112xf32> to vector<1x632x112xf32>
    %swap3A = arith.constant 0 : index
    %swap3A_35 = arith.constant 0 : index
    %swap3A_36 = arith.constant 0 : index
    %swap3A_37 = vector.load %arg7[%swap3A, %swap3A_35, %swap3A_36] : memref<1x632x112xf32, #tpu.memory_space<vmem>>, vector<1x632x112xf32>
    tpu.vector_store %arg7[%swap3A, %swap3A_35, %swap3A_36], %broadcast_in_dim3A {strides = array<i32>} : memref<1x632x112xf32, #tpu.memory_space<vmem>>, vector<1x632x112xf32>,
    return
  }
  func.func @transform_0(%arg0: i32, %arg1: i32) -> (i32, i32, i32) {
    %c0_i32 = arith.constant 0 : i32
    %c0_i32_0 = arith.constant 0 : i32
    %c0_i32_1 = arith.constant 0 : i32
    return %c0_i32, %arg1, %c0_i32_0 : i32, i32, i32
  }
  func.func @transform_1(%arg0: i32, %arg1: i32) -> (i32, i32) {
    %c0_i32 = arith.constant 0 : i32
    %c0_i32_0 = arith.constant 0 : i32
    return %arg1, %c0_i32 : i32, i32
  }
  func.func @transform_2(%arg0: i32, %arg1: i32) -> (i32, i32, i32) {
    %c0_i32 = arith.constant 0 : i32
    %c0_i32_0 = arith.constant 0 : i32
    %c0_i32_1 = arith.constant 0 : i32
    return %arg0, %c0_i32, %c0_i32_0 : i32, i32, i32
  }
  func.func @transform_3(%arg0: i32, %arg1: i32) -> (i32, i32, i32) {
    %c0_i32 = arith.constant 0 : i32
    %c0_i32_0 = arith.constant 0 : i32
    %c0_i32_1 = arith.constant 0 : i32
    return %arg0, %c0_i32, %c0_i32_0 : i32, i32, i32
  }
  func.func @transform_4(%arg0: i32, %arg1: i32) -> (i32, i32) {
    %c0_i32 = arith.constant 0 : i32
    %c0_i32_0 = arith.constant 0 : i32
    %c0_i32_1 = arith.constant 0 : i32
    return %c0_i32, %c0_i32_0 : i32, i32
  }
  func.func @transform_5(%arg0: i32, %arg1: i32) -> (i32, i32, i32) {
    %c0_i32 = arith.constant 0 : i32
    %c0_i32_0 = arith.constant 0 : i32
    return %arg0, %arg1, %c0_i32 : i32, i32, i32
  }
}

module attributes {stable_mosaic.version = 14 : i64} {
  func.func @body(%arg0: i32, %arg1: memref<2x632x112xf32, #tpu.memory_space<vmem>>, %arg2: memref<632x1xf32, #tpu.memory_space<vmem>>, %arg3: memref<632x1xi32, #tpu.memory_space<vmem>>, %arg4: memref<224x432xf32, #tpu.memory_space<vmem>>, %arg5: memref<1x432xf32, #tpu.memory_space<vmem>>, %arg6: memref<1x1xf32, #tpu.memory_space<vmem>>, %arg7: memref<432x256xf32, #tpu.memory_space<vmem>>, %arg8: memref<1x256xf32, #tpu.memory_space<vmem>>, %arg9: memref<128x256xf32, #tpu.memory_space<vmem>>, %arg10: memref<128x432xf32, #tpu.memory_space<vmem>>) attributes {dimension_semantics = [#tpu.dimension_semantics<arbitrary>], iteration_bounds = array<i64: 16>, scalar_prefetch = 0 : i64, scratch_operands = 1 : i64, tpu.core_type = #tpu.core_type<tc>, window_params = [{transform_indices = @transform_0, window_bounds = array<i64: 2, 632, 112>}, {transform_indices = @transform_1, window_bounds = array<i64: 632, 1>}, {transform_indices = @transform_2, window_bounds = array<i64: 632, 1>}, {pipeline_mode = #tpu.pipeline_mode<synchronous>, transform_indices = @transform_3, window_bounds = array<i64: 224, 432>}, {pipeline_mode = #tpu.pipeline_mode<synchronous>, transform_indices = @transform_4, window_bounds = array<i64: 1, 432>}, {pipeline_mode = #tpu.pipeline_mode<synchronous>, transform_indices = @transform_5, window_bounds = array<i64: 1, 1>}, {pipeline_mode = #tpu.pipeline_mode<synchronous>, transform_indices = @transform_6, window_bounds = array<i64: 432, 256>}, {pipeline_mode = #tpu.pipeline_mode<synchronous>, transform_indices = @transform_7, window_bounds = array<i64: 1, 256>}, {pipeline_mode = #tpu.pipeline_mode<synchronous>, transform_indices = @transform_8, window_bounds = array<i64: 128, 256>}]} {
    %eq3A = arith.constant 0 : i32
    %eq3A_0 = arith.cmpi eq, %arg0, %eq3A : i32
    %convert_element_type3A = arith.extui %eq3A_0 : i1 to i32
    %cond3A = arith.constant 0 : i32
    %cond3A_1 = arith.cmpi ne, %convert_element_type3A, %cond3A : i32
    scf.if %cond3A_1 {
      %broadcast_in_dim3A = arith.constant 0xFF800000 : f32
      %broadcast_in_dim3A_51 = vector.broadcast %broadcast_in_dim3A : f32 to vector<128x432xf32>
      %swap3A = arith.constant 0 : index
      %swap3A_52 = arith.constant 0 : index
      %swap3A_53 = vector.load %arg10[%swap3A, %swap3A_52] : memref<128x432xf32, #tpu.memory_space<vmem>>, vector<128x432xf32>
      tpu.vector_store %arg10[%swap3A, %swap3A_52], %broadcast_in_dim3A_51 {strides = array<i32>} : memref<128x432xf32, #tpu.memory_space<vmem>>, vector<128x432xf32>,
    } else {
    }
    %get3A = arith.constant 0 : index
    %get3A_2 = arith.constant 0 : index
    %get3A_3 = arith.constant 0 : index
    %get3A_4 = vector.load %arg1[%get3A, %get3A_2, %get3A_3] : memref<2x632x112xf32, #tpu.memory_space<vmem>>, vector<1x632x112xf32>
    %get3A_5 = vector.shape_cast %get3A_4 : vector<1x632x112xf32> to vector<632x112xf32>
    %get3A_6 = arith.constant 1 : index
    %get3A_7 = arith.constant 0 : index
    %get3A_8 = arith.constant 0 : index
    %get3A_9 = vector.load %arg1[%get3A_6, %get3A_7, %get3A_8] : memref<2x632x112xf32, #tpu.memory_space<vmem>>, vector<1x632x112xf32>
    %get3A_10 = vector.shape_cast %get3A_9 : vector<1x632x112xf32> to vector<632x112xf32>
    %concatenate3A = tpu.concatenate %get3A_5, %get3A_10 in 1 : vector<632x112xf32>, vector<632x112xf32> -> vector<632x224xf32>
    %get3A_11 = arith.constant 0 : index
    %get3A_12 = arith.constant 0 : index
    %get3A_13 = vector.load %arg2[%get3A_11, %get3A_12] : memref<632x1xf32, #tpu.memory_space<vmem>>, vector<632x1xf32>
    %mul3A = vector.broadcast %get3A_13 : vector<632x1xf32> to vector<632x224xf32>
    %mul3A_14 = arith.mulf %concatenate3A, %mul3A : vector<632x224xf32>
    %get3A_15 = arith.constant 0 : index
    %get3A_16 = arith.constant 0 : index
    %get3A_17 = vector.load %arg4[%get3A_15, %get3A_16] : memref<224x432xf32, #tpu.memory_space<vmem>>, vector<224x432xf32>
    %dot_general3A = arith.constant dense<0.000000e+00> : vector<632x432xf32>
    %dot_general3A_18 = tpu.matmul %mul3A_14, %get3A_17, %dot_general3A {dimension_numbers = #tpu.dot_dimension_numbers<[1], [0], [0], [1], [0, 0, 1, 1], [], []>, transpose_lhs_hint = false} : vector<632x224xf32>, vector<224x432xf32>, vector<632x432xf32> -> vector<632x432xf32>
    %get3A_19 = arith.constant 0 : index
    %get3A_20 = arith.constant 0 : index
    %get3A_21 = vector.load %arg5[%get3A_19, %get3A_20] : memref<1x432xf32, #tpu.memory_space<vmem>>, vector<1x432xf32>
    %add3A = vector.broadcast %get3A_21 : vector<1x432xf32> to vector<632x432xf32>
    %add3A_22 = arith.addf %dot_general3A_18, %add3A : vector<632x432xf32>
    %ge3A = arith.constant 0.000000e+00 : f32
    %ge3A_23 = vector.broadcast %ge3A : f32 to vector<632x432xf32>
    %ge3A_24 = arith.cmpf oge, %add3A_22, %ge3A_23 : vector<632x432xf32>
    %get3A_25 = arith.constant 0 : index
    %get3A_26 = arith.constant 0 : index
    %get3A_27 = vector.load %arg6[%get3A_25, %get3A_26] : memref<1x1xf32, #tpu.memory_space<vmem>>, vector<1x1xf32>
    %get3A_28 = vector.extract %get3A_27[0, 0] : f32 from vector<1x1xf32>
    %mul3A_29 = vector.broadcast %get3A_28 : f32 to vector<632x432xf32>
    %mul3A_30 = arith.mulf %mul3A_29, %add3A_22 : vector<632x432xf32>
    %select_n3A = arith.select %ge3A_24, %add3A_22, %mul3A_30 : vector<632x432xi1>, vector<632x432xf32>
    %get3A_31 = arith.constant 0 : index
    %get3A_32 = arith.constant 0 : index
    %get3A_33 = vector.load %arg3[%get3A_31, %get3A_32] : memref<632x1xi32, #tpu.memory_space<vmem>>, vector<632x1xi32>
    %slice3A = vector.extract_strided_slice %get3A_33 {offsets = [0, 0], sizes = [1, 1], strides = [1, 1]} : vector<632x1xi32> to vector<1x1xi32>
    %squeeze3A = vector.extract %slice3A[0, 0] : i32 from vector<1x1xi32>
    %slice3A_34 = vector.extract_strided_slice %get3A_33 {offsets = [631, 0], sizes = [1, 1], strides = [1, 1]} : vector<632x1xi32> to vector<1x1xi32>
    %squeeze3A_35 = vector.extract %slice3A_34[0, 0] : i32 from vector<1x1xi32>
    %iota3A = tpu.iota {dimensions = array<i32: 0>} : vector<128x1xi32>
    %add3A_36 = arith.constant 1 : i32
    %add3A_37 = arith.addi %squeeze3A_35, %add3A_36 : i32
    %while3A = arith.constant 0 : i32
    %while3A_38 = arith.subi %add3A_37, %squeeze3A : i32
    %while3A_39 = arith.addi %squeeze3A, %while3A_38 : i32
    %while3A_40 = arith.constant 1 : i32
    %while3A_41 = arith.divsi %while3A_38, %while3A_40 : i32
    %while3A_42 = arith.muli %while3A_41, %while3A_40 : i32
    %while3A_43 = arith.addi %squeeze3A, %while3A_42 : i32
    %while3A_44 = arith.constant 1 : i32
    scf.for %while3A_51 = %squeeze3A to %while3A_43 step %while3A_44  : i32 {
      %eq3A_52 = vector.broadcast %while3A_51 : i32 to vector<632x1xi32>
      %eq3A_53 = arith.cmpi eq, %get3A_33, %eq3A_52 : vector<632x1xi32>
      %jit3A = arith.constant 0xFF800000 : f32
      %broadcast_in_dim3A = vector.shape_cast %eq3A_53 : vector<632x1xi1> to vector<632x1xi1>
      %broadcast_in_dim3A_54 = vector.broadcast %broadcast_in_dim3A : vector<632x1xi1> to vector<632x432xi1>
      %broadcast_in_dim3A_55 = vector.broadcast %jit3A : f32 to vector<632x432xf32>
      %select_n3A_56 = arith.select %broadcast_in_dim3A_54, %select_n3A, %broadcast_in_dim3A_55 : vector<632x432xi1>, vector<632x432xf32>
      %reduce_max3A = arith.constant dense<0xFF800000> : vector<432xf32>
      %reduce_max3A_57 = vector.multi_reduction <maximumf>, %select_n3A_56, %reduce_max3A [0] : vector<632x432xf32> to vector<432xf32>
      %broadcast_in_dim3A_58 = vector.shape_cast %reduce_max3A_57 : vector<432xf32> to vector<1x432xf32>
      %get3A_59 = arith.constant 0 : index
      %get3A_60 = arith.constant 0 : index
      %get3A_61 = vector.load %arg10[%get3A_59, %get3A_60] : memref<128x432xf32, #tpu.memory_space<vmem>>, vector<128x432xf32>
      %max3A = vector.broadcast %broadcast_in_dim3A_58 : vector<1x432xf32> to vector<128x432xf32>
      %max3A_62 = arith.maximumf %get3A_61, %max3A : vector<128x432xf32>
      %eq3A_63 = vector.broadcast %while3A_51 : i32 to vector<128x1xi32>
      %eq3A_64 = arith.cmpi eq, %iota3A, %eq3A_63 : vector<128x1xi32>
      %get3A_65 = arith.constant 0 : index
      %get3A_66 = arith.constant 0 : index
      %get3A_67 = vector.load %arg10[%get3A_65, %get3A_66] : memref<128x432xf32, #tpu.memory_space<vmem>>, vector<128x432xf32>
      %broadcast_in_dim3A_68 = vector.shape_cast %eq3A_64 : vector<128x1xi1> to vector<128x1xi1>
      %broadcast_in_dim3A_69 = vector.broadcast %broadcast_in_dim3A_68 : vector<128x1xi1> to vector<128x432xi1>
      %select_n3A_70 = arith.select %broadcast_in_dim3A_69, %max3A_62, %get3A_67 : vector<128x432xi1>, vector<128x432xf32>
      %swap3A = arith.constant 0 : index
      %swap3A_71 = arith.constant 0 : index
      %swap3A_72 = vector.load %arg10[%swap3A, %swap3A_71] : memref<128x432xf32, #tpu.memory_space<vmem>>, vector<128x432xf32>
      tpu.vector_store %arg10[%swap3A, %swap3A_71], %select_n3A_70 {strides = array<i32>} : memref<128x432xf32, #tpu.memory_space<vmem>>, vector<128x432xf32>,
    }
    %while3A_45 = arith.constant 1 : i32
    scf.for %while3A_51 = %while3A_43 to %while3A_39 step %while3A_45  : i32 {
      %eq3A_52 = vector.broadcast %while3A_51 : i32 to vector<632x1xi32>
      %eq3A_53 = arith.cmpi eq, %get3A_33, %eq3A_52 : vector<632x1xi32>
      %jit3A = arith.constant 0xFF800000 : f32
      %broadcast_in_dim3A = vector.shape_cast %eq3A_53 : vector<632x1xi1> to vector<632x1xi1>
      %broadcast_in_dim3A_54 = vector.broadcast %broadcast_in_dim3A : vector<632x1xi1> to vector<632x432xi1>
      %broadcast_in_dim3A_55 = vector.broadcast %jit3A : f32 to vector<632x432xf32>
      %select_n3A_56 = arith.select %broadcast_in_dim3A_54, %select_n3A, %broadcast_in_dim3A_55 : vector<632x432xi1>, vector<632x432xf32>
      %reduce_max3A = arith.constant dense<0xFF800000> : vector<432xf32>
      %reduce_max3A_57 = vector.multi_reduction <maximumf>, %select_n3A_56, %reduce_max3A [0] : vector<632x432xf32> to vector<432xf32>
      %broadcast_in_dim3A_58 = vector.shape_cast %reduce_max3A_57 : vector<432xf32> to vector<1x432xf32>
      %get3A_59 = arith.constant 0 : index
      %get3A_60 = arith.constant 0 : index
      %get3A_61 = vector.load %arg10[%get3A_59, %get3A_60] : memref<128x432xf32, #tpu.memory_space<vmem>>, vector<128x432xf32>
      %max3A = vector.broadcast %broadcast_in_dim3A_58 : vector<1x432xf32> to vector<128x432xf32>
      %max3A_62 = arith.maximumf %get3A_61, %max3A : vector<128x432xf32>
      %eq3A_63 = vector.broadcast %while3A_51 : i32 to vector<128x1xi32>
      %eq3A_64 = arith.cmpi eq, %iota3A, %eq3A_63 : vector<128x1xi32>
      %get3A_65 = arith.constant 0 : index
      %get3A_66 = arith.constant 0 : index
      %get3A_67 = vector.load %arg10[%get3A_65, %get3A_66] : memref<128x432xf32, #tpu.memory_space<vmem>>, vector<128x432xf32>
      %broadcast_in_dim3A_68 = vector.shape_cast %eq3A_64 : vector<128x1xi1> to vector<128x1xi1>
      %broadcast_in_dim3A_69 = vector.broadcast %broadcast_in_dim3A_68 : vector<128x1xi1> to vector<128x432xi1>
      %select_n3A_70 = arith.select %broadcast_in_dim3A_69, %max3A_62, %get3A_67 : vector<128x432xi1>, vector<128x432xf32>
      %swap3A = arith.constant 0 : index
      %swap3A_71 = arith.constant 0 : index
      %swap3A_72 = vector.load %arg10[%swap3A, %swap3A_71] : memref<128x432xf32, #tpu.memory_space<vmem>>, vector<128x432xf32>
      tpu.vector_store %arg10[%swap3A, %swap3A_71], %select_n3A_70 {strides = array<i32>} : memref<128x432xf32, #tpu.memory_space<vmem>>, vector<128x432xf32>,
    }
    %eq3A_46 = arith.constant 15 : i32
    %eq3A_47 = arith.cmpi eq, %arg0, %eq3A_46 : i32
    %convert_element_type3A_48 = arith.extui %eq3A_47 : i1 to i32
    %cond3A_49 = arith.constant 0 : i32
    %cond3A_50 = arith.cmpi ne, %convert_element_type3A_48, %cond3A_49 : i32
    scf.if %cond3A_50 {
      %get3A_51 = arith.constant 0 : index
      %get3A_52 = arith.constant 0 : index
      %get3A_53 = vector.load %arg10[%get3A_51, %get3A_52] : memref<128x432xf32, #tpu.memory_space<vmem>>, vector<128x432xf32>
      %get3A_54 = arith.constant 0 : index
      %get3A_55 = arith.constant 0 : index
      %get3A_56 = vector.load %arg7[%get3A_54, %get3A_55] : memref<432x256xf32, #tpu.memory_space<vmem>>, vector<432x256xf32>
      %dot_general3A_57 = arith.constant dense<0.000000e+00> : vector<128x256xf32>
      %dot_general3A_58 = tpu.matmul %get3A_53, %get3A_56, %dot_general3A_57 {dimension_numbers = #tpu.dot_dimension_numbers<[1], [0], [0], [1], [0, 0, 1, 1], [], []>, transpose_lhs_hint = false} : vector<128x432xf32>, vector<432x256xf32>, vector<128x256xf32> -> vector<128x256xf32>
      %get3A_59 = arith.constant 0 : index
      %get3A_60 = arith.constant 0 : index
      %get3A_61 = vector.load %arg8[%get3A_59, %get3A_60] : memref<1x256xf32, #tpu.memory_space<vmem>>, vector<1x256xf32>
      %add3A_62 = vector.broadcast %get3A_61 : vector<1x256xf32> to vector<128x256xf32>
      %add3A_63 = arith.addf %dot_general3A_58, %add3A_62 : vector<128x256xf32>
      %swap3A = arith.constant 0 : index
      %swap3A_64 = arith.constant 0 : index
      %swap3A_65 = vector.load %arg9[%swap3A, %swap3A_64] : memref<128x256xf32, #tpu.memory_space<vmem>>, vector<128x256xf32>
      tpu.vector_store %arg9[%swap3A, %swap3A_64], %add3A_63 {strides = array<i32>} : memref<128x256xf32, #tpu.memory_space<vmem>>, vector<128x256xf32>,
    } else {
    }
    return
  }
  func.func @transform_0(%arg0: i32) -> (i32, i32, i32) {
    %c0_i32 = arith.constant 0 : i32
    %c0_i32_0 = arith.constant 0 : i32
    %c0_i32_1 = arith.constant 0 : i32
    return %c0_i32, %arg0, %c0_i32_0 : i32, i32, i32
  }
  func.func @transform_1(%arg0: i32) -> (i32, i32) {
    %c0_i32 = arith.constant 0 : i32
    %c0_i32_0 = arith.constant 0 : i32
    return %arg0, %c0_i32 : i32, i32
  }
  func.func @transform_2(%arg0: i32) -> (i32, i32) {
    %c0_i32 = arith.constant 0 : i32
    %c0_i32_0 = arith.constant 0 : i32
    return %arg0, %c0_i32 : i32, i32
  }
  func.func @transform_3(%arg0: i32) -> (i32, i32) {
    %c0_i32 = arith.constant 0 : i32
    %c0_i32_0 = arith.constant 0 : i32
    %c0_i32_1 = arith.constant 0 : i32
    return %c0_i32, %c0_i32_0 : i32, i32
  }
  func.func @transform_4(%arg0: i32) -> (i32, i32) {
    %c0_i32 = arith.constant 0 : i32
    %c0_i32_0 = arith.constant 0 : i32
    %c0_i32_1 = arith.constant 0 : i32
    return %c0_i32, %c0_i32_0 : i32, i32
  }
  func.func @transform_5(%arg0: i32) -> (i32, i32) {
    %c0_i32 = arith.constant 0 : i32
    %c0_i32_0 = arith.constant 0 : i32
    %c0_i32_1 = arith.constant 0 : i32
    return %c0_i32, %c0_i32_0 : i32, i32
  }
  func.func @transform_6(%arg0: i32) -> (i32, i32) {
    %c0_i32 = arith.constant 0 : i32
    %c0_i32_0 = arith.constant 0 : i32
    %c0_i32_1 = arith.constant 0 : i32
    return %c0_i32, %c0_i32_0 : i32, i32
  }
  func.func @transform_7(%arg0: i32) -> (i32, i32) {
    %c0_i32 = arith.constant 0 : i32
    %c0_i32_0 = arith.constant 0 : i32
    %c0_i32_1 = arith.constant 0 : i32
    return %c0_i32, %c0_i32_0 : i32, i32
  }
  func.func @transform_8(%arg0: i32) -> (i32, i32) {
    %c0_i32 = arith.constant 0 : i32
    %c0_i32_0 = arith.constant 0 : i32
    %c0_i32_1 = arith.constant 0 : i32
    return %c0_i32, %c0_i32_0 : i32, i32
  }
}

</mosaic_0001>

<sc_bundles>
// kernel: kernel.17.cloned.1.call-start
scs
__scs_entry_jumppad:
0x0: {  	(pc) =	sbr.rel $0x88, $3  }
0x1: {  	(tag) =	ssettag $0x0;
	lr =	simm.s32 $0x1  }
0x2: {  	[smem:$0x3F8E] =	sst lr;
	_ =	strace $0xD0000000  }
0x3: {  	_ = 	snop  }
0x4: {  	_ = 	snop  }
0x5: {  	_ = 	snop  }
0x6: {  	_ = 	snop  }
0x7: {  	_ = 	snop  }
__scs_overlays_trampoline_lowered:
0x8: {  	[smem:$0x3F9D] =	sst s0  }
0x9: {  	[smem:$0x3F9E] =	sst s1  }
0xa: {  	[smem:$0x3F9F] =	sst s2  }
0xb: {  	[smem:$0x3FA0] =	sst s3  }
0xc: {  	[smem:$0x3FA1] =	sst s4  }
0xd: {  	[smem:$0x3FA2] =	sst s5  }
0xe: {  	[smem:$0x3FA3] =	sst s6  }
0xf: {  	[smem:$0x3FA4] =	sst s7  }
0x10: {  	[smem:$0x3FA5] =	sst s8  }
0x11: {  	[smem:$0x3FA6] =	sst s9;
	s0 =	simm.s32 @!p0 $0x0  }
0x12: {  	s1 =	sld [smem:$0x3F8C];
	s0 =	simm.s32 @p0 $0x1  }
0x13: {  	[smem:$0x3FA7] =	sst s0;
	s0 =	simm.s32 @!p1 $0x0  }
0x14: {  	s2 =	sld [smem:$0x3F8B];
	s0 =	simm.s32 @p1 $0x1  }
0x15: {  	[smem:$0x3FA8] =	sst s0;
	s0 =	simm.s32 @!p2 $0x0  }
0x16: {  	s3 =	sld [smem:$0x3FDB];
	s0 =	simm.s32 @p2 $0x1  }
0x17: {  	s4 =	simm.s32 $0x1BF5;
	[smem:$0x3FAA] =	sst s0  }
0x18: {  	s0 =	sld [smem:$0x3F8D];
	_ =	swait.ge [sflag:s4], $0x0  }
0x19: {  	s7 =	sld [smem:$0x3F8E]  }
0x1a: {  	s8 =	sadd.s32 $0xFFFFE003, lr  }
0x1b: {  	s9 =	sadd.s32 $0xFFFFFEF7, lr;
	s5 =	simm.s32 $0xFFFFFFFF;
	p2 =	slt.u32 s8, $0xFFFFF086  }
0x1c: {  	p1 =	slt.u32 s9, $0xF7A;
	s5 =	simm.s32 @!p2 $0x0  }
0x1d: {  	s5 =	simm.s32 @p1 $0x1;
	p0 =	seq.s32 s7, s2  }
0x1e: {  	s7 =	smul.u32 @!p0 $0xF7A, s2;
	p2 =	seq.s32 @!p0 s5, $0x0  }
0x1f: {  	s9 =	smul.u32 $0xF7A, s1;
	s8 =	simm.s32 @!p0 $0x1BF5;
	p2 =	por !p2, p0  }
0x20: {  	[sflag:s8] =	ssyncset.s32 @!p0 $0xFFFFF086;
	s6 =	sadd.s32 @!p0 s3, s7;
	s7 =	simm.s32 @!p0 $0x108  }
0x21: {  	s3 =	sadd.s32 s3, s9;
	s6 =	sadd.s32 @!p0 $0x88, s6;
	s7 =	simm.s32 @p2 $0x1082  }
0x22: {  	[simem:s7], [sflag:s8] =	dma.local @!p0 [hbm:s6], $0xF7A  }
0x23: {  	s9 =	sor.u32 $0xD0000000, s2;
	s6 =	simm.s32 $0x108;
	_ =	swait.ge @!p0 [sflag:s8], $0x0  }
0x24: {  	s3 =	sadd.s32 $0x88, s3;
	s6 =	simm.s32 @!p1 $0x1082;
	[sflag:s4] =	ssyncset.s32 $0xFFFFF086  }
0x25: {  	[simem:s6], [sflag:s4] =	dma.local [hbm:s3], $0xF7A  }
0x26: {  	[smem:$0x3F8E] =	sst s1;
	(tag) =	ssettag s2;
	_ =	strace s9  }
0x27: {  	s1 =	sld [smem:$0x3F9E]  }
0x28: {  	s2 =	sld [smem:$0x3F9F]  }
0x29: {  	s4 =	sld [smem:$0x3FA1]  }
0x2a: {  	p0 =	seq.s32 s5, $0x0;
	s5 =	sld [smem:$0x3FA2]  }
0x2b: {  	s6 =	sld [smem:$0x3FA3]  }
0x2c: {  	s7 =	sld [smem:$0x3FA4]  }
0x2d: {  	s3 =	simm.s32 $0x108;
	s8 =	sld [smem:$0x3FA5]  }
0x2e: {  	s3 =	simm.s32 @!p0 $0x1082;
	s9 =	sld [smem:$0x3FA6]  }
0x2f: {  	lr =	sadd.s32 s0, s3;
	s0 =	sld [smem:$0x3F9D]  }
0x30: {  	s3 =	sld [smem:$0x3FA0]  }
0x31: {  	[smem:$0x3FA9] =	sst s10  }
0x32: {  	s10 =	sld [smem:$0x3FA7];
	_ =	sdelay $0x3  }
0x33: {  	p0 =	seq.s32 s10, $0x1;
	s10 =	sld [smem:$0x3FA9];
	_ =	sdelay $0x3  }
0x34: {  	[smem:$0x3FA9] =	sst s10  }
0x35: {  	s10 =	sld [smem:$0x3FA8];
	_ =	sdelay $0x3  }
0x36: {  	p1 =	seq.s32 s10, $0x1;
	s10 =	sld [smem:$0x3FA9];
	_ =	sdelay $0x3  }
0x37: {  	[smem:$0x3FA9] =	sst s10  }
0x38: {  	s10 =	sld [smem:$0x3FAA]  }
0x39: {  	_ = 	snop;
	(pc) =	sbr.ind lr, $3  }
0x3a: {  	_ = 	snop  }
0x3b: {  	_ = 	snop  }
0x3c: {  	p2 =	seq.s32 s10, $0x1;
	s10 =	sld [smem:$0x3FA9]  }
0x3d: {  	_ =	shalt  }
0x3e: {  	_ =	shalt  }
0x3f: {  	_ =	shalt  }
0x40: {  	_ =	shalt  }
0x41: {  	_ =	shalt  }
0x42: {  	_ =	shalt  }
0x43: {  	_ =	shalt  }
0x44: {  	_ =	shalt  }
0x45: {  	_ =	shalt  }
0x46: {  	_ =	shalt  }
0x47: {  	_ =	shalt  }
0x48: {  	_ =	shalt  }
0x49: {  	_ =	shalt  }
0x4a: {  	_ =	shalt  }
0x4b: {  	_ =	shalt  }
0x4c: {  	_ =	shalt  }
0x4d: {  	_ =	shalt  }
0x4e: {  	_ =	shalt  }
0x4f: {  	_ =	shalt  }
0x50: {  	_ =	shalt  }
0x51: {  	_ =	shalt  }
0x52: {  	_ =	shalt  }
0x53: {  	_ =	shalt  }
0x54: {  	_ =	shalt  }
0x55: {  	_ =	shalt  }
0x56: {  	_ =	shalt  }
0x57: {  	_ =	shalt  }
0x58: {  	_ =	shalt  }
0x59: {  	_ =	shalt  }
0x5a: {  	_ =	shalt  }
0x5b: {  	_ =	shalt  }
0x5c: {  	_ =	shalt  }
0x5d: {  	_ =	shalt  }
0x5e: {  	_ =	shalt  }
0x5f: {  	_ =	shalt  }
0x60: {  	_ =	shalt  }
0x61: {  	_ =	shalt  }
0x62: {  	_ =	shalt  }
0x63: {  	_ =	shalt  }
0x64: {  	_ =	shalt  }
0x65: {  	_ =	shalt  }
0x66: {  	_ =	shalt  }
0x67: {  	_ =	shalt  }
0x68: {  	_ =	shalt  }
0x69: {  	_ =	shalt  }
0x6a: {  	_ =	shalt  }
0x6b: {  	_ =	shalt  }
0x6c: {  	_ =	shalt  }
0x6d: {  	_ =	shalt  }
0x6e: {  	_ =	shalt  }
0x6f: {  	_ =	shalt  }
0x70: {  	_ =	shalt  }
0x71: {  	_ =	shalt  }
0x72: {  	_ =	shalt  }
0x73: {  	_ =	shalt  }
0x74: {  	_ =	shalt  }
0x75: {  	_ =	shalt  }
0x76: {  	_ =	shalt  }
0x77: {  	_ =	shalt  }
0x78: {  	_ =	shalt  }
0x79: {  	_ =	shalt  }
0x7a: {  	_ =	shalt  }
0x7b: {  	_ =	shalt  }
0x7c: {  	_ =	shalt  }
0x7d: {  	_ =	shalt  }
0x7e: {  	_ =	shalt  }
0x7f: {  	_ =	shalt  }
0x80: {  	_ =	shalt  }
0x81: {  	_ =	shalt  }
0x82: {  	_ =	shalt  }
0x83: {  	_ =	shalt  }
0x84: {  	_ =	shalt  }
0x85: {  	_ =	shalt  }
0x86: {  	_ =	shalt  }
0x87: {  	_ =	shalt  }
.Lfunc_end0:
.L_simem_size_0:
called_computation_lowered:
.L_overlay_start_0:
0x88: {  	s2 =	sld [smem:$0x3FD9]  }
0x89: {  	s3 =	sld [smem:$0x3FFE];
	_ =	sdelay $0x1  }
0x8a: {  	s1 =	srdreg.scid  }
0x8b: {  	s0 =	sand.u32 $0x1, s1  }
0x8c: {  	s16 =	sshll.u32 s0, $0xA;
	s2 =	sadd.s32 s3, s2  }
0x8d: {  	s2 =	sadd.s32 s2, s16  }
0x8e: {  	[smem:$0x3FB5] =	sst s2  }
0x8f: {  	_ = 	snop  }
0x90: {  	(tm) =	ssettm $0x1  }
0x91: {  	s17 =	sld [smem:$0x3FFB];
	_ =	sdelay $0x3  }
0x92: {  	_ =	strace s17  }
0x93: {  	s2 =	sld [smem:$0x3FFC];
	_ =	sdelay $0x3  }
0x94: {  	_ =	strace s2  }
0x95: {  	s2 =	sld [smem:$0x3FFD];
	_ =	sdelay $0x3  }
0x96: {  	_ =	strace s2  }
0x97: {  	_ =	strace $0x8FFFFFFF  }
0x98: {  	s18 =	sld [smem:$0x3FDB];
	_ =	sdelay $0x1  }
0x99: {  	s19 =	simm.s32 $_scs_section_size  }
0x9a: {  	s4 =	simm.s32 $_size__tile_overlayer_lowered;
	s5 =	simm.s32 $_tile_overlayer_lowered  }
0x9b: {  	s22 =	simm.s32 $0x1BFF;
	s21 =	sshll.u32 s5, $0x1;
	s2 =	sadd.s32 s19, s18  }
0x9c: {  	s6 =	simm.s32 $0x0;
	s20 =	sshll.u32 s4, $0x1;
	s4 =	sadd.s32 s21, s2  }
0x9d: {  	[timem:s6], [sflag:s22] =	dma.local [hbm:s4], s20  }
0x9e: {  	_ =	swait.ge [sflag:s22], s20  }
0x9f: {  	s3 =	ssub.s32 $0x0, s20;
	[sflag:s22] =	ssyncset.done $0x0  }
0xa0: {  	[sflag:s22] =	ssyncadd.s32 s3;
	_ =	sdelay $0x1  }
0xa1: {  	s23 =	simm.s32 $0x1B8B  }
0xa2: {  	_ =	swait.ge [sflag:s23], $0x1  }
0xa3: {  	[sflag:s23] =	ssyncset.done $0x0  }
0xa4: {  	s25 =	simm.s32 $0x1B8E;
	s24 =	sld [smem:$0x3FFE];
	[sflag:s23] =	ssyncadd.s32 $0xFFFFFFFF  }
0xa5: {  	s26 =	simm.s32 $execute0_lowered;
	[smem:$0x3FD2] =	sst s25  }
0xa6: {  	s4 =	sshll.u32 s26, $0x1;
	_ =	strace $0x80000046;
	[dreg:$0x1] =	wrdreg $0xFFFFFFFF  }
0xa7: {  	s28 =	simm.s32 $_size_execute0_lowered;
	s2 =	sadd.s32 s2, s4;
	[dreg:$0x0] =	wrdreg $0x0  }
0xa8: {  	s4 =	sshll.u32 s28, $0x1;
	[dreg:$0x2] =	wrdreg s2  }
0xa9: {  	[dreg:$0x3] =	wrdreg s4  }
0xaa: {  	[dreg:$0x4] =	wrdreg $0xC0  }
0xab: {  	_ =	task [dreg:s6], $0x5FFFF  }
0xac: {  	[dreg:$0x1] =	wrdreg $0xFFFFFFFF  }
0xad: {  	[dreg:$0x0] =	wrdreg $0x60  }
0xae: {  	[dreg:$0x2] =	wrdreg s24  }
0xaf: {  	[dreg:$0x3] =	wrdreg $0x9  }
0xb0: {  	_ =	task.clear_ibuf [dreg:s6], $0x4FFFF;
	_ =	strace $0x90000046  }
0xb1: {  	s29 =	simm.s32 $0x9;
	_ =	strace $0x80000048  }
0xb2: {  	_ =	swait.ge [sflag:s29], $0x1  }
0xb3: {  	[sflag:s29] =	ssyncadd.s32 $0xFFFFFFFF  }
0xb4: {  	_ =	strace $0x90000048  }
0xb5: {  	_ =	sfence  }
0xb6: {  	s30 =	sld [smem:$0x0];
	_ =	sdelay $0x2  }
0xb7: {  	s31 =	sshll.u32 s1, $0xD;
	s1 =	sshrl.u32 s1, $0x2  }
0xb8: {  	s3 =	sand.u32 $0x4000, s31;
	s1 =	sadd.s32 s1, s30  }
0xb9: {  	s0 =	sor.u32 s3, s0;
	s1 =	sshll.u32 s1, $0x11  }
0xba: {  	s0 =	sor.u32 s1, s0  }
0xbb: {  	s0 =	sadd.s32 $0x8F2B, s0  }
0xbc: {  	[sflag:s0] =	ssyncadd.remote.s32 $0x1  }
0xbd: {  	_ =	sfence.sel $0xFFFF  }
0xbe: {  	[dreg:$0x0] =	wrdreg $0xFFFFFFFF;
	(pc) =	sbr.abs _section_cstart, $3  }
0xbf: {  	[dreg:$0x1] =	wrdreg $0xFFFFFFFF  }
0xc0: {  	_ =	task.clear_ibuf [dreg:s6], $0x2FFFF;
	_ =	strace $0x9FFFFFFF  }
0xc1: {  	(tm) =	ssettm $0x7FFFFFFF  }
tec
execute0_lowered:
.L_overlay_start_1:
0x0: {  	(tag) =	ssettag $0x1  }
0x1: {  	s0 =	rddreg [dreg:$0x0];
	s2 =	srdreg.scid;
	s1 =	simm.s32 $0x0  }
0x2: {  	s8 =	stileid.u32;
	s10 =	simm.s32 $0x80;
	s11 =	simm.s32 $0x5A80  }
0x3: {  	s12 =	simm.s32 $0x1;
	s13 =	simm.s32 $0xB280;
	s14 =	simm.s32 $0x600  }
0x4: {  	s15 =	simm.s32 $0x680;
	s16 =	simm.s32 $0xC280;
	s17 =	simm.s32 $0xCA80  }
0x5: {  	s18 =	simm.s32 $0x780;
	s19 =	simm.s32 $0xD280;
	s28 =	simm.s32 $0xEA80  }
0x6: {  	s29 =	simm.s32 $0x980;
	s30 =	simm.s32 $0xF280;
	s6 =	smul.u32 $0x150, s8  }
0x7: {  	s31 =	simm.s32 $0xA00;
	s2 =	sand.u32 $0x1, s2;
	s22 =	smul.u32 $0xA00, s8  }
0x8: {  	[smem:$0x7FF] =	sst s1;
	s3 =	sadd.s32 $0x7C00, s0;
	s4 =	smul.u32 $0x1500, s2  }
0x9: {  	s8 =	simm.s32 $0x700;
	s5 =	smul.u32 $0xA000, s2;
	s2 =	ssub.s32 $0x2, s2  }
0xa: {  	_ =	strace $0x80000047;
	s20 =	sshrl.u32 s2, $0x1;
	s4 =	sadd.s32 s4, s0  }
0xb: {  	s7 =	sadd.s32 s5, s0;
	s2 =	ssub.s32 s2, s20;
	s5 =	sadd.s32 $0x1B48E, s0  }
0xc: {  	s20 =	simm.s32 $0x800;
	s4 =	sadd.s32 s6, s4;
	s21 =	sadd.s32 $0x31800, s7  }
0xd: {  	s23 =	sadd.s32 $0x45800, s7;
	s24 =	sadd.s32 $0x59800, s7;
	s2 =	smax.u32 s2, $0x1  }
0xe: {  	s7 =	simm.s32 $0x2;
	s4 =	sadd.s32 $0x2EE00, s4;
	[dreg:$0x3] =	wrdreg s2  }
0xf: {  	s6 =	simm.s32 $0xBA80;
	s25 =	sadd.s32 s22, s21;
	[dreg:$0x2] =	wrdreg s4  }
0x10: {  	s26 =	sadd.s32 s22, s23;
	s0 =	sadd.s32 s22, s24;
	[dreg:$0x4] =	wrdreg s25  }
0x11: {  	s21 =	simm.s32 $0xDA80;
	s22 =	simm.s32 $0x880;
	[dreg:$0x5] =	wrdreg s26  }
0x12: {  	s23 =	simm.s32 $0xFA80;
	s24 =	simm.s32 $0x0;
	[dreg:$0x6] =	wrdreg s0  }
0x13: {  	s25 =	simm.s32 $0xE280;
	s26 =	simm.s32 $0x900;
	s0 =	simm.s32 $0x10280  }
.LBB2_1:
0x14: {  	s2 =	rddreg [dreg:$0x2]  }
0x15: {  	[tilespmem:s1], [sflag:$0x2] =	stream.linear.gather [hbm4b:s2+s1], $0xA80, $0x38;
	[tilespmem:$0x15280] =	vst v63  }
0x16: {  	_ =	swait.ge [sflag:s7], $0xA80  }
0x17: {  	[sflag:s7] =	ssyncset.done $0x0  }
0x18: {  	s4 =	simm.s32 $0xA80;
	s9 =	rddreg [dreg:$0x4];
	[sflag:s7] =	ssyncadd.s32 $0xFFFFF580  }
0x19: {  	[tilespmem:s4], [sflag:$0x2] =	stream.linear.gather [hbm4b:s9+s1], $0x5000, $0x38;
	[tilespmem:$0x15280] =	vst v63  }
0x1a: {  	_ =	swait.ge [sflag:s7], $0x5000  }
0x1b: {  	[sflag:s7] =	ssyncset.done $0x0  }
0x1c: {  	[sflag:s7] =	ssyncadd.s32 $0xFFFFB000  }
0x1d: {  	[tilespmem:s11], [sflag:$0x1] =	stream.indirect.gather [hbm4b:s3+s10], $0x10, s1, s10, $0xb8;
	[tilespmem:$0x15280] =	vst v63  }
0x1e: {  	_ =	swait.ge [sflag:s12], $0x800  }
0x1f: {  	[sflag:s12] =	ssyncset.done $0x0  }
0x20: {  	s9 =	simm.s32 $0x6280;
	[sflag:s12] =	ssyncadd.s32 $0xFFFFF800  }
0x21: {  	[tilespmem:s9], [sflag:$0x1] =	stream.indirect.gather [hbm4b:s3+s10], $0x10, s10, s10, $0xb8;
	[tilespmem:$0x15280] =	vst v63  }
0x22: {  	_ =	swait.ge [sflag:s12], $0x800  }
0x23: {  	[sflag:s12] =	ssyncset.done $0x0  }
0x24: {  	s4 =	simm.s32 $0x100;
	s9 =	simm.s32 $0x6A80;
	[sflag:s12] =	ssyncadd.s32 $0xFFFFF800  }
0x25: {  	[tilespmem:s9], [sflag:$0x1] =	stream.indirect.gather [hbm4b:s3+s10], $0x10, s4, s10, $0xb8;
	[tilespmem:$0x15280] =	vst v63  }
0x26: {  	_ =	swait.ge [sflag:s12], $0x800  }
0x27: {  	[sflag:s12] =	ssyncset.done $0x0  }
0x28: {  	s4 =	simm.s32 $0x180;
	s9 =	simm.s32 $0x7280;
	[sflag:s12] =	ssyncadd.s32 $0xFFFFF800  }
0x29: {  	[tilespmem:s9], [sflag:$0x1] =	stream.indirect.gather [hbm4b:s3+s10], $0x10, s4, s10, $0xb8;
	[tilespmem:$0x15280] =	vst v63  }
0x2a: {  	_ =	swait.ge [sflag:s12], $0x800  }
0x2b: {  	[sflag:s12] =	ssyncset.done $0x0  }
0x2c: {  	s4 =	simm.s32 $0x200;
	s9 =	simm.s32 $0x7A80;
	[sflag:s12] =	ssyncadd.s32 $0xFFFFF800  }
0x2d: {  	[tilespmem:s9], [sflag:$0x1] =	stream.indirect.gather [hbm4b:s3+s10], $0x10, s4, s10, $0xb8;
	[tilespmem:$0x15280] =	vst v63  }
0x2e: {  	_ =	swait.ge [sflag:s12], $0x800  }
0x2f: {  	[sflag:s12] =	ssyncset.done $0x0  }
0x30: {  	s4 =	simm.s32 $0x280;
	s9 =	simm.s32 $0x8280;
	[sflag:s12] =	ssyncadd.s32 $0xFFFFF800  }
0x31: {  	[tilespmem:s9], [sflag:$0x1] =	stream.indirect.gather [hbm4b:s3+s10], $0x10, s4, s10, $0xb8;
	[tilespmem:$0x15280] =	vst v63  }
0x32: {  	_ =	swait.ge [sflag:s12], $0x800  }
0x33: {  	[sflag:s12] =	ssyncset.done $0x0  }
0x34: {  	s4 =	simm.s32 $0x300;
	s9 =	simm.s32 $0x8A80;
	[sflag:s12] =	ssyncadd.s32 $0xFFFFF800  }
0x35: {  	[tilespmem:s9], [sflag:$0x1] =	stream.indirect.gather [hbm4b:s3+s10], $0x10, s4, s10, $0xb8;
	[tilespmem:$0x15280] =	vst v63  }
0x36: {  	_ =	swait.ge [sflag:s12], $0x800  }
0x37: {  	[sflag:s12] =	ssyncset.done $0x0  }
0x38: {  	s4 =	simm.s32 $0x380;
	s9 =	simm.s32 $0x9280;
	[sflag:s12] =	ssyncadd.s32 $0xFFFFF800  }
0x39: {  	[tilespmem:s9], [sflag:$0x1] =	stream.indirect.gather [hbm4b:s3+s10], $0x10, s4, s10, $0xb8;
	[tilespmem:$0x15280] =	vst v63  }
0x3a: {  	_ =	swait.ge [sflag:s12], $0x800  }
0x3b: {  	[sflag:s12] =	ssyncset.done $0x0  }
0x3c: {  	s4 =	simm.s32 $0x400;
	s9 =	simm.s32 $0x9A80;
	[sflag:s12] =	ssyncadd.s32 $0xFFFFF800  }
0x3d: {  	[tilespmem:s9], [sflag:$0x1] =	stream.indirect.gather [hbm4b:s3+s10], $0x10, s4, s10, $0xb8;
	[tilespmem:$0x15280] =	vst v63  }
0x3e: {  	_ =	swait.ge [sflag:s12], $0x800  }
0x3f: {  	[sflag:s12] =	ssyncset.done $0x0  }
0x40: {  	s4 =	simm.s32 $0x480;
	s9 =	simm.s32 $0xA280;
	[sflag:s12] =	ssyncadd.s32 $0xFFFFF800  }
0x41: {  	[tilespmem:s9], [sflag:$0x1] =	stream.indirect.gather [hbm4b:s3+s10], $0x10, s4, s10, $0xb8;
	[tilespmem:$0x15280] =	vst v63  }
0x42: {  	_ =	swait.ge [sflag:s12], $0x800  }
0x43: {  	[sflag:s12] =	ssyncset.done $0x0  }
0x44: {  	s4 =	simm.s32 $0x500;
	s9 =	simm.s32 $0xAA80;
	[sflag:s12] =	ssyncadd.s32 $0xFFFFF800  }
0x45: {  	[tilespmem:s9], [sflag:$0x1] =	stream.indirect.gather [hbm4b:s3+s10], $0x10, s4, s10, $0xb8;
	[tilespmem:$0x15280] =	vst v63  }
0x46: {  	_ =	swait.ge [sflag:s12], $0x800  }
0x47: {  	[sflag:s12] =	ssyncset.done $0x0  }
0x48: {  	s9 =	simm.s32 $0x580;
	[sflag:s12] =	ssyncadd.s32 $0xFFFFF800  }
0x49: {  	[tilespmem:s13], [sflag:$0x1] =	stream.indirect.gather [hbm4b:s3+s10], $0x10, s9, s10, $0xb8;
	[tilespmem:$0x15280] =	vst v63  }
0x4a: {  	_ =	swait.ge [sflag:s12], $0x800  }
0x4b: {  	[sflag:s12] =	ssyncset.done $0x0  }
0x4c: {  	[sflag:s12] =	ssyncadd.s32 $0xFFFFF800  }
0x4d: {  	[tilespmem:s6], [sflag:$0x1] =	stream.indirect.gather [hbm4b:s3+s10], $0x10, s14, s10, $0xb8;
	[tilespmem:$0x15280] =	vst v63  }
0x4e: {  	_ =	swait.ge [sflag:s12], $0x800  }
0x4f: {  	[sflag:s12] =	ssyncset.done $0x0  }
0x50: {  	[sflag:s12] =	ssyncadd.s32 $0xFFFFF800  }
0x51: {  	[tilespmem:s16], [sflag:$0x1] =	stream.indirect.gather [hbm4b:s3+s10], $0x10, s15, s10, $0xb8;
	[tilespmem:$0x15280] =	vst v63  }
0x52: {  	_ =	swait.ge [sflag:s12], $0x800  }
0x53: {  	[sflag:s12] =	ssyncset.done $0x0  }
0x54: {  	[sflag:s12] =	ssyncadd.s32 $0xFFFFF800  }
0x55: {  	[tilespmem:s17], [sflag:$0x1] =	stream.indirect.gather [hbm4b:s3+s10], $0x10, s8, s10, $0xb8;
	[tilespmem:$0x15280] =	vst v63  }
0x56: {  	_ =	swait.ge [sflag:s12], $0x800  }
0x57: {  	[sflag:s12] =	ssyncset.done $0x0  }
0x58: {  	[sflag:s12] =	ssyncadd.s32 $0xFFFFF800  }
0x59: {  	[tilespmem:s19], [sflag:$0x1] =	stream.indirect.gather [hbm4b:s3+s10], $0x10, s18, s10, $0xb8;
	[tilespmem:$0x15280] =	vst v63  }
0x5a: {  	_ =	swait.ge [sflag:s12], $0x800  }
0x5b: {  	[sflag:s12] =	ssyncset.done $0x0  }
0x5c: {  	[sflag:s12] =	ssyncadd.s32 $0xFFFFF800  }
0x5d: {  	[tilespmem:s21], [sflag:$0x1] =	stream.indirect.gather [hbm4b:s3+s10], $0x10, s20, s10, $0xb8;
	[tilespmem:$0x15280] =	vst v63  }
0x5e: {  	_ =	swait.ge [sflag:s12], $0x800  }
0x5f: {  	[sflag:s12] =	ssyncset.done $0x0  }
0x60: {  	[sflag:s12] =	ssyncadd.s32 $0xFFFFF800  }
0x61: {  	[tilespmem:s25], [sflag:$0x1] =	stream.indirect.gather [hbm4b:s3+s10], $0x10, s22, s10, $0xb8;
	[tilespmem:$0x15280] =	vst v63  }
0x62: {  	_ =	swait.ge [sflag:s12], $0x800  }
0x63: {  	[sflag:s12] =	ssyncset.done $0x0  }
0x64: {  	[sflag:s12] =	ssyncadd.s32 $0xFFFFF800  }
0x65: {  	[tilespmem:s28], [sflag:$0x1] =	stream.indirect.gather [hbm4b:s3+s10], $0x10, s26, s10, $0xb8;
	[tilespmem:$0x15280] =	vst v63  }
0x66: {  	_ =	swait.ge [sflag:s12], $0x800  }
0x67: {  	[sflag:s12] =	ssyncset.done $0x0  }
0x68: {  	[sflag:s12] =	ssyncadd.s32 $0xFFFFF800  }
0x69: {  	[tilespmem:s30], [sflag:$0x1] =	stream.indirect.gather [hbm4b:s3+s10], $0x10, s29, s10, $0xb8;
	[tilespmem:$0x15280] =	vst v63  }
0x6a: {  	_ =	swait.ge [sflag:s12], $0x800  }
0x6b: {  	[sflag:s12] =	ssyncset.done $0x0  }
0x6c: {  	[sflag:s12] =	ssyncadd.s32 $0xFFFFF800  }
0x6d: {  	[tilespmem:s23], [sflag:$0x1] =	stream.indirect.gather [hbm4b:s3+s10], $0x10, s31, s10, $0xb8;
	[tilespmem:$0x15280] =	vst v63  }
0x6e: {  	_ =	swait.ge [sflag:s12], $0x800  }
0x6f: {  	[sflag:s12] =	ssyncset.done $0x0  }
0x70: {  	s2 =	simm.s32 $0x0;
	[sflag:s12] =	ssyncadd.s32 $0xFFFFF800  }
0x71: {  	v0 =	vld [tilespmem:s2+$0xA80];
	_ =	sdelay $0x5  }
0x72: {  	v1 =	vld [tilespmem:s2+$0xA90];
	_ =	sdelay $0x1  }
0x73: {  	v0 =	vld.idx.msk [tilespmem:v0+s11+$0x0], $0xffff;
	_ =	sdelay $0x4  }
0x74: {  	[tilespmem:s2+$0x10280] =	vst v0;
	v0 =	vld [tilespmem:s2+$0xAA0]  }
0x75: {  	v1 =	vld.idx.msk [tilespmem:v1+s11+$0x0], $0xffff;
	_ =	sdelay $0x4  }
0x76: {  	[tilespmem:s2+$0x10290] =	vst v1;
	v1 =	vld [tilespmem:s2+$0xAB0];
	_ =	sdelay $0x1  }
0x77: {  	v0 =	vld.idx.msk [tilespmem:v0+s11+$0x0], $0xffff;
	_ =	sdelay $0x4  }
0x78: {  	[tilespmem:s2+$0x102A0] =	vst v0;
	v0 =	vld [tilespmem:s2+$0xAC0]  }
0x79: {  	v1 =	vld.idx.msk [tilespmem:v1+s11+$0x0], $0xffff;
	_ =	sdelay $0x4  }
0x7a: {  	[tilespmem:s2+$0x102B0] =	vst v1;
	v1 =	vld [tilespmem:s2+$0xAD0];
	_ =	sdelay $0x1  }
0x7b: {  	v0 =	vld.idx.msk [tilespmem:v0+s11+$0x0], $0xffff;
	_ =	sdelay $0x4  }
0x7c: {  	v2 =	vld [tilespmem:s2+$0xAE0];
	[tilespmem:s2+$0x102C0] =	vst v0  }
0x7d: {  	v0 =	vld.idx.msk [tilespmem:v1+s11+$0x0], $0xffff;
	_ =	sdelay $0x4  }
0x7e: {  	[tilespmem:s2+$0x102D0] =	vst v0;
	v0 =	vld [tilespmem:s2+$0xAF0];
	_ =	sdelay $0x1  }
0x7f: {  	v1 =	vld.idx.msk [tilespmem:v2+s11+$0x0], $0xffff;
	_ =	sdelay $0x3  }
0x80: {  	s4 =	simm.s32 $0x80;
	s9 =	simm.s32 $0x400  }
.LBB2_2:
0x81: {  	p0 =	sne.s32 s9, $0x13E00;
	v2 =	vld [tilespmem:s4+$0xA80];
	[tilespmem:s2+$0x102E0] =	vst v1  }
0x82: {  	v0 =	vld.idx.msk [tilespmem:v0+s11+$0x0], $0xffff;
	_ =	sdelay $0x5  }
0x83: {  	v1 =	vld [tilespmem:s4+$0xA90];
	[tilespmem:s2+$0x102F0] =	vst v0;
	s2 =	smov.u32 s4  }
0x84: {  	v0 =	vld.idx.msk [tilespmem:v2+s11+$0x0], $0xffff;
	_ =	sdelay $0x5  }
0x85: {  	[tilespmem:s2+$0x10280] =	vst v0;
	v0 =	vld [tilespmem:s2+$0xAA0]  }
0x86: {  	v1 =	vld.idx.msk [tilespmem:v1+s11+$0x0], $0xffff;
	_ =	sdelay $0x5  }
0x87: {  	[tilespmem:s2+$0x10290] =	vst v1;
	v1 =	vld [tilespmem:s2+$0xAB0]  }
0x88: {  	v0 =	vld.idx.msk [tilespmem:v0+s11+$0x0], $0xffff;
	_ =	sdelay $0x5  }
0x89: {  	[tilespmem:s2+$0x102A0] =	vst v0;
	v0 =	vld [tilespmem:s2+$0xAC0]  }
0x8a: {  	v1 =	vld.idx.msk [tilespmem:v1+s11+$0x0], $0xffff;
	_ =	sdelay $0x5  }
0x8b: {  	[tilespmem:s2+$0x102B0] =	vst v1;
	v1 =	vld [tilespmem:s2+$0xAD0]  }
0x8c: {  	v0 =	vld.idx.msk [tilespmem:v0+s11+$0x0], $0xffff;
	_ =	sdelay $0x5  }
0x8d: {  	[tilespmem:s2+$0x102C0] =	vst v0;
	v2 =	vld [tilespmem:s2+$0xAE0]  }
0x8e: {  	v0 =	vld.idx.msk [tilespmem:v1+s11+$0x0], $0xffff;
	_ =	sdelay $0x5  }
0x8f: {  	[tilespmem:s2+$0x102D0] =	vst v0;
	v0 =	vld [tilespmem:s2+$0xAF0]  }
0x90: {  	v1 =	vld.idx.msk [tilespmem:v2+s11+$0x0], $0xffff  }
.Ltmp0:
0x91: {  	(pc) =	sbr.rel @p0 .LBB2_2-.Ltmp0, $2  }
0x92: {  	_ =	sdelay $0x2  }
0x93: {  	s4 =	sshra.s32 s9, $0x2;
	s9 =	sadd.s32 $0x200, s9  }
0x94: {  	_ =	sdelay $0x1  }
0x95: {  	v2 =	vld [tilespmem:s4+$0xA80]  }
0x96: {  	[tilespmem:s2+$0x102E0] =	vst v1  }
0x97: {  	v0 =	vld.idx.msk [tilespmem:v0+s11+$0x0], $0xffff;
	_ =	sdelay $0x3  }
0x98: {  	v1 =	vld [tilespmem:s4+$0xA90]  }
0x99: {  	[tilespmem:s2+$0x102F0] =	vst v0  }
0x9a: {  	v0 =	vld.idx.msk [tilespmem:v2+s11+$0x0], $0xffff;
	_ =	sdelay $0x4  }
0x9b: {  	[tilespmem:s4+$0x10280] =	vst v0;
	v0 =	vld [tilespmem:s4+$0xAA0]  }
0x9c: {  	v1 =	vld.idx.msk [tilespmem:v1+s11+$0x0], $0xffff;
	_ =	sdelay $0x4  }
0x9d: {  	[tilespmem:s4+$0x10290] =	vst v1;
	v1 =	vld [tilespmem:s4+$0xAB0];
	_ =	sdelay $0x1  }
0x9e: {  	v0 =	vld.idx.msk [tilespmem:v0+s11+$0x0], $0xffff;
	_ =	sdelay $0x4  }
0x9f: {  	[tilespmem:s4+$0x102A0] =	vst v0;
	v0 =	vld [tilespmem:s4+$0xAC0]  }
0xa0: {  	v1 =	vld.idx.msk [tilespmem:v1+s11+$0x0], $0xffff;
	_ =	sdelay $0x4  }
0xa1: {  	[tilespmem:s4+$0x102B0] =	vst v1;
	v1 =	vld [tilespmem:s4+$0xAD0];
	_ =	sdelay $0x1  }
0xa2: {  	v0 =	vld.idx.msk [tilespmem:v0+s11+$0x0], $0xffff;
	_ =	sdelay $0x4  }
0xa3: {  	[tilespmem:s4+$0x102C0] =	vst v0;
	v0 =	vld [tilespmem:s4+$0xAE0]  }
0xa4: {  	v1 =	vld.idx.msk [tilespmem:v1+s11+$0x0], $0xffff;
	_ =	sdelay $0x4  }
0xa5: {  	[tilespmem:s4+$0x102D0] =	vst v1;
	v1 =	vld [tilespmem:s4+$0xAF0];
	_ =	sdelay $0x1  }
0xa6: {  	v0 =	vld.idx.msk [tilespmem:v0+s11+$0x0], $0xffff;
	_ =	sdelay $0x4  }
0xa7: {  	[tilespmem:s4+$0x102E0] =	vst v0  }
0xa8: {  	v0 =	vld.idx.msk [tilespmem:v1+s11+$0x0], $0xffff;
	_ =	sdelay $0x4  }
0xa9: {  	s9 =	rddreg [dreg:$0x5];
	s2 =	simm.s32 $0x0;
	[tilespmem:s4+$0x102F0] =	vst v0  }
0xaa: {  	[hbm4b:s9+s2] =	stream.linear.scatter [tilespmem:s0], [sflag:$0x2], $0x5000, $0x38;
	[tilespmem:$0x15280] =	vst v63  }
0xab: {  	_ =	swait.ge [sflag:s7], $0x5000  }
0xac: {  	[sflag:s7] =	ssyncset.done $0x0  }
0xad: {  	[sflag:s7] =	ssyncadd.s32 $0xFFFFB000  }
0xae: {  	[tilespmem:s11], [sflag:$0x1] =	stream.indirect.gather [hbm4b:s5+s10], $0x10, s2, s10, $0xb8;
	[tilespmem:$0x15280] =	vst v63  }
0xaf: {  	_ =	swait.ge [sflag:s12], $0x800  }
0xb0: {  	[sflag:s12] =	ssyncset.done $0x0  }
0xb1: {  	s9 =	simm.s32 $0x6280;
	[sflag:s12] =	ssyncadd.s32 $0xFFFFF800  }
0xb2: {  	[tilespmem:s9], [sflag:$0x1] =	stream.indirect.gather [hbm4b:s5+s10], $0x10, s10, s10, $0xb8;
	[tilespmem:$0x15280] =	vst v63  }
0xb3: {  	_ =	swait.ge [sflag:s12], $0x800  }
0xb4: {  	[sflag:s12] =	ssyncset.done $0x0  }
0xb5: {  	s4 =	simm.s32 $0x100;
	s9 =	simm.s32 $0x6A80;
	[sflag:s12] =	ssyncadd.s32 $0xFFFFF800  }
0xb6: {  	[tilespmem:s9], [sflag:$0x1] =	stream.indirect.gather [hbm4b:s5+s10], $0x10, s4, s10, $0xb8;
	[tilespmem:$0x15280] =	vst v63  }
0xb7: {  	_ =	swait.ge [sflag:s12], $0x800  }
0xb8: {  	[sflag:s12] =	ssyncset.done $0x0  }
0xb9: {  	s4 =	simm.s32 $0x180;
	s9 =	simm.s32 $0x7280;
	[sflag:s12] =	ssyncadd.s32 $0xFFFFF800  }
0xba: {  	[tilespmem:s9], [sflag:$0x1] =	stream.indirect.gather [hbm4b:s5+s10], $0x10, s4, s10, $0xb8;
	[tilespmem:$0x15280] =	vst v63  }
0xbb: {  	_ =	swait.ge [sflag:s12], $0x800  }
0xbc: {  	[sflag:s12] =	ssyncset.done $0x0  }
0xbd: {  	s4 =	simm.s32 $0x200;
	s9 =	simm.s32 $0x7A80;
	[sflag:s12] =	ssyncadd.s32 $0xFFFFF800  }
0xbe: {  	[tilespmem:s9], [sflag:$0x1] =	stream.indirect.gather [hbm4b:s5+s10], $0x10, s4, s10, $0xb8;
	[tilespmem:$0x15280] =	vst v63  }
0xbf: {  	_ =	swait.ge [sflag:s12], $0x800  }
0xc0: {  	[sflag:s12] =	ssyncset.done $0x0  }
0xc1: {  	s4 =	simm.s32 $0x280;
	s9 =	simm.s32 $0x8280;
	[sflag:s12] =	ssyncadd.s32 $0xFFFFF800  }
0xc2: {  	[tilespmem:s9], [sflag:$0x1] =	stream.indirect.gather [hbm4b:s5+s10], $0x10, s4, s10, $0xb8;
	[tilespmem:$0x15280] =	vst v63  }
0xc3: {  	_ =	swait.ge [sflag:s12], $0x800  }
0xc4: {  	[sflag:s12] =	ssyncset.done $0x0  }
0xc5: {  	s4 =	simm.s32 $0x300;
	s9 =	simm.s32 $0x8A80;
	[sflag:s12] =	ssyncadd.s32 $0xFFFFF800  }
0xc6: {  	[tilespmem:s9], [sflag:$0x1] =	stream.indirect.gather [hbm4b:s5+s10], $0x10, s4, s10, $0xb8;
	[tilespmem:$0x15280] =	vst v63  }
0xc7: {  	_ =	swait.ge [sflag:s12], $0x800  }
0xc8: {  	[sflag:s12] =	ssyncset.done $0x0  }
0xc9: {  	s4 =	simm.s32 $0x380;
	s9 =	simm.s32 $0x9280;
	[sflag:s12] =	ssyncadd.s32 $0xFFFFF800  }
0xca: {  	[tilespmem:s9], [sflag:$0x1] =	stream.indirect.gather [hbm4b:s5+s10], $0x10, s4, s10, $0xb8;
	[tilespmem:$0x15280] =	vst v63  }
0xcb: {  	_ =	swait.ge [sflag:s12], $0x800  }
0xcc: {  	[sflag:s12] =	ssyncset.done $0x0  }
0xcd: {  	s4 =	simm.s32 $0x400;
	s9 =	simm.s32 $0x9A80;
	[sflag:s12] =	ssyncadd.s32 $0xFFFFF800  }
0xce: {  	[tilespmem:s9], [sflag:$0x1] =	stream.indirect.gather [hbm4b:s5+s10], $0x10, s4, s10, $0xb8;
	[tilespmem:$0x15280] =	vst v63  }
0xcf: {  	_ =	swait.ge [sflag:s12], $0x800  }
0xd0: {  	[sflag:s12] =	ssyncset.done $0x0  }
0xd1: {  	s4 =	simm.s32 $0x480;
	s9 =	simm.s32 $0xA280;
	[sflag:s12] =	ssyncadd.s32 $0xFFFFF800  }
0xd2: {  	[tilespmem:s9], [sflag:$0x1] =	stream.indirect.gather [hbm4b:s5+s10], $0x10, s4, s10, $0xb8;
	[tilespmem:$0x15280] =	vst v63  }
0xd3: {  	_ =	swait.ge [sflag:s12], $0x800  }
0xd4: {  	[sflag:s12] =	ssyncset.done $0x0  }
0xd5: {  	s4 =	simm.s32 $0x500;
	s9 =	simm.s32 $0xAA80;
	[sflag:s12] =	ssyncadd.s32 $0xFFFFF800  }
0xd6: {  	[tilespmem:s9], [sflag:$0x1] =	stream.indirect.gather [hbm4b:s5+s10], $0x10, s4, s10, $0xb8;
	[tilespmem:$0x15280] =	vst v63  }
0xd7: {  	_ =	swait.ge [sflag:s12], $0x800  }
0xd8: {  	[sflag:s12] =	ssyncset.done $0x0  }
0xd9: {  	s9 =	simm.s32 $0x580;
	[sflag:s12] =	ssyncadd.s32 $0xFFFFF800  }
0xda: {  	[tilespmem:s13], [sflag:$0x1] =	stream.indirect.gather [hbm4b:s5+s10], $0x10, s9, s10, $0xb8;
	[tilespmem:$0x15280] =	vst v63  }
0xdb: {  	_ =	swait.ge [sflag:s12], $0x800  }
0xdc: {  	[sflag:s12] =	ssyncset.done $0x0  }
0xdd: {  	[sflag:s12] =	ssyncadd.s32 $0xFFFFF800  }
0xde: {  	[tilespmem:s6], [sflag:$0x1] =	stream.indirect.gather [hbm4b:s5+s10], $0x10, s14, s10, $0xb8;
	[tilespmem:$0x15280] =	vst v63  }
0xdf: {  	_ =	swait.ge [sflag:s12], $0x800  }
0xe0: {  	[sflag:s12] =	ssyncset.done $0x0  }
0xe1: {  	[sflag:s12] =	ssyncadd.s32 $0xFFFFF800  }
0xe2: {  	[tilespmem:s16], [sflag:$0x1] =	stream.indirect.gather [hbm4b:s5+s10], $0x10, s15, s10, $0xb8;
	[tilespmem:$0x15280] =	vst v63  }
0xe3: {  	_ =	swait.ge [sflag:s12], $0x800  }
0xe4: {  	[sflag:s12] =	ssyncset.done $0x0  }
0xe5: {  	[sflag:s12] =	ssyncadd.s32 $0xFFFFF800  }
0xe6: {  	[tilespmem:s17], [sflag:$0x1] =	stream.indirect.gather [hbm4b:s5+s10], $0x10, s8, s10, $0xb8;
	[tilespmem:$0x15280] =	vst v63  }
0xe7: {  	_ =	swait.ge [sflag:s12], $0x800  }
0xe8: {  	[sflag:s12] =	ssyncset.done $0x0  }
0xe9: {  	[sflag:s12] =	ssyncadd.s32 $0xFFFFF800  }
0xea: {  	[tilespmem:s19], [sflag:$0x1] =	stream.indirect.gather [hbm4b:s5+s10], $0x10, s18, s10, $0xb8;
	[tilespmem:$0x15280] =	vst v63  }
0xeb: {  	_ =	swait.ge [sflag:s12], $0x800  }
0xec: {  	[sflag:s12] =	ssyncset.done $0x0  }
0xed: {  	[sflag:s12] =	ssyncadd.s32 $0xFFFFF800  }
0xee: {  	[tilespmem:s21], [sflag:$0x1] =	stream.indirect.gather [hbm4b:s5+s10], $0x10, s20, s10, $0xb8;
	[tilespmem:$0x15280] =	vst v63  }
0xef: {  	_ =	swait.ge [sflag:s12], $0x800  }
0xf0: {  	[sflag:s12] =	ssyncset.done $0x0  }
0xf1: {  	[sflag:s12] =	ssyncadd.s32 $0xFFFFF800  }
0xf2: {  	[tilespmem:s25], [sflag:$0x1] =	stream.indirect.gather [hbm4b:s5+s10], $0x10, s22, s10, $0xb8;
	[tilespmem:$0x15280] =	vst v63  }
0xf3: {  	_ =	swait.ge [sflag:s12], $0x800  }
0xf4: {  	[sflag:s12] =	ssyncset.done $0x0  }
0xf5: {  	[sflag:s12] =	ssyncadd.s32 $0xFFFFF800  }
0xf6: {  	[tilespmem:s28], [sflag:$0x1] =	stream.indirect.gather [hbm4b:s5+s10], $0x10, s26, s10, $0xb8;
	[tilespmem:$0x15280] =	vst v63  }
0xf7: {  	_ =	swait.ge [sflag:s12], $0x800  }
0xf8: {  	[sflag:s12] =	ssyncset.done $0x0  }
0xf9: {  	[sflag:s12] =	ssyncadd.s32 $0xFFFFF800  }
0xfa: {  	[tilespmem:s30], [sflag:$0x1] =	stream.indirect.gather [hbm4b:s5+s10], $0x10, s29, s10, $0xb8;
	[tilespmem:$0x15280] =	vst v63  }
0xfb: {  	_ =	swait.ge [sflag:s12], $0x800  }
0xfc: {  	[sflag:s12] =	ssyncset.done $0x0  }
0xfd: {  	[sflag:s12] =	ssyncadd.s32 $0xFFFFF800  }
0xfe: {  	[tilespmem:s23], [sflag:$0x1] =	stream.indirect.gather [hbm4b:s5+s10], $0x10, s31, s10, $0xb8;
	[tilespmem:$0x15280] =	vst v63  }
0xff: {  	_ =	swait.ge [sflag:s12], $0x800  }
0x100: {  	[sflag:s12] =	ssyncset.done $0x0  }
0x101: {  	s2 =	simm.s32 $0x0;
	[sflag:s12] =	ssyncadd.s32 $0xFFFFF800  }
0x102: {  	v0 =	vld [tilespmem:s2+$0xA80];
	_ =	sdelay $0x5  }
0x103: {  	v1 =	vld [tilespmem:s2+$0xA90];
	_ =	sdelay $0x1  }
0x104: {  	v0 =	vld.idx.msk [tilespmem:v0+s11+$0x0], $0xffff;
	_ =	sdelay $0x4  }
0x105: {  	[tilespmem:s2+$0x10280] =	vst v0;
	v0 =	vld [tilespmem:s2+$0xAA0]  }
0x106: {  	v1 =	vld.idx.msk [tilespmem:v1+s11+$0x0], $0xffff;
	_ =	sdelay $0x4  }
0x107: {  	[tilespmem:s2+$0x10290] =	vst v1;
	v1 =	vld [tilespmem:s2+$0xAB0];
	_ =	sdelay $0x1  }
0x108: {  	v0 =	vld.idx.msk [tilespmem:v0+s11+$0x0], $0xffff;
	_ =	sdelay $0x4  }
0x109: {  	[tilespmem:s2+$0x102A0] =	vst v0;
	v0 =	vld [tilespmem:s2+$0xAC0]  }
0x10a: {  	v1 =	vld.idx.msk [tilespmem:v1+s11+$0x0], $0xffff;
	_ =	sdelay $0x4  }
0x10b: {  	[tilespmem:s2+$0x102B0] =	vst v1;
	v1 =	vld [tilespmem:s2+$0xAD0];
	_ =	sdelay $0x1  }
0x10c: {  	v0 =	vld.idx.msk [tilespmem:v0+s11+$0x0], $0xffff;
	_ =	sdelay $0x4  }
0x10d: {  	v2 =	vld [tilespmem:s2+$0xAE0];
	[tilespmem:s2+$0x102C0] =	vst v0  }
0x10e: {  	v0 =	vld.idx.msk [tilespmem:v1+s11+$0x0], $0xffff;
	_ =	sdelay $0x4  }
0x10f: {  	[tilespmem:s2+$0x102D0] =	vst v0;
	v0 =	vld [tilespmem:s2+$0xAF0];
	_ =	sdelay $0x1  }
0x110: {  	v1 =	vld.idx.msk [tilespmem:v2+s11+$0x0], $0xffff;
	_ =	sdelay $0x3  }
0x111: {  	s4 =	simm.s32 $0x80;
	s9 =	simm.s32 $0x400  }
.LBB2_4:
0x112: {  	p0 =	sne.s32 s9, $0x13E00;
	v2 =	vld [tilespmem:s4+$0xA80];
	[tilespmem:s2+$0x102E0] =	vst v1  }
0x113: {  	v0 =	vld.idx.msk [tilespmem:v0+s11+$0x0], $0xffff;
	_ =	sdelay $0x5  }
0x114: {  	v1 =	vld [tilespmem:s4+$0xA90];
	[tilespmem:s2+$0x102F0] =	vst v0;
	s2 =	smov.u32 s4  }
0x115: {  	v0 =	vld.idx.msk [tilespmem:v2+s11+$0x0], $0xffff;
	_ =	sdelay $0x5  }
0x116: {  	[tilespmem:s2+$0x10280] =	vst v0;
	v0 =	vld [tilespmem:s2+$0xAA0]  }
0x117: {  	v1 =	vld.idx.msk [tilespmem:v1+s11+$0x0], $0xffff;
	_ =	sdelay $0x5  }
0x118: {  	[tilespmem:s2+$0x10290] =	vst v1;
	v1 =	vld [tilespmem:s2+$0xAB0]  }
0x119: {  	v0 =	vld.idx.msk [tilespmem:v0+s11+$0x0], $0xffff;
	_ =	sdelay $0x5  }
0x11a: {  	[tilespmem:s2+$0x102A0] =	vst v0;
	v0 =	vld [tilespmem:s2+$0xAC0]  }
0x11b: {  	v1 =	vld.idx.msk [tilespmem:v1+s11+$0x0], $0xffff;
	_ =	sdelay $0x5  }
0x11c: {  	[tilespmem:s2+$0x102B0] =	vst v1;
	v1 =	vld [tilespmem:s2+$0xAD0]  }
0x11d: {  	v0 =	vld.idx.msk [tilespmem:v0+s11+$0x0], $0xffff;
	_ =	sdelay $0x5  }
0x11e: {  	[tilespmem:s2+$0x102C0] =	vst v0;
	v2 =	vld [tilespmem:s2+$0xAE0]  }
0x11f: {  	v0 =	vld.idx.msk [tilespmem:v1+s11+$0x0], $0xffff;
	_ =	sdelay $0x5  }
0x120: {  	[tilespmem:s2+$0x102D0] =	vst v0;
	v0 =	vld [tilespmem:s2+$0xAF0]  }
0x121: {  	v1 =	vld.idx.msk [tilespmem:v2+s11+$0x0], $0xffff  }
.Ltmp1:
0x122: {  	(pc) =	sbr.rel @p0 .LBB2_4-.Ltmp1, $2  }
0x123: {  	_ =	sdelay $0x2  }
0x124: {  	s4 =	sshra.s32 s9, $0x2;
	s9 =	sadd.s32 $0x200, s9  }
0x125: {  	_ =	sdelay $0x1  }
0x126: {  	v2 =	vld [tilespmem:s4+$0xA80]  }
0x127: {  	[tilespmem:s2+$0x102E0] =	vst v1  }
0x128: {  	v0 =	vld.idx.msk [tilespmem:v0+s11+$0x0], $0xffff;
	_ =	sdelay $0x3  }
0x129: {  	v1 =	vld [tilespmem:s4+$0xA90]  }
0x12a: {  	[tilespmem:s2+$0x102F0] =	vst v0  }
0x12b: {  	v0 =	vld.idx.msk [tilespmem:v2+s11+$0x0], $0xffff;
	_ =	sdelay $0x3  }
0x12c: {  	v58 =	vld [tilespmem:s4+$0xAA0]  }
0x12d: {  	[tilespmem:s4+$0x10280] =	vst v0  }
0x12e: {  	v1 =	vld.idx.msk [tilespmem:v1+s11+$0x0], $0xffff;
	_ =	sdelay $0x3  }
0x12f: {  	v59 =	vld [tilespmem:s4+$0xAB0]  }
0x130: {  	[tilespmem:s4+$0x10290] =	vst v1  }
0x131: {  	v0 =	vld.idx.msk [tilespmem:v58+s11+$0x0], $0xffff;
	_ =	sdelay $0x3  }
0x132: {  	v60 =	vld [tilespmem:s4+$0xAC0]  }
0x133: {  	[tilespmem:s4+$0x102A0] =	vst v0  }
0x134: {  	v1 =	vld.idx.msk [tilespmem:v59+s11+$0x0], $0xffff;
	_ =	sdelay $0x3  }
0x135: {  	v61 =	vld [tilespmem:s4+$0xAD0]  }
0x136: {  	[tilespmem:s4+$0x102B0] =	vst v1  }
0x137: {  	v0 =	vld.idx.msk [tilespmem:v60+s11+$0x0], $0xffff;
	_ =	sdelay $0x3  }
0x138: {  	v62 =	vld [tilespmem:s4+$0xAE0]  }
0x139: {  	[tilespmem:s4+$0x102C0] =	vst v0  }
0x13a: {  	v1 =	vld.idx.msk [tilespmem:v61+s11+$0x0], $0xffff;
	_ =	sdelay $0x3  }
0x13b: {  	v63 =	vld [tilespmem:s4+$0xAF0]  }
0x13c: {  	[tilespmem:s4+$0x102D0] =	vst v1  }
0x13d: {  	v0 =	vld.idx.msk [tilespmem:v62+s11+$0x0], $0xffff;
	_ =	sdelay $0x4  }
0x13e: {  	[tilespmem:s4+$0x102E0] =	vst v0  }
0x13f: {  	v0 =	vld.idx.msk [tilespmem:v63+s11+$0x0], $0xffff;
	_ =	sdelay $0x4  }
0x140: {  	[tilespmem:s4+$0x102F0] =	vst v0;
	s4 =	rddreg [dreg:$0x6]  }
0x141: {  	[hbm4b:s4+s1] =	stream.linear.scatter [tilespmem:s0], [sflag:$0x2], $0x5000, $0x38;
	[tilespmem:$0x15280] =	vst v63  }
0x142: {  	_ =	swait.ge [sflag:s7], $0x5000  }
0x143: {  	s24 =	sadd.s32 $0x1, s24;
	s9 =	rddreg [dreg:$0x3]  }
0x144: {  	p0 =	sne.s32 s24, s9  }
.Ltmp2:
0x145: {  	_ = 	snop;
	(pc) =	sbr.rel @p0 .LBB2_1-.Ltmp2, $3  }
0x146: {  	_ =	sdelay $0x1  }
0x147: {  	[sflag:s7] =	ssyncset.done $0x0  }
0x148: {  	[sflag:s7] =	ssyncadd.s32 $0xFFFFB000  }
0x149: {  	_ =	sfence.sel $0x180000  }
0x14a: {  	[bflag:$0x0] =	sbarrier.arrive $0xFFFF  }
0x14b: {  	_ =	strace $0x90000047  }
0x14c: {  	s0 =	stileid.u32;
	[bflag:$0x2] =	sbarrier.arrive $0xFFFF  }
0x14d: {  	p0 =	sne.s32 s0, $0x0;
	s0 =	rddreg [dreg:$0x1]  }
0x14e: {  	s0 =	sadd.s32 @!p0 $0x100000, s0  }
0x14f: {  	[sflag:s0] =	ssyncadd.tile.s32 @!p0 $0x1;
	_ =	shalt  }
.Lfunc_end2:
_tile_overlayer_lowered:
.L_overlay_start_2:
0x150: {  	(tag) =	ssettag $0x2  }
0x151: {  	s0 =	rddreg [dreg:$0x0];
	s2 =	stileid.u32  }
0x152: {  	s1 =	rddreg [dreg:$0x1];
	p0 =	sne.s32 s2, $0x0  }
0x153: {  	s3 =	rddreg [dreg:$0x2];
	[bflag:$0x3] =	sbarrier.arrive $0xFFFF;
	s2 =	simm.s32 @!p0 $0x1C02  }
0x154: {  	[timem:s3], [sflag:s2] =	dma.local @!p0 [hbm:s0], s1  }
0x155: {  	s0 =	simm.s32 @!p0 $0x2  }
0x156: {  	_ =	swait.ge @!p0 [sflag:s0], s1  }
0x157: {  	s1 =	ssub.s32 @!p0 $0x0, s1;
	[sflag:s0] =	ssyncset.done @!p0 $0x0  }
0x158: {  	[sflag:s0] =	ssyncadd.s32 @!p0 s1  }
0x159: {  	[bflag:$0x3] =	sbarrier.arrive $0xFFFF  }
0x15a: {  	_ =	shalt  }

// kernel: kernel.20.cloned.1.call-start
scs
__scs_entry_jumppad:
0x0: {  	(pc) =	sbr.rel $0x88, $3  }
0x1: {  	(tag) =	ssettag $0x0;
	lr =	simm.s32 $0x1  }
0x2: {  	[smem:$0x3F8E] =	sst lr;
	_ =	strace $0xD0000000  }
0x3: {  	_ = 	snop  }
0x4: {  	_ = 	snop  }
0x5: {  	_ = 	snop  }
0x6: {  	_ = 	snop  }
0x7: {  	_ = 	snop  }
__scs_overlays_trampoline_lowered:
0x8: {  	[smem:$0x3F9D] =	sst s0  }
0x9: {  	[smem:$0x3F9E] =	sst s1  }
0xa: {  	[smem:$0x3F9F] =	sst s2  }
0xb: {  	[smem:$0x3FA0] =	sst s3  }
0xc: {  	[smem:$0x3FA1] =	sst s4  }
0xd: {  	[smem:$0x3FA2] =	sst s5  }
0xe: {  	[smem:$0x3FA3] =	sst s6  }
0xf: {  	[smem:$0x3FA4] =	sst s7  }
0x10: {  	[smem:$0x3FA5] =	sst s8  }
0x11: {  	[smem:$0x3FA6] =	sst s9;
	s0 =	simm.s32 @!p0 $0x0  }
0x12: {  	s1 =	sld [smem:$0x3F8C];
	s0 =	simm.s32 @p0 $0x1  }
0x13: {  	[smem:$0x3FA7] =	sst s0;
	s0 =	simm.s32 @!p1 $0x0  }
0x14: {  	s2 =	sld [smem:$0x3F8B];
	s0 =	simm.s32 @p1 $0x1  }
0x15: {  	[smem:$0x3FA8] =	sst s0;
	s0 =	simm.s32 @!p2 $0x0  }
0x16: {  	s3 =	sld [smem:$0x3FDB];
	s0 =	simm.s32 @p2 $0x1  }
0x17: {  	s4 =	simm.s32 $0x1BF5;
	[smem:$0x3FAA] =	sst s0  }
0x18: {  	s0 =	sld [smem:$0x3F8D];
	_ =	swait.ge [sflag:s4], $0x0  }
0x19: {  	s7 =	sld [smem:$0x3F8E]  }
0x1a: {  	s8 =	sadd.s32 $0xFFFFE003, lr  }
0x1b: {  	s9 =	sadd.s32 $0xFFFFFEF7, lr;
	s5 =	simm.s32 $0xFFFFFFFF;
	p2 =	slt.u32 s8, $0xFFFFF086  }
0x1c: {  	p1 =	slt.u32 s9, $0xF7A;
	s5 =	simm.s32 @!p2 $0x0  }
0x1d: {  	s5 =	simm.s32 @p1 $0x1;
	p0 =	seq.s32 s7, s2  }
0x1e: {  	s7 =	smul.u32 @!p0 $0xF7A, s2;
	p2 =	seq.s32 @!p0 s5, $0x0  }
0x1f: {  	s9 =	smul.u32 $0xF7A, s1;
	s8 =	simm.s32 @!p0 $0x1BF5;
	p2 =	por !p2, p0  }
0x20: {  	[sflag:s8] =	ssyncset.s32 @!p0 $0xFFFFF086;
	s6 =	sadd.s32 @!p0 s3, s7;
	s7 =	simm.s32 @!p0 $0x108  }
0x21: {  	s3 =	sadd.s32 s3, s9;
	s6 =	sadd.s32 @!p0 $0x88, s6;
	s7 =	simm.s32 @p2 $0x1082  }
0x22: {  	[simem:s7], [sflag:s8] =	dma.local @!p0 [hbm:s6], $0xF7A  }
0x23: {  	s9 =	sor.u32 $0xD0000000, s2;
	s6 =	simm.s32 $0x108;
	_ =	swait.ge @!p0 [sflag:s8], $0x0  }
0x24: {  	s3 =	sadd.s32 $0x88, s3;
	s6 =	simm.s32 @!p1 $0x1082;
	[sflag:s4] =	ssyncset.s32 $0xFFFFF086  }
0x25: {  	[simem:s6], [sflag:s4] =	dma.local [hbm:s3], $0xF7A  }
0x26: {  	[smem:$0x3F8E] =	sst s1;
	(tag) =	ssettag s2;
	_ =	strace s9  }
0x27: {  	s1 =	sld [smem:$0x3F9E]  }
0x28: {  	s2 =	sld [smem:$0x3F9F]  }
0x29: {  	s4 =	sld [smem:$0x3FA1]  }
0x2a: {  	p0 =	seq.s32 s5, $0x0;
	s5 =	sld [smem:$0x3FA2]  }
0x2b: {  	s6 =	sld [smem:$0x3FA3]  }
0x2c: {  	s7 =	sld [smem:$0x3FA4]  }
0x2d: {  	s3 =	simm.s32 $0x108;
	s8 =	sld [smem:$0x3FA5]  }
0x2e: {  	s3 =	simm.s32 @!p0 $0x1082;
	s9 =	sld [smem:$0x3FA6]  }
0x2f: {  	lr =	sadd.s32 s0, s3;
	s0 =	sld [smem:$0x3F9D]  }
0x30: {  	s3 =	sld [smem:$0x3FA0]  }
0x31: {  	[smem:$0x3FA9] =	sst s10  }
0x32: {  	s10 =	sld [smem:$0x3FA7];
	_ =	sdelay $0x3  }
0x33: {  	p0 =	seq.s32 s10, $0x1;
	s10 =	sld [smem:$0x3FA9];
	_ =	sdelay $0x3  }
0x34: {  	[smem:$0x3FA9] =	sst s10  }
0x35: {  	s10 =	sld [smem:$0x3FA8];
	_ =	sdelay $0x3  }
0x36: {  	p1 =	seq.s32 s10, $0x1;
	s10 =	sld [smem:$0x3FA9];
	_ =	sdelay $0x3  }
0x37: {  	[smem:$0x3FA9] =	sst s10  }
0x38: {  	s10 =	sld [smem:$0x3FAA]  }
0x39: {  	_ = 	snop;
	(pc) =	sbr.ind lr, $3  }
0x3a: {  	_ = 	snop  }
0x3b: {  	_ = 	snop  }
0x3c: {  	p2 =	seq.s32 s10, $0x1;
	s10 =	sld [smem:$0x3FA9]  }
0x3d: {  	_ =	shalt  }
0x3e: {  	_ =	shalt  }
0x3f: {  	_ =	shalt  }
0x40: {  	_ =	shalt  }
0x41: {  	_ =	shalt  }
0x42: {  	_ =	shalt  }
0x43: {  	_ =	shalt  }
0x44: {  	_ =	shalt  }
0x45: {  	_ =	shalt  }
0x46: {  	_ =	shalt  }
0x47: {  	_ =	shalt  }
0x48: {  	_ =	shalt  }
0x49: {  	_ =	shalt  }
0x4a: {  	_ =	shalt  }
0x4b: {  	_ =	shalt  }
0x4c: {  	_ =	shalt  }
0x4d: {  	_ =	shalt  }
0x4e: {  	_ =	shalt  }
0x4f: {  	_ =	shalt  }
0x50: {  	_ =	shalt  }
0x51: {  	_ =	shalt  }
0x52: {  	_ =	shalt  }
0x53: {  	_ =	shalt  }
0x54: {  	_ =	shalt  }
0x55: {  	_ =	shalt  }
0x56: {  	_ =	shalt  }
0x57: {  	_ =	shalt  }
0x58: {  	_ =	shalt  }
0x59: {  	_ =	shalt  }
0x5a: {  	_ =	shalt  }
0x5b: {  	_ =	shalt  }
0x5c: {  	_ =	shalt  }
0x5d: {  	_ =	shalt  }
0x5e: {  	_ =	shalt  }
0x5f: {  	_ =	shalt  }
0x60: {  	_ =	shalt  }
0x61: {  	_ =	shalt  }
0x62: {  	_ =	shalt  }
0x63: {  	_ =	shalt  }
0x64: {  	_ =	shalt  }
0x65: {  	_ =	shalt  }
0x66: {  	_ =	shalt  }
0x67: {  	_ =	shalt  }
0x68: {  	_ =	shalt  }
0x69: {  	_ =	shalt  }
0x6a: {  	_ =	shalt  }
0x6b: {  	_ =	shalt  }
0x6c: {  	_ =	shalt  }
0x6d: {  	_ =	shalt  }
0x6e: {  	_ =	shalt  }
0x6f: {  	_ =	shalt  }
0x70: {  	_ =	shalt  }
0x71: {  	_ =	shalt  }
0x72: {  	_ =	shalt  }
0x73: {  	_ =	shalt  }
0x74: {  	_ =	shalt  }
0x75: {  	_ =	shalt  }
0x76: {  	_ =	shalt  }
0x77: {  	_ =	shalt  }
0x78: {  	_ =	shalt  }
0x79: {  	_ =	shalt  }
0x7a: {  	_ =	shalt  }
0x7b: {  	_ =	shalt  }
0x7c: {  	_ =	shalt  }
0x7d: {  	_ =	shalt  }
0x7e: {  	_ =	shalt  }
0x7f: {  	_ =	shalt  }
0x80: {  	_ =	shalt  }
0x81: {  	_ =	shalt  }
0x82: {  	_ =	shalt  }
0x83: {  	_ =	shalt  }
0x84: {  	_ =	shalt  }
0x85: {  	_ =	shalt  }
0x86: {  	_ =	shalt  }
0x87: {  	_ =	shalt  }
.Lfunc_end0:
.L_simem_size_0:
called_computation.1_lowered:
.L_overlay_start_0:
0x88: {  	s2 =	sld [smem:$0x3FD9]  }
0x89: {  	s3 =	sld [smem:$0x3FFE];
	_ =	sdelay $0x1  }
0x8a: {  	s1 =	srdreg.scid  }
0x8b: {  	s0 =	sand.u32 $0x1, s1  }
0x8c: {  	s14 =	sshll.u32 s0, $0xA;
	s2 =	sadd.s32 s3, s2  }
0x8d: {  	s2 =	sadd.s32 s2, s14  }
0x8e: {  	[smem:$0x3FB5] =	sst s2  }
0x8f: {  	_ = 	snop  }
0x90: {  	s2 =	sld [smem:$0x3FD0];
	_ =	sdelay $0x2  }
0x91: {  	s15 =	simm.s32 $0xB;
	s4 =	simm.s32 $0x10  }
0x92: {  	[smem:s4], [sflag:s15] =	dma.local [hbm:s2], $0x1  }
0x93: {  	_ =	swait.eq [sflag:s15], $0x1  }
0x94: {  	[sflag:s15] =	ssyncset.done $0x0  }
0x95: {  	s16 =	sld [smem:$0x10];
	[sflag:s15] =	ssyncadd.s32 $0xFFFFFFFF  }
0x96: {  	s17 =	sld [smem:$0x11];
	(tm) =	ssettm $0x1  }
0x97: {  	s18 =	sld [smem:$0x3FFB];
	_ =	sdelay $0x3  }
0x98: {  	_ =	strace s18  }
0x99: {  	s4 =	sld [smem:$0x3FFC];
	_ =	sdelay $0x3  }
0x9a: {  	_ =	strace s4  }
0x9b: {  	s4 =	sld [smem:$0x3FFD];
	_ =	sdelay $0x3  }
0x9c: {  	_ =	strace s4  }
0x9d: {  	_ =	strace $0x8FFFFFFF  }
0x9e: {  	s19 =	sld [smem:$0x3FDB];
	_ =	sdelay $0x1  }
0x9f: {  	s5 =	simm.s32 $_scs_section_size  }
0xa0: {  	s6 =	simm.s32 $_size__tile_overlayer_lowered;
	s7 =	simm.s32 $_tile_overlayer_lowered  }
0xa1: {  	s22 =	simm.s32 $0x1BFF;
	s21 =	sshll.u32 s7, $0x1;
	s4 =	sadd.s32 s5, s19  }
0xa2: {  	s8 =	simm.s32 $0x0;
	s20 =	sshll.u32 s6, $0x1;
	s6 =	sadd.s32 s21, s4  }
0xa3: {  	[timem:s8], [sflag:s22] =	dma.local [hbm:s6], s20  }
0xa4: {  	_ =	swait.ge [sflag:s22], s20  }
0xa5: {  	s5 =	ssub.s32 $0x0, s20;
	[sflag:s22] =	ssyncset.done $0x0  }
0xa6: {  	[sflag:s22] =	ssyncadd.s32 s5;
	_ =	sdelay $0x1  }
0xa7: {  	s23 =	simm.s32 $0x1B8B  }
0xa8: {  	_ =	swait.ge [sflag:s23], $0x1  }
0xa9: {  	[sflag:s23] =	ssyncset.done $0x0  }
0xaa: {  	s25 =	simm.s32 $0x1B8E;
	s24 =	sld [smem:$0x3FFE];
	[sflag:s23] =	ssyncadd.s32 $0xFFFFFFFF  }
0xab: {  	s26 =	simm.s32 $execute0_lowered;
	[smem:$0x3FD2] =	sst s25  }
0xac: {  	s6 =	sshll.u32 s26, $0x1;
	_ =	strace $0x80000049;
	[dreg:$0x1] =	wrdreg $0xFFFFFFFF  }
0xad: {  	s28 =	simm.s32 $_size_execute0_lowered;
	s4 =	sadd.s32 s4, s6;
	[dreg:$0x0] =	wrdreg $0x0  }
0xae: {  	s6 =	sshll.u32 s28, $0x1;
	[dreg:$0x2] =	wrdreg s4  }
0xaf: {  	[dreg:$0x3] =	wrdreg s6  }
0xb0: {  	[dreg:$0x4] =	wrdreg $0xC0  }
0xb1: {  	_ =	task [dreg:s8], $0x5FFFF  }
0xb2: {  	[dreg:$0x1] =	wrdreg $0xFFFFFFFF  }
0xb3: {  	[dreg:$0x0] =	wrdreg $0x60  }
0xb4: {  	[dreg:$0x2] =	wrdreg s24  }
0xb5: {  	[dreg:$0x3] =	wrdreg s16  }
0xb6: {  	[dreg:$0x4] =	wrdreg s17  }
0xb7: {  	[dreg:$0x5] =	wrdreg $0x7F800  }
0xb8: {  	[dreg:$0x6] =	wrdreg $0x9  }
0xb9: {  	_ =	task.clear_ibuf [dreg:s8], $0x7FFFF;
	_ =	strace $0x90000049  }
0xba: {  	s29 =	simm.s32 $0x9;
	_ =	strace $0x8000004B  }
0xbb: {  	_ =	swait.ge [sflag:s29], $0x1  }
0xbc: {  	[sflag:s29] =	ssyncadd.s32 $0xFFFFFFFF  }
0xbd: {  	_ =	strace $0x9000004B  }
0xbe: {  	_ =	sfence  }
0xbf: {  	s30 =	sld [smem:$0x0];
	_ =	sdelay $0x2  }
0xc0: {  	s31 =	sshll.u32 s1, $0xD;
	s1 =	sshrl.u32 s1, $0x2  }
0xc1: {  	s3 =	sand.u32 $0x4000, s31;
	s1 =	sadd.s32 s1, s30  }
0xc2: {  	s0 =	sor.u32 s3, s0;
	s1 =	sshll.u32 s1, $0x11  }
0xc3: {  	s0 =	sor.u32 s1, s0  }
0xc4: {  	s0 =	sadd.s32 $0x8F2B, s0  }
0xc5: {  	[sflag:s0] =	ssyncadd.remote.s32 $0x1  }
0xc6: {  	_ =	sfence.sel $0xFFFF  }
0xc7: {  	[dreg:$0x0] =	wrdreg $0xFFFFFFFF;
	(pc) =	sbr.abs _section_cstart, $3  }
0xc8: {  	[dreg:$0x1] =	wrdreg $0xFFFFFFFF  }
0xc9: {  	_ =	task.clear_ibuf [dreg:s8], $0x2FFFF;
	_ =	strace $0x9FFFFFFF  }
0xca: {  	(tm) =	ssettm $0x7FFFFFFF  }
0xcb: {  	_ =	shalt  }
tec
execute0_lowered:
.L_overlay_start_1:
0x0: {  	(tag) =	ssettag $0x1  }
0x1: {  	s6 =	rddreg [dreg:$0x0]  }
0x2: {  	s0 =	rddreg [dreg:$0x1]  }
0x3: {  	s2 =	rddreg [dreg:$0x2];
	s3 =	stileid.u32  }
0x4: {  	s1 =	srdreg.scid;
	s9 =	smul.u32 $0x4F0, s3  }
0x5: {  	s4 =	rddreg [dreg:$0x3];
	s5 =	simm.s32 $0x0;
	s11 =	smul.u32 $0xA00, s3  }
0x6: {  	s13 =	simm.s32 $0x80;
	s7 =	sand.u32 $0x1, s1;
	s28 =	smul.u32 $0x9E00, s3  }
0x7: {  	s16 =	simm.s32 $0x0;
	s1 =	rddreg [dreg:$0x4];
	s8 =	smul.u32 $0xA000, s7  }
0x8: {  	[smem:$0x7FF] =	sst s5;
	s14 =	sshll.u32 s3, $0x6;
	s10 =	smul.u32 $0x4F00, s7  }
0x9: {  	_ =	strace $0x8000004A;
	s7 =	ssub.s32 $0x2, s7;
	s14 =	sor.u32 $0x1C01, s14  }
0xa: {  	s29 =	sshrl.u32 s7, $0x1;
	s31 =	sshrl.u32 s28, $0x2;
	s9 =	sadd.s32 s9, s10  }
0xb: {  	s8 =	sadd.s32 s8, s6;
	s12 =	ssub.s32 s7, s29;
	s7 =	sadd.s32 s31, s4  }
0xc: {  	s10 =	simm.s32 $0x1;
	s9 =	sadd.s32 s9, s6;
	s30 =	sadd.s32 s11, s8  }
0xd: {  	s11 =	simm.s32 $0x5000;
	s15 =	sshrl.u32 s7, $0x3;
	s6 =	sadd.s32 $0x59800, s30  }
0xe: {  	s8 =	sadd.s32 $0x7C00, s9;
	s9 =	smax.u32 s12, $0x1;
	s12 =	simm.s32 $0x5800  }
.LBB2_1:
0xf: {  	[tilespmem:s5], [sflag:$0x1] =	stream.linear.gather [hbm4b:s6+s5], $0x5000, $0x38;
	[tilespmem:$0xA700] =	vst v63  }
0x10: {  	_ =	swait.ge [sflag:s10], $0x5000  }
0x11: {  	[sflag:s10] =	ssyncset.done $0x0  }
0x12: {  	[sflag:s10] =	ssyncadd.s32 $0xFFFFB000  }
0x13: {  	[tilespmem:s11], [sflag:$0x1] =	stream.linear.gather [hbm4b:s0+s5], $0x800, $0x38;
	[tilespmem:$0xA700] =	vst v63  }
0x14: {  	_ =	swait.ge [sflag:s10], $0x800  }
0x15: {  	[sflag:s10] =	ssyncset.done $0x0  }
0x16: {  	[sflag:s10] =	ssyncadd.s32 $0xFFFFF800  }
0x17: {  	[tilespmem:s12], [sflag:$0x1] =	stream.linear.gather [hbm4b:s2+s5], $0x2780, $0x38;
	[tilespmem:$0xA700] =	vst v63  }
0x18: {  	_ =	swait.ge [sflag:s10], $0x2780  }
0x19: {  	[sflag:s10] =	ssyncset.done $0x0  }
0x1a: {  	[sflag:s10] =	ssyncadd.s32 $0xFFFFD880  }
0x1b: {  	[spmem:s7] =	stream.linear.scatter [tilespmem:s12], [sflag:$0x1], $0x2780, $0x38;
	[tilespmem:$0xA700] =	vst v63  }
0x1c: {  	_ =	swait.ge [sflag:s10], $0x2780  }
0x1d: {  	[sflag:s10] =	ssyncset.done $0x0  }
0x1e: {  	[sflag:s10] =	ssyncadd.s32 $0xFFFFD880  }
0x1f: {  	s17 =	simm.s32 $0x0;
	[bflag:$0x0] =	sbarrier.arrive $0xFFFF  }
0x20: {  	[spmem:s4] =	stream.indirect.scatter.add.f32 [tilespmem:s11], [sflag:$0x1], $0x10, s17, s13, $0xb8;
	[tilespmem:$0xA700] =	vst v63  }
0x21: {  	_ =	swait.ge [sflag:s10], $0x800  }
0x22: {  	s17 =	simm.s32 $0x200;
	[sflag:s10] =	ssyncset.done $0x0  }
.LBB2_2:
0x23: {  	s18 =	sshra.s32 s17, $0x2;
	[sflag:s10] =	ssyncadd.s32 $0xFFFFF800;
	p0 =	sne.s32 s17, $0x13E00  }
0x24: {  	[spmem:s4] =	stream.indirect.scatter.add.f32 [tilespmem:s11], [sflag:$0x1], $0x10, s18, s13, $0xb8;
	[tilespmem:$0xA700] =	vst v63  }
.Ltmp0:
0x25: {  	_ = 	snop;
	(pc) =	sbr.rel @p0 .LBB2_2-.Ltmp0, $4  }
0x26: {  	_ = 	snop  }
0x27: {  	s17 =	sadd.s32 $0x200, s17  }
0x28: {  	_ =	swait.ge [sflag:s10], $0x800  }
0x29: {  	[sflag:s10] =	ssyncset.done $0x0  }
0x2a: {  	s16 =	sadd.s32 $0x1, s16  }
0x2b: {  	[sflag:s10] =	ssyncadd.s32 $0xFFFFF800;
	p0 =	sne.s32 s16, s9  }
.Ltmp1:
0x2c: {  	[bflag:$0x0] =	sbarrier.arrive $0xFFFF;
	(pc) =	sbr.rel @p0 .LBB2_1-.Ltmp1, $4  }
0x2d: {  	[hbm:s8], [sflag:s14] =	dma.local [spmem:s15], $0x4F0  }
0x2e: {  	_ =	swait.ge [sflag:s10], $0x4F0  }
0x2f: {  	[sflag:s10] =	ssyncset.done $0x0  }
0x30: {  	[sflag:s10] =	ssyncadd.s32 $0xFFFFFB10  }
0x31: {  	_ =	sfence.sel $0x180000  }
0x32: {  	[bflag:$0x0] =	sbarrier.arrive $0xFFFF  }
0x33: {  	p0 =	sne.s32 s3, $0x0;
	_ =	strace $0x9000004A  }
0x34: {  	s0 =	sadd.s32 @!p0 $0x100000, s1;
	[bflag:$0x2] =	sbarrier.arrive $0xFFFF  }
0x35: {  	[sflag:s0] =	ssyncadd.tile.s32 @!p0 $0x1;
	_ =	shalt  }
.Lfunc_end2:
_tile_overlayer_lowered:
.L_overlay_start_2:
0x36: {  	(tag) =	ssettag $0x2  }
0x37: {  	s0 =	rddreg [dreg:$0x0];
	s2 =	stileid.u32  }
0x38: {  	s1 =	rddreg [dreg:$0x1];
	p0 =	sne.s32 s2, $0x0  }
0x39: {  	s3 =	rddreg [dreg:$0x2];
	[bflag:$0x3] =	sbarrier.arrive $0xFFFF;
	s2 =	simm.s32 @!p0 $0x1C01  }
0x3a: {  	[timem:s3], [sflag:s2] =	dma.local @!p0 [hbm:s0], s1  }
0x3b: {  	s0 =	simm.s32 @!p0 $0x1  }
0x3c: {  	_ =	swait.ge @!p0 [sflag:s0], s1  }
0x3d: {  	s1 =	ssub.s32 @!p0 $0x0, s1;
	[sflag:s0] =	ssyncset.done @!p0 $0x0  }
0x3e: {  	[sflag:s0] =	ssyncadd.s32 @!p0 s1  }
0x3f: {  	[bflag:$0x3] =	sbarrier.arrive $0xFFFF  }
0x40: {  	_ =	shalt  }

// kernel: kernel.23.cloned.1.call-start
scs
__scs_entry_jumppad:
0x0: {  	(pc) =	sbr.rel $0x88, $3  }
0x1: {  	(tag) =	ssettag $0x0;
	lr =	simm.s32 $0x1  }
0x2: {  	[smem:$0x3F8E] =	sst lr;
	_ =	strace $0xD0000000  }
0x3: {  	_ = 	snop  }
0x4: {  	_ = 	snop  }
0x5: {  	_ = 	snop  }
0x6: {  	_ = 	snop  }
0x7: {  	_ = 	snop  }
__scs_overlays_trampoline_lowered:
0x8: {  	[smem:$0x3F9D] =	sst s0  }
0x9: {  	[smem:$0x3F9E] =	sst s1  }
0xa: {  	[smem:$0x3F9F] =	sst s2  }
0xb: {  	[smem:$0x3FA0] =	sst s3  }
0xc: {  	[smem:$0x3FA1] =	sst s4  }
0xd: {  	[smem:$0x3FA2] =	sst s5  }
0xe: {  	[smem:$0x3FA3] =	sst s6  }
0xf: {  	[smem:$0x3FA4] =	sst s7  }
0x10: {  	[smem:$0x3FA5] =	sst s8  }
0x11: {  	[smem:$0x3FA6] =	sst s9;
	s0 =	simm.s32 @!p0 $0x0  }
0x12: {  	s1 =	sld [smem:$0x3F8C];
	s0 =	simm.s32 @p0 $0x1  }
0x13: {  	[smem:$0x3FA7] =	sst s0;
	s0 =	simm.s32 @!p1 $0x0  }
0x14: {  	s2 =	sld [smem:$0x3F8B];
	s0 =	simm.s32 @p1 $0x1  }
0x15: {  	[smem:$0x3FA8] =	sst s0;
	s0 =	simm.s32 @!p2 $0x0  }
0x16: {  	s3 =	sld [smem:$0x3FDB];
	s0 =	simm.s32 @p2 $0x1  }
0x17: {  	s4 =	simm.s32 $0x1BF5;
	[smem:$0x3FAA] =	sst s0  }
0x18: {  	s0 =	sld [smem:$0x3F8D];
	_ =	swait.ge [sflag:s4], $0x0  }
0x19: {  	s7 =	sld [smem:$0x3F8E]  }
0x1a: {  	s8 =	sadd.s32 $0xFFFFE003, lr  }
0x1b: {  	s9 =	sadd.s32 $0xFFFFFEF7, lr;
	s5 =	simm.s32 $0xFFFFFFFF;
	p2 =	slt.u32 s8, $0xFFFFF086  }
0x1c: {  	p1 =	slt.u32 s9, $0xF7A;
	s5 =	simm.s32 @!p2 $0x0  }
0x1d: {  	s5 =	simm.s32 @p1 $0x1;
	p0 =	seq.s32 s7, s2  }
0x1e: {  	s7 =	smul.u32 @!p0 $0xF7A, s2;
	p2 =	seq.s32 @!p0 s5, $0x0  }
0x1f: {  	s9 =	smul.u32 $0xF7A, s1;
	s8 =	simm.s32 @!p0 $0x1BF5;
	p2 =	por !p2, p0  }
0x20: {  	[sflag:s8] =	ssyncset.s32 @!p0 $0xFFFFF086;
	s6 =	sadd.s32 @!p0 s3, s7;
	s7 =	simm.s32 @!p0 $0x108  }
0x21: {  	s3 =	sadd.s32 s3, s9;
	s6 =	sadd.s32 @!p0 $0x88, s6;
	s7 =	simm.s32 @p2 $0x1082  }
0x22: {  	[simem:s7], [sflag:s8] =	dma.local @!p0 [hbm:s6], $0xF7A  }
0x23: {  	s9 =	sor.u32 $0xD0000000, s2;
	s6 =	simm.s32 $0x108;
	_ =	swait.ge @!p0 [sflag:s8], $0x0  }
0x24: {  	s3 =	sadd.s32 $0x88, s3;
	s6 =	simm.s32 @!p1 $0x1082;
	[sflag:s4] =	ssyncset.s32 $0xFFFFF086  }
0x25: {  	[simem:s6], [sflag:s4] =	dma.local [hbm:s3], $0xF7A  }
0x26: {  	[smem:$0x3F8E] =	sst s1;
	(tag) =	ssettag s2;
	_ =	strace s9  }
0x27: {  	s1 =	sld [smem:$0x3F9E]  }
0x28: {  	s2 =	sld [smem:$0x3F9F]  }
0x29: {  	s4 =	sld [smem:$0x3FA1]  }
0x2a: {  	p0 =	seq.s32 s5, $0x0;
	s5 =	sld [smem:$0x3FA2]  }
0x2b: {  	s6 =	sld [smem:$0x3FA3]  }
0x2c: {  	s7 =	sld [smem:$0x3FA4]  }
0x2d: {  	s3 =	simm.s32 $0x108;
	s8 =	sld [smem:$0x3FA5]  }
0x2e: {  	s3 =	simm.s32 @!p0 $0x1082;
	s9 =	sld [smem:$0x3FA6]  }
0x2f: {  	lr =	sadd.s32 s0, s3;
	s0 =	sld [smem:$0x3F9D]  }
0x30: {  	s3 =	sld [smem:$0x3FA0]  }
0x31: {  	[smem:$0x3FA9] =	sst s10  }
0x32: {  	s10 =	sld [smem:$0x3FA7];
	_ =	sdelay $0x3  }
0x33: {  	p0 =	seq.s32 s10, $0x1;
	s10 =	sld [smem:$0x3FA9];
	_ =	sdelay $0x3  }
0x34: {  	[smem:$0x3FA9] =	sst s10  }
0x35: {  	s10 =	sld [smem:$0x3FA8];
	_ =	sdelay $0x3  }
0x36: {  	p1 =	seq.s32 s10, $0x1;
	s10 =	sld [smem:$0x3FA9];
	_ =	sdelay $0x3  }
0x37: {  	[smem:$0x3FA9] =	sst s10  }
0x38: {  	s10 =	sld [smem:$0x3FAA]  }
0x39: {  	_ = 	snop;
	(pc) =	sbr.ind lr, $3  }
0x3a: {  	_ = 	snop  }
0x3b: {  	_ = 	snop  }
0x3c: {  	p2 =	seq.s32 s10, $0x1;
	s10 =	sld [smem:$0x3FA9]  }
0x3d: {  	_ =	shalt  }
0x3e: {  	_ =	shalt  }
0x3f: {  	_ =	shalt  }
0x40: {  	_ =	shalt  }
0x41: {  	_ =	shalt  }
0x42: {  	_ =	shalt  }
0x43: {  	_ =	shalt  }
0x44: {  	_ =	shalt  }
0x45: {  	_ =	shalt  }
0x46: {  	_ =	shalt  }
0x47: {  	_ =	shalt  }
0x48: {  	_ =	shalt  }
0x49: {  	_ =	shalt  }
0x4a: {  	_ =	shalt  }
0x4b: {  	_ =	shalt  }
0x4c: {  	_ =	shalt  }
0x4d: {  	_ =	shalt  }
0x4e: {  	_ =	shalt  }
0x4f: {  	_ =	shalt  }
0x50: {  	_ =	shalt  }
0x51: {  	_ =	shalt  }
0x52: {  	_ =	shalt  }
0x53: {  	_ =	shalt  }
0x54: {  	_ =	shalt  }
0x55: {  	_ =	shalt  }
0x56: {  	_ =	shalt  }
0x57: {  	_ =	shalt  }
0x58: {  	_ =	shalt  }
0x59: {  	_ =	shalt  }
0x5a: {  	_ =	shalt  }
0x5b: {  	_ =	shalt  }
0x5c: {  	_ =	shalt  }
0x5d: {  	_ =	shalt  }
0x5e: {  	_ =	shalt  }
0x5f: {  	_ =	shalt  }
0x60: {  	_ =	shalt  }
0x61: {  	_ =	shalt  }
0x62: {  	_ =	shalt  }
0x63: {  	_ =	shalt  }
0x64: {  	_ =	shalt  }
0x65: {  	_ =	shalt  }
0x66: {  	_ =	shalt  }
0x67: {  	_ =	shalt  }
0x68: {  	_ =	shalt  }
0x69: {  	_ =	shalt  }
0x6a: {  	_ =	shalt  }
0x6b: {  	_ =	shalt  }
0x6c: {  	_ =	shalt  }
0x6d: {  	_ =	shalt  }
0x6e: {  	_ =	shalt  }
0x6f: {  	_ =	shalt  }
0x70: {  	_ =	shalt  }
0x71: {  	_ =	shalt  }
0x72: {  	_ =	shalt  }
0x73: {  	_ =	shalt  }
0x74: {  	_ =	shalt  }
0x75: {  	_ =	shalt  }
0x76: {  	_ =	shalt  }
0x77: {  	_ =	shalt  }
0x78: {  	_ =	shalt  }
0x79: {  	_ =	shalt  }
0x7a: {  	_ =	shalt  }
0x7b: {  	_ =	shalt  }
0x7c: {  	_ =	shalt  }
0x7d: {  	_ =	shalt  }
0x7e: {  	_ =	shalt  }
0x7f: {  	_ =	shalt  }
0x80: {  	_ =	shalt  }
0x81: {  	_ =	shalt  }
0x82: {  	_ =	shalt  }
0x83: {  	_ =	shalt  }
0x84: {  	_ =	shalt  }
0x85: {  	_ =	shalt  }
0x86: {  	_ =	shalt  }
0x87: {  	_ =	shalt  }
.Lfunc_end0:
.L_simem_size_0:
called_computation.2_lowered:
.L_overlay_start_0:
0x88: {  	s2 =	sld [smem:$0x3FD9]  }
0x89: {  	s3 =	sld [smem:$0x3FFE];
	_ =	sdelay $0x1  }
0x8a: {  	s1 =	srdreg.scid  }
0x8b: {  	s0 =	sand.u32 $0x1, s1  }
0x8c: {  	s17 =	sshll.u32 s0, $0xA;
	s2 =	sadd.s32 s3, s2  }
0x8d: {  	s2 =	sadd.s32 s2, s17  }
0x8e: {  	[smem:$0x3FB5] =	sst s2  }
0x8f: {  	_ = 	snop  }
0x90: {  	(tm) =	ssettm $0x1  }
0x91: {  	s18 =	sld [smem:$0x3FFB];
	_ =	sdelay $0x3  }
0x92: {  	_ =	strace s18  }
0x93: {  	s2 =	sld [smem:$0x3FFC];
	_ =	sdelay $0x3  }
0x94: {  	_ =	strace s2  }
0x95: {  	s2 =	sld [smem:$0x3FFD];
	_ =	sdelay $0x3  }
0x96: {  	_ =	strace s2  }
0x97: {  	_ =	strace $0x8FFFFFFF  }
0x98: {  	s19 =	sld [smem:$0x3FDB];
	_ =	sdelay $0x1  }
0x99: {  	s20 =	simm.s32 $_scs_section_size  }
0x9a: {  	s4 =	simm.s32 $_size__tile_overlayer_lowered;
	s5 =	simm.s32 $_tile_overlayer_lowered  }
0x9b: {  	s6 =	simm.s32 $0x1BFF;
	s21 =	sshll.u32 s5, $0x1;
	s3 =	sadd.s32 s20, s19  }
0x9c: {  	s22 =	simm.s32 $0x0;
	s4 =	sshll.u32 s4, $0x1;
	s5 =	sadd.s32 s21, s3  }
0x9d: {  	[timem:s22], [sflag:s6] =	dma.local [hbm:s5], s4  }
0x9e: {  	_ =	swait.ge [sflag:s6], s4  }
0x9f: {  	s4 =	ssub.s32 $0x0, s4;
	[sflag:s6] =	ssyncset.done $0x0  }
0xa0: {  	[sflag:s6] =	ssyncadd.s32 s4;
	_ =	sdelay $0x1  }
0xa1: {  	s23 =	simm.s32 $0x1B8B  }
0xa2: {  	_ =	swait.ge [sflag:s23], $0x1  }
0xa3: {  	[sflag:s23] =	ssyncset.done $0x0  }
0xa4: {  	[sflag:s23] =	ssyncadd.s32 $0xFFFFFFFF  }
0xa5: {  	s4 =	sld [smem:$0x0]  }
0xa6: {  	s5 =	sand.u32 $0xFFFFFFFE, s1  }
0xa7: {  	p0 =	sne.s32 s1, s5  }
0xa8: {  	s5 =	sshll.u32 @p0 s5, $0xE  }
0xa9: {  	s5 =	sadd.s32 @p0 $0x11B8D, s5;
	s6 =	sshll.u32 @p0 s4, $0x11  }
0xaa: {  	s5 =	sor.u32 @p0 s6, s5  }
0xab: {  	[sflag:s5] =	ssyncadd.remote.s32 @p0 $0x1;
	_ =	sdelay $0x1  }
0xac: {  	s5 =	simm.s32 @p0 $0x1B8D  }
0xad: {  	_ =	swait.eq @p0 [sflag:s5], $0x1  }
0xae: {  	[sflag:s5] =	ssyncadd.s32 @p0 $0xFFFFFFFF  }
0xaf: {  	s6 =	sshll.u32 @!p0 s1, $0xE  }
0xb0: {  	s6 =	sor.u32 @!p0 $0x4000, s6;
	s5 =	simm.s32 @!p0 $0x1B8D  }
0xb1: {  	s4 =	sshll.u32 @!p0 s4, $0x11;
	s6 =	sadd.s32 @!p0 $0x11B8D, s6;
	_ =	swait.eq @!p0 [sflag:s5], $0x1  }
0xb2: {  	s4 =	sor.u32 @!p0 s4, s6;
	[sflag:s5] =	ssyncadd.s32 @!p0 $0xFFFFFFFF  }
0xb3: {  	s25 =	simm.s32 $0x1B8E;
	s24 =	sld [smem:$0x3FFE];
	[sflag:s4] =	ssyncadd.remote.s32 @!p0 $0x1  }
0xb4: {  	s26 =	simm.s32 $execute0_lowered;
	[smem:$0x3FD2] =	sst s25  }
0xb5: {  	s5 =	sshll.u32 s26, $0x1;
	_ =	strace $0x8000004F;
	[dreg:$0x1] =	wrdreg $0xFFFFFFFF  }
0xb6: {  	s28 =	simm.s32 $_size_execute0_lowered;
	s3 =	sadd.s32 s3, s5;
	[dreg:$0x0] =	wrdreg $0x0  }
0xb7: {  	s5 =	sshll.u32 s28, $0x1;
	[dreg:$0x2] =	wrdreg s3  }
0xb8: {  	[dreg:$0x3] =	wrdreg s5  }
0xb9: {  	[dreg:$0x4] =	wrdreg $0xC0  }
0xba: {  	_ =	task [dreg:s22], $0x5FFFF  }
0xbb: {  	[dreg:$0x1] =	wrdreg $0xFFFFFFFF  }
0xbc: {  	[dreg:$0x0] =	wrdreg $0x60  }
0xbd: {  	[dreg:$0x2] =	wrdreg s24  }
0xbe: {  	[dreg:$0x3] =	wrdreg $0x40000  }
0xbf: {  	[dreg:$0x4] =	wrdreg $0x9  }
0xc0: {  	_ =	task.clear_ibuf [dreg:s22], $0x5FFFF;
	_ =	strace $0x9000004F  }
0xc1: {  	s29 =	simm.s32 $0x9;
	_ =	strace $0x80000051  }
0xc2: {  	_ =	swait.ge [sflag:s29], $0x1  }
0xc3: {  	[sflag:s29] =	ssyncadd.s32 $0xFFFFFFFF  }
0xc4: {  	_ =	strace $0x90000051  }
0xc5: {  	_ =	sfence  }
0xc6: {  	s30 =	sld [smem:$0x0];
	_ =	sdelay $0x2  }
0xc7: {  	s31 =	sshll.u32 s1, $0xD;
	s1 =	sshrl.u32 s1, $0x2  }
0xc8: {  	s4 =	sand.u32 $0x4000, s31;
	s1 =	sadd.s32 s1, s30  }
0xc9: {  	s0 =	sor.u32 s4, s0;
	s1 =	sshll.u32 s1, $0x11  }
0xca: {  	s0 =	sor.u32 s1, s0  }
0xcb: {  	s0 =	sadd.s32 $0x8F2B, s0  }
0xcc: {  	[sflag:s0] =	ssyncadd.remote.s32 $0x1  }
0xcd: {  	_ =	sfence.sel $0xFFFF  }
0xce: {  	[dreg:$0x0] =	wrdreg $0xFFFFFFFF;
	(pc) =	sbr.abs _section_cstart, $3  }
0xcf: {  	[dreg:$0x1] =	wrdreg $0xFFFFFFFF  }
0xd0: {  	_ =	task.clear_ibuf [dreg:s22], $0x2FFFF;
	_ =	strace $0x9FFFFFFF  }
0xd1: {  	(tm) =	ssettm $0x7FFFFFFF  }
tec
execute0_lowered:
.L_overlay_start_1:
0x0: {  	(tag) =	ssettag $0x1  }
0x1: {  	s5 =	rddreg [dreg:$0x0];
	s0 =	srdreg.scid  }
0x2: {  	s1 =	rddreg [dreg:$0x1];
	s3 =	simm.s32 $0x0;
	s2 =	stileid.u32  }
0x3: {  	s16 =	simm.s32 $0x3000;
	s17 =	simm.s32 $0x1;
	s9 =	smul.u32 $0x278, s2  }
0x4: {  	s6 =	sand.u32 $0x1, s0;
	s0 =	rddreg [dreg:$0x2];
	s12 =	smul.u32 $0xA00, s2  }
0x5: {  	s18 =	simm.s32 $0x2;
	[smem:$0x7FF] =	sst s3;
	s29 =	smul.u32 $0x13C00, s2  }
0x6: {  	s4 =	sadd.s32 $0xC4200, s5;
	s31 =	sshll.u32 s2, $0x6;
	s7 =	smul.u32 $0xA000, s6  }
0x7: {  	s8 =	smul.u32 $0x2780, s6;
	_ =	strace $0x80000050;
	s6 =	ssub.s32 $0x2, s6  }
0x8: {  	s10 =	sadd.s32 s12, s5;
	s30 =	sshrl.u32 s6, $0x1;
	s7 =	sadd.s32 s7, s5  }
0x9: {  	s8 =	sadd.s32 s9, s8;
	s9 =	sshrl.u32 s29, $0x2;
	s13 =	ssub.s32 s6, s30  }
0xa: {  	s6 =	sor.u32 $0x1C03, s31;
	s8 =	sshll.u32 s8, $0x2;
	s14 =	sadd.s32 s9, s1  }
0xb: {  	s15 =	sadd.s32 $0x25A00, s7;
	s7 =	sadd.s32 $0x43A00, s10;
	s9 =	smax.u32 s13, $0x1  }
0xc: {  	s13 =	simm.s32 $0x1000;
	s11 =	sadd.s32 s8, s5;
	s5 =	sadd.s32 s4, s8  }
0xd: {  	s10 =	sshrl.u32 s14, $0x3;
	s12 =	sadd.s32 s12, s15;
	s14 =	simm.s32 $0x80  }
0xe: {  	s15 =	simm.s32 $0x2000;
	s8 =	sadd.s32 $0xD7E00, s11;
	s11 =	simm.s32 $0x3  }
.LBB2_1:
0xf: {  	[spmem:s10], [sflag:s6] =	dma.local [hbm:s5], $0x9E0  }
0x10: {  	_ =	swait.ge [sflag:s11], $0x9E0  }
0x11: {  	[sflag:s11] =	ssyncset.done $0x0  }
0x12: {  	[sflag:s11] =	ssyncadd.s32 $0xFFFFF620  }
0x13: {  	s19 =	simm.s32 $0x0;
	[bflag:$0x0] =	sbarrier.arrive $0xFFFF  }
.LBB2_2:
0x14: {  	s20 =	sshll.u32 s19, $0x9  }
0x15: {  	s22 =	simm.s32 $0x0;
	s21 =	sadd.s32 s20, s12  }
0x16: {  	[tilespmem:s22], [sflag:$0x3] =	stream.linear.gather [hbm4b:s21+s22], $0x1000, $0x38;
	[tilespmem:$0x8F00] =	vst v63  }
0x17: {  	_ =	swait.ge [sflag:s11], $0x1000  }
0x18: {  	[sflag:s11] =	ssyncset.done $0x0  }
0x19: {  	s20 =	sadd.s32 s20, s7;
	[sflag:s11] =	ssyncadd.s32 $0xFFFFF000  }
0x1a: {  	[tilespmem:s13], [sflag:$0x3] =	stream.linear.gather [hbm4b:s20+s22], $0x1000, $0x38;
	[tilespmem:$0x8F00] =	vst v63  }
0x1b: {  	_ =	swait.ge [sflag:s11], $0x1000  }
0x1c: {  	[sflag:s11] =	ssyncset.done $0x0  }
0x1d: {  	s28 =	simm.s32 $0x0;
	[sflag:s11] =	ssyncadd.s32 $0xFFFFF000  }
0x1e: {  	[tilespmem:s15], [sflag:$0x1] =	stream.indirect.gather [hbm4b:s4+s14], $0x20, s28, s14, $0xb8;
	[tilespmem:$0x8F00] =	vst v63  }
0x1f: {  	s29 =	simm.s32 $0x80  }
0x20: {  	[tilespmem:s16], [sflag:$0x2] =	stream.indirect.gather [hbm4b:s4+s14], $0x20, s29, s14, $0xb8;
	[tilespmem:$0x8F00] =	vst v63  }
0x21: {  	_ =	swait.ge [sflag:s17], $0x1000  }
0x22: {  	[sflag:s17] =	ssyncset.done $0x0  }
0x23: {  	s30 =	simm.s32 $0x1000;
	[sflag:s17] =	ssyncadd.s32 $0xFFFFF000  }
0x24: {  	[spmem:s1] =	stream.indirect.scatter.add.f32 [tilespmem:s15], [sflag:$0x3], $0x20, s30, s14, $0xb8;
	[tilespmem:$0x8F00] =	vst v63  }
0x25: {  	_ =	swait.ge [sflag:s11], $0x1000  }
0x26: {  	[sflag:s11] =	ssyncset.done $0x0  }
0x27: {  	[sflag:s11] =	ssyncadd.s32 $0xFFFFF000  }
0x28: {  	_ =	swait.ge [sflag:s18], $0x1000  }
0x29: {  	[sflag:s18] =	ssyncset.done $0x0  }
0x2a: {  	s31 =	simm.s32 $0x1080;
	[sflag:s18] =	ssyncadd.s32 $0xFFFFF000  }
0x2b: {  	[spmem:s1] =	stream.indirect.scatter.add.f32 [tilespmem:s16], [sflag:$0x3], $0x20, s31, s14, $0xb8;
	[tilespmem:$0x8F00] =	vst v63  }
0x2c: {  	_ =	swait.ge [sflag:s11], $0x1000  }
0x2d: {  	s21 =	simm.s32 $0x800;
	s20 =	simm.s32 $0x400;
	[sflag:s11] =	ssyncset.done $0x0  }
.LBB2_3:
0x2e: {  	s22 =	sshra.s32 s20, $0x2  }
0x2f: {  	[sflag:s11] =	ssyncadd.s32 $0xFFFFF000;
	s20 =	smov.u32 s21;
	s23 =	sadd.s32 $0x400, s21  }
0x30: {  	[tilespmem:s15], [sflag:$0x1] =	stream.indirect.gather [hbm4b:s4+s14], $0x20, s22, s14, $0xb8;
	[tilespmem:$0x8F00] =	vst v63  }
0x31: {  	p0 =	sne.s32 s21, $0x3C00;
	s21 =	sadd.s32 $0x80, s22  }
0x32: {  	[tilespmem:s16], [sflag:$0x2] =	stream.indirect.gather [hbm4b:s4+s14], $0x20, s21, s14, $0xb8;
	[tilespmem:$0x8F00] =	vst v63  }
0x33: {  	_ =	swait.ge [sflag:s17], $0x1000  }
0x34: {  	[sflag:s17] =	ssyncset.done $0x0  }
0x35: {  	s21 =	sadd.s32 $0x1000, s22;
	[sflag:s17] =	ssyncadd.s32 $0xFFFFF000  }
0x36: {  	[spmem:s1] =	stream.indirect.scatter.add.f32 [tilespmem:s15], [sflag:$0x3], $0x20, s21, s14, $0xb8;
	[tilespmem:$0x8F00] =	vst v63  }
0x37: {  	_ =	swait.ge [sflag:s11], $0x1000  }
0x38: {  	[sflag:s11] =	ssyncset.done $0x0  }
0x39: {  	[sflag:s11] =	ssyncadd.s32 $0xFFFFF000  }
0x3a: {  	_ =	swait.ge [sflag:s18], $0x1000  }
.Ltmp0:
0x3b: {  	[sflag:s18] =	ssyncset.done $0x0;
	(pc) =	sbr.rel @p0 .LBB2_3-.Ltmp0, $4  }
0x3c: {  	s21 =	sadd.s32 $0x1080, s22;
	[sflag:s18] =	ssyncadd.s32 $0xFFFFF000  }
0x3d: {  	[spmem:s1] =	stream.indirect.scatter.add.f32 [tilespmem:s16], [sflag:$0x3], $0x20, s21, s14, $0xb8;
	[tilespmem:$0x8F00] =	vst v63  }
0x3e: {  	_ =	swait.ge [sflag:s11], $0x1000  }
0x3f: {  	s21 =	smov.u32 s23;
	[sflag:s11] =	ssyncset.done $0x0  }
0x40: {  	s20 =	sshra.s32 s20, $0x2;
	[sflag:s11] =	ssyncadd.s32 $0xFFFFF000  }
0x41: {  	[tilespmem:s15], [sflag:$0x1] =	stream.indirect.gather [hbm4b:s4+s14], $0x20, s20, s14, $0xb8;
	[tilespmem:$0x8F00] =	vst v63  }
0x42: {  	s21 =	sadd.s32 $0x80, s20  }
0x43: {  	[tilespmem:s16], [sflag:$0x2] =	stream.indirect.gather [hbm4b:s4+s14], $0x20, s21, s14, $0xb8;
	[tilespmem:$0x8F00] =	vst v63  }
0x44: {  	_ =	swait.ge [sflag:s17], $0x1000  }
0x45: {  	[sflag:s17] =	ssyncset.done $0x0  }
0x46: {  	s31 =	sadd.s32 $0x1000, s20;
	[sflag:s17] =	ssyncadd.s32 $0xFFFFF000  }
0x47: {  	[spmem:s1] =	stream.indirect.scatter.add.f32 [tilespmem:s15], [sflag:$0x3], $0x20, s31, s14, $0xb8;
	[tilespmem:$0x8F00] =	vst v63  }
0x48: {  	_ =	swait.ge [sflag:s11], $0x1000  }
0x49: {  	[sflag:s11] =	ssyncset.done $0x0  }
0x4a: {  	[sflag:s11] =	ssyncadd.s32 $0xFFFFF000  }
0x4b: {  	s19 =	sadd.s32 $0x1, s19;
	_ =	swait.ge [sflag:s18], $0x1000  }
0x4c: {  	p0 =	sne.s32 s19, $0x5;
	[sflag:s18] =	ssyncset.done $0x0  }
.Ltmp1:
0x4d: {  	s20 =	sadd.s32 $0x1080, s20;
	[sflag:s18] =	ssyncadd.s32 $0xFFFFF000;
	(pc) =	sbr.rel @p0 .LBB2_2-.Ltmp1, $4  }
0x4e: {  	[spmem:s1] =	stream.indirect.scatter.add.f32 [tilespmem:s16], [sflag:$0x3], $0x20, s20, s14, $0xb8;
	[tilespmem:$0x8F00] =	vst v63  }
0x4f: {  	_ =	swait.ge [sflag:s11], $0x1000  }
0x50: {  	[sflag:s11] =	ssyncset.done $0x0  }
0x51: {  	[sflag:s11] =	ssyncadd.s32 $0xFFFFF000  }
0x52: {  	s3 =	sadd.s32 $0x1, s3  }
0x53: {  	p0 =	sne.s32 s3, s9  }
.Ltmp2:
0x54: {  	[bflag:$0x0] =	sbarrier.arrive $0xFFFF;
	(pc) =	sbr.rel @p0 .LBB2_1-.Ltmp2, $4  }
0x55: {  	[hbm:s8], [sflag:s6] =	dma.local [spmem:s10], $0x9E0  }
0x56: {  	_ =	swait.ge [sflag:s11], $0x9E0  }
0x57: {  	[sflag:s11] =	ssyncset.done $0x0  }
0x58: {  	[sflag:s11] =	ssyncadd.s32 $0xFFFFF620  }
0x59: {  	_ =	sfence.sel $0x180000  }
0x5a: {  	[bflag:$0x0] =	sbarrier.arrive $0xFFFF  }
0x5b: {  	p0 =	sne.s32 s2, $0x0;
	_ =	strace $0x90000050  }
0x5c: {  	s0 =	sadd.s32 @!p0 $0x100000, s0;
	[bflag:$0x2] =	sbarrier.arrive $0xFFFF  }
0x5d: {  	[sflag:s0] =	ssyncadd.tile.s32 @!p0 $0x1;
	_ =	shalt  }
.Lfunc_end2:
_tile_overlayer_lowered:
.L_overlay_start_2:
0x5e: {  	(tag) =	ssettag $0x2  }
0x5f: {  	s0 =	rddreg [dreg:$0x0];
	s2 =	stileid.u32  }
0x60: {  	s1 =	rddreg [dreg:$0x1];
	p0 =	sne.s32 s2, $0x0  }
0x61: {  	s3 =	rddreg [dreg:$0x2];
	[bflag:$0x3] =	sbarrier.arrive $0xFFFF;
	s2 =	simm.s32 @!p0 $0x1C03  }
0x62: {  	[timem:s3], [sflag:s2] =	dma.local @!p0 [hbm:s0], s1  }
0x63: {  	s0 =	simm.s32 @!p0 $0x3  }
0x64: {  	_ =	swait.ge @!p0 [sflag:s0], s1  }
0x65: {  	s1 =	ssub.s32 @!p0 $0x0, s1;
	[sflag:s0] =	ssyncset.done @!p0 $0x0  }
0x66: {  	[sflag:s0] =	ssyncadd.s32 @!p0 s1  }
0x67: {  	[bflag:$0x3] =	sbarrier.arrive $0xFFFF  }
0x68: {  	_ =	shalt  }

// kernel: kernel.26.cloned.1.call-start
scs
__scs_entry_jumppad:
0x0: {  	(pc) =	sbr.rel $0x88, $3  }
0x1: {  	(tag) =	ssettag $0x0;
	lr =	simm.s32 $0x1  }
0x2: {  	[smem:$0x3F8E] =	sst lr;
	_ =	strace $0xD0000000  }
0x3: {  	_ = 	snop  }
0x4: {  	_ = 	snop  }
0x5: {  	_ = 	snop  }
0x6: {  	_ = 	snop  }
0x7: {  	_ = 	snop  }
__scs_overlays_trampoline_lowered:
0x8: {  	[smem:$0x3F9D] =	sst s0  }
0x9: {  	[smem:$0x3F9E] =	sst s1  }
0xa: {  	[smem:$0x3F9F] =	sst s2  }
0xb: {  	[smem:$0x3FA0] =	sst s3  }
0xc: {  	[smem:$0x3FA1] =	sst s4  }
0xd: {  	[smem:$0x3FA2] =	sst s5  }
0xe: {  	[smem:$0x3FA3] =	sst s6  }
0xf: {  	[smem:$0x3FA4] =	sst s7  }
0x10: {  	[smem:$0x3FA5] =	sst s8  }
0x11: {  	[smem:$0x3FA6] =	sst s9;
	s0 =	simm.s32 @!p0 $0x0  }
0x12: {  	s1 =	sld [smem:$0x3F8C];
	s0 =	simm.s32 @p0 $0x1  }
0x13: {  	[smem:$0x3FA7] =	sst s0;
	s0 =	simm.s32 @!p1 $0x0  }
0x14: {  	s2 =	sld [smem:$0x3F8B];
	s0 =	simm.s32 @p1 $0x1  }
0x15: {  	[smem:$0x3FA8] =	sst s0;
	s0 =	simm.s32 @!p2 $0x0  }
0x16: {  	s3 =	sld [smem:$0x3FDB];
	s0 =	simm.s32 @p2 $0x1  }
0x17: {  	s4 =	simm.s32 $0x1BF5;
	[smem:$0x3FAA] =	sst s0  }
0x18: {  	s0 =	sld [smem:$0x3F8D];
	_ =	swait.ge [sflag:s4], $0x0  }
0x19: {  	s7 =	sld [smem:$0x3F8E]  }
0x1a: {  	s8 =	sadd.s32 $0xFFFFE003, lr  }
0x1b: {  	s9 =	sadd.s32 $0xFFFFFEF7, lr;
	s5 =	simm.s32 $0xFFFFFFFF;
	p2 =	slt.u32 s8, $0xFFFFF086  }
0x1c: {  	p1 =	slt.u32 s9, $0xF7A;
	s5 =	simm.s32 @!p2 $0x0  }
0x1d: {  	s5 =	simm.s32 @p1 $0x1;
	p0 =	seq.s32 s7, s2  }
0x1e: {  	s7 =	smul.u32 @!p0 $0xF7A, s2;
	p2 =	seq.s32 @!p0 s5, $0x0  }
0x1f: {  	s9 =	smul.u32 $0xF7A, s1;
	s8 =	simm.s32 @!p0 $0x1BF5;
	p2 =	por !p2, p0  }
0x20: {  	[sflag:s8] =	ssyncset.s32 @!p0 $0xFFFFF086;
	s6 =	sadd.s32 @!p0 s3, s7;
	s7 =	simm.s32 @!p0 $0x108  }
0x21: {  	s3 =	sadd.s32 s3, s9;
	s6 =	sadd.s32 @!p0 $0x88, s6;
	s7 =	simm.s32 @p2 $0x1082  }
0x22: {  	[simem:s7], [sflag:s8] =	dma.local @!p0 [hbm:s6], $0xF7A  }
0x23: {  	s9 =	sor.u32 $0xD0000000, s2;
	s6 =	simm.s32 $0x108;
	_ =	swait.ge @!p0 [sflag:s8], $0x0  }
0x24: {  	s3 =	sadd.s32 $0x88, s3;
	s6 =	simm.s32 @!p1 $0x1082;
	[sflag:s4] =	ssyncset.s32 $0xFFFFF086  }
0x25: {  	[simem:s6], [sflag:s4] =	dma.local [hbm:s3], $0xF7A  }
0x26: {  	[smem:$0x3F8E] =	sst s1;
	(tag) =	ssettag s2;
	_ =	strace s9  }
0x27: {  	s1 =	sld [smem:$0x3F9E]  }
0x28: {  	s2 =	sld [smem:$0x3F9F]  }
0x29: {  	s4 =	sld [smem:$0x3FA1]  }
0x2a: {  	p0 =	seq.s32 s5, $0x0;
	s5 =	sld [smem:$0x3FA2]  }
0x2b: {  	s6 =	sld [smem:$0x3FA3]  }
0x2c: {  	s7 =	sld [smem:$0x3FA4]  }
0x2d: {  	s3 =	simm.s32 $0x108;
	s8 =	sld [smem:$0x3FA5]  }
0x2e: {  	s3 =	simm.s32 @!p0 $0x1082;
	s9 =	sld [smem:$0x3FA6]  }
0x2f: {  	lr =	sadd.s32 s0, s3;
	s0 =	sld [smem:$0x3F9D]  }
0x30: {  	s3 =	sld [smem:$0x3FA0]  }
0x31: {  	[smem:$0x3FA9] =	sst s10  }
0x32: {  	s10 =	sld [smem:$0x3FA7];
	_ =	sdelay $0x3  }
0x33: {  	p0 =	seq.s32 s10, $0x1;
	s10 =	sld [smem:$0x3FA9];
	_ =	sdelay $0x3  }
0x34: {  	[smem:$0x3FA9] =	sst s10  }
0x35: {  	s10 =	sld [smem:$0x3FA8];
	_ =	sdelay $0x3  }
0x36: {  	p1 =	seq.s32 s10, $0x1;
	s10 =	sld [smem:$0x3FA9];
	_ =	sdelay $0x3  }
0x37: {  	[smem:$0x3FA9] =	sst s10  }
0x38: {  	s10 =	sld [smem:$0x3FAA]  }
0x39: {  	_ = 	snop;
	(pc) =	sbr.ind lr, $3  }
0x3a: {  	_ = 	snop  }
0x3b: {  	_ = 	snop  }
0x3c: {  	p2 =	seq.s32 s10, $0x1;
	s10 =	sld [smem:$0x3FA9]  }
0x3d: {  	_ =	shalt  }
0x3e: {  	_ =	shalt  }
0x3f: {  	_ =	shalt  }
0x40: {  	_ =	shalt  }
0x41: {  	_ =	shalt  }
0x42: {  	_ =	shalt  }
0x43: {  	_ =	shalt  }
0x44: {  	_ =	shalt  }
0x45: {  	_ =	shalt  }
0x46: {  	_ =	shalt  }
0x47: {  	_ =	shalt  }
0x48: {  	_ =	shalt  }
0x49: {  	_ =	shalt  }
0x4a: {  	_ =	shalt  }
0x4b: {  	_ =	shalt  }
0x4c: {  	_ =	shalt  }
0x4d: {  	_ =	shalt  }
0x4e: {  	_ =	shalt  }
0x4f: {  	_ =	shalt  }
0x50: {  	_ =	shalt  }
0x51: {  	_ =	shalt  }
0x52: {  	_ =	shalt  }
0x53: {  	_ =	shalt  }
0x54: {  	_ =	shalt  }
0x55: {  	_ =	shalt  }
0x56: {  	_ =	shalt  }
0x57: {  	_ =	shalt  }
0x58: {  	_ =	shalt  }
0x59: {  	_ =	shalt  }
0x5a: {  	_ =	shalt  }
0x5b: {  	_ =	shalt  }
0x5c: {  	_ =	shalt  }
0x5d: {  	_ =	shalt  }
0x5e: {  	_ =	shalt  }
0x5f: {  	_ =	shalt  }
0x60: {  	_ =	shalt  }
0x61: {  	_ =	shalt  }
0x62: {  	_ =	shalt  }
0x63: {  	_ =	shalt  }
0x64: {  	_ =	shalt  }
0x65: {  	_ =	shalt  }
0x66: {  	_ =	shalt  }
0x67: {  	_ =	shalt  }
0x68: {  	_ =	shalt  }
0x69: {  	_ =	shalt  }
0x6a: {  	_ =	shalt  }
0x6b: {  	_ =	shalt  }
0x6c: {  	_ =	shalt  }
0x6d: {  	_ =	shalt  }
0x6e: {  	_ =	shalt  }
0x6f: {  	_ =	shalt  }
0x70: {  	_ =	shalt  }
0x71: {  	_ =	shalt  }
0x72: {  	_ =	shalt  }
0x73: {  	_ =	shalt  }
0x74: {  	_ =	shalt  }
0x75: {  	_ =	shalt  }
0x76: {  	_ =	shalt  }
0x77: {  	_ =	shalt  }
0x78: {  	_ =	shalt  }
0x79: {  	_ =	shalt  }
0x7a: {  	_ =	shalt  }
0x7b: {  	_ =	shalt  }
0x7c: {  	_ =	shalt  }
0x7d: {  	_ =	shalt  }
0x7e: {  	_ =	shalt  }
0x7f: {  	_ =	shalt  }
0x80: {  	_ =	shalt  }
0x81: {  	_ =	shalt  }
0x82: {  	_ =	shalt  }
0x83: {  	_ =	shalt  }
0x84: {  	_ =	shalt  }
0x85: {  	_ =	shalt  }
0x86: {  	_ =	shalt  }
0x87: {  	_ =	shalt  }
.Lfunc_end0:
.L_simem_size_0:
called_computation.3_lowered:
.L_overlay_start_0:
0x88: {  	s2 =	sld [smem:$0x3FD9]  }
0x89: {  	s3 =	sld [smem:$0x3FFE];
	_ =	sdelay $0x1  }
0x8a: {  	s1 =	srdreg.scid  }
0x8b: {  	s0 =	sand.u32 $0x1, s1  }
0x8c: {  	s17 =	sshll.u32 s0, $0xA;
	s2 =	sadd.s32 s3, s2  }
0x8d: {  	s2 =	sadd.s32 s2, s17  }
0x8e: {  	[smem:$0x3FB5] =	sst s2  }
0x8f: {  	_ = 	snop  }
0x90: {  	(tm) =	ssettm $0x1  }
0x91: {  	s18 =	sld [smem:$0x3FFB];
	_ =	sdelay $0x3  }
0x92: {  	_ =	strace s18  }
0x93: {  	s2 =	sld [smem:$0x3FFC];
	_ =	sdelay $0x3  }
0x94: {  	_ =	strace s2  }
0x95: {  	s2 =	sld [smem:$0x3FFD];
	_ =	sdelay $0x3  }
0x96: {  	_ =	strace s2  }
0x97: {  	_ =	strace $0x8FFFFFFF  }
0x98: {  	s19 =	sld [smem:$0x3FDB];
	_ =	sdelay $0x1  }
0x99: {  	s20 =	simm.s32 $_scs_section_size  }
0x9a: {  	s4 =	simm.s32 $_size__tile_overlayer_lowered;
	s5 =	simm.s32 $_tile_overlayer_lowered  }
0x9b: {  	s6 =	simm.s32 $0x1BFF;
	s21 =	sshll.u32 s5, $0x1;
	s3 =	sadd.s32 s20, s19  }
0x9c: {  	s22 =	simm.s32 $0x0;
	s4 =	sshll.u32 s4, $0x1;
	s5 =	sadd.s32 s21, s3  }
0x9d: {  	[timem:s22], [sflag:s6] =	dma.local [hbm:s5], s4  }
0x9e: {  	_ =	swait.ge [sflag:s6], s4  }
0x9f: {  	s4 =	ssub.s32 $0x0, s4;
	[sflag:s6] =	ssyncset.done $0x0  }
0xa0: {  	[sflag:s6] =	ssyncadd.s32 s4;
	_ =	sdelay $0x1  }
0xa1: {  	s23 =	simm.s32 $0x1B8B  }
0xa2: {  	_ =	swait.ge [sflag:s23], $0x1  }
0xa3: {  	[sflag:s23] =	ssyncset.done $0x0  }
0xa4: {  	[sflag:s23] =	ssyncadd.s32 $0xFFFFFFFF  }
0xa5: {  	s4 =	sld [smem:$0x0]  }
0xa6: {  	s5 =	sand.u32 $0xFFFFFFFE, s1  }
0xa7: {  	p0 =	sne.s32 s1, s5  }
0xa8: {  	s5 =	sshll.u32 @p0 s5, $0xE  }
0xa9: {  	s5 =	sadd.s32 @p0 $0x11B8D, s5;
	s6 =	sshll.u32 @p0 s4, $0x11  }
0xaa: {  	s5 =	sor.u32 @p0 s6, s5  }
0xab: {  	[sflag:s5] =	ssyncadd.remote.s32 @p0 $0x1;
	_ =	sdelay $0x1  }
0xac: {  	s5 =	simm.s32 @p0 $0x1B8D  }
0xad: {  	_ =	swait.eq @p0 [sflag:s5], $0x1  }
0xae: {  	[sflag:s5] =	ssyncadd.s32 @p0 $0xFFFFFFFF  }
0xaf: {  	s6 =	sshll.u32 @!p0 s1, $0xE  }
0xb0: {  	s6 =	sor.u32 @!p0 $0x4000, s6;
	s5 =	simm.s32 @!p0 $0x1B8D  }
0xb1: {  	s4 =	sshll.u32 @!p0 s4, $0x11;
	s6 =	sadd.s32 @!p0 $0x11B8D, s6;
	_ =	swait.eq @!p0 [sflag:s5], $0x1  }
0xb2: {  	s4 =	sor.u32 @!p0 s4, s6;
	[sflag:s5] =	ssyncadd.s32 @!p0 $0xFFFFFFFF  }
0xb3: {  	s25 =	simm.s32 $0x1B8E;
	s24 =	sld [smem:$0x3FFE];
	[sflag:s4] =	ssyncadd.remote.s32 @!p0 $0x1  }
0xb4: {  	s26 =	simm.s32 $execute0_lowered;
	[smem:$0x3FD2] =	sst s25  }
0xb5: {  	s5 =	sshll.u32 s26, $0x1;
	_ =	strace $0x80000055;
	[dreg:$0x1] =	wrdreg $0xFFFFFFFF  }
0xb6: {  	s28 =	simm.s32 $_size_execute0_lowered;
	s3 =	sadd.s32 s3, s5;
	[dreg:$0x0] =	wrdreg $0x0  }
0xb7: {  	s5 =	sshll.u32 s28, $0x1;
	[dreg:$0x2] =	wrdreg s3  }
0xb8: {  	[dreg:$0x3] =	wrdreg s5  }
0xb9: {  	[dreg:$0x4] =	wrdreg $0xC0  }
0xba: {  	_ =	task [dreg:s22], $0x5FFFF  }
0xbb: {  	[dreg:$0x1] =	wrdreg $0xFFFFFFFF  }
0xbc: {  	[dreg:$0x0] =	wrdreg $0x60  }
0xbd: {  	[dreg:$0x2] =	wrdreg s24  }
0xbe: {  	[dreg:$0x3] =	wrdreg $0x60000  }
0xbf: {  	[dreg:$0x4] =	wrdreg $0x9  }
0xc0: {  	_ =	task.clear_ibuf [dreg:s22], $0x5FFFF;
	_ =	strace $0x90000055  }
0xc1: {  	s29 =	simm.s32 $0x9;
	_ =	strace $0x80000057  }
0xc2: {  	_ =	swait.ge [sflag:s29], $0x1  }
0xc3: {  	[sflag:s29] =	ssyncadd.s32 $0xFFFFFFFF  }
0xc4: {  	_ =	strace $0x90000057  }
0xc5: {  	_ =	sfence  }
0xc6: {  	s30 =	sld [smem:$0x0];
	_ =	sdelay $0x2  }
0xc7: {  	s31 =	sshll.u32 s1, $0xD;
	s1 =	sshrl.u32 s1, $0x2  }
0xc8: {  	s4 =	sand.u32 $0x4000, s31;
	s1 =	sadd.s32 s1, s30  }
0xc9: {  	s0 =	sor.u32 s4, s0;
	s1 =	sshll.u32 s1, $0x11  }
0xca: {  	s0 =	sor.u32 s1, s0  }
0xcb: {  	s0 =	sadd.s32 $0x8F2B, s0  }
0xcc: {  	[sflag:s0] =	ssyncadd.remote.s32 $0x1  }
0xcd: {  	_ =	sfence.sel $0xFFFF  }
0xce: {  	[dreg:$0x0] =	wrdreg $0xFFFFFFFF;
	(pc) =	sbr.abs _section_cstart, $3  }
0xcf: {  	[dreg:$0x1] =	wrdreg $0xFFFFFFFF  }
0xd0: {  	_ =	task.clear_ibuf [dreg:s22], $0x2FFFF;
	_ =	strace $0x9FFFFFFF  }
0xd1: {  	(tm) =	ssettm $0x7FFFFFFF  }
tec
execute0_lowered:
.L_overlay_start_1:
0x0: {  	(tag) =	ssettag $0x1  }
0x1: {  	s5 =	rddreg [dreg:$0x0];
	s0 =	srdreg.scid  }
0x2: {  	s1 =	rddreg [dreg:$0x1];
	s3 =	simm.s32 $0x0;
	s2 =	stileid.u32  }
0x3: {  	s16 =	simm.s32 $0x4000;
	s17 =	simm.s32 $0x1;
	s9 =	smul.u32 $0x278, s2  }
0x4: {  	s6 =	sand.u32 $0x1, s0;
	s0 =	rddreg [dreg:$0x2];
	s12 =	smul.u32 $0xA00, s2  }
0x5: {  	s18 =	simm.s32 $0x2;
	[smem:$0x7FF] =	sst s3;
	s29 =	smul.u32 $0x27800, s2  }
0x6: {  	s4 =	sadd.s32 $0xC4200, s5;
	s31 =	sshll.u32 s2, $0x6;
	s7 =	smul.u32 $0xA000, s6  }
0x7: {  	s8 =	smul.u32 $0x2780, s6;
	_ =	strace $0x80000056;
	s6 =	ssub.s32 $0x2, s6  }
0x8: {  	s10 =	sadd.s32 s12, s5;
	s30 =	sshrl.u32 s6, $0x1;
	s7 =	sadd.s32 s7, s5  }
0x9: {  	s8 =	sadd.s32 s9, s8;
	s9 =	sshrl.u32 s29, $0x2;
	s13 =	ssub.s32 s6, s30  }
0xa: {  	s6 =	sor.u32 $0x1C03, s31;
	s8 =	sshll.u32 s8, $0x3;
	s14 =	sadd.s32 s9, s1  }
0xb: {  	s15 =	sadd.s32 $0x25A00, s7;
	s7 =	sadd.s32 $0x43A00, s10;
	s9 =	smax.u32 s13, $0x1  }
0xc: {  	s13 =	simm.s32 $0x1000;
	s11 =	sadd.s32 s8, s5;
	s5 =	sadd.s32 s4, s8  }
0xd: {  	s10 =	sshrl.u32 s14, $0x3;
	s12 =	sadd.s32 s12, s15;
	s14 =	simm.s32 $0x80  }
0xe: {  	s15 =	simm.s32 $0x2000;
	s8 =	sadd.s32 $0xEBA00, s11;
	s11 =	simm.s32 $0x3  }
.LBB2_1:
0xf: {  	[spmem:s10], [sflag:s6] =	dma.local [hbm:s5], $0x13C0  }
0x10: {  	_ =	swait.ge [sflag:s11], $0x13C0  }
0x11: {  	[sflag:s11] =	ssyncset.done $0x0  }
0x12: {  	[sflag:s11] =	ssyncadd.s32 $0xFFFFEC40  }
0x13: {  	s19 =	simm.s32 $0x0;
	[bflag:$0x0] =	sbarrier.arrive $0xFFFF  }
.LBB2_2:
0x14: {  	s20 =	sshll.u32 s19, $0x9  }
0x15: {  	s22 =	simm.s32 $0x0;
	s21 =	sadd.s32 s20, s12  }
0x16: {  	[tilespmem:s22], [sflag:$0x3] =	stream.linear.gather [hbm4b:s21+s22], $0x1000, $0x38;
	[tilespmem:$0xFE00] =	vst v63  }
0x17: {  	_ =	swait.ge [sflag:s11], $0x1000  }
0x18: {  	[sflag:s11] =	ssyncset.done $0x0  }
0x19: {  	s20 =	sadd.s32 s20, s7;
	[sflag:s11] =	ssyncadd.s32 $0xFFFFF000  }
0x1a: {  	[tilespmem:s13], [sflag:$0x3] =	stream.linear.gather [hbm4b:s20+s22], $0x1000, $0x38;
	[tilespmem:$0xFE00] =	vst v63  }
0x1b: {  	_ =	swait.ge [sflag:s11], $0x1000  }
0x1c: {  	[sflag:s11] =	ssyncset.done $0x0  }
0x1d: {  	s28 =	simm.s32 $0x0;
	[sflag:s11] =	ssyncadd.s32 $0xFFFFF000  }
0x1e: {  	[tilespmem:s15], [sflag:$0x1] =	stream.indirect.gather [hbm4b:s4+s14], $0x40, s28, s14, $0xb8;
	[tilespmem:$0xFE00] =	vst v63  }
0x1f: {  	s29 =	simm.s32 $0x80  }
0x20: {  	[tilespmem:s16], [sflag:$0x2] =	stream.indirect.gather [hbm4b:s4+s14], $0x40, s29, s14, $0xb8;
	[tilespmem:$0xFE00] =	vst v63  }
0x21: {  	_ =	swait.ge [sflag:s17], $0x2000  }
0x22: {  	[sflag:s17] =	ssyncset.done $0x0  }
0x23: {  	s30 =	simm.s32 $0x1000;
	[sflag:s17] =	ssyncadd.s32 $0xFFFFE000  }
0x24: {  	[spmem:s1] =	stream.indirect.scatter.add.f32 [tilespmem:s15], [sflag:$0x3], $0x40, s30, s14, $0xb8;
	[tilespmem:$0xFE00] =	vst v63  }
0x25: {  	_ =	swait.ge [sflag:s11], $0x2000  }
0x26: {  	[sflag:s11] =	ssyncset.done $0x0  }
0x27: {  	[sflag:s11] =	ssyncadd.s32 $0xFFFFE000  }
0x28: {  	_ =	swait.ge [sflag:s18], $0x2000  }
0x29: {  	[sflag:s18] =	ssyncset.done $0x0  }
0x2a: {  	s31 =	simm.s32 $0x1080;
	[sflag:s18] =	ssyncadd.s32 $0xFFFFE000  }
0x2b: {  	[spmem:s1] =	stream.indirect.scatter.add.f32 [tilespmem:s16], [sflag:$0x3], $0x40, s31, s14, $0xb8;
	[tilespmem:$0xFE00] =	vst v63  }
0x2c: {  	_ =	swait.ge [sflag:s11], $0x2000  }
0x2d: {  	s21 =	simm.s32 $0x800;
	s20 =	simm.s32 $0x400;
	[sflag:s11] =	ssyncset.done $0x0  }
.LBB2_3:
0x2e: {  	s22 =	sshra.s32 s20, $0x2  }
0x2f: {  	[sflag:s11] =	ssyncadd.s32 $0xFFFFE000;
	s20 =	smov.u32 s21;
	s23 =	sadd.s32 $0x400, s21  }
0x30: {  	[tilespmem:s15], [sflag:$0x1] =	stream.indirect.gather [hbm4b:s4+s14], $0x40, s22, s14, $0xb8;
	[tilespmem:$0xFE00] =	vst v63  }
0x31: {  	p0 =	sne.s32 s21, $0x3C00;
	s21 =	sadd.s32 $0x80, s22  }
0x32: {  	[tilespmem:s16], [sflag:$0x2] =	stream.indirect.gather [hbm4b:s4+s14], $0x40, s21, s14, $0xb8;
	[tilespmem:$0xFE00] =	vst v63  }
0x33: {  	_ =	swait.ge [sflag:s17], $0x2000  }
0x34: {  	[sflag:s17] =	ssyncset.done $0x0  }
0x35: {  	s21 =	sadd.s32 $0x1000, s22;
	[sflag:s17] =	ssyncadd.s32 $0xFFFFE000  }
0x36: {  	[spmem:s1] =	stream.indirect.scatter.add.f32 [tilespmem:s15], [sflag:$0x3], $0x40, s21, s14, $0xb8;
	[tilespmem:$0xFE00] =	vst v63  }
0x37: {  	_ =	swait.ge [sflag:s11], $0x2000  }
0x38: {  	[sflag:s11] =	ssyncset.done $0x0  }
0x39: {  	[sflag:s11] =	ssyncadd.s32 $0xFFFFE000  }
0x3a: {  	_ =	swait.ge [sflag:s18], $0x2000  }
.Ltmp0:
0x3b: {  	[sflag:s18] =	ssyncset.done $0x0;
	(pc) =	sbr.rel @p0 .LBB2_3-.Ltmp0, $4  }
0x3c: {  	s21 =	sadd.s32 $0x1080, s22;
	[sflag:s18] =	ssyncadd.s32 $0xFFFFE000  }
0x3d: {  	[spmem:s1] =	stream.indirect.scatter.add.f32 [tilespmem:s16], [sflag:$0x3], $0x40, s21, s14, $0xb8;
	[tilespmem:$0xFE00] =	vst v63  }
0x3e: {  	_ =	swait.ge [sflag:s11], $0x2000  }
0x3f: {  	s21 =	smov.u32 s23;
	[sflag:s11] =	ssyncset.done $0x0  }
0x40: {  	s20 =	sshra.s32 s20, $0x2;
	[sflag:s11] =	ssyncadd.s32 $0xFFFFE000  }
0x41: {  	[tilespmem:s15], [sflag:$0x1] =	stream.indirect.gather [hbm4b:s4+s14], $0x40, s20, s14, $0xb8;
	[tilespmem:$0xFE00] =	vst v63  }
0x42: {  	s21 =	sadd.s32 $0x80, s20  }
0x43: {  	[tilespmem:s16], [sflag:$0x2] =	stream.indirect.gather [hbm4b:s4+s14], $0x40, s21, s14, $0xb8;
	[tilespmem:$0xFE00] =	vst v63  }
0x44: {  	_ =	swait.ge [sflag:s17], $0x2000  }
0x45: {  	[sflag:s17] =	ssyncset.done $0x0  }
0x46: {  	s31 =	sadd.s32 $0x1000, s20;
	[sflag:s17] =	ssyncadd.s32 $0xFFFFE000  }
0x47: {  	[spmem:s1] =	stream.indirect.scatter.add.f32 [tilespmem:s15], [sflag:$0x3], $0x40, s31, s14, $0xb8;
	[tilespmem:$0xFE00] =	vst v63  }
0x48: {  	_ =	swait.ge [sflag:s11], $0x2000  }
0x49: {  	[sflag:s11] =	ssyncset.done $0x0  }
0x4a: {  	[sflag:s11] =	ssyncadd.s32 $0xFFFFE000  }
0x4b: {  	s19 =	sadd.s32 $0x1, s19;
	_ =	swait.ge [sflag:s18], $0x2000  }
0x4c: {  	p0 =	sne.s32 s19, $0x5;
	[sflag:s18] =	ssyncset.done $0x0  }
.Ltmp1:
0x4d: {  	s20 =	sadd.s32 $0x1080, s20;
	[sflag:s18] =	ssyncadd.s32 $0xFFFFE000;
	(pc) =	sbr.rel @p0 .LBB2_2-.Ltmp1, $4  }
0x4e: {  	[spmem:s1] =	stream.indirect.scatter.add.f32 [tilespmem:s16], [sflag:$0x3], $0x40, s20, s14, $0xb8;
	[tilespmem:$0xFE00] =	vst v63  }
0x4f: {  	_ =	swait.ge [sflag:s11], $0x2000  }
0x50: {  	[sflag:s11] =	ssyncset.done $0x0  }
0x51: {  	[sflag:s11] =	ssyncadd.s32 $0xFFFFE000  }
0x52: {  	s3 =	sadd.s32 $0x1, s3  }
0x53: {  	p0 =	sne.s32 s3, s9  }
.Ltmp2:
0x54: {  	[bflag:$0x0] =	sbarrier.arrive $0xFFFF;
	(pc) =	sbr.rel @p0 .LBB2_1-.Ltmp2, $4  }
0x55: {  	[hbm:s8], [sflag:s6] =	dma.local [spmem:s10], $0x13C0  }
0x56: {  	_ =	swait.ge [sflag:s11], $0x13C0  }
0x57: {  	[sflag:s11] =	ssyncset.done $0x0  }
0x58: {  	[sflag:s11] =	ssyncadd.s32 $0xFFFFEC40  }
0x59: {  	_ =	sfence.sel $0x180000  }
0x5a: {  	[bflag:$0x0] =	sbarrier.arrive $0xFFFF  }
0x5b: {  	p0 =	sne.s32 s2, $0x0;
	_ =	strace $0x90000056  }
0x5c: {  	s0 =	sadd.s32 @!p0 $0x100000, s0;
	[bflag:$0x2] =	sbarrier.arrive $0xFFFF  }
0x5d: {  	[sflag:s0] =	ssyncadd.tile.s32 @!p0 $0x1;
	_ =	shalt  }
.Lfunc_end2:
_tile_overlayer_lowered:
.L_overlay_start_2:
0x5e: {  	(tag) =	ssettag $0x2  }
0x5f: {  	s0 =	rddreg [dreg:$0x0];
	s2 =	stileid.u32  }
0x60: {  	s1 =	rddreg [dreg:$0x1];
	p0 =	sne.s32 s2, $0x0  }
0x61: {  	s3 =	rddreg [dreg:$0x2];
	[bflag:$0x3] =	sbarrier.arrive $0xFFFF;
	s2 =	simm.s32 @!p0 $0x1C03  }
0x62: {  	[timem:s3], [sflag:s2] =	dma.local @!p0 [hbm:s0], s1  }
0x63: {  	s0 =	simm.s32 @!p0 $0x3  }
0x64: {  	_ =	swait.ge @!p0 [sflag:s0], s1  }
0x65: {  	s1 =	ssub.s32 @!p0 $0x0, s1;
	[sflag:s0] =	ssyncset.done @!p0 $0x0  }
0x66: {  	[sflag:s0] =	ssyncadd.s32 @!p0 s1  }
0x67: {  	[bflag:$0x3] =	sbarrier.arrive $0xFFFF  }
0x68: {  	_ =	shalt  }

// kernel: kernel.29.cloned.1.call-start
scs
__scs_entry_jumppad:
0x0: {  	(pc) =	sbr.rel $0x88, $3  }
0x1: {  	(tag) =	ssettag $0x0;
	lr =	simm.s32 $0x1  }
0x2: {  	[smem:$0x3F8E] =	sst lr;
	_ =	strace $0xD0000000  }
0x3: {  	_ = 	snop  }
0x4: {  	_ = 	snop  }
0x5: {  	_ = 	snop  }
0x6: {  	_ = 	snop  }
0x7: {  	_ = 	snop  }
__scs_overlays_trampoline_lowered:
0x8: {  	[smem:$0x3F9D] =	sst s0  }
0x9: {  	[smem:$0x3F9E] =	sst s1  }
0xa: {  	[smem:$0x3F9F] =	sst s2  }
0xb: {  	[smem:$0x3FA0] =	sst s3  }
0xc: {  	[smem:$0x3FA1] =	sst s4  }
0xd: {  	[smem:$0x3FA2] =	sst s5  }
0xe: {  	[smem:$0x3FA3] =	sst s6  }
0xf: {  	[smem:$0x3FA4] =	sst s7  }
0x10: {  	[smem:$0x3FA5] =	sst s8  }
0x11: {  	[smem:$0x3FA6] =	sst s9;
	s0 =	simm.s32 @!p0 $0x0  }
0x12: {  	s1 =	sld [smem:$0x3F8C];
	s0 =	simm.s32 @p0 $0x1  }
0x13: {  	[smem:$0x3FA7] =	sst s0;
	s0 =	simm.s32 @!p1 $0x0  }
0x14: {  	s2 =	sld [smem:$0x3F8B];
	s0 =	simm.s32 @p1 $0x1  }
0x15: {  	[smem:$0x3FA8] =	sst s0;
	s0 =	simm.s32 @!p2 $0x0  }
0x16: {  	s3 =	sld [smem:$0x3FDB];
	s0 =	simm.s32 @p2 $0x1  }
0x17: {  	s4 =	simm.s32 $0x1BF5;
	[smem:$0x3FAA] =	sst s0  }
0x18: {  	s0 =	sld [smem:$0x3F8D];
	_ =	swait.ge [sflag:s4], $0x0  }
0x19: {  	s7 =	sld [smem:$0x3F8E]  }
0x1a: {  	s8 =	sadd.s32 $0xFFFFE003, lr  }
0x1b: {  	s9 =	sadd.s32 $0xFFFFFEF7, lr;
	s5 =	simm.s32 $0xFFFFFFFF;
	p2 =	slt.u32 s8, $0xFFFFF086  }
0x1c: {  	p1 =	slt.u32 s9, $0xF7A;
	s5 =	simm.s32 @!p2 $0x0  }
0x1d: {  	s5 =	simm.s32 @p1 $0x1;
	p0 =	seq.s32 s7, s2  }
0x1e: {  	s7 =	smul.u32 @!p0 $0xF7A, s2;
	p2 =	seq.s32 @!p0 s5, $0x0  }
0x1f: {  	s9 =	smul.u32 $0xF7A, s1;
	s8 =	simm.s32 @!p0 $0x1BF5;
	p2 =	por !p2, p0  }
0x20: {  	[sflag:s8] =	ssyncset.s32 @!p0 $0xFFFFF086;
	s6 =	sadd.s32 @!p0 s3, s7;
	s7 =	simm.s32 @!p0 $0x108  }
0x21: {  	s3 =	sadd.s32 s3, s9;
	s6 =	sadd.s32 @!p0 $0x88, s6;
	s7 =	simm.s32 @p2 $0x1082  }
0x22: {  	[simem:s7], [sflag:s8] =	dma.local @!p0 [hbm:s6], $0xF7A  }
0x23: {  	s9 =	sor.u32 $0xD0000000, s2;
	s6 =	simm.s32 $0x108;
	_ =	swait.ge @!p0 [sflag:s8], $0x0  }
0x24: {  	s3 =	sadd.s32 $0x88, s3;
	s6 =	simm.s32 @!p1 $0x1082;
	[sflag:s4] =	ssyncset.s32 $0xFFFFF086  }
0x25: {  	[simem:s6], [sflag:s4] =	dma.local [hbm:s3], $0xF7A  }
0x26: {  	[smem:$0x3F8E] =	sst s1;
	(tag) =	ssettag s2;
	_ =	strace s9  }
0x27: {  	s1 =	sld [smem:$0x3F9E]  }
0x28: {  	s2 =	sld [smem:$0x3F9F]  }
0x29: {  	s4 =	sld [smem:$0x3FA1]  }
0x2a: {  	p0 =	seq.s32 s5, $0x0;
	s5 =	sld [smem:$0x3FA2]  }
0x2b: {  	s6 =	sld [smem:$0x3FA3]  }
0x2c: {  	s7 =	sld [smem:$0x3FA4]  }
0x2d: {  	s3 =	simm.s32 $0x108;
	s8 =	sld [smem:$0x3FA5]  }
0x2e: {  	s3 =	simm.s32 @!p0 $0x1082;
	s9 =	sld [smem:$0x3FA6]  }
0x2f: {  	lr =	sadd.s32 s0, s3;
	s0 =	sld [smem:$0x3F9D]  }
0x30: {  	s3 =	sld [smem:$0x3FA0]  }
0x31: {  	[smem:$0x3FA9] =	sst s10  }
0x32: {  	s10 =	sld [smem:$0x3FA7];
	_ =	sdelay $0x3  }
0x33: {  	p0 =	seq.s32 s10, $0x1;
	s10 =	sld [smem:$0x3FA9];
	_ =	sdelay $0x3  }
0x34: {  	[smem:$0x3FA9] =	sst s10  }
0x35: {  	s10 =	sld [smem:$0x3FA8];
	_ =	sdelay $0x3  }
0x36: {  	p1 =	seq.s32 s10, $0x1;
	s10 =	sld [smem:$0x3FA9];
	_ =	sdelay $0x3  }
0x37: {  	[smem:$0x3FA9] =	sst s10  }
0x38: {  	s10 =	sld [smem:$0x3FAA]  }
0x39: {  	_ = 	snop;
	(pc) =	sbr.ind lr, $3  }
0x3a: {  	_ = 	snop  }
0x3b: {  	_ = 	snop  }
0x3c: {  	p2 =	seq.s32 s10, $0x1;
	s10 =	sld [smem:$0x3FA9]  }
0x3d: {  	_ =	shalt  }
0x3e: {  	_ =	shalt  }
0x3f: {  	_ =	shalt  }
0x40: {  	_ =	shalt  }
0x41: {  	_ =	shalt  }
0x42: {  	_ =	shalt  }
0x43: {  	_ =	shalt  }
0x44: {  	_ =	shalt  }
0x45: {  	_ =	shalt  }
0x46: {  	_ =	shalt  }
0x47: {  	_ =	shalt  }
0x48: {  	_ =	shalt  }
0x49: {  	_ =	shalt  }
0x4a: {  	_ =	shalt  }
0x4b: {  	_ =	shalt  }
0x4c: {  	_ =	shalt  }
0x4d: {  	_ =	shalt  }
0x4e: {  	_ =	shalt  }
0x4f: {  	_ =	shalt  }
0x50: {  	_ =	shalt  }
0x51: {  	_ =	shalt  }
0x52: {  	_ =	shalt  }
0x53: {  	_ =	shalt  }
0x54: {  	_ =	shalt  }
0x55: {  	_ =	shalt  }
0x56: {  	_ =	shalt  }
0x57: {  	_ =	shalt  }
0x58: {  	_ =	shalt  }
0x59: {  	_ =	shalt  }
0x5a: {  	_ =	shalt  }
0x5b: {  	_ =	shalt  }
0x5c: {  	_ =	shalt  }
0x5d: {  	_ =	shalt  }
0x5e: {  	_ =	shalt  }
0x5f: {  	_ =	shalt  }
0x60: {  	_ =	shalt  }
0x61: {  	_ =	shalt  }
0x62: {  	_ =	shalt  }
0x63: {  	_ =	shalt  }
0x64: {  	_ =	shalt  }
0x65: {  	_ =	shalt  }
0x66: {  	_ =	shalt  }
0x67: {  	_ =	shalt  }
0x68: {  	_ =	shalt  }
0x69: {  	_ =	shalt  }
0x6a: {  	_ =	shalt  }
0x6b: {  	_ =	shalt  }
0x6c: {  	_ =	shalt  }
0x6d: {  	_ =	shalt  }
0x6e: {  	_ =	shalt  }
0x6f: {  	_ =	shalt  }
0x70: {  	_ =	shalt  }
0x71: {  	_ =	shalt  }
0x72: {  	_ =	shalt  }
0x73: {  	_ =	shalt  }
0x74: {  	_ =	shalt  }
0x75: {  	_ =	shalt  }
0x76: {  	_ =	shalt  }
0x77: {  	_ =	shalt  }
0x78: {  	_ =	shalt  }
0x79: {  	_ =	shalt  }
0x7a: {  	_ =	shalt  }
0x7b: {  	_ =	shalt  }
0x7c: {  	_ =	shalt  }
0x7d: {  	_ =	shalt  }
0x7e: {  	_ =	shalt  }
0x7f: {  	_ =	shalt  }
0x80: {  	_ =	shalt  }
0x81: {  	_ =	shalt  }
0x82: {  	_ =	shalt  }
0x83: {  	_ =	shalt  }
0x84: {  	_ =	shalt  }
0x85: {  	_ =	shalt  }
0x86: {  	_ =	shalt  }
0x87: {  	_ =	shalt  }
.Lfunc_end0:
.L_simem_size_0:
called_computation.4_lowered:
.L_overlay_start_0:
0x88: {  	s2 =	sld [smem:$0x3FD9]  }
0x89: {  	s3 =	sld [smem:$0x3FFE];
	_ =	sdelay $0x1  }
0x8a: {  	s1 =	srdreg.scid  }
0x8b: {  	s0 =	sand.u32 $0x1, s1  }
0x8c: {  	s17 =	sshll.u32 s0, $0xA;
	s2 =	sadd.s32 s3, s2  }
0x8d: {  	s2 =	sadd.s32 s2, s17  }
0x8e: {  	[smem:$0x3FB5] =	sst s2  }
0x8f: {  	_ = 	snop  }
0x90: {  	(tm) =	ssettm $0x1  }
0x91: {  	s18 =	sld [smem:$0x3FFB];
	_ =	sdelay $0x3  }
0x92: {  	_ =	strace s18  }
0x93: {  	s2 =	sld [smem:$0x3FFC];
	_ =	sdelay $0x3  }
0x94: {  	_ =	strace s2  }
0x95: {  	s2 =	sld [smem:$0x3FFD];
	_ =	sdelay $0x3  }
0x96: {  	_ =	strace s2  }
0x97: {  	_ =	strace $0x8FFFFFFF  }
0x98: {  	s19 =	sld [smem:$0x3FDB];
	_ =	sdelay $0x1  }
0x99: {  	s20 =	simm.s32 $_scs_section_size  }
0x9a: {  	s4 =	simm.s32 $_size__tile_overlayer_lowered;
	s5 =	simm.s32 $_tile_overlayer_lowered  }
0x9b: {  	s6 =	simm.s32 $0x1BFF;
	s21 =	sshll.u32 s5, $0x1;
	s3 =	sadd.s32 s20, s19  }
0x9c: {  	s22 =	simm.s32 $0x0;
	s4 =	sshll.u32 s4, $0x1;
	s5 =	sadd.s32 s21, s3  }
0x9d: {  	[timem:s22], [sflag:s6] =	dma.local [hbm:s5], s4  }
0x9e: {  	_ =	swait.ge [sflag:s6], s4  }
0x9f: {  	s4 =	ssub.s32 $0x0, s4;
	[sflag:s6] =	ssyncset.done $0x0  }
0xa0: {  	[sflag:s6] =	ssyncadd.s32 s4;
	_ =	sdelay $0x1  }
0xa1: {  	s23 =	simm.s32 $0x1B8B  }
0xa2: {  	_ =	swait.ge [sflag:s23], $0x1  }
0xa3: {  	[sflag:s23] =	ssyncset.done $0x0  }
0xa4: {  	[sflag:s23] =	ssyncadd.s32 $0xFFFFFFFF  }
0xa5: {  	s4 =	sld [smem:$0x0]  }
0xa6: {  	s5 =	sand.u32 $0xFFFFFFFE, s1  }
0xa7: {  	p0 =	sne.s32 s1, s5  }
0xa8: {  	s5 =	sshll.u32 @p0 s5, $0xE  }
0xa9: {  	s5 =	sadd.s32 @p0 $0x11B8D, s5;
	s6 =	sshll.u32 @p0 s4, $0x11  }
0xaa: {  	s5 =	sor.u32 @p0 s6, s5  }
0xab: {  	[sflag:s5] =	ssyncadd.remote.s32 @p0 $0x1;
	_ =	sdelay $0x1  }
0xac: {  	s5 =	simm.s32 @p0 $0x1B8D  }
0xad: {  	_ =	swait.eq @p0 [sflag:s5], $0x1  }
0xae: {  	[sflag:s5] =	ssyncadd.s32 @p0 $0xFFFFFFFF  }
0xaf: {  	s6 =	sshll.u32 @!p0 s1, $0xE  }
0xb0: {  	s6 =	sor.u32 @!p0 $0x4000, s6;
	s5 =	simm.s32 @!p0 $0x1B8D  }
0xb1: {  	s4 =	sshll.u32 @!p0 s4, $0x11;
	s6 =	sadd.s32 @!p0 $0x11B8D, s6;
	_ =	swait.eq @!p0 [sflag:s5], $0x1  }
0xb2: {  	s4 =	sor.u32 @!p0 s4, s6;
	[sflag:s5] =	ssyncadd.s32 @!p0 $0xFFFFFFFF  }
0xb3: {  	s25 =	simm.s32 $0x1B8E;
	s24 =	sld [smem:$0x3FFE];
	[sflag:s4] =	ssyncadd.remote.s32 @!p0 $0x1  }
0xb4: {  	s26 =	simm.s32 $execute0_lowered;
	[smem:$0x3FD2] =	sst s25  }
0xb5: {  	s5 =	sshll.u32 s26, $0x1;
	_ =	strace $0x8000005B;
	[dreg:$0x1] =	wrdreg $0xFFFFFFFF  }
0xb6: {  	s28 =	simm.s32 $_size_execute0_lowered;
	s3 =	sadd.s32 s3, s5;
	[dreg:$0x0] =	wrdreg $0x0  }
0xb7: {  	s5 =	sshll.u32 s28, $0x1;
	[dreg:$0x2] =	wrdreg s3  }
0xb8: {  	[dreg:$0x3] =	wrdreg s5  }
0xb9: {  	[dreg:$0x4] =	wrdreg $0xC0  }
0xba: {  	_ =	task [dreg:s22], $0x5FFFF  }
0xbb: {  	[dreg:$0x1] =	wrdreg $0xFFFFFFFF  }
0xbc: {  	[dreg:$0x0] =	wrdreg $0x60  }
0xbd: {  	[dreg:$0x2] =	wrdreg s24  }
0xbe: {  	[dreg:$0x3] =	wrdreg $0x90000  }
0xbf: {  	[dreg:$0x4] =	wrdreg $0x9  }
0xc0: {  	_ =	task.clear_ibuf [dreg:s22], $0x5FFFF;
	_ =	strace $0x9000005B  }
0xc1: {  	s29 =	simm.s32 $0x9;
	_ =	strace $0x8000005D  }
0xc2: {  	_ =	swait.ge [sflag:s29], $0x1  }
0xc3: {  	[sflag:s29] =	ssyncadd.s32 $0xFFFFFFFF  }
0xc4: {  	_ =	strace $0x9000005D  }
0xc5: {  	_ =	sfence  }
0xc6: {  	s30 =	sld [smem:$0x0];
	_ =	sdelay $0x2  }
0xc7: {  	s31 =	sshll.u32 s1, $0xD;
	s1 =	sshrl.u32 s1, $0x2  }
0xc8: {  	s4 =	sand.u32 $0x4000, s31;
	s1 =	sadd.s32 s1, s30  }
0xc9: {  	s0 =	sor.u32 s4, s0;
	s1 =	sshll.u32 s1, $0x11  }
0xca: {  	s0 =	sor.u32 s1, s0  }
0xcb: {  	s0 =	sadd.s32 $0x8F2B, s0  }
0xcc: {  	[sflag:s0] =	ssyncadd.remote.s32 $0x1  }
0xcd: {  	_ =	sfence.sel $0xFFFF  }
0xce: {  	[dreg:$0x0] =	wrdreg $0xFFFFFFFF;
	(pc) =	sbr.abs _section_cstart, $3  }
0xcf: {  	[dreg:$0x1] =	wrdreg $0xFFFFFFFF  }
0xd0: {  	_ =	task.clear_ibuf [dreg:s22], $0x2FFFF;
	_ =	strace $0x9FFFFFFF  }
0xd1: {  	(tm) =	ssettm $0x7FFFFFFF  }
tec
execute0_lowered:
.L_overlay_start_1:
0x0: {  	(tag) =	ssettag $0x1  }
0x1: {  	s5 =	rddreg [dreg:$0x0];
	s0 =	srdreg.scid  }
0x2: {  	s2 =	rddreg [dreg:$0x1];
	s1 =	stileid.u32  }
0x3: {  	s3 =	simm.s32 $0x0;
	s15 =	simm.s32 $0x2000;
	s12 =	smul.u32 $0xA00, s1  }
0x4: {  	s16 =	simm.s32 $0x5800;
	s17 =	simm.s32 $0x1;
	s9 =	smul.u32 $0x2290, s1  }
0x5: {  	s6 =	sand.u32 $0x1, s0;
	s0 =	rddreg [dreg:$0x2];
	s10 =	smul.u32 $0x45200, s1  }
0x6: {  	s18 =	simm.s32 $0x2;
	[smem:$0x7FF] =	sst s3;
	s7 =	smul.u32 $0xA000, s6  }
0x7: {  	s4 =	sadd.s32 $0xBA400, s5;
	s31 =	sshll.u32 s1, $0x6;
	s8 =	smul.u32 $0x22900, s6  }
0x8: {  	_ =	strace $0x8000005C;
	s6 =	ssub.s32 $0x2, s6;
	s11 =	sadd.s32 s12, s5  }
0x9: {  	s30 =	sshrl.u32 s6, $0x1;
	s10 =	sshrl.u32 s10, $0x2;
	s7 =	sadd.s32 s7, s5  }
0xa: {  	s8 =	sadd.s32 s9, s8;
	s13 =	ssub.s32 s6, s30;
	s10 =	sadd.s32 s10, s2  }
0xb: {  	s6 =	sor.u32 $0x1C03, s31;
	s9 =	sadd.s32 s8, s5;
	s5 =	sadd.s32 s4, s8  }
0xc: {  	s14 =	sadd.s32 $0x25A00, s7;
	s7 =	sadd.s32 $0x43A00, s11;
	s10 =	sshrl.u32 s10, $0x3  }
0xd: {  	s11 =	simm.s32 $0x3;
	s8 =	sadd.s32 $0x158400, s9;
	s9 =	smax.u32 s13, $0x1  }
0xe: {  	s12 =	sadd.s32 s12, s14;
	s13 =	simm.s32 $0x1000;
	s14 =	simm.s32 $0x80  }
.LBB2_1:
0xf: {  	[spmem:s10], [sflag:s6] =	dma.local [hbm:s5], $0x2290  }
0x10: {  	_ =	swait.ge [sflag:s11], $0x2290  }
0x11: {  	[sflag:s11] =	ssyncset.done $0x0  }
0x12: {  	[sflag:s11] =	ssyncadd.s32 $0xFFFFDD70  }
0x13: {  	s19 =	simm.s32 $0x0;
	[bflag:$0x0] =	sbarrier.arrive $0xFFFF  }
.LBB2_2:
0x14: {  	s20 =	sshll.u32 s19, $0x9  }
0x15: {  	s22 =	simm.s32 $0x0;
	s21 =	sadd.s32 s20, s12  }
0x16: {  	[tilespmem:s22], [sflag:$0x3] =	stream.linear.gather [hbm4b:s21+s22], $0x1000, $0x38;
	[tilespmem:$0x1A480] =	vst v63  }
0x17: {  	_ =	swait.ge [sflag:s11], $0x1000  }
0x18: {  	[sflag:s11] =	ssyncset.done $0x0  }
0x19: {  	s20 =	sadd.s32 s20, s7;
	[sflag:s11] =	ssyncadd.s32 $0xFFFFF000  }
0x1a: {  	[tilespmem:s13], [sflag:$0x3] =	stream.linear.gather [hbm4b:s20+s22], $0x1000, $0x38;
	[tilespmem:$0x1A480] =	vst v63  }
0x1b: {  	_ =	swait.ge [sflag:s11], $0x1000  }
0x1c: {  	[sflag:s11] =	ssyncset.done $0x0  }
0x1d: {  	s28 =	simm.s32 $0x0;
	[sflag:s11] =	ssyncadd.s32 $0xFFFFF000  }
0x1e: {  	[tilespmem:s15], [sflag:$0x1] =	stream.indirect.gather [hbm4b:s4+s14], $0x70, s28, s14, $0xb8;
	[tilespmem:$0x1A480] =	vst v63  }
0x1f: {  	s29 =	simm.s32 $0x80  }
0x20: {  	[tilespmem:s16], [sflag:$0x2] =	stream.indirect.gather [hbm4b:s4+s14], $0x70, s29, s14, $0xb8;
	[tilespmem:$0x1A480] =	vst v63  }
0x21: {  	_ =	swait.ge [sflag:s17], $0x3800  }
0x22: {  	[sflag:s17] =	ssyncset.done $0x0  }
0x23: {  	s30 =	simm.s32 $0x1000;
	[sflag:s17] =	ssyncadd.s32 $0xFFFFC800  }
0x24: {  	[spmem:s2] =	stream.indirect.scatter.add.f32 [tilespmem:s15], [sflag:$0x3], $0x70, s30, s14, $0xb8;
	[tilespmem:$0x1A480] =	vst v63  }
0x25: {  	_ =	swait.ge [sflag:s11], $0x3800  }
0x26: {  	[sflag:s11] =	ssyncset.done $0x0  }
0x27: {  	[sflag:s11] =	ssyncadd.s32 $0xFFFFC800  }
0x28: {  	_ =	swait.ge [sflag:s18], $0x3800  }
0x29: {  	[sflag:s18] =	ssyncset.done $0x0  }
0x2a: {  	s31 =	simm.s32 $0x1080;
	[sflag:s18] =	ssyncadd.s32 $0xFFFFC800  }
0x2b: {  	[spmem:s2] =	stream.indirect.scatter.add.f32 [tilespmem:s16], [sflag:$0x3], $0x70, s31, s14, $0xb8;
	[tilespmem:$0x1A480] =	vst v63  }
0x2c: {  	_ =	swait.ge [sflag:s11], $0x3800  }
0x2d: {  	s21 =	simm.s32 $0x800;
	s20 =	simm.s32 $0x400;
	[sflag:s11] =	ssyncset.done $0x0  }
.LBB2_3:
0x2e: {  	s22 =	sshra.s32 s20, $0x2  }
0x2f: {  	[sflag:s11] =	ssyncadd.s32 $0xFFFFC800;
	s20 =	smov.u32 s21;
	s23 =	sadd.s32 $0x400, s21  }
0x30: {  	[tilespmem:s15], [sflag:$0x1] =	stream.indirect.gather [hbm4b:s4+s14], $0x70, s22, s14, $0xb8;
	[tilespmem:$0x1A480] =	vst v63  }
0x31: {  	p0 =	sne.s32 s21, $0x3C00;
	s21 =	sadd.s32 $0x80, s22  }
0x32: {  	[tilespmem:s16], [sflag:$0x2] =	stream.indirect.gather [hbm4b:s4+s14], $0x70, s21, s14, $0xb8;
	[tilespmem:$0x1A480] =	vst v63  }
0x33: {  	_ =	swait.ge [sflag:s17], $0x3800  }
0x34: {  	[sflag:s17] =	ssyncset.done $0x0  }
0x35: {  	s21 =	sadd.s32 $0x1000, s22;
	[sflag:s17] =	ssyncadd.s32 $0xFFFFC800  }
0x36: {  	[spmem:s2] =	stream.indirect.scatter.add.f32 [tilespmem:s15], [sflag:$0x3], $0x70, s21, s14, $0xb8;
	[tilespmem:$0x1A480] =	vst v63  }
0x37: {  	_ =	swait.ge [sflag:s11], $0x3800  }
0x38: {  	[sflag:s11] =	ssyncset.done $0x0  }
0x39: {  	[sflag:s11] =	ssyncadd.s32 $0xFFFFC800  }
0x3a: {  	_ =	swait.ge [sflag:s18], $0x3800  }
.Ltmp0:
0x3b: {  	[sflag:s18] =	ssyncset.done $0x0;
	(pc) =	sbr.rel @p0 .LBB2_3-.Ltmp0, $4  }
0x3c: {  	s21 =	sadd.s32 $0x1080, s22;
	[sflag:s18] =	ssyncadd.s32 $0xFFFFC800  }
0x3d: {  	[spmem:s2] =	stream.indirect.scatter.add.f32 [tilespmem:s16], [sflag:$0x3], $0x70, s21, s14, $0xb8;
	[tilespmem:$0x1A480] =	vst v63  }
0x3e: {  	_ =	swait.ge [sflag:s11], $0x3800  }
0x3f: {  	s21 =	smov.u32 s23;
	[sflag:s11] =	ssyncset.done $0x0  }
0x40: {  	s20 =	sshra.s32 s20, $0x2;
	[sflag:s11] =	ssyncadd.s32 $0xFFFFC800  }
0x41: {  	[tilespmem:s15], [sflag:$0x1] =	stream.indirect.gather [hbm4b:s4+s14], $0x70, s20, s14, $0xb8;
	[tilespmem:$0x1A480] =	vst v63  }
0x42: {  	s21 =	sadd.s32 $0x80, s20  }
0x43: {  	[tilespmem:s16], [sflag:$0x2] =	stream.indirect.gather [hbm4b:s4+s14], $0x70, s21, s14, $0xb8;
	[tilespmem:$0x1A480] =	vst v63  }
0x44: {  	_ =	swait.ge [sflag:s17], $0x3800  }
0x45: {  	[sflag:s17] =	ssyncset.done $0x0  }
0x46: {  	s31 =	sadd.s32 $0x1000, s20;
	[sflag:s17] =	ssyncadd.s32 $0xFFFFC800  }
0x47: {  	[spmem:s2] =	stream.indirect.scatter.add.f32 [tilespmem:s15], [sflag:$0x3], $0x70, s31, s14, $0xb8;
	[tilespmem:$0x1A480] =	vst v63  }
0x48: {  	_ =	swait.ge [sflag:s11], $0x3800  }
0x49: {  	[sflag:s11] =	ssyncset.done $0x0  }
0x4a: {  	[sflag:s11] =	ssyncadd.s32 $0xFFFFC800  }
0x4b: {  	s19 =	sadd.s32 $0x1, s19;
	_ =	swait.ge [sflag:s18], $0x3800  }
0x4c: {  	p0 =	sne.s32 s19, $0x5;
	[sflag:s18] =	ssyncset.done $0x0  }
.Ltmp1:
0x4d: {  	s20 =	sadd.s32 $0x1080, s20;
	[sflag:s18] =	ssyncadd.s32 $0xFFFFC800;
	(pc) =	sbr.rel @p0 .LBB2_2-.Ltmp1, $4  }
0x4e: {  	[spmem:s2] =	stream.indirect.scatter.add.f32 [tilespmem:s16], [sflag:$0x3], $0x70, s20, s14, $0xb8;
	[tilespmem:$0x1A480] =	vst v63  }
0x4f: {  	_ =	swait.ge [sflag:s11], $0x3800  }
0x50: {  	[sflag:s11] =	ssyncset.done $0x0  }
0x51: {  	[sflag:s11] =	ssyncadd.s32 $0xFFFFC800  }
0x52: {  	s3 =	sadd.s32 $0x1, s3  }
0x53: {  	p0 =	sne.s32 s3, s9  }
.Ltmp2:
0x54: {  	[bflag:$0x0] =	sbarrier.arrive $0xFFFF;
	(pc) =	sbr.rel @p0 .LBB2_1-.Ltmp2, $4  }
0x55: {  	[hbm:s8], [sflag:s6] =	dma.local [spmem:s10], $0x2290  }
0x56: {  	_ =	swait.ge [sflag:s11], $0x2290  }
0x57: {  	[sflag:s11] =	ssyncset.done $0x0  }
0x58: {  	[sflag:s11] =	ssyncadd.s32 $0xFFFFDD70  }
0x59: {  	_ =	sfence.sel $0x180000  }
0x5a: {  	[bflag:$0x0] =	sbarrier.arrive $0xFFFF  }
0x5b: {  	p0 =	sne.s32 s1, $0x0;
	_ =	strace $0x9000005C  }
0x5c: {  	s0 =	sadd.s32 @!p0 $0x100000, s0;
	[bflag:$0x2] =	sbarrier.arrive $0xFFFF  }
0x5d: {  	[sflag:s0] =	ssyncadd.tile.s32 @!p0 $0x1;
	_ =	shalt  }
.Lfunc_end2:
_tile_overlayer_lowered:
.L_overlay_start_2:
0x5e: {  	(tag) =	ssettag $0x2  }
0x5f: {  	s0 =	rddreg [dreg:$0x0];
	s2 =	stileid.u32  }
0x60: {  	s1 =	rddreg [dreg:$0x1];
	p0 =	sne.s32 s2, $0x0  }
0x61: {  	s3 =	rddreg [dreg:$0x2];
	[bflag:$0x3] =	sbarrier.arrive $0xFFFF;
	s2 =	simm.s32 @!p0 $0x1C03  }
0x62: {  	[timem:s3], [sflag:s2] =	dma.local @!p0 [hbm:s0], s1  }
0x63: {  	s0 =	simm.s32 @!p0 $0x3  }
0x64: {  	_ =	swait.ge @!p0 [sflag:s0], s1  }
0x65: {  	s1 =	ssub.s32 @!p0 $0x0, s1;
	[sflag:s0] =	ssyncset.done @!p0 $0x0  }
0x66: {  	[sflag:s0] =	ssyncadd.s32 @!p0 s1  }
0x67: {  	[bflag:$0x3] =	sbarrier.arrive $0xFFFF  }
0x68: {  	_ =	shalt  }

// kernel: kernel.32.cloned.1.call-start
scs
__scs_entry_jumppad:
0x0: {  	(pc) =	sbr.rel $0x88, $3  }
0x1: {  	(tag) =	ssettag $0x0;
	lr =	simm.s32 $0x1  }
0x2: {  	[smem:$0x3F8E] =	sst lr;
	_ =	strace $0xD0000000  }
0x3: {  	_ = 	snop  }
0x4: {  	_ = 	snop  }
0x5: {  	_ = 	snop  }
0x6: {  	_ = 	snop  }
0x7: {  	_ = 	snop  }
__scs_overlays_trampoline_lowered:
0x8: {  	[smem:$0x3F9D] =	sst s0  }
0x9: {  	[smem:$0x3F9E] =	sst s1  }
0xa: {  	[smem:$0x3F9F] =	sst s2  }
0xb: {  	[smem:$0x3FA0] =	sst s3  }
0xc: {  	[smem:$0x3FA1] =	sst s4  }
0xd: {  	[smem:$0x3FA2] =	sst s5  }
0xe: {  	[smem:$0x3FA3] =	sst s6  }
0xf: {  	[smem:$0x3FA4] =	sst s7  }
0x10: {  	[smem:$0x3FA5] =	sst s8  }
0x11: {  	[smem:$0x3FA6] =	sst s9;
	s0 =	simm.s32 @!p0 $0x0  }
0x12: {  	s1 =	sld [smem:$0x3F8C];
	s0 =	simm.s32 @p0 $0x1  }
0x13: {  	[smem:$0x3FA7] =	sst s0;
	s0 =	simm.s32 @!p1 $0x0  }
0x14: {  	s2 =	sld [smem:$0x3F8B];
	s0 =	simm.s32 @p1 $0x1  }
0x15: {  	[smem:$0x3FA8] =	sst s0;
	s0 =	simm.s32 @!p2 $0x0  }
0x16: {  	s3 =	sld [smem:$0x3FDB];
	s0 =	simm.s32 @p2 $0x1  }
0x17: {  	s4 =	simm.s32 $0x1BF5;
	[smem:$0x3FAA] =	sst s0  }
0x18: {  	s0 =	sld [smem:$0x3F8D];
	_ =	swait.ge [sflag:s4], $0x0  }
0x19: {  	s7 =	sld [smem:$0x3F8E]  }
0x1a: {  	s8 =	sadd.s32 $0xFFFFE003, lr  }
0x1b: {  	s9 =	sadd.s32 $0xFFFFFEF7, lr;
	s5 =	simm.s32 $0xFFFFFFFF;
	p2 =	slt.u32 s8, $0xFFFFF086  }
0x1c: {  	p1 =	slt.u32 s9, $0xF7A;
	s5 =	simm.s32 @!p2 $0x0  }
0x1d: {  	s5 =	simm.s32 @p1 $0x1;
	p0 =	seq.s32 s7, s2  }
0x1e: {  	s7 =	smul.u32 @!p0 $0xF7A, s2;
	p2 =	seq.s32 @!p0 s5, $0x0  }
0x1f: {  	s9 =	smul.u32 $0xF7A, s1;
	s8 =	simm.s32 @!p0 $0x1BF5;
	p2 =	por !p2, p0  }
0x20: {  	[sflag:s8] =	ssyncset.s32 @!p0 $0xFFFFF086;
	s6 =	sadd.s32 @!p0 s3, s7;
	s7 =	simm.s32 @!p0 $0x108  }
0x21: {  	s3 =	sadd.s32 s3, s9;
	s6 =	sadd.s32 @!p0 $0x88, s6;
	s7 =	simm.s32 @p2 $0x1082  }
0x22: {  	[simem:s7], [sflag:s8] =	dma.local @!p0 [hbm:s6], $0xF7A  }
0x23: {  	s9 =	sor.u32 $0xD0000000, s2;
	s6 =	simm.s32 $0x108;
	_ =	swait.ge @!p0 [sflag:s8], $0x0  }
0x24: {  	s3 =	sadd.s32 $0x88, s3;
	s6 =	simm.s32 @!p1 $0x1082;
	[sflag:s4] =	ssyncset.s32 $0xFFFFF086  }
0x25: {  	[simem:s6], [sflag:s4] =	dma.local [hbm:s3], $0xF7A  }
0x26: {  	[smem:$0x3F8E] =	sst s1;
	(tag) =	ssettag s2;
	_ =	strace s9  }
0x27: {  	s1 =	sld [smem:$0x3F9E]  }
0x28: {  	s2 =	sld [smem:$0x3F9F]  }
0x29: {  	s4 =	sld [smem:$0x3FA1]  }
0x2a: {  	p0 =	seq.s32 s5, $0x0;
	s5 =	sld [smem:$0x3FA2]  }
0x2b: {  	s6 =	sld [smem:$0x3FA3]  }
0x2c: {  	s7 =	sld [smem:$0x3FA4]  }
0x2d: {  	s3 =	simm.s32 $0x108;
	s8 =	sld [smem:$0x3FA5]  }
0x2e: {  	s3 =	simm.s32 @!p0 $0x1082;
	s9 =	sld [smem:$0x3FA6]  }
0x2f: {  	lr =	sadd.s32 s0, s3;
	s0 =	sld [smem:$0x3F9D]  }
0x30: {  	s3 =	sld [smem:$0x3FA0]  }
0x31: {  	[smem:$0x3FA9] =	sst s10  }
0x32: {  	s10 =	sld [smem:$0x3FA7];
	_ =	sdelay $0x3  }
0x33: {  	p0 =	seq.s32 s10, $0x1;
	s10 =	sld [smem:$0x3FA9];
	_ =	sdelay $0x3  }
0x34: {  	[smem:$0x3FA9] =	sst s10  }
0x35: {  	s10 =	sld [smem:$0x3FA8];
	_ =	sdelay $0x3  }
0x36: {  	p1 =	seq.s32 s10, $0x1;
	s10 =	sld [smem:$0x3FA9];
	_ =	sdelay $0x3  }
0x37: {  	[smem:$0x3FA9] =	sst s10  }
0x38: {  	s10 =	sld [smem:$0x3FAA]  }
0x39: {  	_ = 	snop;
	(pc) =	sbr.ind lr, $3  }
0x3a: {  	_ = 	snop  }
0x3b: {  	_ = 	snop  }
0x3c: {  	p2 =	seq.s32 s10, $0x1;
	s10 =	sld [smem:$0x3FA9]  }
0x3d: {  	_ =	shalt  }
0x3e: {  	_ =	shalt  }
0x3f: {  	_ =	shalt  }
0x40: {  	_ =	shalt  }
0x41: {  	_ =	shalt  }
0x42: {  	_ =	shalt  }
0x43: {  	_ =	shalt  }
0x44: {  	_ =	shalt  }
0x45: {  	_ =	shalt  }
0x46: {  	_ =	shalt  }
0x47: {  	_ =	shalt  }
0x48: {  	_ =	shalt  }
0x49: {  	_ =	shalt  }
0x4a: {  	_ =	shalt  }
0x4b: {  	_ =	shalt  }
0x4c: {  	_ =	shalt  }
0x4d: {  	_ =	shalt  }
0x4e: {  	_ =	shalt  }
0x4f: {  	_ =	shalt  }
0x50: {  	_ =	shalt  }
0x51: {  	_ =	shalt  }
0x52: {  	_ =	shalt  }
0x53: {  	_ =	shalt  }
0x54: {  	_ =	shalt  }
0x55: {  	_ =	shalt  }
0x56: {  	_ =	shalt  }
0x57: {  	_ =	shalt  }
0x58: {  	_ =	shalt  }
0x59: {  	_ =	shalt  }
0x5a: {  	_ =	shalt  }
0x5b: {  	_ =	shalt  }
0x5c: {  	_ =	shalt  }
0x5d: {  	_ =	shalt  }
0x5e: {  	_ =	shalt  }
0x5f: {  	_ =	shalt  }
0x60: {  	_ =	shalt  }
0x61: {  	_ =	shalt  }
0x62: {  	_ =	shalt  }
0x63: {  	_ =	shalt  }
0x64: {  	_ =	shalt  }
0x65: {  	_ =	shalt  }
0x66: {  	_ =	shalt  }
0x67: {  	_ =	shalt  }
0x68: {  	_ =	shalt  }
0x69: {  	_ =	shalt  }
0x6a: {  	_ =	shalt  }
0x6b: {  	_ =	shalt  }
0x6c: {  	_ =	shalt  }
0x6d: {  	_ =	shalt  }
0x6e: {  	_ =	shalt  }
0x6f: {  	_ =	shalt  }
0x70: {  	_ =	shalt  }
0x71: {  	_ =	shalt  }
0x72: {  	_ =	shalt  }
0x73: {  	_ =	shalt  }
0x74: {  	_ =	shalt  }
0x75: {  	_ =	shalt  }
0x76: {  	_ =	shalt  }
0x77: {  	_ =	shalt  }
0x78: {  	_ =	shalt  }
0x79: {  	_ =	shalt  }
0x7a: {  	_ =	shalt  }
0x7b: {  	_ =	shalt  }
0x7c: {  	_ =	shalt  }
0x7d: {  	_ =	shalt  }
0x7e: {  	_ =	shalt  }
0x7f: {  	_ =	shalt  }
0x80: {  	_ =	shalt  }
0x81: {  	_ =	shalt  }
0x82: {  	_ =	shalt  }
0x83: {  	_ =	shalt  }
0x84: {  	_ =	shalt  }
0x85: {  	_ =	shalt  }
0x86: {  	_ =	shalt  }
0x87: {  	_ =	shalt  }
.Lfunc_end0:
.L_simem_size_0:
called_computation.5_lowered:
.L_overlay_start_0:
0x88: {  	s2 =	sld [smem:$0x3FD9]  }
0x89: {  	s3 =	sld [smem:$0x3FFE];
	_ =	sdelay $0x1  }
0x8a: {  	s1 =	srdreg.scid  }
0x8b: {  	s0 =	sand.u32 $0x1, s1  }
0x8c: {  	s16 =	sshll.u32 s0, $0xA;
	s2 =	sadd.s32 s3, s2  }
0x8d: {  	s2 =	sadd.s32 s2, s16  }
0x8e: {  	[smem:$0x3FB5] =	sst s2  }
0x8f: {  	_ = 	snop  }
0x90: {  	(tm) =	ssettm $0x1  }
0x91: {  	s17 =	sld [smem:$0x3FFB];
	_ =	sdelay $0x3  }
0x92: {  	_ =	strace s17  }
0x93: {  	s2 =	sld [smem:$0x3FFC];
	_ =	sdelay $0x3  }
0x94: {  	_ =	strace s2  }
0x95: {  	s2 =	sld [smem:$0x3FFD];
	_ =	sdelay $0x3  }
0x96: {  	_ =	strace s2  }
0x97: {  	_ =	strace $0x8FFFFFFF  }
0x98: {  	s18 =	sld [smem:$0x3FDB];
	_ =	sdelay $0x1  }
0x99: {  	s19 =	simm.s32 $_scs_section_size  }
0x9a: {  	s4 =	simm.s32 $_size__tile_overlayer_lowered;
	s5 =	simm.s32 $_tile_overlayer_lowered  }
0x9b: {  	s22 =	simm.s32 $0x1BFF;
	s21 =	sshll.u32 s5, $0x1;
	s2 =	sadd.s32 s19, s18  }
0x9c: {  	s6 =	simm.s32 $0x0;
	s20 =	sshll.u32 s4, $0x1;
	s4 =	sadd.s32 s21, s2  }
0x9d: {  	[timem:s6], [sflag:s22] =	dma.local [hbm:s4], s20  }
0x9e: {  	_ =	swait.ge [sflag:s22], s20  }
0x9f: {  	s3 =	ssub.s32 $0x0, s20;
	[sflag:s22] =	ssyncset.done $0x0  }
0xa0: {  	[sflag:s22] =	ssyncadd.s32 s3;
	_ =	sdelay $0x1  }
0xa1: {  	s23 =	simm.s32 $0x1B8B  }
0xa2: {  	_ =	swait.ge [sflag:s23], $0x1  }
0xa3: {  	[sflag:s23] =	ssyncset.done $0x0  }
0xa4: {  	s25 =	simm.s32 $0x1B8E;
	s24 =	sld [smem:$0x3FFE];
	[sflag:s23] =	ssyncadd.s32 $0xFFFFFFFF  }
0xa5: {  	s26 =	simm.s32 $execute0_lowered;
	[smem:$0x3FD2] =	sst s25  }
0xa6: {  	s4 =	sshll.u32 s26, $0x1;
	_ =	strace $0x8000004C;
	[dreg:$0x1] =	wrdreg $0xFFFFFFFF  }
0xa7: {  	s28 =	simm.s32 $_size_execute0_lowered;
	s2 =	sadd.s32 s2, s4;
	[dreg:$0x0] =	wrdreg $0x0  }
0xa8: {  	s4 =	sshll.u32 s28, $0x1;
	[dreg:$0x2] =	wrdreg s2  }
0xa9: {  	[dreg:$0x3] =	wrdreg s4  }
0xaa: {  	[dreg:$0x4] =	wrdreg $0xC0  }
0xab: {  	_ =	task [dreg:s6], $0x5FFFF  }
0xac: {  	[dreg:$0x1] =	wrdreg $0xFFFFFFFF  }
0xad: {  	[dreg:$0x0] =	wrdreg $0x60  }
0xae: {  	[dreg:$0x2] =	wrdreg s24  }
0xaf: {  	[dreg:$0x3] =	wrdreg $0x60000  }
0xb0: {  	[dreg:$0x4] =	wrdreg $0xA  }
0xb1: {  	_ =	task.clear_ibuf [dreg:s6], $0x5FFFF;
	_ =	strace $0x9000004C  }
0xb2: {  	s29 =	simm.s32 $0xA;
	_ =	strace $0x8000004E  }
0xb3: {  	_ =	swait.ge [sflag:s29], $0x1  }
0xb4: {  	[sflag:s29] =	ssyncadd.s32 $0xFFFFFFFF  }
0xb5: {  	_ =	strace $0x9000004E  }
0xb6: {  	_ =	sfence  }
0xb7: {  	s30 =	sld [smem:$0x0];
	_ =	sdelay $0x2  }
0xb8: {  	s31 =	sshll.u32 s1, $0xD;
	s1 =	sshrl.u32 s1, $0x2  }
0xb9: {  	s3 =	sand.u32 $0x4000, s31;
	s1 =	sadd.s32 s1, s30  }
0xba: {  	s0 =	sor.u32 s3, s0;
	s1 =	sshll.u32 s1, $0x11  }
0xbb: {  	s0 =	sor.u32 s1, s0  }
0xbc: {  	s0 =	sadd.s32 $0x8F2B, s0  }
0xbd: {  	[sflag:s0] =	ssyncadd.remote.s32 $0x1  }
0xbe: {  	_ =	sfence.sel $0xFFFF  }
0xbf: {  	[dreg:$0x0] =	wrdreg $0xFFFFFFFF;
	(pc) =	sbr.abs _section_cstart, $3  }
0xc0: {  	[dreg:$0x1] =	wrdreg $0xFFFFFFFF  }
0xc1: {  	_ =	task.clear_ibuf [dreg:s6], $0x2FFFF;
	_ =	strace $0x9FFFFFFF  }
0xc2: {  	(tm) =	ssettm $0x7FFFFFFF  }
0xc3: {  	_ =	shalt  }
tec
execute0_lowered:
.L_overlay_start_1:
0x0: {  	(tag) =	ssettag $0x1  }
0x1: {  	s5 =	rddreg [dreg:$0x0];
	s0 =	srdreg.scid  }
0x2: {  	s1 =	rddreg [dreg:$0x1];
	s3 =	simm.s32 $0x0;
	s2 =	stileid.u32  }
0x3: {  	s16 =	simm.s32 $0x4000;
	s17 =	simm.s32 $0x1;
	s9 =	smul.u32 $0x278, s2  }
0x4: {  	s6 =	sand.u32 $0x1, s0;
	s0 =	rddreg [dreg:$0x2];
	s12 =	smul.u32 $0xA00, s2  }
0x5: {  	s18 =	simm.s32 $0x2;
	[smem:$0x7FF] =	sst s3;
	s29 =	smul.u32 $0x27800, s2  }
0x6: {  	s4 =	sadd.s32 $0x75200, s5;
	s31 =	sshll.u32 s2, $0x6;
	s7 =	smul.u32 $0xA000, s6  }
0x7: {  	s8 =	smul.u32 $0x2780, s6;
	_ =	strace $0x8000004D;
	s6 =	ssub.s32 $0x2, s6  }
0x8: {  	s10 =	sadd.s32 s12, s5;
	s30 =	sshrl.u32 s6, $0x1;
	s7 =	sadd.s32 s7, s5  }
0x9: {  	s8 =	sadd.s32 s9, s8;
	s9 =	sshrl.u32 s29, $0x2;
	s13 =	ssub.s32 s6, s30  }
0xa: {  	s6 =	sor.u32 $0x1C03, s31;
	s8 =	sshll.u32 s8, $0x3;
	s14 =	sadd.s32 s9, s1  }
0xb: {  	s15 =	sadd.s32 $0x11A00, s7;
	s7 =	sadd.s32 $0x39A00, s10;
	s9 =	smax.u32 s13, $0x1  }
0xc: {  	s13 =	simm.s32 $0x1000;
	s11 =	sadd.s32 s8, s5;
	s5 =	sadd.s32 s4, s8  }
0xd: {  	s10 =	sshrl.u32 s14, $0x3;
	s12 =	sadd.s32 s12, s15;
	s14 =	simm.s32 $0x80  }
0xe: {  	s15 =	simm.s32 $0x2000;
	s8 =	sadd.s32 $0x9CA00, s11;
	s11 =	simm.s32 $0x3  }
.LBB2_1:
0xf: {  	[spmem:s10], [sflag:s6] =	dma.local [hbm:s5], $0x13C0  }
0x10: {  	_ =	swait.ge [sflag:s11], $0x13C0  }
0x11: {  	[sflag:s11] =	ssyncset.done $0x0  }
0x12: {  	[sflag:s11] =	ssyncadd.s32 $0xFFFFEC40  }
0x13: {  	s19 =	simm.s32 $0x0;
	[bflag:$0x0] =	sbarrier.arrive $0xFFFF  }
.LBB2_2:
0x14: {  	s20 =	sshll.u32 s19, $0x9  }
0x15: {  	s22 =	simm.s32 $0x0;
	s21 =	sadd.s32 s20, s12  }
0x16: {  	[tilespmem:s22], [sflag:$0x3] =	stream.linear.gather [hbm4b:s21+s22], $0x1000, $0x38;
	[tilespmem:$0xFE00] =	vst v63  }
0x17: {  	_ =	swait.ge [sflag:s11], $0x1000  }
0x18: {  	[sflag:s11] =	ssyncset.done $0x0  }
0x19: {  	s20 =	sadd.s32 s20, s7;
	[sflag:s11] =	ssyncadd.s32 $0xFFFFF000  }
0x1a: {  	[tilespmem:s13], [sflag:$0x3] =	stream.linear.gather [hbm4b:s20+s22], $0x1000, $0x38;
	[tilespmem:$0xFE00] =	vst v63  }
0x1b: {  	_ =	swait.ge [sflag:s11], $0x1000  }
0x1c: {  	[sflag:s11] =	ssyncset.done $0x0  }
0x1d: {  	s28 =	simm.s32 $0x0;
	[sflag:s11] =	ssyncadd.s32 $0xFFFFF000  }
0x1e: {  	[tilespmem:s15], [sflag:$0x1] =	stream.indirect.gather [hbm4b:s4+s14], $0x40, s28, s14, $0xb8;
	[tilespmem:$0xFE00] =	vst v63  }
0x1f: {  	s29 =	simm.s32 $0x80  }
0x20: {  	[tilespmem:s16], [sflag:$0x2] =	stream.indirect.gather [hbm4b:s4+s14], $0x40, s29, s14, $0xb8;
	[tilespmem:$0xFE00] =	vst v63  }
0x21: {  	_ =	swait.ge [sflag:s17], $0x2000  }
0x22: {  	[sflag:s17] =	ssyncset.done $0x0  }
0x23: {  	s30 =	simm.s32 $0x1000;
	[sflag:s17] =	ssyncadd.s32 $0xFFFFE000  }
0x24: {  	[spmem:s1] =	stream.indirect.scatter.add.f32 [tilespmem:s15], [sflag:$0x3], $0x40, s30, s14, $0xb8;
	[tilespmem:$0xFE00] =	vst v63  }
0x25: {  	_ =	swait.ge [sflag:s11], $0x2000  }
0x26: {  	[sflag:s11] =	ssyncset.done $0x0  }
0x27: {  	[sflag:s11] =	ssyncadd.s32 $0xFFFFE000  }
0x28: {  	_ =	swait.ge [sflag:s18], $0x2000  }
0x29: {  	[sflag:s18] =	ssyncset.done $0x0  }
0x2a: {  	s31 =	simm.s32 $0x1080;
	[sflag:s18] =	ssyncadd.s32 $0xFFFFE000  }
0x2b: {  	[spmem:s1] =	stream.indirect.scatter.add.f32 [tilespmem:s16], [sflag:$0x3], $0x40, s31, s14, $0xb8;
	[tilespmem:$0xFE00] =	vst v63  }
0x2c: {  	_ =	swait.ge [sflag:s11], $0x2000  }
0x2d: {  	s21 =	simm.s32 $0x800;
	s20 =	simm.s32 $0x400;
	[sflag:s11] =	ssyncset.done $0x0  }
.LBB2_3:
0x2e: {  	s22 =	sshra.s32 s20, $0x2  }
0x2f: {  	[sflag:s11] =	ssyncadd.s32 $0xFFFFE000;
	s20 =	smov.u32 s21;
	s23 =	sadd.s32 $0x400, s21  }
0x30: {  	[tilespmem:s15], [sflag:$0x1] =	stream.indirect.gather [hbm4b:s4+s14], $0x40, s22, s14, $0xb8;
	[tilespmem:$0xFE00] =	vst v63  }
0x31: {  	p0 =	sne.s32 s21, $0x3C00;
	s21 =	sadd.s32 $0x80, s22  }
0x32: {  	[tilespmem:s16], [sflag:$0x2] =	stream.indirect.gather [hbm4b:s4+s14], $0x40, s21, s14, $0xb8;
	[tilespmem:$0xFE00] =	vst v63  }
0x33: {  	_ =	swait.ge [sflag:s17], $0x2000  }
0x34: {  	[sflag:s17] =	ssyncset.done $0x0  }
0x35: {  	s21 =	sadd.s32 $0x1000, s22;
	[sflag:s17] =	ssyncadd.s32 $0xFFFFE000  }
0x36: {  	[spmem:s1] =	stream.indirect.scatter.add.f32 [tilespmem:s15], [sflag:$0x3], $0x40, s21, s14, $0xb8;
	[tilespmem:$0xFE00] =	vst v63  }
0x37: {  	_ =	swait.ge [sflag:s11], $0x2000  }
0x38: {  	[sflag:s11] =	ssyncset.done $0x0  }
0x39: {  	[sflag:s11] =	ssyncadd.s32 $0xFFFFE000  }
0x3a: {  	_ =	swait.ge [sflag:s18], $0x2000  }
.Ltmp0:
0x3b: {  	[sflag:s18] =	ssyncset.done $0x0;
	(pc) =	sbr.rel @p0 .LBB2_3-.Ltmp0, $4  }
0x3c: {  	s21 =	sadd.s32 $0x1080, s22;
	[sflag:s18] =	ssyncadd.s32 $0xFFFFE000  }
0x3d: {  	[spmem:s1] =	stream.indirect.scatter.add.f32 [tilespmem:s16], [sflag:$0x3], $0x40, s21, s14, $0xb8;
	[tilespmem:$0xFE00] =	vst v63  }
0x3e: {  	_ =	swait.ge [sflag:s11], $0x2000  }
0x3f: {  	s21 =	smov.u32 s23;
	[sflag:s11] =	ssyncset.done $0x0  }
0x40: {  	s20 =	sshra.s32 s20, $0x2;
	[sflag:s11] =	ssyncadd.s32 $0xFFFFE000  }
0x41: {  	[tilespmem:s15], [sflag:$0x1] =	stream.indirect.gather [hbm4b:s4+s14], $0x40, s20, s14, $0xb8;
	[tilespmem:$0xFE00] =	vst v63  }
0x42: {  	s21 =	sadd.s32 $0x80, s20  }
0x43: {  	[tilespmem:s16], [sflag:$0x2] =	stream.indirect.gather [hbm4b:s4+s14], $0x40, s21, s14, $0xb8;
	[tilespmem:$0xFE00] =	vst v63  }
0x44: {  	_ =	swait.ge [sflag:s17], $0x2000  }
0x45: {  	[sflag:s17] =	ssyncset.done $0x0  }
0x46: {  	s31 =	sadd.s32 $0x1000, s20;
	[sflag:s17] =	ssyncadd.s32 $0xFFFFE000  }
0x47: {  	[spmem:s1] =	stream.indirect.scatter.add.f32 [tilespmem:s15], [sflag:$0x3], $0x40, s31, s14, $0xb8;
	[tilespmem:$0xFE00] =	vst v63  }
0x48: {  	_ =	swait.ge [sflag:s11], $0x2000  }
0x49: {  	[sflag:s11] =	ssyncset.done $0x0  }
0x4a: {  	[sflag:s11] =	ssyncadd.s32 $0xFFFFE000  }
0x4b: {  	s19 =	sadd.s32 $0x1, s19;
	_ =	swait.ge [sflag:s18], $0x2000  }
0x4c: {  	p0 =	sne.s32 s19, $0x5;
	[sflag:s18] =	ssyncset.done $0x0  }
.Ltmp1:
0x4d: {  	s20 =	sadd.s32 $0x1080, s20;
	[sflag:s18] =	ssyncadd.s32 $0xFFFFE000;
	(pc) =	sbr.rel @p0 .LBB2_2-.Ltmp1, $4  }
0x4e: {  	[spmem:s1] =	stream.indirect.scatter.add.f32 [tilespmem:s16], [sflag:$0x3], $0x40, s20, s14, $0xb8;
	[tilespmem:$0xFE00] =	vst v63  }
0x4f: {  	_ =	swait.ge [sflag:s11], $0x2000  }
0x50: {  	[sflag:s11] =	ssyncset.done $0x0  }
0x51: {  	[sflag:s11] =	ssyncadd.s32 $0xFFFFE000  }
0x52: {  	s3 =	sadd.s32 $0x1, s3  }
0x53: {  	p0 =	sne.s32 s3, s9  }
.Ltmp2:
0x54: {  	[bflag:$0x0] =	sbarrier.arrive $0xFFFF;
	(pc) =	sbr.rel @p0 .LBB2_1-.Ltmp2, $4  }
0x55: {  	[hbm:s8], [sflag:s6] =	dma.local [spmem:s10], $0x13C0  }
0x56: {  	_ =	swait.ge [sflag:s11], $0x13C0  }
0x57: {  	[sflag:s11] =	ssyncset.done $0x0  }
0x58: {  	[sflag:s11] =	ssyncadd.s32 $0xFFFFEC40  }
0x59: {  	_ =	sfence.sel $0x180000  }
0x5a: {  	[bflag:$0x0] =	sbarrier.arrive $0xFFFF  }
0x5b: {  	p0 =	sne.s32 s2, $0x0;
	_ =	strace $0x9000004D  }
0x5c: {  	s0 =	sadd.s32 @!p0 $0x100000, s0;
	[bflag:$0x2] =	sbarrier.arrive $0xFFFF  }
0x5d: {  	[sflag:s0] =	ssyncadd.tile.s32 @!p0 $0x1;
	_ =	shalt  }
.Lfunc_end2:
_tile_overlayer_lowered:
.L_overlay_start_2:
0x5e: {  	(tag) =	ssettag $0x2  }
0x5f: {  	s0 =	rddreg [dreg:$0x0];
	s2 =	stileid.u32  }
0x60: {  	s1 =	rddreg [dreg:$0x1];
	p0 =	sne.s32 s2, $0x0  }
0x61: {  	s3 =	rddreg [dreg:$0x2];
	[bflag:$0x3] =	sbarrier.arrive $0xFFFF;
	s2 =	simm.s32 @!p0 $0x1C03  }
0x62: {  	[timem:s3], [sflag:s2] =	dma.local @!p0 [hbm:s0], s1  }
0x63: {  	s0 =	simm.s32 @!p0 $0x3  }
0x64: {  	_ =	swait.ge @!p0 [sflag:s0], s1  }
0x65: {  	s1 =	ssub.s32 @!p0 $0x0, s1;
	[sflag:s0] =	ssyncset.done @!p0 $0x0  }
0x66: {  	[sflag:s0] =	ssyncadd.s32 @!p0 s1  }
0x67: {  	[bflag:$0x3] =	sbarrier.arrive $0xFFFF  }
0x68: {  	_ =	shalt  }

// kernel: kernel.35.cloned.1.call-start
scs
__scs_entry_jumppad:
0x0: {  	(pc) =	sbr.rel $0x88, $3  }
0x1: {  	(tag) =	ssettag $0x0;
	lr =	simm.s32 $0x1  }
0x2: {  	[smem:$0x3F8E] =	sst lr;
	_ =	strace $0xD0000000  }
0x3: {  	_ = 	snop  }
0x4: {  	_ = 	snop  }
0x5: {  	_ = 	snop  }
0x6: {  	_ = 	snop  }
0x7: {  	_ = 	snop  }
__scs_overlays_trampoline_lowered:
0x8: {  	[smem:$0x3F9D] =	sst s0  }
0x9: {  	[smem:$0x3F9E] =	sst s1  }
0xa: {  	[smem:$0x3F9F] =	sst s2  }
0xb: {  	[smem:$0x3FA0] =	sst s3  }
0xc: {  	[smem:$0x3FA1] =	sst s4  }
0xd: {  	[smem:$0x3FA2] =	sst s5  }
0xe: {  	[smem:$0x3FA3] =	sst s6  }
0xf: {  	[smem:$0x3FA4] =	sst s7  }
0x10: {  	[smem:$0x3FA5] =	sst s8  }
0x11: {  	[smem:$0x3FA6] =	sst s9;
	s0 =	simm.s32 @!p0 $0x0  }
0x12: {  	s1 =	sld [smem:$0x3F8C];
	s0 =	simm.s32 @p0 $0x1  }
0x13: {  	[smem:$0x3FA7] =	sst s0;
	s0 =	simm.s32 @!p1 $0x0  }
0x14: {  	s2 =	sld [smem:$0x3F8B];
	s0 =	simm.s32 @p1 $0x1  }
0x15: {  	[smem:$0x3FA8] =	sst s0;
	s0 =	simm.s32 @!p2 $0x0  }
0x16: {  	s3 =	sld [smem:$0x3FDB];
	s0 =	simm.s32 @p2 $0x1  }
0x17: {  	s4 =	simm.s32 $0x1BF5;
	[smem:$0x3FAA] =	sst s0  }
0x18: {  	s0 =	sld [smem:$0x3F8D];
	_ =	swait.ge [sflag:s4], $0x0  }
0x19: {  	s7 =	sld [smem:$0x3F8E]  }
0x1a: {  	s8 =	sadd.s32 $0xFFFFE003, lr  }
0x1b: {  	s9 =	sadd.s32 $0xFFFFFEF7, lr;
	s5 =	simm.s32 $0xFFFFFFFF;
	p2 =	slt.u32 s8, $0xFFFFF086  }
0x1c: {  	p1 =	slt.u32 s9, $0xF7A;
	s5 =	simm.s32 @!p2 $0x0  }
0x1d: {  	s5 =	simm.s32 @p1 $0x1;
	p0 =	seq.s32 s7, s2  }
0x1e: {  	s7 =	smul.u32 @!p0 $0xF7A, s2;
	p2 =	seq.s32 @!p0 s5, $0x0  }
0x1f: {  	s9 =	smul.u32 $0xF7A, s1;
	s8 =	simm.s32 @!p0 $0x1BF5;
	p2 =	por !p2, p0  }
0x20: {  	[sflag:s8] =	ssyncset.s32 @!p0 $0xFFFFF086;
	s6 =	sadd.s32 @!p0 s3, s7;
	s7 =	simm.s32 @!p0 $0x108  }
0x21: {  	s3 =	sadd.s32 s3, s9;
	s6 =	sadd.s32 @!p0 $0x88, s6;
	s7 =	simm.s32 @p2 $0x1082  }
0x22: {  	[simem:s7], [sflag:s8] =	dma.local @!p0 [hbm:s6], $0xF7A  }
0x23: {  	s9 =	sor.u32 $0xD0000000, s2;
	s6 =	simm.s32 $0x108;
	_ =	swait.ge @!p0 [sflag:s8], $0x0  }
0x24: {  	s3 =	sadd.s32 $0x88, s3;
	s6 =	simm.s32 @!p1 $0x1082;
	[sflag:s4] =	ssyncset.s32 $0xFFFFF086  }
0x25: {  	[simem:s6], [sflag:s4] =	dma.local [hbm:s3], $0xF7A  }
0x26: {  	[smem:$0x3F8E] =	sst s1;
	(tag) =	ssettag s2;
	_ =	strace s9  }
0x27: {  	s1 =	sld [smem:$0x3F9E]  }
0x28: {  	s2 =	sld [smem:$0x3F9F]  }
0x29: {  	s4 =	sld [smem:$0x3FA1]  }
0x2a: {  	p0 =	seq.s32 s5, $0x0;
	s5 =	sld [smem:$0x3FA2]  }
0x2b: {  	s6 =	sld [smem:$0x3FA3]  }
0x2c: {  	s7 =	sld [smem:$0x3FA4]  }
0x2d: {  	s3 =	simm.s32 $0x108;
	s8 =	sld [smem:$0x3FA5]  }
0x2e: {  	s3 =	simm.s32 @!p0 $0x1082;
	s9 =	sld [smem:$0x3FA6]  }
0x2f: {  	lr =	sadd.s32 s0, s3;
	s0 =	sld [smem:$0x3F9D]  }
0x30: {  	s3 =	sld [smem:$0x3FA0]  }
0x31: {  	[smem:$0x3FA9] =	sst s10  }
0x32: {  	s10 =	sld [smem:$0x3FA7];
	_ =	sdelay $0x3  }
0x33: {  	p0 =	seq.s32 s10, $0x1;
	s10 =	sld [smem:$0x3FA9];
	_ =	sdelay $0x3  }
0x34: {  	[smem:$0x3FA9] =	sst s10  }
0x35: {  	s10 =	sld [smem:$0x3FA8];
	_ =	sdelay $0x3  }
0x36: {  	p1 =	seq.s32 s10, $0x1;
	s10 =	sld [smem:$0x3FA9];
	_ =	sdelay $0x3  }
0x37: {  	[smem:$0x3FA9] =	sst s10  }
0x38: {  	s10 =	sld [smem:$0x3FAA]  }
0x39: {  	_ = 	snop;
	(pc) =	sbr.ind lr, $3  }
0x3a: {  	_ = 	snop  }
0x3b: {  	_ = 	snop  }
0x3c: {  	p2 =	seq.s32 s10, $0x1;
	s10 =	sld [smem:$0x3FA9]  }
0x3d: {  	_ =	shalt  }
0x3e: {  	_ =	shalt  }
0x3f: {  	_ =	shalt  }
0x40: {  	_ =	shalt  }
0x41: {  	_ =	shalt  }
0x42: {  	_ =	shalt  }
0x43: {  	_ =	shalt  }
0x44: {  	_ =	shalt  }
0x45: {  	_ =	shalt  }
0x46: {  	_ =	shalt  }
0x47: {  	_ =	shalt  }
0x48: {  	_ =	shalt  }
0x49: {  	_ =	shalt  }
0x4a: {  	_ =	shalt  }
0x4b: {  	_ =	shalt  }
0x4c: {  	_ =	shalt  }
0x4d: {  	_ =	shalt  }
0x4e: {  	_ =	shalt  }
0x4f: {  	_ =	shalt  }
0x50: {  	_ =	shalt  }
0x51: {  	_ =	shalt  }
0x52: {  	_ =	shalt  }
0x53: {  	_ =	shalt  }
0x54: {  	_ =	shalt  }
0x55: {  	_ =	shalt  }
0x56: {  	_ =	shalt  }
0x57: {  	_ =	shalt  }
0x58: {  	_ =	shalt  }
0x59: {  	_ =	shalt  }
0x5a: {  	_ =	shalt  }
0x5b: {  	_ =	shalt  }
0x5c: {  	_ =	shalt  }
0x5d: {  	_ =	shalt  }
0x5e: {  	_ =	shalt  }
0x5f: {  	_ =	shalt  }
0x60: {  	_ =	shalt  }
0x61: {  	_ =	shalt  }
0x62: {  	_ =	shalt  }
0x63: {  	_ =	shalt  }
0x64: {  	_ =	shalt  }
0x65: {  	_ =	shalt  }
0x66: {  	_ =	shalt  }
0x67: {  	_ =	shalt  }
0x68: {  	_ =	shalt  }
0x69: {  	_ =	shalt  }
0x6a: {  	_ =	shalt  }
0x6b: {  	_ =	shalt  }
0x6c: {  	_ =	shalt  }
0x6d: {  	_ =	shalt  }
0x6e: {  	_ =	shalt  }
0x6f: {  	_ =	shalt  }
0x70: {  	_ =	shalt  }
0x71: {  	_ =	shalt  }
0x72: {  	_ =	shalt  }
0x73: {  	_ =	shalt  }
0x74: {  	_ =	shalt  }
0x75: {  	_ =	shalt  }
0x76: {  	_ =	shalt  }
0x77: {  	_ =	shalt  }
0x78: {  	_ =	shalt  }
0x79: {  	_ =	shalt  }
0x7a: {  	_ =	shalt  }
0x7b: {  	_ =	shalt  }
0x7c: {  	_ =	shalt  }
0x7d: {  	_ =	shalt  }
0x7e: {  	_ =	shalt  }
0x7f: {  	_ =	shalt  }
0x80: {  	_ =	shalt  }
0x81: {  	_ =	shalt  }
0x82: {  	_ =	shalt  }
0x83: {  	_ =	shalt  }
0x84: {  	_ =	shalt  }
0x85: {  	_ =	shalt  }
0x86: {  	_ =	shalt  }
0x87: {  	_ =	shalt  }
.Lfunc_end0:
.L_simem_size_0:
called_computation.6_lowered:
.L_overlay_start_0:
0x88: {  	s2 =	sld [smem:$0x3FD9]  }
0x89: {  	s3 =	sld [smem:$0x3FFE];
	_ =	sdelay $0x1  }
0x8a: {  	s1 =	srdreg.scid  }
0x8b: {  	s0 =	sand.u32 $0x1, s1  }
0x8c: {  	s17 =	sshll.u32 s0, $0xA;
	s2 =	sadd.s32 s3, s2  }
0x8d: {  	s2 =	sadd.s32 s2, s17  }
0x8e: {  	[smem:$0x3FB5] =	sst s2  }
0x8f: {  	_ = 	snop  }
0x90: {  	(tm) =	ssettm $0x1  }
0x91: {  	s18 =	sld [smem:$0x3FFB];
	_ =	sdelay $0x3  }
0x92: {  	_ =	strace s18  }
0x93: {  	s2 =	sld [smem:$0x3FFC];
	_ =	sdelay $0x3  }
0x94: {  	_ =	strace s2  }
0x95: {  	s2 =	sld [smem:$0x3FFD];
	_ =	sdelay $0x3  }
0x96: {  	_ =	strace s2  }
0x97: {  	_ =	strace $0x8FFFFFFF  }
0x98: {  	s19 =	sld [smem:$0x3FDB];
	_ =	sdelay $0x1  }
0x99: {  	s20 =	simm.s32 $_scs_section_size  }
0x9a: {  	s4 =	simm.s32 $_size__tile_overlayer_lowered;
	s5 =	simm.s32 $_tile_overlayer_lowered  }
0x9b: {  	s6 =	simm.s32 $0x1BFF;
	s21 =	sshll.u32 s5, $0x1;
	s3 =	sadd.s32 s20, s19  }
0x9c: {  	s22 =	simm.s32 $0x0;
	s4 =	sshll.u32 s4, $0x1;
	s5 =	sadd.s32 s21, s3  }
0x9d: {  	[timem:s22], [sflag:s6] =	dma.local [hbm:s5], s4  }
0x9e: {  	_ =	swait.ge [sflag:s6], s4  }
0x9f: {  	s4 =	ssub.s32 $0x0, s4;
	[sflag:s6] =	ssyncset.done $0x0  }
0xa0: {  	[sflag:s6] =	ssyncadd.s32 s4;
	_ =	sdelay $0x1  }
0xa1: {  	s23 =	simm.s32 $0x1B8B  }
0xa2: {  	_ =	swait.ge [sflag:s23], $0x1  }
0xa3: {  	[sflag:s23] =	ssyncset.done $0x0  }
0xa4: {  	[sflag:s23] =	ssyncadd.s32 $0xFFFFFFFF  }
0xa5: {  	s4 =	sld [smem:$0x0]  }
0xa6: {  	s5 =	sand.u32 $0xFFFFFFFE, s1  }
0xa7: {  	p0 =	sne.s32 s1, s5  }
0xa8: {  	s5 =	sshll.u32 @p0 s5, $0xE  }
0xa9: {  	s5 =	sadd.s32 @p0 $0x11B8D, s5;
	s6 =	sshll.u32 @p0 s4, $0x11  }
0xaa: {  	s5 =	sor.u32 @p0 s6, s5  }
0xab: {  	[sflag:s5] =	ssyncadd.remote.s32 @p0 $0x1;
	_ =	sdelay $0x1  }
0xac: {  	s5 =	simm.s32 @p0 $0x1B8D  }
0xad: {  	_ =	swait.eq @p0 [sflag:s5], $0x1  }
0xae: {  	[sflag:s5] =	ssyncadd.s32 @p0 $0xFFFFFFFF  }
0xaf: {  	s6 =	sshll.u32 @!p0 s1, $0xE  }
0xb0: {  	s6 =	sor.u32 @!p0 $0x4000, s6;
	s5 =	simm.s32 @!p0 $0x1B8D  }
0xb1: {  	s4 =	sshll.u32 @!p0 s4, $0x11;
	s6 =	sadd.s32 @!p0 $0x11B8D, s6;
	_ =	swait.eq @!p0 [sflag:s5], $0x1  }
0xb2: {  	s4 =	sor.u32 @!p0 s4, s6;
	[sflag:s5] =	ssyncadd.s32 @!p0 $0xFFFFFFFF  }
0xb3: {  	s25 =	simm.s32 $0x1B8E;
	s24 =	sld [smem:$0x3FFE];
	[sflag:s4] =	ssyncadd.remote.s32 @!p0 $0x1  }
0xb4: {  	s26 =	simm.s32 $execute0_lowered;
	[smem:$0x3FD2] =	sst s25  }
0xb5: {  	s5 =	sshll.u32 s26, $0x1;
	_ =	strace $0x80000052;
	[dreg:$0x1] =	wrdreg $0xFFFFFFFF  }
0xb6: {  	s28 =	simm.s32 $_size_execute0_lowered;
	s3 =	sadd.s32 s3, s5;
	[dreg:$0x0] =	wrdreg $0x0  }
0xb7: {  	s5 =	sshll.u32 s28, $0x1;
	[dreg:$0x2] =	wrdreg s3  }
0xb8: {  	[dreg:$0x3] =	wrdreg s5  }
0xb9: {  	[dreg:$0x4] =	wrdreg $0xC0  }
0xba: {  	_ =	task [dreg:s22], $0x5FFFF  }
0xbb: {  	[dreg:$0x1] =	wrdreg $0xFFFFFFFF  }
0xbc: {  	[dreg:$0x0] =	wrdreg $0x60  }
0xbd: {  	[dreg:$0x2] =	wrdreg s24  }
0xbe: {  	[dreg:$0x3] =	wrdreg $0x60000  }
0xbf: {  	[dreg:$0x4] =	wrdreg $0xA  }
0xc0: {  	_ =	task.clear_ibuf [dreg:s22], $0x5FFFF;
	_ =	strace $0x90000052  }
0xc1: {  	s29 =	simm.s32 $0xA;
	_ =	strace $0x80000054  }
0xc2: {  	_ =	swait.ge [sflag:s29], $0x1  }
0xc3: {  	[sflag:s29] =	ssyncadd.s32 $0xFFFFFFFF  }
0xc4: {  	_ =	strace $0x90000054  }
0xc5: {  	_ =	sfence  }
0xc6: {  	s30 =	sld [smem:$0x0];
	_ =	sdelay $0x2  }
0xc7: {  	s31 =	sshll.u32 s1, $0xD;
	s1 =	sshrl.u32 s1, $0x2  }
0xc8: {  	s4 =	sand.u32 $0x4000, s31;
	s1 =	sadd.s32 s1, s30  }
0xc9: {  	s0 =	sor.u32 s4, s0;
	s1 =	sshll.u32 s1, $0x11  }
0xca: {  	s0 =	sor.u32 s1, s0  }
0xcb: {  	s0 =	sadd.s32 $0x8F2B, s0  }
0xcc: {  	[sflag:s0] =	ssyncadd.remote.s32 $0x1  }
0xcd: {  	_ =	sfence.sel $0xFFFF  }
0xce: {  	[dreg:$0x0] =	wrdreg $0xFFFFFFFF;
	(pc) =	sbr.abs _section_cstart, $3  }
0xcf: {  	[dreg:$0x1] =	wrdreg $0xFFFFFFFF  }
0xd0: {  	_ =	task.clear_ibuf [dreg:s22], $0x2FFFF;
	_ =	strace $0x9FFFFFFF  }
0xd1: {  	(tm) =	ssettm $0x7FFFFFFF  }
tec
execute0_lowered:
.L_overlay_start_1:
0x0: {  	(tag) =	ssettag $0x1  }
0x1: {  	s5 =	rddreg [dreg:$0x0];
	s0 =	srdreg.scid  }
0x2: {  	s1 =	rddreg [dreg:$0x1];
	s3 =	simm.s32 $0x0;
	s2 =	stileid.u32  }
0x3: {  	s16 =	simm.s32 $0x4000;
	s17 =	simm.s32 $0x1;
	s9 =	smul.u32 $0x278, s2  }
0x4: {  	s6 =	sand.u32 $0x1, s0;
	s0 =	rddreg [dreg:$0x2];
	s12 =	smul.u32 $0xA00, s2  }
0x5: {  	s18 =	simm.s32 $0x2;
	[smem:$0x7FF] =	sst s3;
	s29 =	smul.u32 $0x27800, s2  }
0x6: {  	s4 =	sadd.s32 $0x75200, s5;
	s31 =	sshll.u32 s2, $0x6;
	s7 =	smul.u32 $0xA000, s6  }
0x7: {  	s8 =	smul.u32 $0x2780, s6;
	_ =	strace $0x80000053;
	s6 =	ssub.s32 $0x2, s6  }
0x8: {  	s10 =	sadd.s32 s12, s5;
	s30 =	sshrl.u32 s6, $0x1;
	s7 =	sadd.s32 s7, s5  }
0x9: {  	s8 =	sadd.s32 s9, s8;
	s9 =	sshrl.u32 s29, $0x2;
	s13 =	ssub.s32 s6, s30  }
0xa: {  	s6 =	sor.u32 $0x1C03, s31;
	s8 =	sshll.u32 s8, $0x3;
	s14 =	sadd.s32 s9, s1  }
0xb: {  	s15 =	sadd.s32 $0x11A00, s7;
	s7 =	sadd.s32 $0x39A00, s10;
	s9 =	smax.u32 s13, $0x1  }
0xc: {  	s13 =	simm.s32 $0x1000;
	s11 =	sadd.s32 s8, s5;
	s5 =	sadd.s32 s4, s8  }
0xd: {  	s10 =	sshrl.u32 s14, $0x3;
	s12 =	sadd.s32 s12, s15;
	s14 =	simm.s32 $0x80  }
0xe: {  	s15 =	simm.s32 $0x2000;
	s8 =	sadd.s32 $0x9CA00, s11;
	s11 =	simm.s32 $0x3  }
.LBB2_1:
0xf: {  	[spmem:s10], [sflag:s6] =	dma.local [hbm:s5], $0x13C0  }
0x10: {  	_ =	swait.ge [sflag:s11], $0x13C0  }
0x11: {  	[sflag:s11] =	ssyncset.done $0x0  }
0x12: {  	[sflag:s11] =	ssyncadd.s32 $0xFFFFEC40  }
0x13: {  	s19 =	simm.s32 $0x0;
	[bflag:$0x0] =	sbarrier.arrive $0xFFFF  }
.LBB2_2:
0x14: {  	s20 =	sshll.u32 s19, $0x9  }
0x15: {  	s22 =	simm.s32 $0x0;
	s21 =	sadd.s32 s20, s12  }
0x16: {  	[tilespmem:s22], [sflag:$0x3] =	stream.linear.gather [hbm4b:s21+s22], $0x1000, $0x38;
	[tilespmem:$0xFE00] =	vst v63  }
0x17: {  	_ =	swait.ge [sflag:s11], $0x1000  }
0x18: {  	[sflag:s11] =	ssyncset.done $0x0  }
0x19: {  	s20 =	sadd.s32 s20, s7;
	[sflag:s11] =	ssyncadd.s32 $0xFFFFF000  }
0x1a: {  	[tilespmem:s13], [sflag:$0x3] =	stream.linear.gather [hbm4b:s20+s22], $0x1000, $0x38;
	[tilespmem:$0xFE00] =	vst v63  }
0x1b: {  	_ =	swait.ge [sflag:s11], $0x1000  }
0x1c: {  	[sflag:s11] =	ssyncset.done $0x0  }
0x1d: {  	s28 =	simm.s32 $0x0;
	[sflag:s11] =	ssyncadd.s32 $0xFFFFF000  }
0x1e: {  	[tilespmem:s15], [sflag:$0x1] =	stream.indirect.gather [hbm4b:s4+s14], $0x40, s28, s14, $0xb8;
	[tilespmem:$0xFE00] =	vst v63  }
0x1f: {  	s29 =	simm.s32 $0x80  }
0x20: {  	[tilespmem:s16], [sflag:$0x2] =	stream.indirect.gather [hbm4b:s4+s14], $0x40, s29, s14, $0xb8;
	[tilespmem:$0xFE00] =	vst v63  }
0x21: {  	_ =	swait.ge [sflag:s17], $0x2000  }
0x22: {  	[sflag:s17] =	ssyncset.done $0x0  }
0x23: {  	s30 =	simm.s32 $0x1000;
	[sflag:s17] =	ssyncadd.s32 $0xFFFFE000  }
0x24: {  	[spmem:s1] =	stream.indirect.scatter.add.f32 [tilespmem:s15], [sflag:$0x3], $0x40, s30, s14, $0xb8;
	[tilespmem:$0xFE00] =	vst v63  }
0x25: {  	_ =	swait.ge [sflag:s11], $0x2000  }
0x26: {  	[sflag:s11] =	ssyncset.done $0x0  }
0x27: {  	[sflag:s11] =	ssyncadd.s32 $0xFFFFE000  }
0x28: {  	_ =	swait.ge [sflag:s18], $0x2000  }
0x29: {  	[sflag:s18] =	ssyncset.done $0x0  }
0x2a: {  	s31 =	simm.s32 $0x1080;
	[sflag:s18] =	ssyncadd.s32 $0xFFFFE000  }
0x2b: {  	[spmem:s1] =	stream.indirect.scatter.add.f32 [tilespmem:s16], [sflag:$0x3], $0x40, s31, s14, $0xb8;
	[tilespmem:$0xFE00] =	vst v63  }
0x2c: {  	_ =	swait.ge [sflag:s11], $0x2000  }
0x2d: {  	s21 =	simm.s32 $0x800;
	s20 =	simm.s32 $0x400;
	[sflag:s11] =	ssyncset.done $0x0  }
.LBB2_3:
0x2e: {  	s22 =	sshra.s32 s20, $0x2  }
0x2f: {  	[sflag:s11] =	ssyncadd.s32 $0xFFFFE000;
	s20 =	smov.u32 s21;
	s23 =	sadd.s32 $0x400, s21  }
0x30: {  	[tilespmem:s15], [sflag:$0x1] =	stream.indirect.gather [hbm4b:s4+s14], $0x40, s22, s14, $0xb8;
	[tilespmem:$0xFE00] =	vst v63  }
0x31: {  	p0 =	sne.s32 s21, $0x3C00;
	s21 =	sadd.s32 $0x80, s22  }
0x32: {  	[tilespmem:s16], [sflag:$0x2] =	stream.indirect.gather [hbm4b:s4+s14], $0x40, s21, s14, $0xb8;
	[tilespmem:$0xFE00] =	vst v63  }
0x33: {  	_ =	swait.ge [sflag:s17], $0x2000  }
0x34: {  	[sflag:s17] =	ssyncset.done $0x0  }
0x35: {  	s21 =	sadd.s32 $0x1000, s22;
	[sflag:s17] =	ssyncadd.s32 $0xFFFFE000  }
0x36: {  	[spmem:s1] =	stream.indirect.scatter.add.f32 [tilespmem:s15], [sflag:$0x3], $0x40, s21, s14, $0xb8;
	[tilespmem:$0xFE00] =	vst v63  }
0x37: {  	_ =	swait.ge [sflag:s11], $0x2000  }
0x38: {  	[sflag:s11] =	ssyncset.done $0x0  }
0x39: {  	[sflag:s11] =	ssyncadd.s32 $0xFFFFE000  }
0x3a: {  	_ =	swait.ge [sflag:s18], $0x2000  }
.Ltmp0:
0x3b: {  	[sflag:s18] =	ssyncset.done $0x0;
	(pc) =	sbr.rel @p0 .LBB2_3-.Ltmp0, $4  }
0x3c: {  	s21 =	sadd.s32 $0x1080, s22;
	[sflag:s18] =	ssyncadd.s32 $0xFFFFE000  }
0x3d: {  	[spmem:s1] =	stream.indirect.scatter.add.f32 [tilespmem:s16], [sflag:$0x3], $0x40, s21, s14, $0xb8;
	[tilespmem:$0xFE00] =	vst v63  }
0x3e: {  	_ =	swait.ge [sflag:s11], $0x2000  }
0x3f: {  	s21 =	smov.u32 s23;
	[sflag:s11] =	ssyncset.done $0x0  }
0x40: {  	s20 =	sshra.s32 s20, $0x2;
	[sflag:s11] =	ssyncadd.s32 $0xFFFFE000  }
0x41: {  	[tilespmem:s15], [sflag:$0x1] =	stream.indirect.gather [hbm4b:s4+s14], $0x40, s20, s14, $0xb8;
	[tilespmem:$0xFE00] =	vst v63  }
0x42: {  	s21 =	sadd.s32 $0x80, s20  }
0x43: {  	[tilespmem:s16], [sflag:$0x2] =	stream.indirect.gather [hbm4b:s4+s14], $0x40, s21, s14, $0xb8;
	[tilespmem:$0xFE00] =	vst v63  }
0x44: {  	_ =	swait.ge [sflag:s17], $0x2000  }
0x45: {  	[sflag:s17] =	ssyncset.done $0x0  }
0x46: {  	s31 =	sadd.s32 $0x1000, s20;
	[sflag:s17] =	ssyncadd.s32 $0xFFFFE000  }
0x47: {  	[spmem:s1] =	stream.indirect.scatter.add.f32 [tilespmem:s15], [sflag:$0x3], $0x40, s31, s14, $0xb8;
	[tilespmem:$0xFE00] =	vst v63  }
0x48: {  	_ =	swait.ge [sflag:s11], $0x2000  }
0x49: {  	[sflag:s11] =	ssyncset.done $0x0  }
0x4a: {  	[sflag:s11] =	ssyncadd.s32 $0xFFFFE000  }
0x4b: {  	s19 =	sadd.s32 $0x1, s19;
	_ =	swait.ge [sflag:s18], $0x2000  }
0x4c: {  	p0 =	sne.s32 s19, $0x5;
	[sflag:s18] =	ssyncset.done $0x0  }
.Ltmp1:
0x4d: {  	s20 =	sadd.s32 $0x1080, s20;
	[sflag:s18] =	ssyncadd.s32 $0xFFFFE000;
	(pc) =	sbr.rel @p0 .LBB2_2-.Ltmp1, $4  }
0x4e: {  	[spmem:s1] =	stream.indirect.scatter.add.f32 [tilespmem:s16], [sflag:$0x3], $0x40, s20, s14, $0xb8;
	[tilespmem:$0xFE00] =	vst v63  }
0x4f: {  	_ =	swait.ge [sflag:s11], $0x2000  }
0x50: {  	[sflag:s11] =	ssyncset.done $0x0  }
0x51: {  	[sflag:s11] =	ssyncadd.s32 $0xFFFFE000  }
0x52: {  	s3 =	sadd.s32 $0x1, s3  }
0x53: {  	p0 =	sne.s32 s3, s9  }
.Ltmp2:
0x54: {  	[bflag:$0x0] =	sbarrier.arrive $0xFFFF;
	(pc) =	sbr.rel @p0 .LBB2_1-.Ltmp2, $4  }
0x55: {  	[hbm:s8], [sflag:s6] =	dma.local [spmem:s10], $0x13C0  }
0x56: {  	_ =	swait.ge [sflag:s11], $0x13C0  }
0x57: {  	[sflag:s11] =	ssyncset.done $0x0  }
0x58: {  	[sflag:s11] =	ssyncadd.s32 $0xFFFFEC40  }
0x59: {  	_ =	sfence.sel $0x180000  }
0x5a: {  	[bflag:$0x0] =	sbarrier.arrive $0xFFFF  }
0x5b: {  	p0 =	sne.s32 s2, $0x0;
	_ =	strace $0x90000053  }
0x5c: {  	s0 =	sadd.s32 @!p0 $0x100000, s0;
	[bflag:$0x2] =	sbarrier.arrive $0xFFFF  }
0x5d: {  	[sflag:s0] =	ssyncadd.tile.s32 @!p0 $0x1;
	_ =	shalt  }
.Lfunc_end2:
_tile_overlayer_lowered:
.L_overlay_start_2:
0x5e: {  	(tag) =	ssettag $0x2  }
0x5f: {  	s0 =	rddreg [dreg:$0x0];
	s2 =	stileid.u32  }
0x60: {  	s1 =	rddreg [dreg:$0x1];
	p0 =	sne.s32 s2, $0x0  }
0x61: {  	s3 =	rddreg [dreg:$0x2];
	[bflag:$0x3] =	sbarrier.arrive $0xFFFF;
	s2 =	simm.s32 @!p0 $0x1C03  }
0x62: {  	[timem:s3], [sflag:s2] =	dma.local @!p0 [hbm:s0], s1  }
0x63: {  	s0 =	simm.s32 @!p0 $0x3  }
0x64: {  	_ =	swait.ge @!p0 [sflag:s0], s1  }
0x65: {  	s1 =	ssub.s32 @!p0 $0x0, s1;
	[sflag:s0] =	ssyncset.done @!p0 $0x0  }
0x66: {  	[sflag:s0] =	ssyncadd.s32 @!p0 s1  }
0x67: {  	[bflag:$0x3] =	sbarrier.arrive $0xFFFF  }
0x68: {  	_ =	shalt  }

// kernel: kernel.38.cloned.1.call-start
scs
__scs_entry_jumppad:
0x0: {  	(pc) =	sbr.rel $0x88, $3  }
0x1: {  	(tag) =	ssettag $0x0;
	lr =	simm.s32 $0x1  }
0x2: {  	[smem:$0x3F8E] =	sst lr;
	_ =	strace $0xD0000000  }
0x3: {  	_ = 	snop  }
0x4: {  	_ = 	snop  }
0x5: {  	_ = 	snop  }
0x6: {  	_ = 	snop  }
0x7: {  	_ = 	snop  }
__scs_overlays_trampoline_lowered:
0x8: {  	[smem:$0x3F9D] =	sst s0  }
0x9: {  	[smem:$0x3F9E] =	sst s1  }
0xa: {  	[smem:$0x3F9F] =	sst s2  }
0xb: {  	[smem:$0x3FA0] =	sst s3  }
0xc: {  	[smem:$0x3FA1] =	sst s4  }
0xd: {  	[smem:$0x3FA2] =	sst s5  }
0xe: {  	[smem:$0x3FA3] =	sst s6  }
0xf: {  	[smem:$0x3FA4] =	sst s7  }
0x10: {  	[smem:$0x3FA5] =	sst s8  }
0x11: {  	[smem:$0x3FA6] =	sst s9;
	s0 =	simm.s32 @!p0 $0x0  }
0x12: {  	s1 =	sld [smem:$0x3F8C];
	s0 =	simm.s32 @p0 $0x1  }
0x13: {  	[smem:$0x3FA7] =	sst s0;
	s0 =	simm.s32 @!p1 $0x0  }
0x14: {  	s2 =	sld [smem:$0x3F8B];
	s0 =	simm.s32 @p1 $0x1  }
0x15: {  	[smem:$0x3FA8] =	sst s0;
	s0 =	simm.s32 @!p2 $0x0  }
0x16: {  	s3 =	sld [smem:$0x3FDB];
	s0 =	simm.s32 @p2 $0x1  }
0x17: {  	s4 =	simm.s32 $0x1BF5;
	[smem:$0x3FAA] =	sst s0  }
0x18: {  	s0 =	sld [smem:$0x3F8D];
	_ =	swait.ge [sflag:s4], $0x0  }
0x19: {  	s7 =	sld [smem:$0x3F8E]  }
0x1a: {  	s8 =	sadd.s32 $0xFFFFE003, lr  }
0x1b: {  	s9 =	sadd.s32 $0xFFFFFEF7, lr;
	s5 =	simm.s32 $0xFFFFFFFF;
	p2 =	slt.u32 s8, $0xFFFFF086  }
0x1c: {  	p1 =	slt.u32 s9, $0xF7A;
	s5 =	simm.s32 @!p2 $0x0  }
0x1d: {  	s5 =	simm.s32 @p1 $0x1;
	p0 =	seq.s32 s7, s2  }
0x1e: {  	s7 =	smul.u32 @!p0 $0xF7A, s2;
	p2 =	seq.s32 @!p0 s5, $0x0  }
0x1f: {  	s9 =	smul.u32 $0xF7A, s1;
	s8 =	simm.s32 @!p0 $0x1BF5;
	p2 =	por !p2, p0  }
0x20: {  	[sflag:s8] =	ssyncset.s32 @!p0 $0xFFFFF086;
	s6 =	sadd.s32 @!p0 s3, s7;
	s7 =	simm.s32 @!p0 $0x108  }
0x21: {  	s3 =	sadd.s32 s3, s9;
	s6 =	sadd.s32 @!p0 $0x88, s6;
	s7 =	simm.s32 @p2 $0x1082  }
0x22: {  	[simem:s7], [sflag:s8] =	dma.local @!p0 [hbm:s6], $0xF7A  }
0x23: {  	s9 =	sor.u32 $0xD0000000, s2;
	s6 =	simm.s32 $0x108;
	_ =	swait.ge @!p0 [sflag:s8], $0x0  }
0x24: {  	s3 =	sadd.s32 $0x88, s3;
	s6 =	simm.s32 @!p1 $0x1082;
	[sflag:s4] =	ssyncset.s32 $0xFFFFF086  }
0x25: {  	[simem:s6], [sflag:s4] =	dma.local [hbm:s3], $0xF7A  }
0x26: {  	[smem:$0x3F8E] =	sst s1;
	(tag) =	ssettag s2;
	_ =	strace s9  }
0x27: {  	s1 =	sld [smem:$0x3F9E]  }
0x28: {  	s2 =	sld [smem:$0x3F9F]  }
0x29: {  	s4 =	sld [smem:$0x3FA1]  }
0x2a: {  	p0 =	seq.s32 s5, $0x0;
	s5 =	sld [smem:$0x3FA2]  }
0x2b: {  	s6 =	sld [smem:$0x3FA3]  }
0x2c: {  	s7 =	sld [smem:$0x3FA4]  }
0x2d: {  	s3 =	simm.s32 $0x108;
	s8 =	sld [smem:$0x3FA5]  }
0x2e: {  	s3 =	simm.s32 @!p0 $0x1082;
	s9 =	sld [smem:$0x3FA6]  }
0x2f: {  	lr =	sadd.s32 s0, s3;
	s0 =	sld [smem:$0x3F9D]  }
0x30: {  	s3 =	sld [smem:$0x3FA0]  }
0x31: {  	[smem:$0x3FA9] =	sst s10  }
0x32: {  	s10 =	sld [smem:$0x3FA7];
	_ =	sdelay $0x3  }
0x33: {  	p0 =	seq.s32 s10, $0x1;
	s10 =	sld [smem:$0x3FA9];
	_ =	sdelay $0x3  }
0x34: {  	[smem:$0x3FA9] =	sst s10  }
0x35: {  	s10 =	sld [smem:$0x3FA8];
	_ =	sdelay $0x3  }
0x36: {  	p1 =	seq.s32 s10, $0x1;
	s10 =	sld [smem:$0x3FA9];
	_ =	sdelay $0x3  }
0x37: {  	[smem:$0x3FA9] =	sst s10  }
0x38: {  	s10 =	sld [smem:$0x3FAA]  }
0x39: {  	_ = 	snop;
	(pc) =	sbr.ind lr, $3  }
0x3a: {  	_ = 	snop  }
0x3b: {  	_ = 	snop  }
0x3c: {  	p2 =	seq.s32 s10, $0x1;
	s10 =	sld [smem:$0x3FA9]  }
0x3d: {  	_ =	shalt  }
0x3e: {  	_ =	shalt  }
0x3f: {  	_ =	shalt  }
0x40: {  	_ =	shalt  }
0x41: {  	_ =	shalt  }
0x42: {  	_ =	shalt  }
0x43: {  	_ =	shalt  }
0x44: {  	_ =	shalt  }
0x45: {  	_ =	shalt  }
0x46: {  	_ =	shalt  }
0x47: {  	_ =	shalt  }
0x48: {  	_ =	shalt  }
0x49: {  	_ =	shalt  }
0x4a: {  	_ =	shalt  }
0x4b: {  	_ =	shalt  }
0x4c: {  	_ =	shalt  }
0x4d: {  	_ =	shalt  }
0x4e: {  	_ =	shalt  }
0x4f: {  	_ =	shalt  }
0x50: {  	_ =	shalt  }
0x51: {  	_ =	shalt  }
0x52: {  	_ =	shalt  }
0x53: {  	_ =	shalt  }
0x54: {  	_ =	shalt  }
0x55: {  	_ =	shalt  }
0x56: {  	_ =	shalt  }
0x57: {  	_ =	shalt  }
0x58: {  	_ =	shalt  }
0x59: {  	_ =	shalt  }
0x5a: {  	_ =	shalt  }
0x5b: {  	_ =	shalt  }
0x5c: {  	_ =	shalt  }
0x5d: {  	_ =	shalt  }
0x5e: {  	_ =	shalt  }
0x5f: {  	_ =	shalt  }
0x60: {  	_ =	shalt  }
0x61: {  	_ =	shalt  }
0x62: {  	_ =	shalt  }
0x63: {  	_ =	shalt  }
0x64: {  	_ =	shalt  }
0x65: {  	_ =	shalt  }
0x66: {  	_ =	shalt  }
0x67: {  	_ =	shalt  }
0x68: {  	_ =	shalt  }
0x69: {  	_ =	shalt  }
0x6a: {  	_ =	shalt  }
0x6b: {  	_ =	shalt  }
0x6c: {  	_ =	shalt  }
0x6d: {  	_ =	shalt  }
0x6e: {  	_ =	shalt  }
0x6f: {  	_ =	shalt  }
0x70: {  	_ =	shalt  }
0x71: {  	_ =	shalt  }
0x72: {  	_ =	shalt  }
0x73: {  	_ =	shalt  }
0x74: {  	_ =	shalt  }
0x75: {  	_ =	shalt  }
0x76: {  	_ =	shalt  }
0x77: {  	_ =	shalt  }
0x78: {  	_ =	shalt  }
0x79: {  	_ =	shalt  }
0x7a: {  	_ =	shalt  }
0x7b: {  	_ =	shalt  }
0x7c: {  	_ =	shalt  }
0x7d: {  	_ =	shalt  }
0x7e: {  	_ =	shalt  }
0x7f: {  	_ =	shalt  }
0x80: {  	_ =	shalt  }
0x81: {  	_ =	shalt  }
0x82: {  	_ =	shalt  }
0x83: {  	_ =	shalt  }
0x84: {  	_ =	shalt  }
0x85: {  	_ =	shalt  }
0x86: {  	_ =	shalt  }
0x87: {  	_ =	shalt  }
.Lfunc_end0:
.L_simem_size_0:
called_computation.7_lowered:
.L_overlay_start_0:
0x88: {  	s2 =	sld [smem:$0x3FD9]  }
0x89: {  	s3 =	sld [smem:$0x3FFE];
	_ =	sdelay $0x1  }
0x8a: {  	s1 =	srdreg.scid  }
0x8b: {  	s0 =	sand.u32 $0x1, s1  }
0x8c: {  	s17 =	sshll.u32 s0, $0xA;
	s2 =	sadd.s32 s3, s2  }
0x8d: {  	s2 =	sadd.s32 s2, s17  }
0x8e: {  	[smem:$0x3FB5] =	sst s2  }
0x8f: {  	_ = 	snop  }
0x90: {  	(tm) =	ssettm $0x1  }
0x91: {  	s18 =	sld [smem:$0x3FFB];
	_ =	sdelay $0x3  }
0x92: {  	_ =	strace s18  }
0x93: {  	s2 =	sld [smem:$0x3FFC];
	_ =	sdelay $0x3  }
0x94: {  	_ =	strace s2  }
0x95: {  	s2 =	sld [smem:$0x3FFD];
	_ =	sdelay $0x3  }
0x96: {  	_ =	strace s2  }
0x97: {  	_ =	strace $0x8FFFFFFF  }
0x98: {  	s19 =	sld [smem:$0x3FDB];
	_ =	sdelay $0x1  }
0x99: {  	s20 =	simm.s32 $_scs_section_size  }
0x9a: {  	s4 =	simm.s32 $_size__tile_overlayer_lowered;
	s5 =	simm.s32 $_tile_overlayer_lowered  }
0x9b: {  	s6 =	simm.s32 $0x1BFF;
	s21 =	sshll.u32 s5, $0x1;
	s3 =	sadd.s32 s20, s19  }
0x9c: {  	s22 =	simm.s32 $0x0;
	s4 =	sshll.u32 s4, $0x1;
	s5 =	sadd.s32 s21, s3  }
0x9d: {  	[timem:s22], [sflag:s6] =	dma.local [hbm:s5], s4  }
0x9e: {  	_ =	swait.ge [sflag:s6], s4  }
0x9f: {  	s4 =	ssub.s32 $0x0, s4;
	[sflag:s6] =	ssyncset.done $0x0  }
0xa0: {  	[sflag:s6] =	ssyncadd.s32 s4;
	_ =	sdelay $0x1  }
0xa1: {  	s23 =	simm.s32 $0x1B8B  }
0xa2: {  	_ =	swait.ge [sflag:s23], $0x1  }
0xa3: {  	[sflag:s23] =	ssyncset.done $0x0  }
0xa4: {  	[sflag:s23] =	ssyncadd.s32 $0xFFFFFFFF  }
0xa5: {  	s4 =	sld [smem:$0x0]  }
0xa6: {  	s5 =	sand.u32 $0xFFFFFFFE, s1  }
0xa7: {  	p0 =	sne.s32 s1, s5  }
0xa8: {  	s5 =	sshll.u32 @p0 s5, $0xE  }
0xa9: {  	s5 =	sadd.s32 @p0 $0x11B8D, s5;
	s6 =	sshll.u32 @p0 s4, $0x11  }
0xaa: {  	s5 =	sor.u32 @p0 s6, s5  }
0xab: {  	[sflag:s5] =	ssyncadd.remote.s32 @p0 $0x1;
	_ =	sdelay $0x1  }
0xac: {  	s5 =	simm.s32 @p0 $0x1B8D  }
0xad: {  	_ =	swait.eq @p0 [sflag:s5], $0x1  }
0xae: {  	[sflag:s5] =	ssyncadd.s32 @p0 $0xFFFFFFFF  }
0xaf: {  	s6 =	sshll.u32 @!p0 s1, $0xE  }
0xb0: {  	s6 =	sor.u32 @!p0 $0x4000, s6;
	s5 =	simm.s32 @!p0 $0x1B8D  }
0xb1: {  	s4 =	sshll.u32 @!p0 s4, $0x11;
	s6 =	sadd.s32 @!p0 $0x11B8D, s6;
	_ =	swait.eq @!p0 [sflag:s5], $0x1  }
0xb2: {  	s4 =	sor.u32 @!p0 s4, s6;
	[sflag:s5] =	ssyncadd.s32 @!p0 $0xFFFFFFFF  }
0xb3: {  	s25 =	simm.s32 $0x1B8E;
	s24 =	sld [smem:$0x3FFE];
	[sflag:s4] =	ssyncadd.remote.s32 @!p0 $0x1  }
0xb4: {  	s26 =	simm.s32 $execute0_lowered;
	[smem:$0x3FD2] =	sst s25  }
0xb5: {  	s5 =	sshll.u32 s26, $0x1;
	_ =	strace $0x80000058;
	[dreg:$0x1] =	wrdreg $0xFFFFFFFF  }
0xb6: {  	s28 =	simm.s32 $_size_execute0_lowered;
	s3 =	sadd.s32 s3, s5;
	[dreg:$0x0] =	wrdreg $0x0  }
0xb7: {  	s5 =	sshll.u32 s28, $0x1;
	[dreg:$0x2] =	wrdreg s3  }
0xb8: {  	[dreg:$0x3] =	wrdreg s5  }
0xb9: {  	[dreg:$0x4] =	wrdreg $0xC0  }
0xba: {  	_ =	task [dreg:s22], $0x5FFFF  }
0xbb: {  	[dreg:$0x1] =	wrdreg $0xFFFFFFFF  }
0xbc: {  	[dreg:$0x0] =	wrdreg $0x60  }
0xbd: {  	[dreg:$0x2] =	wrdreg s24  }
0xbe: {  	[dreg:$0x3] =	wrdreg $0x90000  }
0xbf: {  	[dreg:$0x4] =	wrdreg $0xA  }
0xc0: {  	_ =	task.clear_ibuf [dreg:s22], $0x5FFFF;
	_ =	strace $0x90000058  }
0xc1: {  	s29 =	simm.s32 $0xA;
	_ =	strace $0x8000005A  }
0xc2: {  	_ =	swait.ge [sflag:s29], $0x1  }
0xc3: {  	[sflag:s29] =	ssyncadd.s32 $0xFFFFFFFF  }
0xc4: {  	_ =	strace $0x9000005A  }
0xc5: {  	_ =	sfence  }
0xc6: {  	s30 =	sld [smem:$0x0];
	_ =	sdelay $0x2  }
0xc7: {  	s31 =	sshll.u32 s1, $0xD;
	s1 =	sshrl.u32 s1, $0x2  }
0xc8: {  	s4 =	sand.u32 $0x4000, s31;
	s1 =	sadd.s32 s1, s30  }
0xc9: {  	s0 =	sor.u32 s4, s0;
	s1 =	sshll.u32 s1, $0x11  }
0xca: {  	s0 =	sor.u32 s1, s0  }
0xcb: {  	s0 =	sadd.s32 $0x8F2B, s0  }
0xcc: {  	[sflag:s0] =	ssyncadd.remote.s32 $0x1  }
0xcd: {  	_ =	sfence.sel $0xFFFF  }
0xce: {  	[dreg:$0x0] =	wrdreg $0xFFFFFFFF;
	(pc) =	sbr.abs _section_cstart, $3  }
0xcf: {  	[dreg:$0x1] =	wrdreg $0xFFFFFFFF  }
0xd0: {  	_ =	task.clear_ibuf [dreg:s22], $0x2FFFF;
	_ =	strace $0x9FFFFFFF  }
0xd1: {  	(tm) =	ssettm $0x7FFFFFFF  }
tec
execute0_lowered:
.L_overlay_start_1:
0x0: {  	(tag) =	ssettag $0x1  }
0x1: {  	s5 =	rddreg [dreg:$0x0];
	s0 =	srdreg.scid  }
0x2: {  	s2 =	rddreg [dreg:$0x1];
	s1 =	stileid.u32  }
0x3: {  	s3 =	simm.s32 $0x0;
	s15 =	simm.s32 $0x2000;
	s12 =	smul.u32 $0xA00, s1  }
0x4: {  	s16 =	simm.s32 $0x5800;
	s17 =	simm.s32 $0x1;
	s9 =	smul.u32 $0x2290, s1  }
0x5: {  	s6 =	sand.u32 $0x1, s0;
	s0 =	rddreg [dreg:$0x2];
	s10 =	smul.u32 $0x45200, s1  }
0x6: {  	s18 =	simm.s32 $0x2;
	[smem:$0x7FF] =	sst s3;
	s7 =	smul.u32 $0xA000, s6  }
0x7: {  	s4 =	sadd.s32 $0x75200, s5;
	s31 =	sshll.u32 s1, $0x6;
	s8 =	smul.u32 $0x22900, s6  }
0x8: {  	_ =	strace $0x80000059;
	s6 =	ssub.s32 $0x2, s6;
	s11 =	sadd.s32 s12, s5  }
0x9: {  	s30 =	sshrl.u32 s6, $0x1;
	s10 =	sshrl.u32 s10, $0x2;
	s7 =	sadd.s32 s7, s5  }
0xa: {  	s8 =	sadd.s32 s9, s8;
	s13 =	ssub.s32 s6, s30;
	s10 =	sadd.s32 s10, s2  }
0xb: {  	s6 =	sor.u32 $0x1C03, s31;
	s9 =	sadd.s32 s8, s5;
	s5 =	sadd.s32 s4, s8  }
0xc: {  	s14 =	sadd.s32 $0x11A00, s7;
	s7 =	sadd.s32 $0x39A00, s11;
	s10 =	sshrl.u32 s10, $0x3  }
0xd: {  	s11 =	simm.s32 $0x3;
	s8 =	sadd.s32 $0x113200, s9;
	s9 =	smax.u32 s13, $0x1  }
0xe: {  	s12 =	sadd.s32 s12, s14;
	s13 =	simm.s32 $0x1000;
	s14 =	simm.s32 $0x80  }
.LBB2_1:
0xf: {  	[spmem:s10], [sflag:s6] =	dma.local [hbm:s5], $0x2290  }
0x10: {  	_ =	swait.ge [sflag:s11], $0x2290  }
0x11: {  	[sflag:s11] =	ssyncset.done $0x0  }
0x12: {  	[sflag:s11] =	ssyncadd.s32 $0xFFFFDD70  }
0x13: {  	s19 =	simm.s32 $0x0;
	[bflag:$0x0] =	sbarrier.arrive $0xFFFF  }
.LBB2_2:
0x14: {  	s20 =	sshll.u32 s19, $0x9  }
0x15: {  	s22 =	simm.s32 $0x0;
	s21 =	sadd.s32 s20, s12  }
0x16: {  	[tilespmem:s22], [sflag:$0x3] =	stream.linear.gather [hbm4b:s21+s22], $0x1000, $0x38;
	[tilespmem:$0x1A480] =	vst v63  }
0x17: {  	_ =	swait.ge [sflag:s11], $0x1000  }
0x18: {  	[sflag:s11] =	ssyncset.done $0x0  }
0x19: {  	s20 =	sadd.s32 s20, s7;
	[sflag:s11] =	ssyncadd.s32 $0xFFFFF000  }
0x1a: {  	[tilespmem:s13], [sflag:$0x3] =	stream.linear.gather [hbm4b:s20+s22], $0x1000, $0x38;
	[tilespmem:$0x1A480] =	vst v63  }
0x1b: {  	_ =	swait.ge [sflag:s11], $0x1000  }
0x1c: {  	[sflag:s11] =	ssyncset.done $0x0  }
0x1d: {  	s28 =	simm.s32 $0x0;
	[sflag:s11] =	ssyncadd.s32 $0xFFFFF000  }
0x1e: {  	[tilespmem:s15], [sflag:$0x1] =	stream.indirect.gather [hbm4b:s4+s14], $0x70, s28, s14, $0xb8;
	[tilespmem:$0x1A480] =	vst v63  }
0x1f: {  	s29 =	simm.s32 $0x80  }
0x20: {  	[tilespmem:s16], [sflag:$0x2] =	stream.indirect.gather [hbm4b:s4+s14], $0x70, s29, s14, $0xb8;
	[tilespmem:$0x1A480] =	vst v63  }
0x21: {  	_ =	swait.ge [sflag:s17], $0x3800  }
0x22: {  	[sflag:s17] =	ssyncset.done $0x0  }
0x23: {  	s30 =	simm.s32 $0x1000;
	[sflag:s17] =	ssyncadd.s32 $0xFFFFC800  }
0x24: {  	[spmem:s2] =	stream.indirect.scatter.add.f32 [tilespmem:s15], [sflag:$0x3], $0x70, s30, s14, $0xb8;
	[tilespmem:$0x1A480] =	vst v63  }
0x25: {  	_ =	swait.ge [sflag:s11], $0x3800  }
0x26: {  	[sflag:s11] =	ssyncset.done $0x0  }
0x27: {  	[sflag:s11] =	ssyncadd.s32 $0xFFFFC800  }
0x28: {  	_ =	swait.ge [sflag:s18], $0x3800  }
0x29: {  	[sflag:s18] =	ssyncset.done $0x0  }
0x2a: {  	s31 =	simm.s32 $0x1080;
	[sflag:s18] =	ssyncadd.s32 $0xFFFFC800  }
0x2b: {  	[spmem:s2] =	stream.indirect.scatter.add.f32 [tilespmem:s16], [sflag:$0x3], $0x70, s31, s14, $0xb8;
	[tilespmem:$0x1A480] =	vst v63  }
0x2c: {  	_ =	swait.ge [sflag:s11], $0x3800  }
0x2d: {  	s21 =	simm.s32 $0x800;
	s20 =	simm.s32 $0x400;
	[sflag:s11] =	ssyncset.done $0x0  }
.LBB2_3:
0x2e: {  	s22 =	sshra.s32 s20, $0x2  }
0x2f: {  	[sflag:s11] =	ssyncadd.s32 $0xFFFFC800;
	s20 =	smov.u32 s21;
	s23 =	sadd.s32 $0x400, s21  }
0x30: {  	[tilespmem:s15], [sflag:$0x1] =	stream.indirect.gather [hbm4b:s4+s14], $0x70, s22, s14, $0xb8;
	[tilespmem:$0x1A480] =	vst v63  }
0x31: {  	p0 =	sne.s32 s21, $0x3C00;
	s21 =	sadd.s32 $0x80, s22  }
0x32: {  	[tilespmem:s16], [sflag:$0x2] =	stream.indirect.gather [hbm4b:s4+s14], $0x70, s21, s14, $0xb8;
	[tilespmem:$0x1A480] =	vst v63  }
0x33: {  	_ =	swait.ge [sflag:s17], $0x3800  }
0x34: {  	[sflag:s17] =	ssyncset.done $0x0  }
0x35: {  	s21 =	sadd.s32 $0x1000, s22;
	[sflag:s17] =	ssyncadd.s32 $0xFFFFC800  }
0x36: {  	[spmem:s2] =	stream.indirect.scatter.add.f32 [tilespmem:s15], [sflag:$0x3], $0x70, s21, s14, $0xb8;
	[tilespmem:$0x1A480] =	vst v63  }
0x37: {  	_ =	swait.ge [sflag:s11], $0x3800  }
0x38: {  	[sflag:s11] =	ssyncset.done $0x0  }
0x39: {  	[sflag:s11] =	ssyncadd.s32 $0xFFFFC800  }
0x3a: {  	_ =	swait.ge [sflag:s18], $0x3800  }
.Ltmp0:
0x3b: {  	[sflag:s18] =	ssyncset.done $0x0;
	(pc) =	sbr.rel @p0 .LBB2_3-.Ltmp0, $4  }
0x3c: {  	s21 =	sadd.s32 $0x1080, s22;
	[sflag:s18] =	ssyncadd.s32 $0xFFFFC800  }
0x3d: {  	[spmem:s2] =	stream.indirect.scatter.add.f32 [tilespmem:s16], [sflag:$0x3], $0x70, s21, s14, $0xb8;
	[tilespmem:$0x1A480] =	vst v63  }
0x3e: {  	_ =	swait.ge [sflag:s11], $0x3800  }
0x3f: {  	s21 =	smov.u32 s23;
	[sflag:s11] =	ssyncset.done $0x0  }
0x40: {  	s20 =	sshra.s32 s20, $0x2;
	[sflag:s11] =	ssyncadd.s32 $0xFFFFC800  }
0x41: {  	[tilespmem:s15], [sflag:$0x1] =	stream.indirect.gather [hbm4b:s4+s14], $0x70, s20, s14, $0xb8;
	[tilespmem:$0x1A480] =	vst v63  }
0x42: {  	s21 =	sadd.s32 $0x80, s20  }
0x43: {  	[tilespmem:s16], [sflag:$0x2] =	stream.indirect.gather [hbm4b:s4+s14], $0x70, s21, s14, $0xb8;
	[tilespmem:$0x1A480] =	vst v63  }
0x44: {  	_ =	swait.ge [sflag:s17], $0x3800  }
0x45: {  	[sflag:s17] =	ssyncset.done $0x0  }
0x46: {  	s31 =	sadd.s32 $0x1000, s20;
	[sflag:s17] =	ssyncadd.s32 $0xFFFFC800  }
0x47: {  	[spmem:s2] =	stream.indirect.scatter.add.f32 [tilespmem:s15], [sflag:$0x3], $0x70, s31, s14, $0xb8;
	[tilespmem:$0x1A480] =	vst v63  }
0x48: {  	_ =	swait.ge [sflag:s11], $0x3800  }
0x49: {  	[sflag:s11] =	ssyncset.done $0x0  }
0x4a: {  	[sflag:s11] =	ssyncadd.s32 $0xFFFFC800  }
0x4b: {  	s19 =	sadd.s32 $0x1, s19;
	_ =	swait.ge [sflag:s18], $0x3800  }
0x4c: {  	p0 =	sne.s32 s19, $0x5;
	[sflag:s18] =	ssyncset.done $0x0  }
.Ltmp1:
0x4d: {  	s20 =	sadd.s32 $0x1080, s20;
	[sflag:s18] =	ssyncadd.s32 $0xFFFFC800;
	(pc) =	sbr.rel @p0 .LBB2_2-.Ltmp1, $4  }
0x4e: {  	[spmem:s2] =	stream.indirect.scatter.add.f32 [tilespmem:s16], [sflag:$0x3], $0x70, s20, s14, $0xb8;
	[tilespmem:$0x1A480] =	vst v63  }
0x4f: {  	_ =	swait.ge [sflag:s11], $0x3800  }
0x50: {  	[sflag:s11] =	ssyncset.done $0x0  }
0x51: {  	[sflag:s11] =	ssyncadd.s32 $0xFFFFC800  }
0x52: {  	s3 =	sadd.s32 $0x1, s3  }
0x53: {  	p0 =	sne.s32 s3, s9  }
.Ltmp2:
0x54: {  	[bflag:$0x0] =	sbarrier.arrive $0xFFFF;
	(pc) =	sbr.rel @p0 .LBB2_1-.Ltmp2, $4  }
0x55: {  	[hbm:s8], [sflag:s6] =	dma.local [spmem:s10], $0x2290  }
0x56: {  	_ =	swait.ge [sflag:s11], $0x2290  }
0x57: {  	[sflag:s11] =	ssyncset.done $0x0  }
0x58: {  	[sflag:s11] =	ssyncadd.s32 $0xFFFFDD70  }
0x59: {  	_ =	sfence.sel $0x180000  }
0x5a: {  	[bflag:$0x0] =	sbarrier.arrive $0xFFFF  }
0x5b: {  	p0 =	sne.s32 s1, $0x0;
	_ =	strace $0x90000059  }
0x5c: {  	s0 =	sadd.s32 @!p0 $0x100000, s0;
	[bflag:$0x2] =	sbarrier.arrive $0xFFFF  }
0x5d: {  	[sflag:s0] =	ssyncadd.tile.s32 @!p0 $0x1;
	_ =	shalt  }
.Lfunc_end2:
_tile_overlayer_lowered:
.L_overlay_start_2:
0x5e: {  	(tag) =	ssettag $0x2  }
0x5f: {  	s0 =	rddreg [dreg:$0x0];
	s2 =	stileid.u32  }
0x60: {  	s1 =	rddreg [dreg:$0x1];
	p0 =	sne.s32 s2, $0x0  }
0x61: {  	s3 =	rddreg [dreg:$0x2];
	[bflag:$0x3] =	sbarrier.arrive $0xFFFF;
	s2 =	simm.s32 @!p0 $0x1C03  }
0x62: {  	[timem:s3], [sflag:s2] =	dma.local @!p0 [hbm:s0], s1  }
0x63: {  	s0 =	simm.s32 @!p0 $0x3  }
0x64: {  	_ =	swait.ge @!p0 [sflag:s0], s1  }
0x65: {  	s1 =	ssub.s32 @!p0 $0x0, s1;
	[sflag:s0] =	ssyncset.done @!p0 $0x0  }
0x66: {  	[sflag:s0] =	ssyncadd.s32 @!p0 s1  }
0x67: {  	[bflag:$0x3] =	sbarrier.arrive $0xFFFF  }
0x68: {  	_ =	shalt  }

</sc_bundles>
